<compile_context>
chip_gen: v7x
topology: tpu7x:2x2x1
jax: 0.10.2.dev20260603
libtpu: 0.0.44.dev20260713+nightly
codegen_flags: <defaults>
</compile_context>

<pallas_src>
import functools

import jax
import jax.numpy as jnp
from jax import lax
from jax.experimental import pallas as pl
from jax.experimental.pallas import tpu as pltpu
from jax.experimental.pallas import tpu_sc as plsc

N_NODES = 10000
N_EDGES = 320000
DIM = 128
N_LAYERS = 3
N_GRAPHS = 64

NC = 2
NS = 16
NW = NC * NS
EDGES_PER_TILE = N_EDGES // NW
EDGE_BLK = 80
N_IT = EDGES_PER_TILE // EDGE_BLK
N_PAD = 10240
ROWS_PER_TILE = N_PAD // NS

ROW_BLK = 1000
GRID = N_NODES // ROW_BLK


def _sc_aggregate(cur, packed3):
    mesh = plsc.VectorSubcoreMesh(core_axis_name="c", subcore_axis_name="s")

    @functools.partial(
        pl.kernel,
        out_type=jax.ShapeDtypeStruct((NC, N_PAD, DIM), jnp.float32),
        mesh=mesh,
        scratch_types=[
            pltpu.VMEM_SHARED((N_PAD, DIM), jnp.float32),
            pltpu.VMEM((N_IT, EDGE_BLK), jnp.int32),
            pltpu.VMEM((4, EDGE_BLK), jnp.int32),
            pltpu.VMEM((4, EDGE_BLK), jnp.int32),
            pltpu.VMEM((EDGE_BLK, DIM), jnp.float32),
            pltpu.VMEM((EDGE_BLK, DIM), jnp.float32),
            pltpu.SemaphoreType.DMA,
            pltpu.SemaphoreType.DMA,
        ],
    )
    def agg_kernel(cur_hbm, packed_hbm, out_hbm,
                   agg_sh, packed_v, sb_v, db_v, rows0, rows1,
                   sem0, sem1):
        c = lax.axis_index("c")
        s = lax.axis_index("s")
        wid = s * NC + c

        def unpack(i, p):
            @pl.loop(0, EDGE_BLK, step=16)
            def _(j):
                v = packed_v[i, pl.ds(j, 16)]
                sb_v[p, pl.ds(j, 16)] = jnp.right_shift(v, 16)
                db_v[p, pl.ds(j, 16)] = jnp.bitwise_and(v, 0xFFFF)

        def start_gather(p, rows, sem):
            pltpu.async_copy(cur_hbm.at[sb_v.at[p]], rows, sem)

        def wait_gather(rows, sem):
            pltpu.make_async_copy(
                cur_hbm.at[pl.ds(0, EDGE_BLK)], rows, sem).wait()

        def scatter(rows, p):
            pltpu.sync_copy(rows, agg_sh.at[db_v.at[p]], add=True)

        pltpu.sync_copy(packed_hbm.at[wid], packed_v)
        unpack(0, 0)
        start_gather(0, rows0, sem0)

        @pl.loop(0, EDGE_BLK)
        def _(r):
            @pl.loop(0, DIM, step=16)
            def _(col):
                rows1[r, pl.ds(col, 16)] = jnp.zeros((16,), jnp.float32)

        @pl.loop(0, ROWS_PER_TILE // EDGE_BLK)
        def _(j):
            pltpu.sync_copy(
                rows1,
                agg_sh.at[pl.ds(s * ROWS_PER_TILE + j * EDGE_BLK, EDGE_BLK)])

        plsc.subcore_barrier()

        unpack(1, 1)
        start_gather(1, rows1, sem1)
        unpack(2, 2)

        @pl.loop(0, (N_IT - 5) // 4)
        def _(g):
            i = 4 * g
            wait_gather(rows0, sem0)
            scatter(rows0, 0)
            start_gather(2, rows0, sem0)
            unpack(i + 3, 3)
            wait_gather(rows1, sem1)
            scatter(rows1, 1)
            start_gather(3, rows1, sem1)
            unpack(i + 4, 0)
            wait_gather(rows0, sem0)
            scatter(rows0, 2)
            start_gather(0, rows0, sem0)
            unpack(i + 5, 1)
            wait_gather(rows1, sem1)
            scatter(rows1, 3)
            start_gather(1, rows1, sem1)
            unpack(i + 6, 2)

        wait_gather(rows0, sem0)
        scatter(rows0, 0)
        start_gather(2, rows0, sem0)
        unpack(N_IT - 2, 3)
        wait_gather(rows1, sem1)
        scatter(rows1, 1)
        start_gather(3, rows1, sem1)
        unpack(N_IT - 1, 0)
        wait_gather(rows0, sem0)
        scatter(rows0, 2)
        start_gather(0, rows0, sem0)
        wait_gather(rows1, sem1)
        scatter(rows1, 3)
        wait_gather(rows0, sem0)
        scatter(rows0, 0)

        plsc.subcore_barrier()

        pltpu.sync_copy(
            agg_sh.at[pl.ds(s * ROWS_PER_TILE, ROWS_PER_TILE)],
            out_hbm.at[c, pl.ds(s * ROWS_PER_TILE, ROWS_PER_TILE)])

    return agg_kernel(cur, packed3)


def _mlp_layer(cur, parts, w1, b1, w2, b2, scale, relu):
    def body(scale_ref, cur_ref, p_ref, w1_ref, b1_ref, w2_ref, b2_ref,
             out_ref):
        sc = scale_ref[0]
        p = p_ref[...]
        h = cur_ref[...] * sc + p[0] + p[1]
        h = jnp.dot(h, w1_ref[...], preferred_element_type=jnp.float32)
        h = jnp.maximum(h + b1_ref[...], 0.0)
        h = jnp.dot(h, w2_ref[...], preferred_element_type=jnp.float32)
        h = h + b2_ref[...]
        if relu:
            h = jnp.maximum(h, 0.0)
        out_ref[...] = h

    return pl.pallas_call(
        body,
        grid=(GRID,),
        in_specs=[
            pl.BlockSpec(memory_space=pltpu.SMEM),
            pl.BlockSpec((ROW_BLK, DIM), lambda i: (i, 0)),
            pl.BlockSpec((NC, ROW_BLK, DIM), lambda i: (0, i, 0)),
            pl.BlockSpec((DIM, DIM), lambda i: (0, 0)),
            pl.BlockSpec((1, DIM), lambda i: (0, 0)),
            pl.BlockSpec((DIM, DIM), lambda i: (0, 0)),
            pl.BlockSpec((1, DIM), lambda i: (0, 0)),
        ],
        out_specs=pl.BlockSpec((ROW_BLK, DIM), lambda i: (i, 0)),
        out_shape=jax.ShapeDtypeStruct((N_NODES, DIM), jnp.float32),
    )(scale, cur, parts, w1, b1, w2, b2)


def _mlp_final_pool(cur, parts, w1, b1, w2, b2, scale, z1, z2, batch3):
    def body(scale_ref, cur_ref, p_ref, w1_ref, b1_ref, w2_ref, b2_ref,
             b_ref, z1_ref, z2_ref, z_out, g_out, g_acc, c_acc):
        k = pl.program_id(0)
        sc = scale_ref[0]
        p = p_ref[...]
        h = cur_ref[...] * sc + p[0] + p[1]
        h = jnp.dot(h, w1_ref[...], preferred_element_type=jnp.float32)
        h = jnp.maximum(h + b1_ref[...], 0.0)
        h = jnp.dot(h, w2_ref[...], preferred_element_type=jnp.float32)
        h = h + b2_ref[...]
        zb = (z1_ref[...] + z2_ref[...] + h) * (1.0 / 3.0)
        z_out[...] = zb
        bb = b_ref[0]
        oh = (lax.broadcasted_iota(jnp.int32, (N_GRAPHS, ROW_BLK), 0)
              == jnp.broadcast_to(bb, (N_GRAPHS, ROW_BLK))).astype(jnp.float32)

        @pl.when(k == 0)
        def _():
            g_acc[...] = jnp.zeros_like(g_acc)
            c_acc[...] = jnp.zeros_like(c_acc)

        g_acc[...] += jnp.dot(oh, zb, preferred_element_type=jnp.float32)
        c_acc[...] += jnp.broadcast_to(
            jnp.sum(oh, axis=1, keepdims=True), (N_GRAPHS, DIM))
        g_out[...] = g_acc[...] / jnp.maximum(c_acc[...], 1.0)

    return pl.pallas_call(
        body,
        grid=(GRID,),
        in_specs=[
            pl.BlockSpec(memory_space=pltpu.SMEM),
            pl.BlockSpec((ROW_BLK, DIM), lambda i: (i, 0)),
            pl.BlockSpec((NC, ROW_BLK, DIM), lambda i: (0, i, 0)),
            pl.BlockSpec((DIM, DIM), lambda i: (0, 0)),
            pl.BlockSpec((1, DIM), lambda i: (0, 0)),
            pl.BlockSpec((DIM, DIM), lambda i: (0, 0)),
            pl.BlockSpec((1, DIM), lambda i: (0, 0)),
            pl.BlockSpec((1, 1, ROW_BLK), lambda i: (i, 0, 0)),
            pl.BlockSpec((ROW_BLK, DIM), lambda i: (i, 0)),
            pl.BlockSpec((ROW_BLK, DIM), lambda i: (i, 0)),
        ],
        out_specs=[
            pl.BlockSpec((ROW_BLK, DIM), lambda i: (i, 0)),
            pl.BlockSpec((N_GRAPHS, DIM), lambda i: (0, 0)),
        ],
        out_shape=[
            jax.ShapeDtypeStruct((N_NODES, DIM), jnp.float32),
            jax.ShapeDtypeStruct((N_GRAPHS, DIM), jnp.float32),
        ],
        scratch_shapes=[
            pltpu.VMEM((N_GRAPHS, DIM), jnp.float32),
            pltpu.VMEM((N_GRAPHS, DIM), jnp.float32),
        ],
    )(scale, cur, parts, w1, b1, w2, b2, batch3, z1, z2)


def kernel(x, edge_index, batch, W1, b1, W2, b2, eps):
    packed3 = ((edge_index[0] << 16) | edge_index[1]).reshape(
        NW, N_IT, EDGE_BLK)
    batch3 = batch.reshape(GRID, 1, ROW_BLK)
    scales = (1.0 + eps).astype(jnp.float32)

    cur = x
    outs = []
    for i in range(N_LAYERS - 1):
        parts = _sc_aggregate(cur, packed3)
        cur = _mlp_layer(cur, parts, W1[i], b1[i].reshape(1, DIM),
                         W2[i], b2[i].reshape(1, DIM),
                         scales[i].reshape(1), relu=True)
        outs.append(cur)

    i = N_LAYERS - 1
    parts = _sc_aggregate(cur, packed3)
    z, g = _mlp_final_pool(cur, parts, W1[i], b1[i].reshape(1, DIM),
                           W2[i], b2[i].reshape(1, DIM),
                           scales[i].reshape(1), outs[0], outs[1], batch3)
    return (z, g)

# --- scband reference (transcript-rebuilt; emitter-appended) ---
"""Pipeline reference for scband-feature-extractor-1829656068304 (READ-ONLY COPY).

The authoritative reference and input builder live on the scoring server;
editing this copy changes nothing except your own understanding.
"""

import jax, jax.numpy as jnp
import numpy as np

N = 10000   # nodes
E = 320000  # edges
D = 128     # feature dim
L = 3       # GIN layers
G = 64      # graphs in batch


def setup_inputs(seed: int = 0) -> dict:
    key = jax.random.key(seed)
    ks = jax.random.split(key, 8)
    x = jax.random.normal(ks[0], (N, D), dtype=jnp.float32)
    edge_index = jax.random.randint(ks[1], (2, E), 0, N, dtype=jnp.int32)
    batch = jnp.sort(jax.random.randint(ks[2], (N,), 0, G, dtype=jnp.int32))
    # GIN MLP params (2-layer MLP per conv), stacked over layers
    W1 = jax.random.normal(ks[3], (L, D, D), dtype=jnp.float32) * 0.05
    b1 = jnp.zeros((L, D), dtype=jnp.float32)
    W2 = jax.random.normal(ks[4], (L, D, D), dtype=jnp.float32) * 0.05
    b2 = jnp.zeros((L, D), dtype=jnp.float32)
    eps = jnp.zeros((L,), dtype=jnp.float32)
    return {"x": x, "edge_index": edge_index, "batch": batch,
            "W1": W1, "b1": b1, "W2": W2, "b2": b2, "eps": eps}


def reference(x, edge_index, batch, W1, b1, W2, b2, eps):
    # custom_gnn_forward with: 1 combined model of L GINConv layers,
    # use_virtual_node=False, layers_combination='mean',
    # pool = global_mean_pool (FunctionType branch). Returns (z, g).
    src = edge_index[0]
    dst = edge_index[1]
    layer_xs = []
    cur = x
    for i in range(L):
        # GINConv: MLP((1+eps)*x + sum_{j in N(i)} x_j)
        agg = jax.ops.segment_sum(cur[src], dst, num_segments=N)
        h = (1.0 + eps[i]) * cur + agg
        h = h @ W1[i] + b1[i]
        h = jax.nn.relu(h)
        h = h @ W2[i] + b2[i]
        cur = h
        if i < L - 1:
            cur = jax.nn.relu(cur)  # out_act between layers
        layer_xs.append(cur)
    z = jnp.stack(layer_xs, axis=0).mean(axis=0)  # layers_combination='mean'
    counts = jax.ops.segment_sum(jnp.ones((N,), jnp.float32), batch, num_segments=G)
    g = jax.ops.segment_sum(z, batch, num_segments=G) / jnp.maximum(counts, 1.0)[:, None]
    return (z, g)

if __name__ == "__main__":
    import jax
    _d = setup_inputs()
    print(jax.jit(kernel)(*tuple(_d.values())))

</pallas_src>

<mosaic_0001>
#map = affine_map<(d0, d1) -> (0, 0)>
#map1 = affine_map<(d0, d1) -> (0, 0, 0)>
module attributes {stable_mosaic.version = 14 : i64} {
  func.func @agg_kernel(%arg0: i32, %arg1: i32, %arg2: memref<10000x128xf32, #tpu.memory_space<hbm>>, %arg3: memref<32x125x80xi32, #tpu.memory_space<hbm>>, %arg4: memref<2x10240x128xf32, #tpu.memory_space<hbm>>, %arg5: memref<10240x128xf32, #tpu.memory_space<vmem_shared>>, %arg6: memref<125x80xi32, #tpu.memory_space<vmem>>, %arg7: memref<4x80xi32, #tpu.memory_space<vmem>>, %arg8: memref<4x80xi32, #tpu.memory_space<vmem>>, %arg9: memref<80x128xf32, #tpu.memory_space<vmem>>, %arg10: memref<80x128xf32, #tpu.memory_space<vmem>>, %arg11: memref<!tpu.dma_semaphore, #tpu.memory_space<semaphore_mem>>, %arg12: memref<!tpu.dma_semaphore, #tpu.memory_space<semaphore_mem>>) attributes {dimension_semantics = [#tpu.dimension_semantics<core_parallel>, #tpu.dimension_semantics<subcore_parallel>], iteration_bounds = array<i64: 2, 16>, scalar_prefetch = 0 : i64, scratch_operands = 8 : i64, tpu.core_type = #tpu.core_type<sc_vector_subcore>, window_params = [{transform_indices = #map}, {transform_indices = #map1}, {transform_indices = #map1}]} {
    %mul3A = arith.constant 2 : i32
    %mul3A_0 = arith.muli %arg1, %mul3A : i32
    %add3A = arith.addi %mul3A_0, %arg0 : i32
    "tpu.region"() ({
      %run_scoped3A_112 = tpu.sem_alloc : memref<!tpu.dma_semaphore, #tpu.memory_space<semaphore_mem>>
      %dma_start3A_113 = arith.constant 0 : i32
      %dma_start3A_114 = arith.constant 0 : i32
      %dma_start3A_115 = tpu.memref_slice %arg3[%add3A, %dma_start3A_113, %dma_start3A_114] : memref<32x125x80xi32, #tpu.memory_space<hbm>> -> memref<1x125x80xi32, #tpu.memory_space<hbm>>
      %dma_start3A_116 = tpu.memref_squeeze %dma_start3A_115 : memref<1x125x80xi32, #tpu.memory_space<hbm>> -> memref<125x80xi32, #tpu.memory_space<hbm>>
      %dma_start3A_117 = arith.constant 0 : i32
      %dma_start3A_118 = arith.constant 0 : i32
      %dma_start3A_119 = tpu.memref_slice %arg3[%add3A, %dma_start3A_117, %dma_start3A_118] : memref<32x125x80xi32, #tpu.memory_space<hbm>> -> memref<1x125x80xi32, #tpu.memory_space<hbm>>
      %dma_start3A_120 = tpu.memref_squeeze %dma_start3A_119 : memref<1x125x80xi32, #tpu.memory_space<hbm>> -> memref<125x80xi32, #tpu.memory_space<hbm>>
      tpu.enqueue_dma source(%dma_start3A_120 : memref<125x80xi32, #tpu.memory_space<hbm>>) target(%arg6 : memref<125x80xi32, #tpu.memory_space<vmem>>) target_semaphore(%run_scoped3A_112 : memref<!tpu.dma_semaphore, #tpu.memory_space<semaphore_mem>>)
      %dma_wait3A_121 = arith.constant 0 : i32
      %dma_wait3A_122 = arith.constant 0 : i32
      %dma_wait3A_123 = tpu.memref_slice %arg3[%add3A, %dma_wait3A_121, %dma_wait3A_122] : memref<32x125x80xi32, #tpu.memory_space<hbm>> -> memref<1x125x80xi32, #tpu.memory_space<hbm>>
      %dma_wait3A_124 = tpu.memref_squeeze %dma_wait3A_123 : memref<1x125x80xi32, #tpu.memory_space<hbm>> -> memref<125x80xi32, #tpu.memory_space<hbm>>
      %dma_wait3A_125 = arith.constant 0 : i32
      %dma_wait3A_126 = arith.constant 0 : i32
      %dma_wait3A_127 = tpu.memref_slice %arg3[%add3A, %dma_wait3A_125, %dma_wait3A_126] : memref<32x125x80xi32, #tpu.memory_space<hbm>> -> memref<1x125x80xi32, #tpu.memory_space<hbm>>
      %dma_wait3A_128 = tpu.memref_squeeze %dma_wait3A_127 : memref<1x125x80xi32, #tpu.memory_space<hbm>> -> memref<125x80xi32, #tpu.memory_space<hbm>>
      tpu.wait_dma2 semaphore(%run_scoped3A_112 : memref<!tpu.dma_semaphore, #tpu.memory_space<semaphore_mem>>) src(%dma_wait3A_128 : memref<125x80xi32, #tpu.memory_space<hbm>>) dst(%arg6 : memref<125x80xi32, #tpu.memory_space<vmem>>)
      tpu.yield
    }) : () -> ()
    %scan3A = arith.constant 0 : i32
    %scan3A_1 = arith.constant 5 : i32
    %scan3A_2 = arith.addi %scan3A, %scan3A_1 : i32
    %scan3A_3 = arith.constant 1 : i32
    scf.for %scan3A_112 = %scan3A to %scan3A_2 step %scan3A_3  : i32 {
      %mul3A_113 = arith.constant 16 : i32
      %mul3A_114 = arith.muli %scan3A_112, %mul3A_113 : i32
      %add3A_115 = arith.constant 0 : i32
      %add3A_116 = arith.addi %add3A_115, %mul3A_114 : i32
      %get3A = arith.constant 0 : i32
      %get3A_117 = arith.index_cast %get3A : i32 to index
      %get3A_118 = arith.index_cast %add3A_116 : i32 to index
      %get3A_119 = tpu.vector_load %arg6[%get3A_117, %get3A_118] {strides = array<i32>} : memref<125x80xi32, #tpu.memory_space<vmem>>, vector<1x16xi32>,
      %get3A_120 = vector.shape_cast %get3A_119 : vector<1x16xi32> to vector<16xi32>
      %shift_right_arithmetic3A = arith.constant 16 : i32
      %shift_right_arithmetic3A_121 = vector.broadcast %shift_right_arithmetic3A : i32 to vector<16xi32>
      %shift_right_arithmetic3A_122 = arith.shrsi %get3A_120, %shift_right_arithmetic3A_121 : vector<16xi32>
      %swap3A = arith.constant 0 : i32
      %swap3A_123 = arith.index_cast %swap3A : i32 to index
      %swap3A_124 = arith.index_cast %add3A_116 : i32 to index
      %swap3A_125 = tpu.vector_load %arg7[%swap3A_123, %swap3A_124] {strides = array<i32>} : memref<4x80xi32, #tpu.memory_space<vmem>>, vector<1x16xi32>,
      %swap3A_126 = vector.shape_cast %swap3A_125 : vector<1x16xi32> to vector<16xi32>
      %swap3A_127 = vector.shape_cast %shift_right_arithmetic3A_122 : vector<16xi32> to vector<1x16xi32>
      tpu.vector_store %arg7[%swap3A_123, %swap3A_124], %swap3A_127 {strides = array<i32>} : memref<4x80xi32, #tpu.memory_space<vmem>>, vector<1x16xi32>,
      %and3A = arith.constant 65535 : i32
      %and3A_128 = vector.broadcast %and3A : i32 to vector<16xi32>
      %and3A_129 = arith.andi %get3A_120, %and3A_128 : vector<16xi32>
      %swap3A_130 = arith.constant 0 : i32
      %swap3A_131 = arith.index_cast %swap3A_130 : i32 to index
      %swap3A_132 = arith.index_cast %add3A_116 : i32 to index
      %swap3A_133 = tpu.vector_load %arg8[%swap3A_131, %swap3A_132] {strides = array<i32>} : memref<4x80xi32, #tpu.memory_space<vmem>>, vector<1x16xi32>,
      %swap3A_134 = vector.shape_cast %swap3A_133 : vector<1x16xi32> to vector<16xi32>
      %swap3A_135 = vector.shape_cast %and3A_129 : vector<16xi32> to vector<1x16xi32>
      tpu.vector_store %arg8[%swap3A_131, %swap3A_132], %swap3A_135 {strides = array<i32>} : memref<4x80xi32, #tpu.memory_space<vmem>>, vector<1x16xi32>,
    }
    %scan3A_4 = arith.constant 5 : i32
    %dma_start3A = arith.constant 0 : i32
    %dma_start3A_5 = arith.constant 0 : i32
    %dma_start3A_6 = tpu.memref_slice %arg7[%dma_start3A, %dma_start3A_5] : memref<4x80xi32, #tpu.memory_space<vmem>> -> memref<1x80xi32, #tpu.memory_space<vmem>>
    %dma_start3A_7 = tpu.memref_squeeze %dma_start3A_6 : memref<1x80xi32, #tpu.memory_space<vmem>> -> memref<80xi32, #tpu.memory_space<vmem>>
    %dma_start3A_8 = arith.constant 0 : i32
    %dma_start3A_9 = arith.constant 0 : i32
    %dma_start3A_10 = tpu.memref_slice %arg2[%dma_start3A_8, %dma_start3A_9] : memref<10000x128xf32, #tpu.memory_space<hbm>> -> memref<10000x128xf32, #tpu.memory_space<hbm>>
    tpu.enqueue_indirect_dma source(%dma_start3A_10 : memref<10000x128xf32, #tpu.memory_space<hbm>>) target(%arg9 : memref<80x128xf32, #tpu.memory_space<vmem>>) offsets(%dma_start3A_7 : memref<80xi32, #tpu.memory_space<vmem>>) semaphore(%arg11 : memref<!tpu.dma_semaphore, #tpu.memory_space<semaphore_mem>>)
    %scan3A_11 = arith.constant 0 : i32
    %scan3A_12 = arith.constant 80 : i32
    %scan3A_13 = arith.addi %scan3A_11, %scan3A_12 : i32
    %scan3A_14 = arith.constant 1 : i32
    scf.for %scan3A_112 = %scan3A_11 to %scan3A_13 step %scan3A_14  : i32 {
      %mul3A_113 = arith.constant 1 : i32
      %mul3A_114 = arith.muli %scan3A_112, %mul3A_113 : i32
      %add3A_115 = arith.constant 0 : i32
      %add3A_116 = arith.addi %add3A_115, %mul3A_114 : i32
      %scan3A_117 = arith.constant 0 : i32
      %scan3A_118 = arith.constant 8 : i32
      %scan3A_119 = arith.addi %scan3A_117, %scan3A_118 : i32
      %scan3A_120 = arith.constant 1 : i32
      scf.for %scan3A_122 = %scan3A_117 to %scan3A_119 step %scan3A_120  : i32 {
        %mul3A_123 = arith.constant 16 : i32
        %mul3A_124 = arith.muli %scan3A_122, %mul3A_123 : i32
        %add3A_125 = arith.constant 0 : i32
        %add3A_126 = arith.addi %add3A_125, %mul3A_124 : i32
        %broadcast_in_dim3A = arith.constant 0.000000e+00 : f32
        %broadcast_in_dim3A_127 = vector.broadcast %broadcast_in_dim3A : f32 to vector<16xf32>
        %swap3A = arith.index_cast %add3A_116 : i32 to index
        %swap3A_128 = arith.index_cast %add3A_126 : i32 to index
        %swap3A_129 = tpu.vector_load %arg10[%swap3A, %swap3A_128] {strides = array<i32>} : memref<80x128xf32, #tpu.memory_space<vmem>>, vector<1x16xf32>,
        %swap3A_130 = vector.shape_cast %swap3A_129 : vector<1x16xf32> to vector<16xf32>
        %swap3A_131 = vector.shape_cast %broadcast_in_dim3A_127 : vector<16xf32> to vector<1x16xf32>
        tpu.vector_store %arg10[%swap3A, %swap3A_128], %swap3A_131 {strides = array<i32>} : memref<80x128xf32, #tpu.memory_space<vmem>>, vector<1x16xf32>,
      }
      %scan3A_121 = arith.constant 8 : i32
    }
    %scan3A_15 = arith.constant 80 : i32
    %scan3A_16 = arith.constant 0 : i32
    %scan3A_17 = arith.constant 8 : i32
    %scan3A_18 = arith.addi %scan3A_16, %scan3A_17 : i32
    %scan3A_19 = arith.constant 1 : i32
    scf.for %scan3A_112 = %scan3A_16 to %scan3A_18 step %scan3A_19  : i32 {
      %mul3A_113 = arith.constant 1 : i32
      %mul3A_114 = arith.muli %scan3A_112, %mul3A_113 : i32
      %add3A_115 = arith.constant 0 : i32
      %add3A_116 = arith.addi %add3A_115, %mul3A_114 : i32
      %mul3A_117 = arith.constant 640 : i32
      %mul3A_118 = arith.muli %arg1, %mul3A_117 : i32
      %mul3A_119 = arith.constant 80 : i32
      %mul3A_120 = arith.muli %add3A_116, %mul3A_119 : i32
      %add3A_121 = arith.addi %mul3A_118, %mul3A_120 : i32
      "tpu.region"() ({
        %run_scoped3A_122 = tpu.sem_alloc : memref<!tpu.dma_semaphore, #tpu.memory_space<semaphore_mem>>
        %dma_start3A_123 = arith.constant 0 : i32
        %dma_start3A_124 = tpu.memref_slice %arg5[%add3A_121, %dma_start3A_123] : memref<10240x128xf32, #tpu.memory_space<vmem_shared>> -> memref<80x128xf32, #tpu.memory_space<vmem_shared>>
        %dma_start3A_125 = arith.constant 0 : i32
        %dma_start3A_126 = tpu.memref_slice %arg5[%add3A_121, %dma_start3A_125] : memref<10240x128xf32, #tpu.memory_space<vmem_shared>> -> memref<80x128xf32, #tpu.memory_space<vmem_shared>>
        tpu.enqueue_dma source(%arg10 : memref<80x128xf32, #tpu.memory_space<vmem>>) target(%dma_start3A_126 : memref<80x128xf32, #tpu.memory_space<vmem_shared>>) target_semaphore(%run_scoped3A_122 : memref<!tpu.dma_semaphore, #tpu.memory_space<semaphore_mem>>)
        %dma_wait3A_127 = arith.constant 0 : i32
        %dma_wait3A_128 = tpu.memref_slice %arg5[%add3A_121, %dma_wait3A_127] : memref<10240x128xf32, #tpu.memory_space<vmem_shared>> -> memref<80x128xf32, #tpu.memory_space<vmem_shared>>
        %dma_wait3A_129 = arith.constant 0 : i32
        %dma_wait3A_130 = tpu.memref_slice %arg5[%add3A_121, %dma_wait3A_129] : memref<10240x128xf32, #tpu.memory_space<vmem_shared>> -> memref<80x128xf32, #tpu.memory_space<vmem_shared>>
        tpu.wait_dma2 semaphore(%run_scoped3A_122 : memref<!tpu.dma_semaphore, #tpu.memory_space<semaphore_mem>>) src(%arg10 : memref<80x128xf32, #tpu.memory_space<vmem>>) dst(%dma_wait3A_130 : memref<80x128xf32, #tpu.memory_space<vmem_shared>>)
        tpu.yield
      }) : () -> ()
    }
    %scan3A_20 = arith.constant 8 : i32
    %barrier3A = arith.constant 0 : index
    tpu.barrier barrier_id(%barrier3A)
    %scan3A_21 = arith.constant 0 : i32
    %scan3A_22 = arith.constant 5 : i32
    %scan3A_23 = arith.addi %scan3A_21, %scan3A_22 : i32
    %scan3A_24 = arith.constant 1 : i32
    scf.for %scan3A_112 = %scan3A_21 to %scan3A_23 step %scan3A_24  : i32 {
      %mul3A_113 = arith.constant 16 : i32
      %mul3A_114 = arith.muli %scan3A_112, %mul3A_113 : i32
      %add3A_115 = arith.constant 0 : i32
      %add3A_116 = arith.addi %add3A_115, %mul3A_114 : i32
      %get3A = arith.constant 1 : i32
      %get3A_117 = arith.index_cast %get3A : i32 to index
      %get3A_118 = arith.index_cast %add3A_116 : i32 to index
      %get3A_119 = tpu.vector_load %arg6[%get3A_117, %get3A_118] {strides = array<i32>} : memref<125x80xi32, #tpu.memory_space<vmem>>, vector<1x16xi32>,
      %get3A_120 = vector.shape_cast %get3A_119 : vector<1x16xi32> to vector<16xi32>
      %shift_right_arithmetic3A = arith.constant 16 : i32
      %shift_right_arithmetic3A_121 = vector.broadcast %shift_right_arithmetic3A : i32 to vector<16xi32>
      %shift_right_arithmetic3A_122 = arith.shrsi %get3A_120, %shift_right_arithmetic3A_121 : vector<16xi32>
      %swap3A = arith.constant 1 : i32
      %swap3A_123 = arith.index_cast %swap3A : i32 to index
      %swap3A_124 = arith.index_cast %add3A_116 : i32 to index
      %swap3A_125 = tpu.vector_load %arg7[%swap3A_123, %swap3A_124] {strides = array<i32>} : memref<4x80xi32, #tpu.memory_space<vmem>>, vector<1x16xi32>,
      %swap3A_126 = vector.shape_cast %swap3A_125 : vector<1x16xi32> to vector<16xi32>
      %swap3A_127 = vector.shape_cast %shift_right_arithmetic3A_122 : vector<16xi32> to vector<1x16xi32>
      tpu.vector_store %arg7[%swap3A_123, %swap3A_124], %swap3A_127 {strides = array<i32>} : memref<4x80xi32, #tpu.memory_space<vmem>>, vector<1x16xi32>,
      %and3A = arith.constant 65535 : i32
      %and3A_128 = vector.broadcast %and3A : i32 to vector<16xi32>
      %and3A_129 = arith.andi %get3A_120, %and3A_128 : vector<16xi32>
      %swap3A_130 = arith.constant 1 : i32
      %swap3A_131 = arith.index_cast %swap3A_130 : i32 to index
      %swap3A_132 = arith.index_cast %add3A_116 : i32 to index
      %swap3A_133 = tpu.vector_load %arg8[%swap3A_131, %swap3A_132] {strides = array<i32>} : memref<4x80xi32, #tpu.memory_space<vmem>>, vector<1x16xi32>,
      %swap3A_134 = vector.shape_cast %swap3A_133 : vector<1x16xi32> to vector<16xi32>
      %swap3A_135 = vector.shape_cast %and3A_129 : vector<16xi32> to vector<1x16xi32>
      tpu.vector_store %arg8[%swap3A_131, %swap3A_132], %swap3A_135 {strides = array<i32>} : memref<4x80xi32, #tpu.memory_space<vmem>>, vector<1x16xi32>,
    }
    %scan3A_25 = arith.constant 5 : i32
    %dma_start3A_26 = arith.constant 1 : i32
    %dma_start3A_27 = arith.constant 0 : i32
    %dma_start3A_28 = tpu.memref_slice %arg7[%dma_start3A_26, %dma_start3A_27] : memref<4x80xi32, #tpu.memory_space<vmem>> -> memref<1x80xi32, #tpu.memory_space<vmem>>
    %dma_start3A_29 = tpu.memref_squeeze %dma_start3A_28 : memref<1x80xi32, #tpu.memory_space<vmem>> -> memref<80xi32, #tpu.memory_space<vmem>>
    %dma_start3A_30 = arith.constant 0 : i32
    %dma_start3A_31 = arith.constant 0 : i32
    %dma_start3A_32 = tpu.memref_slice %arg2[%dma_start3A_30, %dma_start3A_31] : memref<10000x128xf32, #tpu.memory_space<hbm>> -> memref<10000x128xf32, #tpu.memory_space<hbm>>
    tpu.enqueue_indirect_dma source(%dma_start3A_32 : memref<10000x128xf32, #tpu.memory_space<hbm>>) target(%arg10 : memref<80x128xf32, #tpu.memory_space<vmem>>) offsets(%dma_start3A_29 : memref<80xi32, #tpu.memory_space<vmem>>) semaphore(%arg12 : memref<!tpu.dma_semaphore, #tpu.memory_space<semaphore_mem>>)
    %scan3A_33 = arith.constant 0 : i32
    %scan3A_34 = arith.constant 5 : i32
    %scan3A_35 = arith.addi %scan3A_33, %scan3A_34 : i32
    %scan3A_36 = arith.constant 1 : i32
    scf.for %scan3A_112 = %scan3A_33 to %scan3A_35 step %scan3A_36  : i32 {
      %mul3A_113 = arith.constant 16 : i32
      %mul3A_114 = arith.muli %scan3A_112, %mul3A_113 : i32
      %add3A_115 = arith.constant 0 : i32
      %add3A_116 = arith.addi %add3A_115, %mul3A_114 : i32
      %get3A = arith.constant 2 : i32
      %get3A_117 = arith.index_cast %get3A : i32 to index
      %get3A_118 = arith.index_cast %add3A_116 : i32 to index
      %get3A_119 = tpu.vector_load %arg6[%get3A_117, %get3A_118] {strides = array<i32>} : memref<125x80xi32, #tpu.memory_space<vmem>>, vector<1x16xi32>,
      %get3A_120 = vector.shape_cast %get3A_119 : vector<1x16xi32> to vector<16xi32>
      %shift_right_arithmetic3A = arith.constant 16 : i32
      %shift_right_arithmetic3A_121 = vector.broadcast %shift_right_arithmetic3A : i32 to vector<16xi32>
      %shift_right_arithmetic3A_122 = arith.shrsi %get3A_120, %shift_right_arithmetic3A_121 : vector<16xi32>
      %swap3A = arith.constant 2 : i32
      %swap3A_123 = arith.index_cast %swap3A : i32 to index
      %swap3A_124 = arith.index_cast %add3A_116 : i32 to index
      %swap3A_125 = tpu.vector_load %arg7[%swap3A_123, %swap3A_124] {strides = array<i32>} : memref<4x80xi32, #tpu.memory_space<vmem>>, vector<1x16xi32>,
      %swap3A_126 = vector.shape_cast %swap3A_125 : vector<1x16xi32> to vector<16xi32>
      %swap3A_127 = vector.shape_cast %shift_right_arithmetic3A_122 : vector<16xi32> to vector<1x16xi32>
      tpu.vector_store %arg7[%swap3A_123, %swap3A_124], %swap3A_127 {strides = array<i32>} : memref<4x80xi32, #tpu.memory_space<vmem>>, vector<1x16xi32>,
      %and3A = arith.constant 65535 : i32
      %and3A_128 = vector.broadcast %and3A : i32 to vector<16xi32>
      %and3A_129 = arith.andi %get3A_120, %and3A_128 : vector<16xi32>
      %swap3A_130 = arith.constant 2 : i32
      %swap3A_131 = arith.index_cast %swap3A_130 : i32 to index
      %swap3A_132 = arith.index_cast %add3A_116 : i32 to index
      %swap3A_133 = tpu.vector_load %arg8[%swap3A_131, %swap3A_132] {strides = array<i32>} : memref<4x80xi32, #tpu.memory_space<vmem>>, vector<1x16xi32>,
      %swap3A_134 = vector.shape_cast %swap3A_133 : vector<1x16xi32> to vector<16xi32>
      %swap3A_135 = vector.shape_cast %and3A_129 : vector<16xi32> to vector<1x16xi32>
      tpu.vector_store %arg8[%swap3A_131, %swap3A_132], %swap3A_135 {strides = array<i32>} : memref<4x80xi32, #tpu.memory_space<vmem>>, vector<1x16xi32>,
    }
    %scan3A_37 = arith.constant 5 : i32
    %scan3A_38 = arith.constant 0 : i32
    %scan3A_39 = arith.constant 30 : i32
    %scan3A_40 = arith.addi %scan3A_38, %scan3A_39 : i32
    %scan3A_41 = arith.constant 1 : i32
    scf.for %scan3A_112 = %scan3A_38 to %scan3A_40 step %scan3A_41  : i32 {
      %mul3A_113 = arith.constant 1 : i32
      %mul3A_114 = arith.muli %scan3A_112, %mul3A_113 : i32
      %add3A_115 = arith.constant 0 : i32
      %add3A_116 = arith.addi %add3A_115, %mul3A_114 : i32
      %mul3A_117 = arith.constant 4 : i32
      %mul3A_118 = arith.muli %mul3A_117, %add3A_116 : i32
      %dma_wait3A_119 = arith.constant 0 : i32
      %dma_wait3A_120 = arith.constant 0 : i32
      %dma_wait3A_121 = tpu.memref_slice %arg2[%dma_wait3A_119, %dma_wait3A_120] : memref<10000x128xf32, #tpu.memory_space<hbm>> -> memref<80x128xf32, #tpu.memory_space<hbm>>
      %dma_wait3A_122 = arith.constant 0 : i32
      %dma_wait3A_123 = arith.constant 0 : i32
      %dma_wait3A_124 = tpu.memref_slice %arg2[%dma_wait3A_122, %dma_wait3A_123] : memref<10000x128xf32, #tpu.memory_space<hbm>> -> memref<80x128xf32, #tpu.memory_space<hbm>>
      tpu.wait_dma2 semaphore(%arg11 : memref<!tpu.dma_semaphore, #tpu.memory_space<semaphore_mem>>) src(%dma_wait3A_124 : memref<80x128xf32, #tpu.memory_space<hbm>>) dst(%arg9 : memref<80x128xf32, #tpu.memory_space<vmem>>)
      %run_scoped3A_125 = arith.constant 0 : i32
      "tpu.region"() ({
        %run_scoped3A_203 = tpu.sem_alloc : memref<!tpu.dma_semaphore, #tpu.memory_space<semaphore_mem>>
        %dma_start3A_204 = arith.constant 0 : i32
        %dma_start3A_205 = tpu.memref_slice %arg8[%run_scoped3A_125, %dma_start3A_204] : memref<4x80xi32, #tpu.memory_space<vmem>> -> memref<1x80xi32, #tpu.memory_space<vmem>>
        %dma_start3A_206 = tpu.memref_squeeze %dma_start3A_205 : memref<1x80xi32, #tpu.memory_space<vmem>> -> memref<80xi32, #tpu.memory_space<vmem>>
        %dma_start3A_207 = arith.constant 0 : i32
        %dma_start3A_208 = arith.constant 0 : i32
        %dma_start3A_209 = tpu.memref_slice %arg5[%dma_start3A_207, %dma_start3A_208] : memref<10240x128xf32, #tpu.memory_space<vmem_shared>> -> memref<10240x128xf32, #tpu.memory_space<vmem_shared>>
        tpu.enqueue_indirect_dma source(%arg9 : memref<80x128xf32, #tpu.memory_space<vmem>>) target(%dma_start3A_209 : memref<10240x128xf32, #tpu.memory_space<vmem_shared>>) offsets(%dma_start3A_206 : memref<80xi32, #tpu.memory_space<vmem>>) semaphore(%run_scoped3A_203 : memref<!tpu.dma_semaphore, #tpu.memory_space<semaphore_mem>>) {add = true}
        %dma_wait3A_210 = arith.constant 0 : i32
        %dma_wait3A_211 = tpu.memref_slice %arg8[%run_scoped3A_125, %dma_wait3A_210] : memref<4x80xi32, #tpu.memory_space<vmem>> -> memref<1x80xi32, #tpu.memory_space<vmem>>
        %dma_wait3A_212 = tpu.memref_squeeze %dma_wait3A_211 : memref<1x80xi32, #tpu.memory_space<vmem>> -> memref<80xi32, #tpu.memory_space<vmem>>
        %dma_wait3A_213 = arith.constant 0 : i32
        %dma_wait3A_214 = arith.constant 0 : i32
        %dma_wait3A_215 = tpu.memref_slice %arg5[%dma_wait3A_213, %dma_wait3A_214] : memref<10240x128xf32, #tpu.memory_space<vmem_shared>> -> memref<10240x128xf32, #tpu.memory_space<vmem_shared>>
        tpu.wait_indirect_dma semaphore(%run_scoped3A_203 : memref<!tpu.dma_semaphore, #tpu.memory_space<semaphore_mem>>) src(%arg9 : memref<80x128xf32, #tpu.memory_space<vmem>>) dst(%dma_wait3A_215 : memref<10240x128xf32, #tpu.memory_space<vmem_shared>>)
        tpu.yield
      }) : () -> ()
      %dma_start3A_126 = arith.constant 2 : i32
      %dma_start3A_127 = arith.constant 0 : i32
      %dma_start3A_128 = tpu.memref_slice %arg7[%dma_start3A_126, %dma_start3A_127] : memref<4x80xi32, #tpu.memory_space<vmem>> -> memref<1x80xi32, #tpu.memory_space<vmem>>
      %dma_start3A_129 = tpu.memref_squeeze %dma_start3A_128 : memref<1x80xi32, #tpu.memory_space<vmem>> -> memref<80xi32, #tpu.memory_space<vmem>>
      %dma_start3A_130 = arith.constant 0 : i32
      %dma_start3A_131 = arith.constant 0 : i32
      %dma_start3A_132 = tpu.memref_slice %arg2[%dma_start3A_130, %dma_start3A_131] : memref<10000x128xf32, #tpu.memory_space<hbm>> -> memref<10000x128xf32, #tpu.memory_space<hbm>>
      tpu.enqueue_indirect_dma source(%dma_start3A_132 : memref<10000x128xf32, #tpu.memory_space<hbm>>) target(%arg9 : memref<80x128xf32, #tpu.memory_space<vmem>>) offsets(%dma_start3A_129 : memref<80xi32, #tpu.memory_space<vmem>>) semaphore(%arg11 : memref<!tpu.dma_semaphore, #tpu.memory_space<semaphore_mem>>)
      %add3A_133 = arith.constant 3 : i32
      %add3A_134 = arith.addi %mul3A_118, %add3A_133 : i32
      %scan3A_135 = arith.constant 0 : i32
      %scan3A_136 = arith.constant 5 : i32
      %scan3A_137 = arith.addi %scan3A_135, %scan3A_136 : i32
      %scan3A_138 = arith.constant 1 : i32
      scf.for %scan3A_203 = %scan3A_135 to %scan3A_137 step %scan3A_138  : i32 {
        %mul3A_204 = arith.constant 16 : i32
        %mul3A_205 = arith.muli %scan3A_203, %mul3A_204 : i32
        %add3A_206 = arith.constant 0 : i32
        %add3A_207 = arith.addi %add3A_206, %mul3A_205 : i32
        %get3A = arith.index_cast %add3A_134 : i32 to index
        %get3A_208 = arith.index_cast %add3A_207 : i32 to index
        %get3A_209 = tpu.vector_load %arg6[%get3A, %get3A_208] {strides = array<i32>} : memref<125x80xi32, #tpu.memory_space<vmem>>, vector<1x16xi32>,
        %get3A_210 = vector.shape_cast %get3A_209 : vector<1x16xi32> to vector<16xi32>
        %shift_right_arithmetic3A = arith.constant 16 : i32
        %shift_right_arithmetic3A_211 = vector.broadcast %shift_right_arithmetic3A : i32 to vector<16xi32>
        %shift_right_arithmetic3A_212 = arith.shrsi %get3A_210, %shift_right_arithmetic3A_211 : vector<16xi32>
        %swap3A = arith.constant 3 : i32
        %swap3A_213 = arith.index_cast %swap3A : i32 to index
        %swap3A_214 = arith.index_cast %add3A_207 : i32 to index
        %swap3A_215 = tpu.vector_load %arg7[%swap3A_213, %swap3A_214] {strides = array<i32>} : memref<4x80xi32, #tpu.memory_space<vmem>>, vector<1x16xi32>,
        %swap3A_216 = vector.shape_cast %swap3A_215 : vector<1x16xi32> to vector<16xi32>
        %swap3A_217 = vector.shape_cast %shift_right_arithmetic3A_212 : vector<16xi32> to vector<1x16xi32>
        tpu.vector_store %arg7[%swap3A_213, %swap3A_214], %swap3A_217 {strides = array<i32>} : memref<4x80xi32, #tpu.memory_space<vmem>>, vector<1x16xi32>,
        %and3A = arith.constant 65535 : i32
        %and3A_218 = vector.broadcast %and3A : i32 to vector<16xi32>
        %and3A_219 = arith.andi %get3A_210, %and3A_218 : vector<16xi32>
        %swap3A_220 = arith.constant 3 : i32
        %swap3A_221 = arith.index_cast %swap3A_220 : i32 to index
        %swap3A_222 = arith.index_cast %add3A_207 : i32 to index
        %swap3A_223 = tpu.vector_load %arg8[%swap3A_221, %swap3A_222] {strides = array<i32>} : memref<4x80xi32, #tpu.memory_space<vmem>>, vector<1x16xi32>,
        %swap3A_224 = vector.shape_cast %swap3A_223 : vector<1x16xi32> to vector<16xi32>
        %swap3A_225 = vector.shape_cast %and3A_219 : vector<16xi32> to vector<1x16xi32>
        tpu.vector_store %arg8[%swap3A_221, %swap3A_222], %swap3A_225 {strides = array<i32>} : memref<4x80xi32, #tpu.memory_space<vmem>>, vector<1x16xi32>,
      }
      %scan3A_139 = arith.constant 5 : i32
      %dma_wait3A_140 = arith.constant 0 : i32
      %dma_wait3A_141 = arith.constant 0 : i32
      %dma_wait3A_142 = tpu.memref_slice %arg2[%dma_wait3A_140, %dma_wait3A_141] : memref<10000x128xf32, #tpu.memory_space<hbm>> -> memref<80x128xf32, #tpu.memory_space<hbm>>
      %dma_wait3A_143 = arith.constant 0 : i32
      %dma_wait3A_144 = arith.constant 0 : i32
      %dma_wait3A_145 = tpu.memref_slice %arg2[%dma_wait3A_143, %dma_wait3A_144] : memref<10000x128xf32, #tpu.memory_space<hbm>> -> memref<80x128xf32, #tpu.memory_space<hbm>>
      tpu.wait_dma2 semaphore(%arg12 : memref<!tpu.dma_semaphore, #tpu.memory_space<semaphore_mem>>) src(%dma_wait3A_145 : memref<80x128xf32, #tpu.memory_space<hbm>>) dst(%arg10 : memref<80x128xf32, #tpu.memory_space<vmem>>)
      %run_scoped3A_146 = arith.constant 1 : i32
      "tpu.region"() ({
        %run_scoped3A_203 = tpu.sem_alloc : memref<!tpu.dma_semaphore, #tpu.memory_space<semaphore_mem>>
        %dma_start3A_204 = arith.constant 0 : i32
        %dma_start3A_205 = tpu.memref_slice %arg8[%run_scoped3A_146, %dma_start3A_204] : memref<4x80xi32, #tpu.memory_space<vmem>> -> memref<1x80xi32, #tpu.memory_space<vmem>>
        %dma_start3A_206 = tpu.memref_squeeze %dma_start3A_205 : memref<1x80xi32, #tpu.memory_space<vmem>> -> memref<80xi32, #tpu.memory_space<vmem>>
        %dma_start3A_207 = arith.constant 0 : i32
        %dma_start3A_208 = arith.constant 0 : i32
        %dma_start3A_209 = tpu.memref_slice %arg5[%dma_start3A_207, %dma_start3A_208] : memref<10240x128xf32, #tpu.memory_space<vmem_shared>> -> memref<10240x128xf32, #tpu.memory_space<vmem_shared>>
        tpu.enqueue_indirect_dma source(%arg10 : memref<80x128xf32, #tpu.memory_space<vmem>>) target(%dma_start3A_209 : memref<10240x128xf32, #tpu.memory_space<vmem_shared>>) offsets(%dma_start3A_206 : memref<80xi32, #tpu.memory_space<vmem>>) semaphore(%run_scoped3A_203 : memref<!tpu.dma_semaphore, #tpu.memory_space<semaphore_mem>>) {add = true}
        %dma_wait3A_210 = arith.constant 0 : i32
        %dma_wait3A_211 = tpu.memref_slice %arg8[%run_scoped3A_146, %dma_wait3A_210] : memref<4x80xi32, #tpu.memory_space<vmem>> -> memref<1x80xi32, #tpu.memory_space<vmem>>
        %dma_wait3A_212 = tpu.memref_squeeze %dma_wait3A_211 : memref<1x80xi32, #tpu.memory_space<vmem>> -> memref<80xi32, #tpu.memory_space<vmem>>
        %dma_wait3A_213 = arith.constant 0 : i32
        %dma_wait3A_214 = arith.constant 0 : i32
        %dma_wait3A_215 = tpu.memref_slice %arg5[%dma_wait3A_213, %dma_wait3A_214] : memref<10240x128xf32, #tpu.memory_space<vmem_shared>> -> memref<10240x128xf32, #tpu.memory_space<vmem_shared>>
        tpu.wait_indirect_dma semaphore(%run_scoped3A_203 : memref<!tpu.dma_semaphore, #tpu.memory_space<semaphore_mem>>) src(%arg10 : memref<80x128xf32, #tpu.memory_space<vmem>>) dst(%dma_wait3A_215 : memref<10240x128xf32, #tpu.memory_space<vmem_shared>>)
        tpu.yield
      }) : () -> ()
      %dma_start3A_147 = arith.constant 3 : i32
      %dma_start3A_148 = arith.constant 0 : i32
      %dma_start3A_149 = tpu.memref_slice %arg7[%dma_start3A_147, %dma_start3A_148] : memref<4x80xi32, #tpu.memory_space<vmem>> -> memref<1x80xi32, #tpu.memory_space<vmem>>
      %dma_start3A_150 = tpu.memref_squeeze %dma_start3A_149 : memref<1x80xi32, #tpu.memory_space<vmem>> -> memref<80xi32, #tpu.memory_space<vmem>>
      %dma_start3A_151 = arith.constant 0 : i32
      %dma_start3A_152 = arith.constant 0 : i32
      %dma_start3A_153 = tpu.memref_slice %arg2[%dma_start3A_151, %dma_start3A_152] : memref<10000x128xf32, #tpu.memory_space<hbm>> -> memref<10000x128xf32, #tpu.memory_space<hbm>>
      tpu.enqueue_indirect_dma source(%dma_start3A_153 : memref<10000x128xf32, #tpu.memory_space<hbm>>) target(%arg10 : memref<80x128xf32, #tpu.memory_space<vmem>>) offsets(%dma_start3A_150 : memref<80xi32, #tpu.memory_space<vmem>>) semaphore(%arg12 : memref<!tpu.dma_semaphore, #tpu.memory_space<semaphore_mem>>)
      %add3A_154 = arith.constant 4 : i32
      %add3A_155 = arith.addi %mul3A_118, %add3A_154 : i32
      %scan3A_156 = arith.constant 0 : i32
      %scan3A_157 = arith.constant 5 : i32
      %scan3A_158 = arith.addi %scan3A_156, %scan3A_157 : i32
      %scan3A_159 = arith.constant 1 : i32
      scf.for %scan3A_203 = %scan3A_156 to %scan3A_158 step %scan3A_159  : i32 {
        %mul3A_204 = arith.constant 16 : i32
        %mul3A_205 = arith.muli %scan3A_203, %mul3A_204 : i32
        %add3A_206 = arith.constant 0 : i32
        %add3A_207 = arith.addi %add3A_206, %mul3A_205 : i32
        %get3A = arith.index_cast %add3A_155 : i32 to index
        %get3A_208 = arith.index_cast %add3A_207 : i32 to index
        %get3A_209 = tpu.vector_load %arg6[%get3A, %get3A_208] {strides = array<i32>} : memref<125x80xi32, #tpu.memory_space<vmem>>, vector<1x16xi32>,
        %get3A_210 = vector.shape_cast %get3A_209 : vector<1x16xi32> to vector<16xi32>
        %shift_right_arithmetic3A = arith.constant 16 : i32
        %shift_right_arithmetic3A_211 = vector.broadcast %shift_right_arithmetic3A : i32 to vector<16xi32>
        %shift_right_arithmetic3A_212 = arith.shrsi %get3A_210, %shift_right_arithmetic3A_211 : vector<16xi32>
        %swap3A = arith.constant 0 : i32
        %swap3A_213 = arith.index_cast %swap3A : i32 to index
        %swap3A_214 = arith.index_cast %add3A_207 : i32 to index
        %swap3A_215 = tpu.vector_load %arg7[%swap3A_213, %swap3A_214] {strides = array<i32>} : memref<4x80xi32, #tpu.memory_space<vmem>>, vector<1x16xi32>,
        %swap3A_216 = vector.shape_cast %swap3A_215 : vector<1x16xi32> to vector<16xi32>
        %swap3A_217 = vector.shape_cast %shift_right_arithmetic3A_212 : vector<16xi32> to vector<1x16xi32>
        tpu.vector_store %arg7[%swap3A_213, %swap3A_214], %swap3A_217 {strides = array<i32>} : memref<4x80xi32, #tpu.memory_space<vmem>>, vector<1x16xi32>,
        %and3A = arith.constant 65535 : i32
        %and3A_218 = vector.broadcast %and3A : i32 to vector<16xi32>
        %and3A_219 = arith.andi %get3A_210, %and3A_218 : vector<16xi32>
        %swap3A_220 = arith.constant 0 : i32
        %swap3A_221 = arith.index_cast %swap3A_220 : i32 to index
        %swap3A_222 = arith.index_cast %add3A_207 : i32 to index
        %swap3A_223 = tpu.vector_load %arg8[%swap3A_221, %swap3A_222] {strides = array<i32>} : memref<4x80xi32, #tpu.memory_space<vmem>>, vector<1x16xi32>,
        %swap3A_224 = vector.shape_cast %swap3A_223 : vector<1x16xi32> to vector<16xi32>
        %swap3A_225 = vector.shape_cast %and3A_219 : vector<16xi32> to vector<1x16xi32>
        tpu.vector_store %arg8[%swap3A_221, %swap3A_222], %swap3A_225 {strides = array<i32>} : memref<4x80xi32, #tpu.memory_space<vmem>>, vector<1x16xi32>,
      }
      %scan3A_160 = arith.constant 5 : i32
      %dma_wait3A_161 = arith.constant 0 : i32
      %dma_wait3A_162 = arith.constant 0 : i32
      %dma_wait3A_163 = tpu.memref_slice %arg2[%dma_wait3A_161, %dma_wait3A_162] : memref<10000x128xf32, #tpu.memory_space<hbm>> -> memref<80x128xf32, #tpu.memory_space<hbm>>
      %dma_wait3A_164 = arith.constant 0 : i32
      %dma_wait3A_165 = arith.constant 0 : i32
      %dma_wait3A_166 = tpu.memref_slice %arg2[%dma_wait3A_164, %dma_wait3A_165] : memref<10000x128xf32, #tpu.memory_space<hbm>> -> memref<80x128xf32, #tpu.memory_space<hbm>>
      tpu.wait_dma2 semaphore(%arg11 : memref<!tpu.dma_semaphore, #tpu.memory_space<semaphore_mem>>) src(%dma_wait3A_166 : memref<80x128xf32, #tpu.memory_space<hbm>>) dst(%arg9 : memref<80x128xf32, #tpu.memory_space<vmem>>)
      %run_scoped3A_167 = arith.constant 2 : i32
      "tpu.region"() ({
        %run_scoped3A_203 = tpu.sem_alloc : memref<!tpu.dma_semaphore, #tpu.memory_space<semaphore_mem>>
        %dma_start3A_204 = arith.constant 0 : i32
        %dma_start3A_205 = tpu.memref_slice %arg8[%run_scoped3A_167, %dma_start3A_204] : memref<4x80xi32, #tpu.memory_space<vmem>> -> memref<1x80xi32, #tpu.memory_space<vmem>>
        %dma_start3A_206 = tpu.memref_squeeze %dma_start3A_205 : memref<1x80xi32, #tpu.memory_space<vmem>> -> memref<80xi32, #tpu.memory_space<vmem>>
        %dma_start3A_207 = arith.constant 0 : i32
        %dma_start3A_208 = arith.constant 0 : i32
        %dma_start3A_209 = tpu.memref_slice %arg5[%dma_start3A_207, %dma_start3A_208] : memref<10240x128xf32, #tpu.memory_space<vmem_shared>> -> memref<10240x128xf32, #tpu.memory_space<vmem_shared>>
        tpu.enqueue_indirect_dma source(%arg9 : memref<80x128xf32, #tpu.memory_space<vmem>>) target(%dma_start3A_209 : memref<10240x128xf32, #tpu.memory_space<vmem_shared>>) offsets(%dma_start3A_206 : memref<80xi32, #tpu.memory_space<vmem>>) semaphore(%run_scoped3A_203 : memref<!tpu.dma_semaphore, #tpu.memory_space<semaphore_mem>>) {add = true}
        %dma_wait3A_210 = arith.constant 0 : i32
        %dma_wait3A_211 = tpu.memref_slice %arg8[%run_scoped3A_167, %dma_wait3A_210] : memref<4x80xi32, #tpu.memory_space<vmem>> -> memref<1x80xi32, #tpu.memory_space<vmem>>
        %dma_wait3A_212 = tpu.memref_squeeze %dma_wait3A_211 : memref<1x80xi32, #tpu.memory_space<vmem>> -> memref<80xi32, #tpu.memory_space<vmem>>
        %dma_wait3A_213 = arith.constant 0 : i32
        %dma_wait3A_214 = arith.constant 0 : i32
        %dma_wait3A_215 = tpu.memref_slice %arg5[%dma_wait3A_213, %dma_wait3A_214] : memref<10240x128xf32, #tpu.memory_space<vmem_shared>> -> memref<10240x128xf32, #tpu.memory_space<vmem_shared>>
        tpu.wait_indirect_dma semaphore(%run_scoped3A_203 : memref<!tpu.dma_semaphore, #tpu.memory_space<semaphore_mem>>) src(%arg9 : memref<80x128xf32, #tpu.memory_space<vmem>>) dst(%dma_wait3A_215 : memref<10240x128xf32, #tpu.memory_space<vmem_shared>>)
        tpu.yield
      }) : () -> ()
      %dma_start3A_168 = arith.constant 0 : i32
      %dma_start3A_169 = arith.constant 0 : i32
      %dma_start3A_170 = tpu.memref_slice %arg7[%dma_start3A_168, %dma_start3A_169] : memref<4x80xi32, #tpu.memory_space<vmem>> -> memref<1x80xi32, #tpu.memory_space<vmem>>
      %dma_start3A_171 = tpu.memref_squeeze %dma_start3A_170 : memref<1x80xi32, #tpu.memory_space<vmem>> -> memref<80xi32, #tpu.memory_space<vmem>>
      %dma_start3A_172 = arith.constant 0 : i32
      %dma_start3A_173 = arith.constant 0 : i32
      %dma_start3A_174 = tpu.memref_slice %arg2[%dma_start3A_172, %dma_start3A_173] : memref<10000x128xf32, #tpu.memory_space<hbm>> -> memref<10000x128xf32, #tpu.memory_space<hbm>>
      tpu.enqueue_indirect_dma source(%dma_start3A_174 : memref<10000x128xf32, #tpu.memory_space<hbm>>) target(%arg9 : memref<80x128xf32, #tpu.memory_space<vmem>>) offsets(%dma_start3A_171 : memref<80xi32, #tpu.memory_space<vmem>>) semaphore(%arg11 : memref<!tpu.dma_semaphore, #tpu.memory_space<semaphore_mem>>)
      %add3A_175 = arith.constant 5 : i32
      %add3A_176 = arith.addi %mul3A_118, %add3A_175 : i32
      %scan3A_177 = arith.constant 0 : i32
      %scan3A_178 = arith.constant 5 : i32
      %scan3A_179 = arith.addi %scan3A_177, %scan3A_178 : i32
      %scan3A_180 = arith.constant 1 : i32
      scf.for %scan3A_203 = %scan3A_177 to %scan3A_179 step %scan3A_180  : i32 {
        %mul3A_204 = arith.constant 16 : i32
        %mul3A_205 = arith.muli %scan3A_203, %mul3A_204 : i32
        %add3A_206 = arith.constant 0 : i32
        %add3A_207 = arith.addi %add3A_206, %mul3A_205 : i32
        %get3A = arith.index_cast %add3A_176 : i32 to index
        %get3A_208 = arith.index_cast %add3A_207 : i32 to index
        %get3A_209 = tpu.vector_load %arg6[%get3A, %get3A_208] {strides = array<i32>} : memref<125x80xi32, #tpu.memory_space<vmem>>, vector<1x16xi32>,
        %get3A_210 = vector.shape_cast %get3A_209 : vector<1x16xi32> to vector<16xi32>
        %shift_right_arithmetic3A = arith.constant 16 : i32
        %shift_right_arithmetic3A_211 = vector.broadcast %shift_right_arithmetic3A : i32 to vector<16xi32>
        %shift_right_arithmetic3A_212 = arith.shrsi %get3A_210, %shift_right_arithmetic3A_211 : vector<16xi32>
        %swap3A = arith.constant 1 : i32
        %swap3A_213 = arith.index_cast %swap3A : i32 to index
        %swap3A_214 = arith.index_cast %add3A_207 : i32 to index
        %swap3A_215 = tpu.vector_load %arg7[%swap3A_213, %swap3A_214] {strides = array<i32>} : memref<4x80xi32, #tpu.memory_space<vmem>>, vector<1x16xi32>,
        %swap3A_216 = vector.shape_cast %swap3A_215 : vector<1x16xi32> to vector<16xi32>
        %swap3A_217 = vector.shape_cast %shift_right_arithmetic3A_212 : vector<16xi32> to vector<1x16xi32>
        tpu.vector_store %arg7[%swap3A_213, %swap3A_214], %swap3A_217 {strides = array<i32>} : memref<4x80xi32, #tpu.memory_space<vmem>>, vector<1x16xi32>,
        %and3A = arith.constant 65535 : i32
        %and3A_218 = vector.broadcast %and3A : i32 to vector<16xi32>
        %and3A_219 = arith.andi %get3A_210, %and3A_218 : vector<16xi32>
        %swap3A_220 = arith.constant 1 : i32
        %swap3A_221 = arith.index_cast %swap3A_220 : i32 to index
        %swap3A_222 = arith.index_cast %add3A_207 : i32 to index
        %swap3A_223 = tpu.vector_load %arg8[%swap3A_221, %swap3A_222] {strides = array<i32>} : memref<4x80xi32, #tpu.memory_space<vmem>>, vector<1x16xi32>,
        %swap3A_224 = vector.shape_cast %swap3A_223 : vector<1x16xi32> to vector<16xi32>
        %swap3A_225 = vector.shape_cast %and3A_219 : vector<16xi32> to vector<1x16xi32>
        tpu.vector_store %arg8[%swap3A_221, %swap3A_222], %swap3A_225 {strides = array<i32>} : memref<4x80xi32, #tpu.memory_space<vmem>>, vector<1x16xi32>,
      }
      %scan3A_181 = arith.constant 5 : i32
      %dma_wait3A_182 = arith.constant 0 : i32
      %dma_wait3A_183 = arith.constant 0 : i32
      %dma_wait3A_184 = tpu.memref_slice %arg2[%dma_wait3A_182, %dma_wait3A_183] : memref<10000x128xf32, #tpu.memory_space<hbm>> -> memref<80x128xf32, #tpu.memory_space<hbm>>
      %dma_wait3A_185 = arith.constant 0 : i32
      %dma_wait3A_186 = arith.constant 0 : i32
      %dma_wait3A_187 = tpu.memref_slice %arg2[%dma_wait3A_185, %dma_wait3A_186] : memref<10000x128xf32, #tpu.memory_space<hbm>> -> memref<80x128xf32, #tpu.memory_space<hbm>>
      tpu.wait_dma2 semaphore(%arg12 : memref<!tpu.dma_semaphore, #tpu.memory_space<semaphore_mem>>) src(%dma_wait3A_187 : memref<80x128xf32, #tpu.memory_space<hbm>>) dst(%arg10 : memref<80x128xf32, #tpu.memory_space<vmem>>)
      %run_scoped3A_188 = arith.constant 3 : i32
      "tpu.region"() ({
        %run_scoped3A_203 = tpu.sem_alloc : memref<!tpu.dma_semaphore, #tpu.memory_space<semaphore_mem>>
        %dma_start3A_204 = arith.constant 0 : i32
        %dma_start3A_205 = tpu.memref_slice %arg8[%run_scoped3A_188, %dma_start3A_204] : memref<4x80xi32, #tpu.memory_space<vmem>> -> memref<1x80xi32, #tpu.memory_space<vmem>>
        %dma_start3A_206 = tpu.memref_squeeze %dma_start3A_205 : memref<1x80xi32, #tpu.memory_space<vmem>> -> memref<80xi32, #tpu.memory_space<vmem>>
        %dma_start3A_207 = arith.constant 0 : i32
        %dma_start3A_208 = arith.constant 0 : i32
        %dma_start3A_209 = tpu.memref_slice %arg5[%dma_start3A_207, %dma_start3A_208] : memref<10240x128xf32, #tpu.memory_space<vmem_shared>> -> memref<10240x128xf32, #tpu.memory_space<vmem_shared>>
        tpu.enqueue_indirect_dma source(%arg10 : memref<80x128xf32, #tpu.memory_space<vmem>>) target(%dma_start3A_209 : memref<10240x128xf32, #tpu.memory_space<vmem_shared>>) offsets(%dma_start3A_206 : memref<80xi32, #tpu.memory_space<vmem>>) semaphore(%run_scoped3A_203 : memref<!tpu.dma_semaphore, #tpu.memory_space<semaphore_mem>>) {add = true}
        %dma_wait3A_210 = arith.constant 0 : i32
        %dma_wait3A_211 = tpu.memref_slice %arg8[%run_scoped3A_188, %dma_wait3A_210] : memref<4x80xi32, #tpu.memory_space<vmem>> -> memref<1x80xi32, #tpu.memory_space<vmem>>
        %dma_wait3A_212 = tpu.memref_squeeze %dma_wait3A_211 : memref<1x80xi32, #tpu.memory_space<vmem>> -> memref<80xi32, #tpu.memory_space<vmem>>
        %dma_wait3A_213 = arith.constant 0 : i32
        %dma_wait3A_214 = arith.constant 0 : i32
        %dma_wait3A_215 = tpu.memref_slice %arg5[%dma_wait3A_213, %dma_wait3A_214] : memref<10240x128xf32, #tpu.memory_space<vmem_shared>> -> memref<10240x128xf32, #tpu.memory_space<vmem_shared>>
        tpu.wait_indirect_dma semaphore(%run_scoped3A_203 : memref<!tpu.dma_semaphore, #tpu.memory_space<semaphore_mem>>) src(%arg10 : memref<80x128xf32, #tpu.memory_space<vmem>>) dst(%dma_wait3A_215 : memref<10240x128xf32, #tpu.memory_space<vmem_shared>>)
        tpu.yield
      }) : () -> ()
      %dma_start3A_189 = arith.constant 1 : i32
      %dma_start3A_190 = arith.constant 0 : i32
      %dma_start3A_191 = tpu.memref_slice %arg7[%dma_start3A_189, %dma_start3A_190] : memref<4x80xi32, #tpu.memory_space<vmem>> -> memref<1x80xi32, #tpu.memory_space<vmem>>
      %dma_start3A_192 = tpu.memref_squeeze %dma_start3A_191 : memref<1x80xi32, #tpu.memory_space<vmem>> -> memref<80xi32, #tpu.memory_space<vmem>>
      %dma_start3A_193 = arith.constant 0 : i32
      %dma_start3A_194 = arith.constant 0 : i32
      %dma_start3A_195 = tpu.memref_slice %arg2[%dma_start3A_193, %dma_start3A_194] : memref<10000x128xf32, #tpu.memory_space<hbm>> -> memref<10000x128xf32, #tpu.memory_space<hbm>>
      tpu.enqueue_indirect_dma source(%dma_start3A_195 : memref<10000x128xf32, #tpu.memory_space<hbm>>) target(%arg10 : memref<80x128xf32, #tpu.memory_space<vmem>>) offsets(%dma_start3A_192 : memref<80xi32, #tpu.memory_space<vmem>>) semaphore(%arg12 : memref<!tpu.dma_semaphore, #tpu.memory_space<semaphore_mem>>)
      %add3A_196 = arith.constant 6 : i32
      %add3A_197 = arith.addi %mul3A_118, %add3A_196 : i32
      %scan3A_198 = arith.constant 0 : i32
      %scan3A_199 = arith.constant 5 : i32
      %scan3A_200 = arith.addi %scan3A_198, %scan3A_199 : i32
      %scan3A_201 = arith.constant 1 : i32
      scf.for %scan3A_203 = %scan3A_198 to %scan3A_200 step %scan3A_201  : i32 {
        %mul3A_204 = arith.constant 16 : i32
        %mul3A_205 = arith.muli %scan3A_203, %mul3A_204 : i32
        %add3A_206 = arith.constant 0 : i32
        %add3A_207 = arith.addi %add3A_206, %mul3A_205 : i32
        %get3A = arith.index_cast %add3A_197 : i32 to index
        %get3A_208 = arith.index_cast %add3A_207 : i32 to index
        %get3A_209 = tpu.vector_load %arg6[%get3A, %get3A_208] {strides = array<i32>} : memref<125x80xi32, #tpu.memory_space<vmem>>, vector<1x16xi32>,
        %get3A_210 = vector.shape_cast %get3A_209 : vector<1x16xi32> to vector<16xi32>
        %shift_right_arithmetic3A = arith.constant 16 : i32
        %shift_right_arithmetic3A_211 = vector.broadcast %shift_right_arithmetic3A : i32 to vector<16xi32>
        %shift_right_arithmetic3A_212 = arith.shrsi %get3A_210, %shift_right_arithmetic3A_211 : vector<16xi32>
        %swap3A = arith.constant 2 : i32
        %swap3A_213 = arith.index_cast %swap3A : i32 to index
        %swap3A_214 = arith.index_cast %add3A_207 : i32 to index
        %swap3A_215 = tpu.vector_load %arg7[%swap3A_213, %swap3A_214] {strides = array<i32>} : memref<4x80xi32, #tpu.memory_space<vmem>>, vector<1x16xi32>,
        %swap3A_216 = vector.shape_cast %swap3A_215 : vector<1x16xi32> to vector<16xi32>
        %swap3A_217 = vector.shape_cast %shift_right_arithmetic3A_212 : vector<16xi32> to vector<1x16xi32>
        tpu.vector_store %arg7[%swap3A_213, %swap3A_214], %swap3A_217 {strides = array<i32>} : memref<4x80xi32, #tpu.memory_space<vmem>>, vector<1x16xi32>,
        %and3A = arith.constant 65535 : i32
        %and3A_218 = vector.broadcast %and3A : i32 to vector<16xi32>
        %and3A_219 = arith.andi %get3A_210, %and3A_218 : vector<16xi32>
        %swap3A_220 = arith.constant 2 : i32
        %swap3A_221 = arith.index_cast %swap3A_220 : i32 to index
        %swap3A_222 = arith.index_cast %add3A_207 : i32 to index
        %swap3A_223 = tpu.vector_load %arg8[%swap3A_221, %swap3A_222] {strides = array<i32>} : memref<4x80xi32, #tpu.memory_space<vmem>>, vector<1x16xi32>,
        %swap3A_224 = vector.shape_cast %swap3A_223 : vector<1x16xi32> to vector<16xi32>
        %swap3A_225 = vector.shape_cast %and3A_219 : vector<16xi32> to vector<1x16xi32>
        tpu.vector_store %arg8[%swap3A_221, %swap3A_222], %swap3A_225 {strides = array<i32>} : memref<4x80xi32, #tpu.memory_space<vmem>>, vector<1x16xi32>,
      }
      %scan3A_202 = arith.constant 5 : i32
    }
    %scan3A_42 = arith.constant 30 : i32
    %dma_wait3A = arith.constant 0 : i32
    %dma_wait3A_43 = arith.constant 0 : i32
    %dma_wait3A_44 = tpu.memref_slice %arg2[%dma_wait3A, %dma_wait3A_43] : memref<10000x128xf32, #tpu.memory_space<hbm>> -> memref<80x128xf32, #tpu.memory_space<hbm>>
    %dma_wait3A_45 = arith.constant 0 : i32
    %dma_wait3A_46 = arith.constant 0 : i32
    %dma_wait3A_47 = tpu.memref_slice %arg2[%dma_wait3A_45, %dma_wait3A_46] : memref<10000x128xf32, #tpu.memory_space<hbm>> -> memref<80x128xf32, #tpu.memory_space<hbm>>
    tpu.wait_dma2 semaphore(%arg11 : memref<!tpu.dma_semaphore, #tpu.memory_space<semaphore_mem>>) src(%dma_wait3A_47 : memref<80x128xf32, #tpu.memory_space<hbm>>) dst(%arg9 : memref<80x128xf32, #tpu.memory_space<vmem>>)
    %run_scoped3A = arith.constant 0 : i32
    "tpu.region"() ({
      %run_scoped3A_112 = tpu.sem_alloc : memref<!tpu.dma_semaphore, #tpu.memory_space<semaphore_mem>>
      %dma_start3A_113 = arith.constant 0 : i32
      %dma_start3A_114 = tpu.memref_slice %arg8[%run_scoped3A, %dma_start3A_113] : memref<4x80xi32, #tpu.memory_space<vmem>> -> memref<1x80xi32, #tpu.memory_space<vmem>>
      %dma_start3A_115 = tpu.memref_squeeze %dma_start3A_114 : memref<1x80xi32, #tpu.memory_space<vmem>> -> memref<80xi32, #tpu.memory_space<vmem>>
      %dma_start3A_116 = arith.constant 0 : i32
      %dma_start3A_117 = arith.constant 0 : i32
      %dma_start3A_118 = tpu.memref_slice %arg5[%dma_start3A_116, %dma_start3A_117] : memref<10240x128xf32, #tpu.memory_space<vmem_shared>> -> memref<10240x128xf32, #tpu.memory_space<vmem_shared>>
      tpu.enqueue_indirect_dma source(%arg9 : memref<80x128xf32, #tpu.memory_space<vmem>>) target(%dma_start3A_118 : memref<10240x128xf32, #tpu.memory_space<vmem_shared>>) offsets(%dma_start3A_115 : memref<80xi32, #tpu.memory_space<vmem>>) semaphore(%run_scoped3A_112 : memref<!tpu.dma_semaphore, #tpu.memory_space<semaphore_mem>>) {add = true}
      %dma_wait3A_119 = arith.constant 0 : i32
      %dma_wait3A_120 = tpu.memref_slice %arg8[%run_scoped3A, %dma_wait3A_119] : memref<4x80xi32, #tpu.memory_space<vmem>> -> memref<1x80xi32, #tpu.memory_space<vmem>>
      %dma_wait3A_121 = tpu.memref_squeeze %dma_wait3A_120 : memref<1x80xi32, #tpu.memory_space<vmem>> -> memref<80xi32, #tpu.memory_space<vmem>>
      %dma_wait3A_122 = arith.constant 0 : i32
      %dma_wait3A_123 = arith.constant 0 : i32
      %dma_wait3A_124 = tpu.memref_slice %arg5[%dma_wait3A_122, %dma_wait3A_123] : memref<10240x128xf32, #tpu.memory_space<vmem_shared>> -> memref<10240x128xf32, #tpu.memory_space<vmem_shared>>
      tpu.wait_indirect_dma semaphore(%run_scoped3A_112 : memref<!tpu.dma_semaphore, #tpu.memory_space<semaphore_mem>>) src(%arg9 : memref<80x128xf32, #tpu.memory_space<vmem>>) dst(%dma_wait3A_124 : memref<10240x128xf32, #tpu.memory_space<vmem_shared>>)
      tpu.yield
    }) : () -> ()
    %dma_start3A_48 = arith.constant 2 : i32
    %dma_start3A_49 = arith.constant 0 : i32
    %dma_start3A_50 = tpu.memref_slice %arg7[%dma_start3A_48, %dma_start3A_49] : memref<4x80xi32, #tpu.memory_space<vmem>> -> memref<1x80xi32, #tpu.memory_space<vmem>>
    %dma_start3A_51 = tpu.memref_squeeze %dma_start3A_50 : memref<1x80xi32, #tpu.memory_space<vmem>> -> memref<80xi32, #tpu.memory_space<vmem>>
    %dma_start3A_52 = arith.constant 0 : i32
    %dma_start3A_53 = arith.constant 0 : i32
    %dma_start3A_54 = tpu.memref_slice %arg2[%dma_start3A_52, %dma_start3A_53] : memref<10000x128xf32, #tpu.memory_space<hbm>> -> memref<10000x128xf32, #tpu.memory_space<hbm>>
    tpu.enqueue_indirect_dma source(%dma_start3A_54 : memref<10000x128xf32, #tpu.memory_space<hbm>>) target(%arg9 : memref<80x128xf32, #tpu.memory_space<vmem>>) offsets(%dma_start3A_51 : memref<80xi32, #tpu.memory_space<vmem>>) semaphore(%arg11 : memref<!tpu.dma_semaphore, #tpu.memory_space<semaphore_mem>>)
    %scan3A_55 = arith.constant 0 : i32
    %scan3A_56 = arith.constant 5 : i32
    %scan3A_57 = arith.addi %scan3A_55, %scan3A_56 : i32
    %scan3A_58 = arith.constant 1 : i32
    scf.for %scan3A_112 = %scan3A_55 to %scan3A_57 step %scan3A_58  : i32 {
      %mul3A_113 = arith.constant 16 : i32
      %mul3A_114 = arith.muli %scan3A_112, %mul3A_113 : i32
      %add3A_115 = arith.constant 0 : i32
      %add3A_116 = arith.addi %add3A_115, %mul3A_114 : i32
      %get3A = arith.constant 123 : i32
      %get3A_117 = arith.index_cast %get3A : i32 to index
      %get3A_118 = arith.index_cast %add3A_116 : i32 to index
      %get3A_119 = tpu.vector_load %arg6[%get3A_117, %get3A_118] {strides = array<i32>} : memref<125x80xi32, #tpu.memory_space<vmem>>, vector<1x16xi32>,
      %get3A_120 = vector.shape_cast %get3A_119 : vector<1x16xi32> to vector<16xi32>
      %shift_right_arithmetic3A = arith.constant 16 : i32
      %shift_right_arithmetic3A_121 = vector.broadcast %shift_right_arithmetic3A : i32 to vector<16xi32>
      %shift_right_arithmetic3A_122 = arith.shrsi %get3A_120, %shift_right_arithmetic3A_121 : vector<16xi32>
      %swap3A = arith.constant 3 : i32
      %swap3A_123 = arith.index_cast %swap3A : i32 to index
      %swap3A_124 = arith.index_cast %add3A_116 : i32 to index
      %swap3A_125 = tpu.vector_load %arg7[%swap3A_123, %swap3A_124] {strides = array<i32>} : memref<4x80xi32, #tpu.memory_space<vmem>>, vector<1x16xi32>,
      %swap3A_126 = vector.shape_cast %swap3A_125 : vector<1x16xi32> to vector<16xi32>
      %swap3A_127 = vector.shape_cast %shift_right_arithmetic3A_122 : vector<16xi32> to vector<1x16xi32>
      tpu.vector_store %arg7[%swap3A_123, %swap3A_124], %swap3A_127 {strides = array<i32>} : memref<4x80xi32, #tpu.memory_space<vmem>>, vector<1x16xi32>,
      %and3A = arith.constant 65535 : i32
      %and3A_128 = vector.broadcast %and3A : i32 to vector<16xi32>
      %and3A_129 = arith.andi %get3A_120, %and3A_128 : vector<16xi32>
      %swap3A_130 = arith.constant 3 : i32
      %swap3A_131 = arith.index_cast %swap3A_130 : i32 to index
      %swap3A_132 = arith.index_cast %add3A_116 : i32 to index
      %swap3A_133 = tpu.vector_load %arg8[%swap3A_131, %swap3A_132] {strides = array<i32>} : memref<4x80xi32, #tpu.memory_space<vmem>>, vector<1x16xi32>,
      %swap3A_134 = vector.shape_cast %swap3A_133 : vector<1x16xi32> to vector<16xi32>
      %swap3A_135 = vector.shape_cast %and3A_129 : vector<16xi32> to vector<1x16xi32>
      tpu.vector_store %arg8[%swap3A_131, %swap3A_132], %swap3A_135 {strides = array<i32>} : memref<4x80xi32, #tpu.memory_space<vmem>>, vector<1x16xi32>,
    }
    %scan3A_59 = arith.constant 5 : i32
    %dma_wait3A_60 = arith.constant 0 : i32
    %dma_wait3A_61 = arith.constant 0 : i32
    %dma_wait3A_62 = tpu.memref_slice %arg2[%dma_wait3A_60, %dma_wait3A_61] : memref<10000x128xf32, #tpu.memory_space<hbm>> -> memref<80x128xf32, #tpu.memory_space<hbm>>
    %dma_wait3A_63 = arith.constant 0 : i32
    %dma_wait3A_64 = arith.constant 0 : i32
    %dma_wait3A_65 = tpu.memref_slice %arg2[%dma_wait3A_63, %dma_wait3A_64] : memref<10000x128xf32, #tpu.memory_space<hbm>> -> memref<80x128xf32, #tpu.memory_space<hbm>>
    tpu.wait_dma2 semaphore(%arg12 : memref<!tpu.dma_semaphore, #tpu.memory_space<semaphore_mem>>) src(%dma_wait3A_65 : memref<80x128xf32, #tpu.memory_space<hbm>>) dst(%arg10 : memref<80x128xf32, #tpu.memory_space<vmem>>)
    %run_scoped3A_66 = arith.constant 1 : i32
    "tpu.region"() ({
      %run_scoped3A_112 = tpu.sem_alloc : memref<!tpu.dma_semaphore, #tpu.memory_space<semaphore_mem>>
      %dma_start3A_113 = arith.constant 0 : i32
      %dma_start3A_114 = tpu.memref_slice %arg8[%run_scoped3A_66, %dma_start3A_113] : memref<4x80xi32, #tpu.memory_space<vmem>> -> memref<1x80xi32, #tpu.memory_space<vmem>>
      %dma_start3A_115 = tpu.memref_squeeze %dma_start3A_114 : memref<1x80xi32, #tpu.memory_space<vmem>> -> memref<80xi32, #tpu.memory_space<vmem>>
      %dma_start3A_116 = arith.constant 0 : i32
      %dma_start3A_117 = arith.constant 0 : i32
      %dma_start3A_118 = tpu.memref_slice %arg5[%dma_start3A_116, %dma_start3A_117] : memref<10240x128xf32, #tpu.memory_space<vmem_shared>> -> memref<10240x128xf32, #tpu.memory_space<vmem_shared>>
      tpu.enqueue_indirect_dma source(%arg10 : memref<80x128xf32, #tpu.memory_space<vmem>>) target(%dma_start3A_118 : memref<10240x128xf32, #tpu.memory_space<vmem_shared>>) offsets(%dma_start3A_115 : memref<80xi32, #tpu.memory_space<vmem>>) semaphore(%run_scoped3A_112 : memref<!tpu.dma_semaphore, #tpu.memory_space<semaphore_mem>>) {add = true}
      %dma_wait3A_119 = arith.constant 0 : i32
      %dma_wait3A_120 = tpu.memref_slice %arg8[%run_scoped3A_66, %dma_wait3A_119] : memref<4x80xi32, #tpu.memory_space<vmem>> -> memref<1x80xi32, #tpu.memory_space<vmem>>
      %dma_wait3A_121 = tpu.memref_squeeze %dma_wait3A_120 : memref<1x80xi32, #tpu.memory_space<vmem>> -> memref<80xi32, #tpu.memory_space<vmem>>
      %dma_wait3A_122 = arith.constant 0 : i32
      %dma_wait3A_123 = arith.constant 0 : i32
      %dma_wait3A_124 = tpu.memref_slice %arg5[%dma_wait3A_122, %dma_wait3A_123] : memref<10240x128xf32, #tpu.memory_space<vmem_shared>> -> memref<10240x128xf32, #tpu.memory_space<vmem_shared>>
      tpu.wait_indirect_dma semaphore(%run_scoped3A_112 : memref<!tpu.dma_semaphore, #tpu.memory_space<semaphore_mem>>) src(%arg10 : memref<80x128xf32, #tpu.memory_space<vmem>>) dst(%dma_wait3A_124 : memref<10240x128xf32, #tpu.memory_space<vmem_shared>>)
      tpu.yield
    }) : () -> ()
    %dma_start3A_67 = arith.constant 3 : i32
    %dma_start3A_68 = arith.constant 0 : i32
    %dma_start3A_69 = tpu.memref_slice %arg7[%dma_start3A_67, %dma_start3A_68] : memref<4x80xi32, #tpu.memory_space<vmem>> -> memref<1x80xi32, #tpu.memory_space<vmem>>
    %dma_start3A_70 = tpu.memref_squeeze %dma_start3A_69 : memref<1x80xi32, #tpu.memory_space<vmem>> -> memref<80xi32, #tpu.memory_space<vmem>>
    %dma_start3A_71 = arith.constant 0 : i32
    %dma_start3A_72 = arith.constant 0 : i32
    %dma_start3A_73 = tpu.memref_slice %arg2[%dma_start3A_71, %dma_start3A_72] : memref<10000x128xf32, #tpu.memory_space<hbm>> -> memref<10000x128xf32, #tpu.memory_space<hbm>>
    tpu.enqueue_indirect_dma source(%dma_start3A_73 : memref<10000x128xf32, #tpu.memory_space<hbm>>) target(%arg10 : memref<80x128xf32, #tpu.memory_space<vmem>>) offsets(%dma_start3A_70 : memref<80xi32, #tpu.memory_space<vmem>>) semaphore(%arg12 : memref<!tpu.dma_semaphore, #tpu.memory_space<semaphore_mem>>)
    %scan3A_74 = arith.constant 0 : i32
    %scan3A_75 = arith.constant 5 : i32
    %scan3A_76 = arith.addi %scan3A_74, %scan3A_75 : i32
    %scan3A_77 = arith.constant 1 : i32
    scf.for %scan3A_112 = %scan3A_74 to %scan3A_76 step %scan3A_77  : i32 {
      %mul3A_113 = arith.constant 16 : i32
      %mul3A_114 = arith.muli %scan3A_112, %mul3A_113 : i32
      %add3A_115 = arith.constant 0 : i32
      %add3A_116 = arith.addi %add3A_115, %mul3A_114 : i32
      %get3A = arith.constant 124 : i32
      %get3A_117 = arith.index_cast %get3A : i32 to index
      %get3A_118 = arith.index_cast %add3A_116 : i32 to index
      %get3A_119 = tpu.vector_load %arg6[%get3A_117, %get3A_118] {strides = array<i32>} : memref<125x80xi32, #tpu.memory_space<vmem>>, vector<1x16xi32>,
      %get3A_120 = vector.shape_cast %get3A_119 : vector<1x16xi32> to vector<16xi32>
      %shift_right_arithmetic3A = arith.constant 16 : i32
      %shift_right_arithmetic3A_121 = vector.broadcast %shift_right_arithmetic3A : i32 to vector<16xi32>
      %shift_right_arithmetic3A_122 = arith.shrsi %get3A_120, %shift_right_arithmetic3A_121 : vector<16xi32>
      %swap3A = arith.constant 0 : i32
      %swap3A_123 = arith.index_cast %swap3A : i32 to index
      %swap3A_124 = arith.index_cast %add3A_116 : i32 to index
      %swap3A_125 = tpu.vector_load %arg7[%swap3A_123, %swap3A_124] {strides = array<i32>} : memref<4x80xi32, #tpu.memory_space<vmem>>, vector<1x16xi32>,
      %swap3A_126 = vector.shape_cast %swap3A_125 : vector<1x16xi32> to vector<16xi32>
      %swap3A_127 = vector.shape_cast %shift_right_arithmetic3A_122 : vector<16xi32> to vector<1x16xi32>
      tpu.vector_store %arg7[%swap3A_123, %swap3A_124], %swap3A_127 {strides = array<i32>} : memref<4x80xi32, #tpu.memory_space<vmem>>, vector<1x16xi32>,
      %and3A = arith.constant 65535 : i32
      %and3A_128 = vector.broadcast %and3A : i32 to vector<16xi32>
      %and3A_129 = arith.andi %get3A_120, %and3A_128 : vector<16xi32>
      %swap3A_130 = arith.constant 0 : i32
      %swap3A_131 = arith.index_cast %swap3A_130 : i32 to index
      %swap3A_132 = arith.index_cast %add3A_116 : i32 to index
      %swap3A_133 = tpu.vector_load %arg8[%swap3A_131, %swap3A_132] {strides = array<i32>} : memref<4x80xi32, #tpu.memory_space<vmem>>, vector<1x16xi32>,
      %swap3A_134 = vector.shape_cast %swap3A_133 : vector<1x16xi32> to vector<16xi32>
      %swap3A_135 = vector.shape_cast %and3A_129 : vector<16xi32> to vector<1x16xi32>
      tpu.vector_store %arg8[%swap3A_131, %swap3A_132], %swap3A_135 {strides = array<i32>} : memref<4x80xi32, #tpu.memory_space<vmem>>, vector<1x16xi32>,
    }
    %scan3A_78 = arith.constant 5 : i32
    %dma_wait3A_79 = arith.constant 0 : i32
    %dma_wait3A_80 = arith.constant 0 : i32
    %dma_wait3A_81 = tpu.memref_slice %arg2[%dma_wait3A_79, %dma_wait3A_80] : memref<10000x128xf32, #tpu.memory_space<hbm>> -> memref<80x128xf32, #tpu.memory_space<hbm>>
    %dma_wait3A_82 = arith.constant 0 : i32
    %dma_wait3A_83 = arith.constant 0 : i32
    %dma_wait3A_84 = tpu.memref_slice %arg2[%dma_wait3A_82, %dma_wait3A_83] : memref<10000x128xf32, #tpu.memory_space<hbm>> -> memref<80x128xf32, #tpu.memory_space<hbm>>
    tpu.wait_dma2 semaphore(%arg11 : memref<!tpu.dma_semaphore, #tpu.memory_space<semaphore_mem>>) src(%dma_wait3A_84 : memref<80x128xf32, #tpu.memory_space<hbm>>) dst(%arg9 : memref<80x128xf32, #tpu.memory_space<vmem>>)
    %run_scoped3A_85 = arith.constant 2 : i32
    "tpu.region"() ({
      %run_scoped3A_112 = tpu.sem_alloc : memref<!tpu.dma_semaphore, #tpu.memory_space<semaphore_mem>>
      %dma_start3A_113 = arith.constant 0 : i32
      %dma_start3A_114 = tpu.memref_slice %arg8[%run_scoped3A_85, %dma_start3A_113] : memref<4x80xi32, #tpu.memory_space<vmem>> -> memref<1x80xi32, #tpu.memory_space<vmem>>
      %dma_start3A_115 = tpu.memref_squeeze %dma_start3A_114 : memref<1x80xi32, #tpu.memory_space<vmem>> -> memref<80xi32, #tpu.memory_space<vmem>>
      %dma_start3A_116 = arith.constant 0 : i32
      %dma_start3A_117 = arith.constant 0 : i32
      %dma_start3A_118 = tpu.memref_slice %arg5[%dma_start3A_116, %dma_start3A_117] : memref<10240x128xf32, #tpu.memory_space<vmem_shared>> -> memref<10240x128xf32, #tpu.memory_space<vmem_shared>>
      tpu.enqueue_indirect_dma source(%arg9 : memref<80x128xf32, #tpu.memory_space<vmem>>) target(%dma_start3A_118 : memref<10240x128xf32, #tpu.memory_space<vmem_shared>>) offsets(%dma_start3A_115 : memref<80xi32, #tpu.memory_space<vmem>>) semaphore(%run_scoped3A_112 : memref<!tpu.dma_semaphore, #tpu.memory_space<semaphore_mem>>) {add = true}
      %dma_wait3A_119 = arith.constant 0 : i32
      %dma_wait3A_120 = tpu.memref_slice %arg8[%run_scoped3A_85, %dma_wait3A_119] : memref<4x80xi32, #tpu.memory_space<vmem>> -> memref<1x80xi32, #tpu.memory_space<vmem>>
      %dma_wait3A_121 = tpu.memref_squeeze %dma_wait3A_120 : memref<1x80xi32, #tpu.memory_space<vmem>> -> memref<80xi32, #tpu.memory_space<vmem>>
      %dma_wait3A_122 = arith.constant 0 : i32
      %dma_wait3A_123 = arith.constant 0 : i32
      %dma_wait3A_124 = tpu.memref_slice %arg5[%dma_wait3A_122, %dma_wait3A_123] : memref<10240x128xf32, #tpu.memory_space<vmem_shared>> -> memref<10240x128xf32, #tpu.memory_space<vmem_shared>>
      tpu.wait_indirect_dma semaphore(%run_scoped3A_112 : memref<!tpu.dma_semaphore, #tpu.memory_space<semaphore_mem>>) src(%arg9 : memref<80x128xf32, #tpu.memory_space<vmem>>) dst(%dma_wait3A_124 : memref<10240x128xf32, #tpu.memory_space<vmem_shared>>)
      tpu.yield
    }) : () -> ()
    %dma_start3A_86 = arith.constant 0 : i32
    %dma_start3A_87 = arith.constant 0 : i32
    %dma_start3A_88 = tpu.memref_slice %arg7[%dma_start3A_86, %dma_start3A_87] : memref<4x80xi32, #tpu.memory_space<vmem>> -> memref<1x80xi32, #tpu.memory_space<vmem>>
    %dma_start3A_89 = tpu.memref_squeeze %dma_start3A_88 : memref<1x80xi32, #tpu.memory_space<vmem>> -> memref<80xi32, #tpu.memory_space<vmem>>
    %dma_start3A_90 = arith.constant 0 : i32
    %dma_start3A_91 = arith.constant 0 : i32
    %dma_start3A_92 = tpu.memref_slice %arg2[%dma_start3A_90, %dma_start3A_91] : memref<10000x128xf32, #tpu.memory_space<hbm>> -> memref<10000x128xf32, #tpu.memory_space<hbm>>
    tpu.enqueue_indirect_dma source(%dma_start3A_92 : memref<10000x128xf32, #tpu.memory_space<hbm>>) target(%arg9 : memref<80x128xf32, #tpu.memory_space<vmem>>) offsets(%dma_start3A_89 : memref<80xi32, #tpu.memory_space<vmem>>) semaphore(%arg11 : memref<!tpu.dma_semaphore, #tpu.memory_space<semaphore_mem>>)
    %dma_wait3A_93 = arith.constant 0 : i32
    %dma_wait3A_94 = arith.constant 0 : i32
    %dma_wait3A_95 = tpu.memref_slice %arg2[%dma_wait3A_93, %dma_wait3A_94] : memref<10000x128xf32, #tpu.memory_space<hbm>> -> memref<80x128xf32, #tpu.memory_space<hbm>>
    %dma_wait3A_96 = arith.constant 0 : i32
    %dma_wait3A_97 = arith.constant 0 : i32
    %dma_wait3A_98 = tpu.memref_slice %arg2[%dma_wait3A_96, %dma_wait3A_97] : memref<10000x128xf32, #tpu.memory_space<hbm>> -> memref<80x128xf32, #tpu.memory_space<hbm>>
    tpu.wait_dma2 semaphore(%arg12 : memref<!tpu.dma_semaphore, #tpu.memory_space<semaphore_mem>>) src(%dma_wait3A_98 : memref<80x128xf32, #tpu.memory_space<hbm>>) dst(%arg10 : memref<80x128xf32, #tpu.memory_space<vmem>>)
    %run_scoped3A_99 = arith.constant 3 : i32
    "tpu.region"() ({
      %run_scoped3A_112 = tpu.sem_alloc : memref<!tpu.dma_semaphore, #tpu.memory_space<semaphore_mem>>
      %dma_start3A_113 = arith.constant 0 : i32
      %dma_start3A_114 = tpu.memref_slice %arg8[%run_scoped3A_99, %dma_start3A_113] : memref<4x80xi32, #tpu.memory_space<vmem>> -> memref<1x80xi32, #tpu.memory_space<vmem>>
      %dma_start3A_115 = tpu.memref_squeeze %dma_start3A_114 : memref<1x80xi32, #tpu.memory_space<vmem>> -> memref<80xi32, #tpu.memory_space<vmem>>
      %dma_start3A_116 = arith.constant 0 : i32
      %dma_start3A_117 = arith.constant 0 : i32
      %dma_start3A_118 = tpu.memref_slice %arg5[%dma_start3A_116, %dma_start3A_117] : memref<10240x128xf32, #tpu.memory_space<vmem_shared>> -> memref<10240x128xf32, #tpu.memory_space<vmem_shared>>
      tpu.enqueue_indirect_dma source(%arg10 : memref<80x128xf32, #tpu.memory_space<vmem>>) target(%dma_start3A_118 : memref<10240x128xf32, #tpu.memory_space<vmem_shared>>) offsets(%dma_start3A_115 : memref<80xi32, #tpu.memory_space<vmem>>) semaphore(%run_scoped3A_112 : memref<!tpu.dma_semaphore, #tpu.memory_space<semaphore_mem>>) {add = true}
      %dma_wait3A_119 = arith.constant 0 : i32
      %dma_wait3A_120 = tpu.memref_slice %arg8[%run_scoped3A_99, %dma_wait3A_119] : memref<4x80xi32, #tpu.memory_space<vmem>> -> memref<1x80xi32, #tpu.memory_space<vmem>>
      %dma_wait3A_121 = tpu.memref_squeeze %dma_wait3A_120 : memref<1x80xi32, #tpu.memory_space<vmem>> -> memref<80xi32, #tpu.memory_space<vmem>>
      %dma_wait3A_122 = arith.constant 0 : i32
      %dma_wait3A_123 = arith.constant 0 : i32
      %dma_wait3A_124 = tpu.memref_slice %arg5[%dma_wait3A_122, %dma_wait3A_123] : memref<10240x128xf32, #tpu.memory_space<vmem_shared>> -> memref<10240x128xf32, #tpu.memory_space<vmem_shared>>
      tpu.wait_indirect_dma semaphore(%run_scoped3A_112 : memref<!tpu.dma_semaphore, #tpu.memory_space<semaphore_mem>>) src(%arg10 : memref<80x128xf32, #tpu.memory_space<vmem>>) dst(%dma_wait3A_124 : memref<10240x128xf32, #tpu.memory_space<vmem_shared>>)
      tpu.yield
    }) : () -> ()
    %dma_wait3A_100 = arith.constant 0 : i32
    %dma_wait3A_101 = arith.constant 0 : i32
    %dma_wait3A_102 = tpu.memref_slice %arg2[%dma_wait3A_100, %dma_wait3A_101] : memref<10000x128xf32, #tpu.memory_space<hbm>> -> memref<80x128xf32, #tpu.memory_space<hbm>>
    %dma_wait3A_103 = arith.constant 0 : i32
    %dma_wait3A_104 = arith.constant 0 : i32
    %dma_wait3A_105 = tpu.memref_slice %arg2[%dma_wait3A_103, %dma_wait3A_104] : memref<10000x128xf32, #tpu.memory_space<hbm>> -> memref<80x128xf32, #tpu.memory_space<hbm>>
    tpu.wait_dma2 semaphore(%arg11 : memref<!tpu.dma_semaphore, #tpu.memory_space<semaphore_mem>>) src(%dma_wait3A_105 : memref<80x128xf32, #tpu.memory_space<hbm>>) dst(%arg9 : memref<80x128xf32, #tpu.memory_space<vmem>>)
    %run_scoped3A_106 = arith.constant 0 : i32
    "tpu.region"() ({
      %run_scoped3A_112 = tpu.sem_alloc : memref<!tpu.dma_semaphore, #tpu.memory_space<semaphore_mem>>
      %dma_start3A_113 = arith.constant 0 : i32
      %dma_start3A_114 = tpu.memref_slice %arg8[%run_scoped3A_106, %dma_start3A_113] : memref<4x80xi32, #tpu.memory_space<vmem>> -> memref<1x80xi32, #tpu.memory_space<vmem>>
      %dma_start3A_115 = tpu.memref_squeeze %dma_start3A_114 : memref<1x80xi32, #tpu.memory_space<vmem>> -> memref<80xi32, #tpu.memory_space<vmem>>
      %dma_start3A_116 = arith.constant 0 : i32
      %dma_start3A_117 = arith.constant 0 : i32
      %dma_start3A_118 = tpu.memref_slice %arg5[%dma_start3A_116, %dma_start3A_117] : memref<10240x128xf32, #tpu.memory_space<vmem_shared>> -> memref<10240x128xf32, #tpu.memory_space<vmem_shared>>
      tpu.enqueue_indirect_dma source(%arg9 : memref<80x128xf32, #tpu.memory_space<vmem>>) target(%dma_start3A_118 : memref<10240x128xf32, #tpu.memory_space<vmem_shared>>) offsets(%dma_start3A_115 : memref<80xi32, #tpu.memory_space<vmem>>) semaphore(%run_scoped3A_112 : memref<!tpu.dma_semaphore, #tpu.memory_space<semaphore_mem>>) {add = true}
      %dma_wait3A_119 = arith.constant 0 : i32
      %dma_wait3A_120 = tpu.memref_slice %arg8[%run_scoped3A_106, %dma_wait3A_119] : memref<4x80xi32, #tpu.memory_space<vmem>> -> memref<1x80xi32, #tpu.memory_space<vmem>>
      %dma_wait3A_121 = tpu.memref_squeeze %dma_wait3A_120 : memref<1x80xi32, #tpu.memory_space<vmem>> -> memref<80xi32, #tpu.memory_space<vmem>>
      %dma_wait3A_122 = arith.constant 0 : i32
      %dma_wait3A_123 = arith.constant 0 : i32
      %dma_wait3A_124 = tpu.memref_slice %arg5[%dma_wait3A_122, %dma_wait3A_123] : memref<10240x128xf32, #tpu.memory_space<vmem_shared>> -> memref<10240x128xf32, #tpu.memory_space<vmem_shared>>
      tpu.wait_indirect_dma semaphore(%run_scoped3A_112 : memref<!tpu.dma_semaphore, #tpu.memory_space<semaphore_mem>>) src(%arg9 : memref<80x128xf32, #tpu.memory_space<vmem>>) dst(%dma_wait3A_124 : memref<10240x128xf32, #tpu.memory_space<vmem_shared>>)
      tpu.yield
    }) : () -> ()
    %barrier3A_107 = arith.constant 0 : index
    tpu.barrier barrier_id(%barrier3A_107)
    %mul3A_108 = arith.constant 640 : i32
    %mul3A_109 = arith.muli %arg1, %mul3A_108 : i32
    %mul3A_110 = arith.constant 640 : i32
    %mul3A_111 = arith.muli %arg1, %mul3A_110 : i32
    "tpu.region"() ({
      %run_scoped3A_112 = tpu.sem_alloc : memref<!tpu.dma_semaphore, #tpu.memory_space<semaphore_mem>>
      %dma_start3A_113 = arith.constant 0 : i32
      %dma_start3A_114 = tpu.memref_slice %arg4[%arg0, %mul3A_111, %dma_start3A_113] : memref<2x10240x128xf32, #tpu.memory_space<hbm>> -> memref<1x640x128xf32, #tpu.memory_space<hbm>>
      %dma_start3A_115 = tpu.memref_squeeze %dma_start3A_114 : memref<1x640x128xf32, #tpu.memory_space<hbm>> -> memref<640x128xf32, #tpu.memory_space<hbm>>
      %dma_start3A_116 = arith.constant 0 : i32
      %dma_start3A_117 = tpu.memref_slice %arg5[%mul3A_109, %dma_start3A_116] : memref<10240x128xf32, #tpu.memory_space<vmem_shared>> -> memref<640x128xf32, #tpu.memory_space<vmem_shared>>
      tpu.enqueue_dma source(%dma_start3A_117 : memref<640x128xf32, #tpu.memory_space<vmem_shared>>) target(%dma_start3A_115 : memref<640x128xf32, #tpu.memory_space<hbm>>) target_semaphore(%run_scoped3A_112 : memref<!tpu.dma_semaphore, #tpu.memory_space<semaphore_mem>>)
      %dma_wait3A_118 = arith.constant 0 : i32
      %dma_wait3A_119 = tpu.memref_slice %arg4[%arg0, %mul3A_111, %dma_wait3A_118] : memref<2x10240x128xf32, #tpu.memory_space<hbm>> -> memref<1x640x128xf32, #tpu.memory_space<hbm>>
      %dma_wait3A_120 = tpu.memref_squeeze %dma_wait3A_119 : memref<1x640x128xf32, #tpu.memory_space<hbm>> -> memref<640x128xf32, #tpu.memory_space<hbm>>
      %dma_wait3A_121 = arith.constant 0 : i32
      %dma_wait3A_122 = tpu.memref_slice %arg5[%mul3A_109, %dma_wait3A_121] : memref<10240x128xf32, #tpu.memory_space<vmem_shared>> -> memref<640x128xf32, #tpu.memory_space<vmem_shared>>
      tpu.wait_dma2 semaphore(%run_scoped3A_112 : memref<!tpu.dma_semaphore, #tpu.memory_space<semaphore_mem>>) src(%dma_wait3A_122 : memref<640x128xf32, #tpu.memory_space<vmem_shared>>) dst(%dma_wait3A_120 : memref<640x128xf32, #tpu.memory_space<hbm>>)
      tpu.yield
    }) : () -> ()
    return
  }
}

#map = affine_map<(d0, d1) -> (0, 0)>
#map1 = affine_map<(d0, d1) -> (0, 0, 0)>
module attributes {stable_mosaic.version = 14 : i64} {
  func.func @agg_kernel(%arg0: i32, %arg1: i32, %arg2: memref<10000x128xf32, #tpu.memory_space<hbm>>, %arg3: memref<32x125x80xi32, #tpu.memory_space<hbm>>, %arg4: memref<2x10240x128xf32, #tpu.memory_space<hbm>>, %arg5: memref<10240x128xf32, #tpu.memory_space<vmem_shared>>, %arg6: memref<125x80xi32, #tpu.memory_space<vmem>>, %arg7: memref<4x80xi32, #tpu.memory_space<vmem>>, %arg8: memref<4x80xi32, #tpu.memory_space<vmem>>, %arg9: memref<80x128xf32, #tpu.memory_space<vmem>>, %arg10: memref<80x128xf32, #tpu.memory_space<vmem>>, %arg11: memref<!tpu.dma_semaphore, #tpu.memory_space<semaphore_mem>>, %arg12: memref<!tpu.dma_semaphore, #tpu.memory_space<semaphore_mem>>) attributes {dimension_semantics = [#tpu.dimension_semantics<core_parallel>, #tpu.dimension_semantics<subcore_parallel>], iteration_bounds = array<i64: 2, 16>, scalar_prefetch = 0 : i64, scratch_operands = 8 : i64, tpu.core_type = #tpu.core_type<sc_vector_subcore>, window_params = [{transform_indices = #map}, {transform_indices = #map1}, {transform_indices = #map1}]} {
    %mul3A = arith.constant 2 : i32
    %mul3A_0 = arith.muli %arg1, %mul3A : i32
    %add3A = arith.addi %mul3A_0, %arg0 : i32
    "tpu.region"() ({
      %run_scoped3A_112 = tpu.sem_alloc : memref<!tpu.dma_semaphore, #tpu.memory_space<semaphore_mem>>
      %dma_start3A_113 = arith.constant 0 : i32
      %dma_start3A_114 = arith.constant 0 : i32
      %dma_start3A_115 = tpu.memref_slice %arg3[%add3A, %dma_start3A_113, %dma_start3A_114] : memref<32x125x80xi32, #tpu.memory_space<hbm>> -> memref<1x125x80xi32, #tpu.memory_space<hbm>>
      %dma_start3A_116 = tpu.memref_squeeze %dma_start3A_115 : memref<1x125x80xi32, #tpu.memory_space<hbm>> -> memref<125x80xi32, #tpu.memory_space<hbm>>
      %dma_start3A_117 = arith.constant 0 : i32
      %dma_start3A_118 = arith.constant 0 : i32
      %dma_start3A_119 = tpu.memref_slice %arg3[%add3A, %dma_start3A_117, %dma_start3A_118] : memref<32x125x80xi32, #tpu.memory_space<hbm>> -> memref<1x125x80xi32, #tpu.memory_space<hbm>>
      %dma_start3A_120 = tpu.memref_squeeze %dma_start3A_119 : memref<1x125x80xi32, #tpu.memory_space<hbm>> -> memref<125x80xi32, #tpu.memory_space<hbm>>
      tpu.enqueue_dma source(%dma_start3A_120 : memref<125x80xi32, #tpu.memory_space<hbm>>) target(%arg6 : memref<125x80xi32, #tpu.memory_space<vmem>>) target_semaphore(%run_scoped3A_112 : memref<!tpu.dma_semaphore, #tpu.memory_space<semaphore_mem>>)
      %dma_wait3A_121 = arith.constant 0 : i32
      %dma_wait3A_122 = arith.constant 0 : i32
      %dma_wait3A_123 = tpu.memref_slice %arg3[%add3A, %dma_wait3A_121, %dma_wait3A_122] : memref<32x125x80xi32, #tpu.memory_space<hbm>> -> memref<1x125x80xi32, #tpu.memory_space<hbm>>
      %dma_wait3A_124 = tpu.memref_squeeze %dma_wait3A_123 : memref<1x125x80xi32, #tpu.memory_space<hbm>> -> memref<125x80xi32, #tpu.memory_space<hbm>>
      %dma_wait3A_125 = arith.constant 0 : i32
      %dma_wait3A_126 = arith.constant 0 : i32
      %dma_wait3A_127 = tpu.memref_slice %arg3[%add3A, %dma_wait3A_125, %dma_wait3A_126] : memref<32x125x80xi32, #tpu.memory_space<hbm>> -> memref<1x125x80xi32, #tpu.memory_space<hbm>>
      %dma_wait3A_128 = tpu.memref_squeeze %dma_wait3A_127 : memref<1x125x80xi32, #tpu.memory_space<hbm>> -> memref<125x80xi32, #tpu.memory_space<hbm>>
      tpu.wait_dma2 semaphore(%run_scoped3A_112 : memref<!tpu.dma_semaphore, #tpu.memory_space<semaphore_mem>>) src(%dma_wait3A_128 : memref<125x80xi32, #tpu.memory_space<hbm>>) dst(%arg6 : memref<125x80xi32, #tpu.memory_space<vmem>>)
      tpu.yield
    }) : () -> ()
    %scan3A = arith.constant 0 : i32
    %scan3A_1 = arith.constant 5 : i32
    %scan3A_2 = arith.addi %scan3A, %scan3A_1 : i32
    %scan3A_3 = arith.constant 1 : i32
    scf.for %scan3A_112 = %scan3A to %scan3A_2 step %scan3A_3  : i32 {
      %mul3A_113 = arith.constant 16 : i32
      %mul3A_114 = arith.muli %scan3A_112, %mul3A_113 : i32
      %add3A_115 = arith.constant 0 : i32
      %add3A_116 = arith.addi %add3A_115, %mul3A_114 : i32
      %get3A = arith.constant 0 : i32
      %get3A_117 = arith.index_cast %get3A : i32 to index
      %get3A_118 = arith.index_cast %add3A_116 : i32 to index
      %get3A_119 = tpu.vector_load %arg6[%get3A_117, %get3A_118] {strides = array<i32>} : memref<125x80xi32, #tpu.memory_space<vmem>>, vector<1x16xi32>,
      %get3A_120 = vector.shape_cast %get3A_119 : vector<1x16xi32> to vector<16xi32>
      %shift_right_arithmetic3A = arith.constant 16 : i32
      %shift_right_arithmetic3A_121 = vector.broadcast %shift_right_arithmetic3A : i32 to vector<16xi32>
      %shift_right_arithmetic3A_122 = arith.shrsi %get3A_120, %shift_right_arithmetic3A_121 : vector<16xi32>
      %swap3A = arith.constant 0 : i32
      %swap3A_123 = arith.index_cast %swap3A : i32 to index
      %swap3A_124 = arith.index_cast %add3A_116 : i32 to index
      %swap3A_125 = tpu.vector_load %arg7[%swap3A_123, %swap3A_124] {strides = array<i32>} : memref<4x80xi32, #tpu.memory_space<vmem>>, vector<1x16xi32>,
      %swap3A_126 = vector.shape_cast %swap3A_125 : vector<1x16xi32> to vector<16xi32>
      %swap3A_127 = vector.shape_cast %shift_right_arithmetic3A_122 : vector<16xi32> to vector<1x16xi32>
      tpu.vector_store %arg7[%swap3A_123, %swap3A_124], %swap3A_127 {strides = array<i32>} : memref<4x80xi32, #tpu.memory_space<vmem>>, vector<1x16xi32>,
      %and3A = arith.constant 65535 : i32
      %and3A_128 = vector.broadcast %and3A : i32 to vector<16xi32>
      %and3A_129 = arith.andi %get3A_120, %and3A_128 : vector<16xi32>
      %swap3A_130 = arith.constant 0 : i32
      %swap3A_131 = arith.index_cast %swap3A_130 : i32 to index
      %swap3A_132 = arith.index_cast %add3A_116 : i32 to index
      %swap3A_133 = tpu.vector_load %arg8[%swap3A_131, %swap3A_132] {strides = array<i32>} : memref<4x80xi32, #tpu.memory_space<vmem>>, vector<1x16xi32>,
      %swap3A_134 = vector.shape_cast %swap3A_133 : vector<1x16xi32> to vector<16xi32>
      %swap3A_135 = vector.shape_cast %and3A_129 : vector<16xi32> to vector<1x16xi32>
      tpu.vector_store %arg8[%swap3A_131, %swap3A_132], %swap3A_135 {strides = array<i32>} : memref<4x80xi32, #tpu.memory_space<vmem>>, vector<1x16xi32>,
    }
    %scan3A_4 = arith.constant 5 : i32
    %dma_start3A = arith.constant 0 : i32
    %dma_start3A_5 = arith.constant 0 : i32
    %dma_start3A_6 = tpu.memref_slice %arg7[%dma_start3A, %dma_start3A_5] : memref<4x80xi32, #tpu.memory_space<vmem>> -> memref<1x80xi32, #tpu.memory_space<vmem>>
    %dma_start3A_7 = tpu.memref_squeeze %dma_start3A_6 : memref<1x80xi32, #tpu.memory_space<vmem>> -> memref<80xi32, #tpu.memory_space<vmem>>
    %dma_start3A_8 = arith.constant 0 : i32
    %dma_start3A_9 = arith.constant 0 : i32
    %dma_start3A_10 = tpu.memref_slice %arg2[%dma_start3A_8, %dma_start3A_9] : memref<10000x128xf32, #tpu.memory_space<hbm>> -> memref<10000x128xf32, #tpu.memory_space<hbm>>
    tpu.enqueue_indirect_dma source(%dma_start3A_10 : memref<10000x128xf32, #tpu.memory_space<hbm>>) target(%arg9 : memref<80x128xf32, #tpu.memory_space<vmem>>) offsets(%dma_start3A_7 : memref<80xi32, #tpu.memory_space<vmem>>) semaphore(%arg11 : memref<!tpu.dma_semaphore, #tpu.memory_space<semaphore_mem>>)
    %scan3A_11 = arith.constant 0 : i32
    %scan3A_12 = arith.constant 80 : i32
    %scan3A_13 = arith.addi %scan3A_11, %scan3A_12 : i32
    %scan3A_14 = arith.constant 1 : i32
    scf.for %scan3A_112 = %scan3A_11 to %scan3A_13 step %scan3A_14  : i32 {
      %mul3A_113 = arith.constant 1 : i32
      %mul3A_114 = arith.muli %scan3A_112, %mul3A_113 : i32
      %add3A_115 = arith.constant 0 : i32
      %add3A_116 = arith.addi %add3A_115, %mul3A_114 : i32
      %scan3A_117 = arith.constant 0 : i32
      %scan3A_118 = arith.constant 8 : i32
      %scan3A_119 = arith.addi %scan3A_117, %scan3A_118 : i32
      %scan3A_120 = arith.constant 1 : i32
      scf.for %scan3A_122 = %scan3A_117 to %scan3A_119 step %scan3A_120  : i32 {
        %mul3A_123 = arith.constant 16 : i32
        %mul3A_124 = arith.muli %scan3A_122, %mul3A_123 : i32
        %add3A_125 = arith.constant 0 : i32
        %add3A_126 = arith.addi %add3A_125, %mul3A_124 : i32
        %broadcast_in_dim3A = arith.constant 0.000000e+00 : f32
        %broadcast_in_dim3A_127 = vector.broadcast %broadcast_in_dim3A : f32 to vector<16xf32>
        %swap3A = arith.index_cast %add3A_116 : i32 to index
        %swap3A_128 = arith.index_cast %add3A_126 : i32 to index
        %swap3A_129 = tpu.vector_load %arg10[%swap3A, %swap3A_128] {strides = array<i32>} : memref<80x128xf32, #tpu.memory_space<vmem>>, vector<1x16xf32>,
        %swap3A_130 = vector.shape_cast %swap3A_129 : vector<1x16xf32> to vector<16xf32>
        %swap3A_131 = vector.shape_cast %broadcast_in_dim3A_127 : vector<16xf32> to vector<1x16xf32>
        tpu.vector_store %arg10[%swap3A, %swap3A_128], %swap3A_131 {strides = array<i32>} : memref<80x128xf32, #tpu.memory_space<vmem>>, vector<1x16xf32>,
      }
      %scan3A_121 = arith.constant 8 : i32
    }
    %scan3A_15 = arith.constant 80 : i32
    %scan3A_16 = arith.constant 0 : i32
    %scan3A_17 = arith.constant 8 : i32
    %scan3A_18 = arith.addi %scan3A_16, %scan3A_17 : i32
    %scan3A_19 = arith.constant 1 : i32
    scf.for %scan3A_112 = %scan3A_16 to %scan3A_18 step %scan3A_19  : i32 {
      %mul3A_113 = arith.constant 1 : i32
      %mul3A_114 = arith.muli %scan3A_112, %mul3A_113 : i32
      %add3A_115 = arith.constant 0 : i32
      %add3A_116 = arith.addi %add3A_115, %mul3A_114 : i32
      %mul3A_117 = arith.constant 640 : i32
      %mul3A_118 = arith.muli %arg1, %mul3A_117 : i32
      %mul3A_119 = arith.constant 80 : i32
      %mul3A_120 = arith.muli %add3A_116, %mul3A_119 : i32
      %add3A_121 = arith.addi %mul3A_118, %mul3A_120 : i32
      "tpu.region"() ({
        %run_scoped3A_122 = tpu.sem_alloc : memref<!tpu.dma_semaphore, #tpu.memory_space<semaphore_mem>>
        %dma_start3A_123 = arith.constant 0 : i32
        %dma_start3A_124 = tpu.memref_slice %arg5[%add3A_121, %dma_start3A_123] : memref<10240x128xf32, #tpu.memory_space<vmem_shared>> -> memref<80x128xf32, #tpu.memory_space<vmem_shared>>
        %dma_start3A_125 = arith.constant 0 : i32
        %dma_start3A_126 = tpu.memref_slice %arg5[%add3A_121, %dma_start3A_125] : memref<10240x128xf32, #tpu.memory_space<vmem_shared>> -> memref<80x128xf32, #tpu.memory_space<vmem_shared>>
        tpu.enqueue_dma source(%arg10 : memref<80x128xf32, #tpu.memory_space<vmem>>) target(%dma_start3A_126 : memref<80x128xf32, #tpu.memory_space<vmem_shared>>) target_semaphore(%run_scoped3A_122 : memref<!tpu.dma_semaphore, #tpu.memory_space<semaphore_mem>>)
        %dma_wait3A_127 = arith.constant 0 : i32
        %dma_wait3A_128 = tpu.memref_slice %arg5[%add3A_121, %dma_wait3A_127] : memref<10240x128xf32, #tpu.memory_space<vmem_shared>> -> memref<80x128xf32, #tpu.memory_space<vmem_shared>>
        %dma_wait3A_129 = arith.constant 0 : i32
        %dma_wait3A_130 = tpu.memref_slice %arg5[%add3A_121, %dma_wait3A_129] : memref<10240x128xf32, #tpu.memory_space<vmem_shared>> -> memref<80x128xf32, #tpu.memory_space<vmem_shared>>
        tpu.wait_dma2 semaphore(%run_scoped3A_122 : memref<!tpu.dma_semaphore, #tpu.memory_space<semaphore_mem>>) src(%arg10 : memref<80x128xf32, #tpu.memory_space<vmem>>) dst(%dma_wait3A_130 : memref<80x128xf32, #tpu.memory_space<vmem_shared>>)
        tpu.yield
      }) : () -> ()
    }
    %scan3A_20 = arith.constant 8 : i32
    %barrier3A = arith.constant 0 : index
    tpu.barrier barrier_id(%barrier3A)
    %scan3A_21 = arith.constant 0 : i32
    %scan3A_22 = arith.constant 5 : i32
    %scan3A_23 = arith.addi %scan3A_21, %scan3A_22 : i32
    %scan3A_24 = arith.constant 1 : i32
    scf.for %scan3A_112 = %scan3A_21 to %scan3A_23 step %scan3A_24  : i32 {
      %mul3A_113 = arith.constant 16 : i32
      %mul3A_114 = arith.muli %scan3A_112, %mul3A_113 : i32
      %add3A_115 = arith.constant 0 : i32
      %add3A_116 = arith.addi %add3A_115, %mul3A_114 : i32
      %get3A = arith.constant 1 : i32
      %get3A_117 = arith.index_cast %get3A : i32 to index
      %get3A_118 = arith.index_cast %add3A_116 : i32 to index
      %get3A_119 = tpu.vector_load %arg6[%get3A_117, %get3A_118] {strides = array<i32>} : memref<125x80xi32, #tpu.memory_space<vmem>>, vector<1x16xi32>,
      %get3A_120 = vector.shape_cast %get3A_119 : vector<1x16xi32> to vector<16xi32>
      %shift_right_arithmetic3A = arith.constant 16 : i32
      %shift_right_arithmetic3A_121 = vector.broadcast %shift_right_arithmetic3A : i32 to vector<16xi32>
      %shift_right_arithmetic3A_122 = arith.shrsi %get3A_120, %shift_right_arithmetic3A_121 : vector<16xi32>
      %swap3A = arith.constant 1 : i32
      %swap3A_123 = arith.index_cast %swap3A : i32 to index
      %swap3A_124 = arith.index_cast %add3A_116 : i32 to index
      %swap3A_125 = tpu.vector_load %arg7[%swap3A_123, %swap3A_124] {strides = array<i32>} : memref<4x80xi32, #tpu.memory_space<vmem>>, vector<1x16xi32>,
      %swap3A_126 = vector.shape_cast %swap3A_125 : vector<1x16xi32> to vector<16xi32>
      %swap3A_127 = vector.shape_cast %shift_right_arithmetic3A_122 : vector<16xi32> to vector<1x16xi32>
      tpu.vector_store %arg7[%swap3A_123, %swap3A_124], %swap3A_127 {strides = array<i32>} : memref<4x80xi32, #tpu.memory_space<vmem>>, vector<1x16xi32>,
      %and3A = arith.constant 65535 : i32
      %and3A_128 = vector.broadcast %and3A : i32 to vector<16xi32>
      %and3A_129 = arith.andi %get3A_120, %and3A_128 : vector<16xi32>
      %swap3A_130 = arith.constant 1 : i32
      %swap3A_131 = arith.index_cast %swap3A_130 : i32 to index
      %swap3A_132 = arith.index_cast %add3A_116 : i32 to index
      %swap3A_133 = tpu.vector_load %arg8[%swap3A_131, %swap3A_132] {strides = array<i32>} : memref<4x80xi32, #tpu.memory_space<vmem>>, vector<1x16xi32>,
      %swap3A_134 = vector.shape_cast %swap3A_133 : vector<1x16xi32> to vector<16xi32>
      %swap3A_135 = vector.shape_cast %and3A_129 : vector<16xi32> to vector<1x16xi32>
      tpu.vector_store %arg8[%swap3A_131, %swap3A_132], %swap3A_135 {strides = array<i32>} : memref<4x80xi32, #tpu.memory_space<vmem>>, vector<1x16xi32>,
    }
    %scan3A_25 = arith.constant 5 : i32
    %dma_start3A_26 = arith.constant 1 : i32
    %dma_start3A_27 = arith.constant 0 : i32
    %dma_start3A_28 = tpu.memref_slice %arg7[%dma_start3A_26, %dma_start3A_27] : memref<4x80xi32, #tpu.memory_space<vmem>> -> memref<1x80xi32, #tpu.memory_space<vmem>>
    %dma_start3A_29 = tpu.memref_squeeze %dma_start3A_28 : memref<1x80xi32, #tpu.memory_space<vmem>> -> memref<80xi32, #tpu.memory_space<vmem>>
    %dma_start3A_30 = arith.constant 0 : i32
    %dma_start3A_31 = arith.constant 0 : i32
    %dma_start3A_32 = tpu.memref_slice %arg2[%dma_start3A_30, %dma_start3A_31] : memref<10000x128xf32, #tpu.memory_space<hbm>> -> memref<10000x128xf32, #tpu.memory_space<hbm>>
    tpu.enqueue_indirect_dma source(%dma_start3A_32 : memref<10000x128xf32, #tpu.memory_space<hbm>>) target(%arg10 : memref<80x128xf32, #tpu.memory_space<vmem>>) offsets(%dma_start3A_29 : memref<80xi32, #tpu.memory_space<vmem>>) semaphore(%arg12 : memref<!tpu.dma_semaphore, #tpu.memory_space<semaphore_mem>>)
    %scan3A_33 = arith.constant 0 : i32
    %scan3A_34 = arith.constant 5 : i32
    %scan3A_35 = arith.addi %scan3A_33, %scan3A_34 : i32
    %scan3A_36 = arith.constant 1 : i32
    scf.for %scan3A_112 = %scan3A_33 to %scan3A_35 step %scan3A_36  : i32 {
      %mul3A_113 = arith.constant 16 : i32
      %mul3A_114 = arith.muli %scan3A_112, %mul3A_113 : i32
      %add3A_115 = arith.constant 0 : i32
      %add3A_116 = arith.addi %add3A_115, %mul3A_114 : i32
      %get3A = arith.constant 2 : i32
      %get3A_117 = arith.index_cast %get3A : i32 to index
      %get3A_118 = arith.index_cast %add3A_116 : i32 to index
      %get3A_119 = tpu.vector_load %arg6[%get3A_117, %get3A_118] {strides = array<i32>} : memref<125x80xi32, #tpu.memory_space<vmem>>, vector<1x16xi32>,
      %get3A_120 = vector.shape_cast %get3A_119 : vector<1x16xi32> to vector<16xi32>
      %shift_right_arithmetic3A = arith.constant 16 : i32
      %shift_right_arithmetic3A_121 = vector.broadcast %shift_right_arithmetic3A : i32 to vector<16xi32>
      %shift_right_arithmetic3A_122 = arith.shrsi %get3A_120, %shift_right_arithmetic3A_121 : vector<16xi32>
      %swap3A = arith.constant 2 : i32
      %swap3A_123 = arith.index_cast %swap3A : i32 to index
      %swap3A_124 = arith.index_cast %add3A_116 : i32 to index
      %swap3A_125 = tpu.vector_load %arg7[%swap3A_123, %swap3A_124] {strides = array<i32>} : memref<4x80xi32, #tpu.memory_space<vmem>>, vector<1x16xi32>,
      %swap3A_126 = vector.shape_cast %swap3A_125 : vector<1x16xi32> to vector<16xi32>
      %swap3A_127 = vector.shape_cast %shift_right_arithmetic3A_122 : vector<16xi32> to vector<1x16xi32>
      tpu.vector_store %arg7[%swap3A_123, %swap3A_124], %swap3A_127 {strides = array<i32>} : memref<4x80xi32, #tpu.memory_space<vmem>>, vector<1x16xi32>,
      %and3A = arith.constant 65535 : i32
      %and3A_128 = vector.broadcast %and3A : i32 to vector<16xi32>
      %and3A_129 = arith.andi %get3A_120, %and3A_128 : vector<16xi32>
      %swap3A_130 = arith.constant 2 : i32
      %swap3A_131 = arith.index_cast %swap3A_130 : i32 to index
      %swap3A_132 = arith.index_cast %add3A_116 : i32 to index
      %swap3A_133 = tpu.vector_load %arg8[%swap3A_131, %swap3A_132] {strides = array<i32>} : memref<4x80xi32, #tpu.memory_space<vmem>>, vector<1x16xi32>,
      %swap3A_134 = vector.shape_cast %swap3A_133 : vector<1x16xi32> to vector<16xi32>
      %swap3A_135 = vector.shape_cast %and3A_129 : vector<16xi32> to vector<1x16xi32>
      tpu.vector_store %arg8[%swap3A_131, %swap3A_132], %swap3A_135 {strides = array<i32>} : memref<4x80xi32, #tpu.memory_space<vmem>>, vector<1x16xi32>,
    }
    %scan3A_37 = arith.constant 5 : i32
    %scan3A_38 = arith.constant 0 : i32
    %scan3A_39 = arith.constant 30 : i32
    %scan3A_40 = arith.addi %scan3A_38, %scan3A_39 : i32
    %scan3A_41 = arith.constant 1 : i32
    scf.for %scan3A_112 = %scan3A_38 to %scan3A_40 step %scan3A_41  : i32 {
      %mul3A_113 = arith.constant 1 : i32
      %mul3A_114 = arith.muli %scan3A_112, %mul3A_113 : i32
      %add3A_115 = arith.constant 0 : i32
      %add3A_116 = arith.addi %add3A_115, %mul3A_114 : i32
      %mul3A_117 = arith.constant 4 : i32
      %mul3A_118 = arith.muli %mul3A_117, %add3A_116 : i32
      %dma_wait3A_119 = arith.constant 0 : i32
      %dma_wait3A_120 = arith.constant 0 : i32
      %dma_wait3A_121 = tpu.memref_slice %arg2[%dma_wait3A_119, %dma_wait3A_120] : memref<10000x128xf32, #tpu.memory_space<hbm>> -> memref<80x128xf32, #tpu.memory_space<hbm>>
      %dma_wait3A_122 = arith.constant 0 : i32
      %dma_wait3A_123 = arith.constant 0 : i32
      %dma_wait3A_124 = tpu.memref_slice %arg2[%dma_wait3A_122, %dma_wait3A_123] : memref<10000x128xf32, #tpu.memory_space<hbm>> -> memref<80x128xf32, #tpu.memory_space<hbm>>
      tpu.wait_dma2 semaphore(%arg11 : memref<!tpu.dma_semaphore, #tpu.memory_space<semaphore_mem>>) src(%dma_wait3A_124 : memref<80x128xf32, #tpu.memory_space<hbm>>) dst(%arg9 : memref<80x128xf32, #tpu.memory_space<vmem>>)
      %run_scoped3A_125 = arith.constant 0 : i32
      "tpu.region"() ({
        %run_scoped3A_203 = tpu.sem_alloc : memref<!tpu.dma_semaphore, #tpu.memory_space<semaphore_mem>>
        %dma_start3A_204 = arith.constant 0 : i32
        %dma_start3A_205 = tpu.memref_slice %arg8[%run_scoped3A_125, %dma_start3A_204] : memref<4x80xi32, #tpu.memory_space<vmem>> -> memref<1x80xi32, #tpu.memory_space<vmem>>
        %dma_start3A_206 = tpu.memref_squeeze %dma_start3A_205 : memref<1x80xi32, #tpu.memory_space<vmem>> -> memref<80xi32, #tpu.memory_space<vmem>>
        %dma_start3A_207 = arith.constant 0 : i32
        %dma_start3A_208 = arith.constant 0 : i32
        %dma_start3A_209 = tpu.memref_slice %arg5[%dma_start3A_207, %dma_start3A_208] : memref<10240x128xf32, #tpu.memory_space<vmem_shared>> -> memref<10240x128xf32, #tpu.memory_space<vmem_shared>>
        tpu.enqueue_indirect_dma source(%arg9 : memref<80x128xf32, #tpu.memory_space<vmem>>) target(%dma_start3A_209 : memref<10240x128xf32, #tpu.memory_space<vmem_shared>>) offsets(%dma_start3A_206 : memref<80xi32, #tpu.memory_space<vmem>>) semaphore(%run_scoped3A_203 : memref<!tpu.dma_semaphore, #tpu.memory_space<semaphore_mem>>) {add = true}
        %dma_wait3A_210 = arith.constant 0 : i32
        %dma_wait3A_211 = tpu.memref_slice %arg8[%run_scoped3A_125, %dma_wait3A_210] : memref<4x80xi32, #tpu.memory_space<vmem>> -> memref<1x80xi32, #tpu.memory_space<vmem>>
        %dma_wait3A_212 = tpu.memref_squeeze %dma_wait3A_211 : memref<1x80xi32, #tpu.memory_space<vmem>> -> memref<80xi32, #tpu.memory_space<vmem>>
        %dma_wait3A_213 = arith.constant 0 : i32
        %dma_wait3A_214 = arith.constant 0 : i32
        %dma_wait3A_215 = tpu.memref_slice %arg5[%dma_wait3A_213, %dma_wait3A_214] : memref<10240x128xf32, #tpu.memory_space<vmem_shared>> -> memref<10240x128xf32, #tpu.memory_space<vmem_shared>>
        tpu.wait_indirect_dma semaphore(%run_scoped3A_203 : memref<!tpu.dma_semaphore, #tpu.memory_space<semaphore_mem>>) src(%arg9 : memref<80x128xf32, #tpu.memory_space<vmem>>) dst(%dma_wait3A_215 : memref<10240x128xf32, #tpu.memory_space<vmem_shared>>)
        tpu.yield
      }) : () -> ()
      %dma_start3A_126 = arith.constant 2 : i32
      %dma_start3A_127 = arith.constant 0 : i32
      %dma_start3A_128 = tpu.memref_slice %arg7[%dma_start3A_126, %dma_start3A_127] : memref<4x80xi32, #tpu.memory_space<vmem>> -> memref<1x80xi32, #tpu.memory_space<vmem>>
      %dma_start3A_129 = tpu.memref_squeeze %dma_start3A_128 : memref<1x80xi32, #tpu.memory_space<vmem>> -> memref<80xi32, #tpu.memory_space<vmem>>
      %dma_start3A_130 = arith.constant 0 : i32
      %dma_start3A_131 = arith.constant 0 : i32
      %dma_start3A_132 = tpu.memref_slice %arg2[%dma_start3A_130, %dma_start3A_131] : memref<10000x128xf32, #tpu.memory_space<hbm>> -> memref<10000x128xf32, #tpu.memory_space<hbm>>
      tpu.enqueue_indirect_dma source(%dma_start3A_132 : memref<10000x128xf32, #tpu.memory_space<hbm>>) target(%arg9 : memref<80x128xf32, #tpu.memory_space<vmem>>) offsets(%dma_start3A_129 : memref<80xi32, #tpu.memory_space<vmem>>) semaphore(%arg11 : memref<!tpu.dma_semaphore, #tpu.memory_space<semaphore_mem>>)
      %add3A_133 = arith.constant 3 : i32
      %add3A_134 = arith.addi %mul3A_118, %add3A_133 : i32
      %scan3A_135 = arith.constant 0 : i32
      %scan3A_136 = arith.constant 5 : i32
      %scan3A_137 = arith.addi %scan3A_135, %scan3A_136 : i32
      %scan3A_138 = arith.constant 1 : i32
      scf.for %scan3A_203 = %scan3A_135 to %scan3A_137 step %scan3A_138  : i32 {
        %mul3A_204 = arith.constant 16 : i32
        %mul3A_205 = arith.muli %scan3A_203, %mul3A_204 : i32
        %add3A_206 = arith.constant 0 : i32
        %add3A_207 = arith.addi %add3A_206, %mul3A_205 : i32
        %get3A = arith.index_cast %add3A_134 : i32 to index
        %get3A_208 = arith.index_cast %add3A_207 : i32 to index
        %get3A_209 = tpu.vector_load %arg6[%get3A, %get3A_208] {strides = array<i32>} : memref<125x80xi32, #tpu.memory_space<vmem>>, vector<1x16xi32>,
        %get3A_210 = vector.shape_cast %get3A_209 : vector<1x16xi32> to vector<16xi32>
        %shift_right_arithmetic3A = arith.constant 16 : i32
        %shift_right_arithmetic3A_211 = vector.broadcast %shift_right_arithmetic3A : i32 to vector<16xi32>
        %shift_right_arithmetic3A_212 = arith.shrsi %get3A_210, %shift_right_arithmetic3A_211 : vector<16xi32>
        %swap3A = arith.constant 3 : i32
        %swap3A_213 = arith.index_cast %swap3A : i32 to index
        %swap3A_214 = arith.index_cast %add3A_207 : i32 to index
        %swap3A_215 = tpu.vector_load %arg7[%swap3A_213, %swap3A_214] {strides = array<i32>} : memref<4x80xi32, #tpu.memory_space<vmem>>, vector<1x16xi32>,
        %swap3A_216 = vector.shape_cast %swap3A_215 : vector<1x16xi32> to vector<16xi32>
        %swap3A_217 = vector.shape_cast %shift_right_arithmetic3A_212 : vector<16xi32> to vector<1x16xi32>
        tpu.vector_store %arg7[%swap3A_213, %swap3A_214], %swap3A_217 {strides = array<i32>} : memref<4x80xi32, #tpu.memory_space<vmem>>, vector<1x16xi32>,
        %and3A = arith.constant 65535 : i32
        %and3A_218 = vector.broadcast %and3A : i32 to vector<16xi32>
        %and3A_219 = arith.andi %get3A_210, %and3A_218 : vector<16xi32>
        %swap3A_220 = arith.constant 3 : i32
        %swap3A_221 = arith.index_cast %swap3A_220 : i32 to index
        %swap3A_222 = arith.index_cast %add3A_207 : i32 to index
        %swap3A_223 = tpu.vector_load %arg8[%swap3A_221, %swap3A_222] {strides = array<i32>} : memref<4x80xi32, #tpu.memory_space<vmem>>, vector<1x16xi32>,
        %swap3A_224 = vector.shape_cast %swap3A_223 : vector<1x16xi32> to vector<16xi32>
        %swap3A_225 = vector.shape_cast %and3A_219 : vector<16xi32> to vector<1x16xi32>
        tpu.vector_store %arg8[%swap3A_221, %swap3A_222], %swap3A_225 {strides = array<i32>} : memref<4x80xi32, #tpu.memory_space<vmem>>, vector<1x16xi32>,
      }
      %scan3A_139 = arith.constant 5 : i32
      %dma_wait3A_140 = arith.constant 0 : i32
      %dma_wait3A_141 = arith.constant 0 : i32
      %dma_wait3A_142 = tpu.memref_slice %arg2[%dma_wait3A_140, %dma_wait3A_141] : memref<10000x128xf32, #tpu.memory_space<hbm>> -> memref<80x128xf32, #tpu.memory_space<hbm>>
      %dma_wait3A_143 = arith.constant 0 : i32
      %dma_wait3A_144 = arith.constant 0 : i32
      %dma_wait3A_145 = tpu.memref_slice %arg2[%dma_wait3A_143, %dma_wait3A_144] : memref<10000x128xf32, #tpu.memory_space<hbm>> -> memref<80x128xf32, #tpu.memory_space<hbm>>
      tpu.wait_dma2 semaphore(%arg12 : memref<!tpu.dma_semaphore, #tpu.memory_space<semaphore_mem>>) src(%dma_wait3A_145 : memref<80x128xf32, #tpu.memory_space<hbm>>) dst(%arg10 : memref<80x128xf32, #tpu.memory_space<vmem>>)
      %run_scoped3A_146 = arith.constant 1 : i32
      "tpu.region"() ({
        %run_scoped3A_203 = tpu.sem_alloc : memref<!tpu.dma_semaphore, #tpu.memory_space<semaphore_mem>>
        %dma_start3A_204 = arith.constant 0 : i32
        %dma_start3A_205 = tpu.memref_slice %arg8[%run_scoped3A_146, %dma_start3A_204] : memref<4x80xi32, #tpu.memory_space<vmem>> -> memref<1x80xi32, #tpu.memory_space<vmem>>
        %dma_start3A_206 = tpu.memref_squeeze %dma_start3A_205 : memref<1x80xi32, #tpu.memory_space<vmem>> -> memref<80xi32, #tpu.memory_space<vmem>>
        %dma_start3A_207 = arith.constant 0 : i32
        %dma_start3A_208 = arith.constant 0 : i32
        %dma_start3A_209 = tpu.memref_slice %arg5[%dma_start3A_207, %dma_start3A_208] : memref<10240x128xf32, #tpu.memory_space<vmem_shared>> -> memref<10240x128xf32, #tpu.memory_space<vmem_shared>>
        tpu.enqueue_indirect_dma source(%arg10 : memref<80x128xf32, #tpu.memory_space<vmem>>) target(%dma_start3A_209 : memref<10240x128xf32, #tpu.memory_space<vmem_shared>>) offsets(%dma_start3A_206 : memref<80xi32, #tpu.memory_space<vmem>>) semaphore(%run_scoped3A_203 : memref<!tpu.dma_semaphore, #tpu.memory_space<semaphore_mem>>) {add = true}
        %dma_wait3A_210 = arith.constant 0 : i32
        %dma_wait3A_211 = tpu.memref_slice %arg8[%run_scoped3A_146, %dma_wait3A_210] : memref<4x80xi32, #tpu.memory_space<vmem>> -> memref<1x80xi32, #tpu.memory_space<vmem>>
        %dma_wait3A_212 = tpu.memref_squeeze %dma_wait3A_211 : memref<1x80xi32, #tpu.memory_space<vmem>> -> memref<80xi32, #tpu.memory_space<vmem>>
        %dma_wait3A_213 = arith.constant 0 : i32
        %dma_wait3A_214 = arith.constant 0 : i32
        %dma_wait3A_215 = tpu.memref_slice %arg5[%dma_wait3A_213, %dma_wait3A_214] : memref<10240x128xf32, #tpu.memory_space<vmem_shared>> -> memref<10240x128xf32, #tpu.memory_space<vmem_shared>>
        tpu.wait_indirect_dma semaphore(%run_scoped3A_203 : memref<!tpu.dma_semaphore, #tpu.memory_space<semaphore_mem>>) src(%arg10 : memref<80x128xf32, #tpu.memory_space<vmem>>) dst(%dma_wait3A_215 : memref<10240x128xf32, #tpu.memory_space<vmem_shared>>)
        tpu.yield
      }) : () -> ()
      %dma_start3A_147 = arith.constant 3 : i32
      %dma_start3A_148 = arith.constant 0 : i32
      %dma_start3A_149 = tpu.memref_slice %arg7[%dma_start3A_147, %dma_start3A_148] : memref<4x80xi32, #tpu.memory_space<vmem>> -> memref<1x80xi32, #tpu.memory_space<vmem>>
      %dma_start3A_150 = tpu.memref_squeeze %dma_start3A_149 : memref<1x80xi32, #tpu.memory_space<vmem>> -> memref<80xi32, #tpu.memory_space<vmem>>
      %dma_start3A_151 = arith.constant 0 : i32
      %dma_start3A_152 = arith.constant 0 : i32
      %dma_start3A_153 = tpu.memref_slice %arg2[%dma_start3A_151, %dma_start3A_152] : memref<10000x128xf32, #tpu.memory_space<hbm>> -> memref<10000x128xf32, #tpu.memory_space<hbm>>
      tpu.enqueue_indirect_dma source(%dma_start3A_153 : memref<10000x128xf32, #tpu.memory_space<hbm>>) target(%arg10 : memref<80x128xf32, #tpu.memory_space<vmem>>) offsets(%dma_start3A_150 : memref<80xi32, #tpu.memory_space<vmem>>) semaphore(%arg12 : memref<!tpu.dma_semaphore, #tpu.memory_space<semaphore_mem>>)
      %add3A_154 = arith.constant 4 : i32
      %add3A_155 = arith.addi %mul3A_118, %add3A_154 : i32
      %scan3A_156 = arith.constant 0 : i32
      %scan3A_157 = arith.constant 5 : i32
      %scan3A_158 = arith.addi %scan3A_156, %scan3A_157 : i32
      %scan3A_159 = arith.constant 1 : i32
      scf.for %scan3A_203 = %scan3A_156 to %scan3A_158 step %scan3A_159  : i32 {
        %mul3A_204 = arith.constant 16 : i32
        %mul3A_205 = arith.muli %scan3A_203, %mul3A_204 : i32
        %add3A_206 = arith.constant 0 : i32
        %add3A_207 = arith.addi %add3A_206, %mul3A_205 : i32
        %get3A = arith.index_cast %add3A_155 : i32 to index
        %get3A_208 = arith.index_cast %add3A_207 : i32 to index
        %get3A_209 = tpu.vector_load %arg6[%get3A, %get3A_208] {strides = array<i32>} : memref<125x80xi32, #tpu.memory_space<vmem>>, vector<1x16xi32>,
        %get3A_210 = vector.shape_cast %get3A_209 : vector<1x16xi32> to vector<16xi32>
        %shift_right_arithmetic3A = arith.constant 16 : i32
        %shift_right_arithmetic3A_211 = vector.broadcast %shift_right_arithmetic3A : i32 to vector<16xi32>
        %shift_right_arithmetic3A_212 = arith.shrsi %get3A_210, %shift_right_arithmetic3A_211 : vector<16xi32>
        %swap3A = arith.constant 0 : i32
        %swap3A_213 = arith.index_cast %swap3A : i32 to index
        %swap3A_214 = arith.index_cast %add3A_207 : i32 to index
        %swap3A_215 = tpu.vector_load %arg7[%swap3A_213, %swap3A_214] {strides = array<i32>} : memref<4x80xi32, #tpu.memory_space<vmem>>, vector<1x16xi32>,
        %swap3A_216 = vector.shape_cast %swap3A_215 : vector<1x16xi32> to vector<16xi32>
        %swap3A_217 = vector.shape_cast %shift_right_arithmetic3A_212 : vector<16xi32> to vector<1x16xi32>
        tpu.vector_store %arg7[%swap3A_213, %swap3A_214], %swap3A_217 {strides = array<i32>} : memref<4x80xi32, #tpu.memory_space<vmem>>, vector<1x16xi32>,
        %and3A = arith.constant 65535 : i32
        %and3A_218 = vector.broadcast %and3A : i32 to vector<16xi32>
        %and3A_219 = arith.andi %get3A_210, %and3A_218 : vector<16xi32>
        %swap3A_220 = arith.constant 0 : i32
        %swap3A_221 = arith.index_cast %swap3A_220 : i32 to index
        %swap3A_222 = arith.index_cast %add3A_207 : i32 to index
        %swap3A_223 = tpu.vector_load %arg8[%swap3A_221, %swap3A_222] {strides = array<i32>} : memref<4x80xi32, #tpu.memory_space<vmem>>, vector<1x16xi32>,
        %swap3A_224 = vector.shape_cast %swap3A_223 : vector<1x16xi32> to vector<16xi32>
        %swap3A_225 = vector.shape_cast %and3A_219 : vector<16xi32> to vector<1x16xi32>
        tpu.vector_store %arg8[%swap3A_221, %swap3A_222], %swap3A_225 {strides = array<i32>} : memref<4x80xi32, #tpu.memory_space<vmem>>, vector<1x16xi32>,
      }
      %scan3A_160 = arith.constant 5 : i32
      %dma_wait3A_161 = arith.constant 0 : i32
      %dma_wait3A_162 = arith.constant 0 : i32
      %dma_wait3A_163 = tpu.memref_slice %arg2[%dma_wait3A_161, %dma_wait3A_162] : memref<10000x128xf32, #tpu.memory_space<hbm>> -> memref<80x128xf32, #tpu.memory_space<hbm>>
      %dma_wait3A_164 = arith.constant 0 : i32
      %dma_wait3A_165 = arith.constant 0 : i32
      %dma_wait3A_166 = tpu.memref_slice %arg2[%dma_wait3A_164, %dma_wait3A_165] : memref<10000x128xf32, #tpu.memory_space<hbm>> -> memref<80x128xf32, #tpu.memory_space<hbm>>
      tpu.wait_dma2 semaphore(%arg11 : memref<!tpu.dma_semaphore, #tpu.memory_space<semaphore_mem>>) src(%dma_wait3A_166 : memref<80x128xf32, #tpu.memory_space<hbm>>) dst(%arg9 : memref<80x128xf32, #tpu.memory_space<vmem>>)
      %run_scoped3A_167 = arith.constant 2 : i32
      "tpu.region"() ({
        %run_scoped3A_203 = tpu.sem_alloc : memref<!tpu.dma_semaphore, #tpu.memory_space<semaphore_mem>>
        %dma_start3A_204 = arith.constant 0 : i32
        %dma_start3A_205 = tpu.memref_slice %arg8[%run_scoped3A_167, %dma_start3A_204] : memref<4x80xi32, #tpu.memory_space<vmem>> -> memref<1x80xi32, #tpu.memory_space<vmem>>
        %dma_start3A_206 = tpu.memref_squeeze %dma_start3A_205 : memref<1x80xi32, #tpu.memory_space<vmem>> -> memref<80xi32, #tpu.memory_space<vmem>>
        %dma_start3A_207 = arith.constant 0 : i32
        %dma_start3A_208 = arith.constant 0 : i32
        %dma_start3A_209 = tpu.memref_slice %arg5[%dma_start3A_207, %dma_start3A_208] : memref<10240x128xf32, #tpu.memory_space<vmem_shared>> -> memref<10240x128xf32, #tpu.memory_space<vmem_shared>>
        tpu.enqueue_indirect_dma source(%arg9 : memref<80x128xf32, #tpu.memory_space<vmem>>) target(%dma_start3A_209 : memref<10240x128xf32, #tpu.memory_space<vmem_shared>>) offsets(%dma_start3A_206 : memref<80xi32, #tpu.memory_space<vmem>>) semaphore(%run_scoped3A_203 : memref<!tpu.dma_semaphore, #tpu.memory_space<semaphore_mem>>) {add = true}
        %dma_wait3A_210 = arith.constant 0 : i32
        %dma_wait3A_211 = tpu.memref_slice %arg8[%run_scoped3A_167, %dma_wait3A_210] : memref<4x80xi32, #tpu.memory_space<vmem>> -> memref<1x80xi32, #tpu.memory_space<vmem>>
        %dma_wait3A_212 = tpu.memref_squeeze %dma_wait3A_211 : memref<1x80xi32, #tpu.memory_space<vmem>> -> memref<80xi32, #tpu.memory_space<vmem>>
        %dma_wait3A_213 = arith.constant 0 : i32
        %dma_wait3A_214 = arith.constant 0 : i32
        %dma_wait3A_215 = tpu.memref_slice %arg5[%dma_wait3A_213, %dma_wait3A_214] : memref<10240x128xf32, #tpu.memory_space<vmem_shared>> -> memref<10240x128xf32, #tpu.memory_space<vmem_shared>>
        tpu.wait_indirect_dma semaphore(%run_scoped3A_203 : memref<!tpu.dma_semaphore, #tpu.memory_space<semaphore_mem>>) src(%arg9 : memref<80x128xf32, #tpu.memory_space<vmem>>) dst(%dma_wait3A_215 : memref<10240x128xf32, #tpu.memory_space<vmem_shared>>)
        tpu.yield
      }) : () -> ()
      %dma_start3A_168 = arith.constant 0 : i32
      %dma_start3A_169 = arith.constant 0 : i32
      %dma_start3A_170 = tpu.memref_slice %arg7[%dma_start3A_168, %dma_start3A_169] : memref<4x80xi32, #tpu.memory_space<vmem>> -> memref<1x80xi32, #tpu.memory_space<vmem>>
      %dma_start3A_171 = tpu.memref_squeeze %dma_start3A_170 : memref<1x80xi32, #tpu.memory_space<vmem>> -> memref<80xi32, #tpu.memory_space<vmem>>
      %dma_start3A_172 = arith.constant 0 : i32
      %dma_start3A_173 = arith.constant 0 : i32
      %dma_start3A_174 = tpu.memref_slice %arg2[%dma_start3A_172, %dma_start3A_173] : memref<10000x128xf32, #tpu.memory_space<hbm>> -> memref<10000x128xf32, #tpu.memory_space<hbm>>
      tpu.enqueue_indirect_dma source(%dma_start3A_174 : memref<10000x128xf32, #tpu.memory_space<hbm>>) target(%arg9 : memref<80x128xf32, #tpu.memory_space<vmem>>) offsets(%dma_start3A_171 : memref<80xi32, #tpu.memory_space<vmem>>) semaphore(%arg11 : memref<!tpu.dma_semaphore, #tpu.memory_space<semaphore_mem>>)
      %add3A_175 = arith.constant 5 : i32
      %add3A_176 = arith.addi %mul3A_118, %add3A_175 : i32
      %scan3A_177 = arith.constant 0 : i32
      %scan3A_178 = arith.constant 5 : i32
      %scan3A_179 = arith.addi %scan3A_177, %scan3A_178 : i32
      %scan3A_180 = arith.constant 1 : i32
      scf.for %scan3A_203 = %scan3A_177 to %scan3A_179 step %scan3A_180  : i32 {
        %mul3A_204 = arith.constant 16 : i32
        %mul3A_205 = arith.muli %scan3A_203, %mul3A_204 : i32
        %add3A_206 = arith.constant 0 : i32
        %add3A_207 = arith.addi %add3A_206, %mul3A_205 : i32
        %get3A = arith.index_cast %add3A_176 : i32 to index
        %get3A_208 = arith.index_cast %add3A_207 : i32 to index
        %get3A_209 = tpu.vector_load %arg6[%get3A, %get3A_208] {strides = array<i32>} : memref<125x80xi32, #tpu.memory_space<vmem>>, vector<1x16xi32>,
        %get3A_210 = vector.shape_cast %get3A_209 : vector<1x16xi32> to vector<16xi32>
        %shift_right_arithmetic3A = arith.constant 16 : i32
        %shift_right_arithmetic3A_211 = vector.broadcast %shift_right_arithmetic3A : i32 to vector<16xi32>
        %shift_right_arithmetic3A_212 = arith.shrsi %get3A_210, %shift_right_arithmetic3A_211 : vector<16xi32>
        %swap3A = arith.constant 1 : i32
        %swap3A_213 = arith.index_cast %swap3A : i32 to index
        %swap3A_214 = arith.index_cast %add3A_207 : i32 to index
        %swap3A_215 = tpu.vector_load %arg7[%swap3A_213, %swap3A_214] {strides = array<i32>} : memref<4x80xi32, #tpu.memory_space<vmem>>, vector<1x16xi32>,
        %swap3A_216 = vector.shape_cast %swap3A_215 : vector<1x16xi32> to vector<16xi32>
        %swap3A_217 = vector.shape_cast %shift_right_arithmetic3A_212 : vector<16xi32> to vector<1x16xi32>
        tpu.vector_store %arg7[%swap3A_213, %swap3A_214], %swap3A_217 {strides = array<i32>} : memref<4x80xi32, #tpu.memory_space<vmem>>, vector<1x16xi32>,
        %and3A = arith.constant 65535 : i32
        %and3A_218 = vector.broadcast %and3A : i32 to vector<16xi32>
        %and3A_219 = arith.andi %get3A_210, %and3A_218 : vector<16xi32>
        %swap3A_220 = arith.constant 1 : i32
        %swap3A_221 = arith.index_cast %swap3A_220 : i32 to index
        %swap3A_222 = arith.index_cast %add3A_207 : i32 to index
        %swap3A_223 = tpu.vector_load %arg8[%swap3A_221, %swap3A_222] {strides = array<i32>} : memref<4x80xi32, #tpu.memory_space<vmem>>, vector<1x16xi32>,
        %swap3A_224 = vector.shape_cast %swap3A_223 : vector<1x16xi32> to vector<16xi32>
        %swap3A_225 = vector.shape_cast %and3A_219 : vector<16xi32> to vector<1x16xi32>
        tpu.vector_store %arg8[%swap3A_221, %swap3A_222], %swap3A_225 {strides = array<i32>} : memref<4x80xi32, #tpu.memory_space<vmem>>, vector<1x16xi32>,
      }
      %scan3A_181 = arith.constant 5 : i32
      %dma_wait3A_182 = arith.constant 0 : i32
      %dma_wait3A_183 = arith.constant 0 : i32
      %dma_wait3A_184 = tpu.memref_slice %arg2[%dma_wait3A_182, %dma_wait3A_183] : memref<10000x128xf32, #tpu.memory_space<hbm>> -> memref<80x128xf32, #tpu.memory_space<hbm>>
      %dma_wait3A_185 = arith.constant 0 : i32
      %dma_wait3A_186 = arith.constant 0 : i32
      %dma_wait3A_187 = tpu.memref_slice %arg2[%dma_wait3A_185, %dma_wait3A_186] : memref<10000x128xf32, #tpu.memory_space<hbm>> -> memref<80x128xf32, #tpu.memory_space<hbm>>
      tpu.wait_dma2 semaphore(%arg12 : memref<!tpu.dma_semaphore, #tpu.memory_space<semaphore_mem>>) src(%dma_wait3A_187 : memref<80x128xf32, #tpu.memory_space<hbm>>) dst(%arg10 : memref<80x128xf32, #tpu.memory_space<vmem>>)
      %run_scoped3A_188 = arith.constant 3 : i32
      "tpu.region"() ({
        %run_scoped3A_203 = tpu.sem_alloc : memref<!tpu.dma_semaphore, #tpu.memory_space<semaphore_mem>>
        %dma_start3A_204 = arith.constant 0 : i32
        %dma_start3A_205 = tpu.memref_slice %arg8[%run_scoped3A_188, %dma_start3A_204] : memref<4x80xi32, #tpu.memory_space<vmem>> -> memref<1x80xi32, #tpu.memory_space<vmem>>
        %dma_start3A_206 = tpu.memref_squeeze %dma_start3A_205 : memref<1x80xi32, #tpu.memory_space<vmem>> -> memref<80xi32, #tpu.memory_space<vmem>>
        %dma_start3A_207 = arith.constant 0 : i32
        %dma_start3A_208 = arith.constant 0 : i32
        %dma_start3A_209 = tpu.memref_slice %arg5[%dma_start3A_207, %dma_start3A_208] : memref<10240x128xf32, #tpu.memory_space<vmem_shared>> -> memref<10240x128xf32, #tpu.memory_space<vmem_shared>>
        tpu.enqueue_indirect_dma source(%arg10 : memref<80x128xf32, #tpu.memory_space<vmem>>) target(%dma_start3A_209 : memref<10240x128xf32, #tpu.memory_space<vmem_shared>>) offsets(%dma_start3A_206 : memref<80xi32, #tpu.memory_space<vmem>>) semaphore(%run_scoped3A_203 : memref<!tpu.dma_semaphore, #tpu.memory_space<semaphore_mem>>) {add = true}
        %dma_wait3A_210 = arith.constant 0 : i32
        %dma_wait3A_211 = tpu.memref_slice %arg8[%run_scoped3A_188, %dma_wait3A_210] : memref<4x80xi32, #tpu.memory_space<vmem>> -> memref<1x80xi32, #tpu.memory_space<vmem>>
        %dma_wait3A_212 = tpu.memref_squeeze %dma_wait3A_211 : memref<1x80xi32, #tpu.memory_space<vmem>> -> memref<80xi32, #tpu.memory_space<vmem>>
        %dma_wait3A_213 = arith.constant 0 : i32
        %dma_wait3A_214 = arith.constant 0 : i32
        %dma_wait3A_215 = tpu.memref_slice %arg5[%dma_wait3A_213, %dma_wait3A_214] : memref<10240x128xf32, #tpu.memory_space<vmem_shared>> -> memref<10240x128xf32, #tpu.memory_space<vmem_shared>>
        tpu.wait_indirect_dma semaphore(%run_scoped3A_203 : memref<!tpu.dma_semaphore, #tpu.memory_space<semaphore_mem>>) src(%arg10 : memref<80x128xf32, #tpu.memory_space<vmem>>) dst(%dma_wait3A_215 : memref<10240x128xf32, #tpu.memory_space<vmem_shared>>)
        tpu.yield
      }) : () -> ()
      %dma_start3A_189 = arith.constant 1 : i32
      %dma_start3A_190 = arith.constant 0 : i32
      %dma_start3A_191 = tpu.memref_slice %arg7[%dma_start3A_189, %dma_start3A_190] : memref<4x80xi32, #tpu.memory_space<vmem>> -> memref<1x80xi32, #tpu.memory_space<vmem>>
      %dma_start3A_192 = tpu.memref_squeeze %dma_start3A_191 : memref<1x80xi32, #tpu.memory_space<vmem>> -> memref<80xi32, #tpu.memory_space<vmem>>
      %dma_start3A_193 = arith.constant 0 : i32
      %dma_start3A_194 = arith.constant 0 : i32
      %dma_start3A_195 = tpu.memref_slice %arg2[%dma_start3A_193, %dma_start3A_194] : memref<10000x128xf32, #tpu.memory_space<hbm>> -> memref<10000x128xf32, #tpu.memory_space<hbm>>
      tpu.enqueue_indirect_dma source(%dma_start3A_195 : memref<10000x128xf32, #tpu.memory_space<hbm>>) target(%arg10 : memref<80x128xf32, #tpu.memory_space<vmem>>) offsets(%dma_start3A_192 : memref<80xi32, #tpu.memory_space<vmem>>) semaphore(%arg12 : memref<!tpu.dma_semaphore, #tpu.memory_space<semaphore_mem>>)
      %add3A_196 = arith.constant 6 : i32
      %add3A_197 = arith.addi %mul3A_118, %add3A_196 : i32
      %scan3A_198 = arith.constant 0 : i32
      %scan3A_199 = arith.constant 5 : i32
      %scan3A_200 = arith.addi %scan3A_198, %scan3A_199 : i32
      %scan3A_201 = arith.constant 1 : i32
      scf.for %scan3A_203 = %scan3A_198 to %scan3A_200 step %scan3A_201  : i32 {
        %mul3A_204 = arith.constant 16 : i32
        %mul3A_205 = arith.muli %scan3A_203, %mul3A_204 : i32
        %add3A_206 = arith.constant 0 : i32
        %add3A_207 = arith.addi %add3A_206, %mul3A_205 : i32
        %get3A = arith.index_cast %add3A_197 : i32 to index
        %get3A_208 = arith.index_cast %add3A_207 : i32 to index
        %get3A_209 = tpu.vector_load %arg6[%get3A, %get3A_208] {strides = array<i32>} : memref<125x80xi32, #tpu.memory_space<vmem>>, vector<1x16xi32>,
        %get3A_210 = vector.shape_cast %get3A_209 : vector<1x16xi32> to vector<16xi32>
        %shift_right_arithmetic3A = arith.constant 16 : i32
        %shift_right_arithmetic3A_211 = vector.broadcast %shift_right_arithmetic3A : i32 to vector<16xi32>
        %shift_right_arithmetic3A_212 = arith.shrsi %get3A_210, %shift_right_arithmetic3A_211 : vector<16xi32>
        %swap3A = arith.constant 2 : i32
        %swap3A_213 = arith.index_cast %swap3A : i32 to index
        %swap3A_214 = arith.index_cast %add3A_207 : i32 to index
        %swap3A_215 = tpu.vector_load %arg7[%swap3A_213, %swap3A_214] {strides = array<i32>} : memref<4x80xi32, #tpu.memory_space<vmem>>, vector<1x16xi32>,
        %swap3A_216 = vector.shape_cast %swap3A_215 : vector<1x16xi32> to vector<16xi32>
        %swap3A_217 = vector.shape_cast %shift_right_arithmetic3A_212 : vector<16xi32> to vector<1x16xi32>
        tpu.vector_store %arg7[%swap3A_213, %swap3A_214], %swap3A_217 {strides = array<i32>} : memref<4x80xi32, #tpu.memory_space<vmem>>, vector<1x16xi32>,
        %and3A = arith.constant 65535 : i32
        %and3A_218 = vector.broadcast %and3A : i32 to vector<16xi32>
        %and3A_219 = arith.andi %get3A_210, %and3A_218 : vector<16xi32>
        %swap3A_220 = arith.constant 2 : i32
        %swap3A_221 = arith.index_cast %swap3A_220 : i32 to index
        %swap3A_222 = arith.index_cast %add3A_207 : i32 to index
        %swap3A_223 = tpu.vector_load %arg8[%swap3A_221, %swap3A_222] {strides = array<i32>} : memref<4x80xi32, #tpu.memory_space<vmem>>, vector<1x16xi32>,
        %swap3A_224 = vector.shape_cast %swap3A_223 : vector<1x16xi32> to vector<16xi32>
        %swap3A_225 = vector.shape_cast %and3A_219 : vector<16xi32> to vector<1x16xi32>
        tpu.vector_store %arg8[%swap3A_221, %swap3A_222], %swap3A_225 {strides = array<i32>} : memref<4x80xi32, #tpu.memory_space<vmem>>, vector<1x16xi32>,
      }
      %scan3A_202 = arith.constant 5 : i32
    }
    %scan3A_42 = arith.constant 30 : i32
    %dma_wait3A = arith.constant 0 : i32
    %dma_wait3A_43 = arith.constant 0 : i32
    %dma_wait3A_44 = tpu.memref_slice %arg2[%dma_wait3A, %dma_wait3A_43] : memref<10000x128xf32, #tpu.memory_space<hbm>> -> memref<80x128xf32, #tpu.memory_space<hbm>>
    %dma_wait3A_45 = arith.constant 0 : i32
    %dma_wait3A_46 = arith.constant 0 : i32
    %dma_wait3A_47 = tpu.memref_slice %arg2[%dma_wait3A_45, %dma_wait3A_46] : memref<10000x128xf32, #tpu.memory_space<hbm>> -> memref<80x128xf32, #tpu.memory_space<hbm>>
    tpu.wait_dma2 semaphore(%arg11 : memref<!tpu.dma_semaphore, #tpu.memory_space<semaphore_mem>>) src(%dma_wait3A_47 : memref<80x128xf32, #tpu.memory_space<hbm>>) dst(%arg9 : memref<80x128xf32, #tpu.memory_space<vmem>>)
    %run_scoped3A = arith.constant 0 : i32
    "tpu.region"() ({
      %run_scoped3A_112 = tpu.sem_alloc : memref<!tpu.dma_semaphore, #tpu.memory_space<semaphore_mem>>
      %dma_start3A_113 = arith.constant 0 : i32
      %dma_start3A_114 = tpu.memref_slice %arg8[%run_scoped3A, %dma_start3A_113] : memref<4x80xi32, #tpu.memory_space<vmem>> -> memref<1x80xi32, #tpu.memory_space<vmem>>
      %dma_start3A_115 = tpu.memref_squeeze %dma_start3A_114 : memref<1x80xi32, #tpu.memory_space<vmem>> -> memref<80xi32, #tpu.memory_space<vmem>>
      %dma_start3A_116 = arith.constant 0 : i32
      %dma_start3A_117 = arith.constant 0 : i32
      %dma_start3A_118 = tpu.memref_slice %arg5[%dma_start3A_116, %dma_start3A_117] : memref<10240x128xf32, #tpu.memory_space<vmem_shared>> -> memref<10240x128xf32, #tpu.memory_space<vmem_shared>>
      tpu.enqueue_indirect_dma source(%arg9 : memref<80x128xf32, #tpu.memory_space<vmem>>) target(%dma_start3A_118 : memref<10240x128xf32, #tpu.memory_space<vmem_shared>>) offsets(%dma_start3A_115 : memref<80xi32, #tpu.memory_space<vmem>>) semaphore(%run_scoped3A_112 : memref<!tpu.dma_semaphore, #tpu.memory_space<semaphore_mem>>) {add = true}
      %dma_wait3A_119 = arith.constant 0 : i32
      %dma_wait3A_120 = tpu.memref_slice %arg8[%run_scoped3A, %dma_wait3A_119] : memref<4x80xi32, #tpu.memory_space<vmem>> -> memref<1x80xi32, #tpu.memory_space<vmem>>
      %dma_wait3A_121 = tpu.memref_squeeze %dma_wait3A_120 : memref<1x80xi32, #tpu.memory_space<vmem>> -> memref<80xi32, #tpu.memory_space<vmem>>
      %dma_wait3A_122 = arith.constant 0 : i32
      %dma_wait3A_123 = arith.constant 0 : i32
      %dma_wait3A_124 = tpu.memref_slice %arg5[%dma_wait3A_122, %dma_wait3A_123] : memref<10240x128xf32, #tpu.memory_space<vmem_shared>> -> memref<10240x128xf32, #tpu.memory_space<vmem_shared>>
      tpu.wait_indirect_dma semaphore(%run_scoped3A_112 : memref<!tpu.dma_semaphore, #tpu.memory_space<semaphore_mem>>) src(%arg9 : memref<80x128xf32, #tpu.memory_space<vmem>>) dst(%dma_wait3A_124 : memref<10240x128xf32, #tpu.memory_space<vmem_shared>>)
      tpu.yield
    }) : () -> ()
    %dma_start3A_48 = arith.constant 2 : i32
    %dma_start3A_49 = arith.constant 0 : i32
    %dma_start3A_50 = tpu.memref_slice %arg7[%dma_start3A_48, %dma_start3A_49] : memref<4x80xi32, #tpu.memory_space<vmem>> -> memref<1x80xi32, #tpu.memory_space<vmem>>
    %dma_start3A_51 = tpu.memref_squeeze %dma_start3A_50 : memref<1x80xi32, #tpu.memory_space<vmem>> -> memref<80xi32, #tpu.memory_space<vmem>>
    %dma_start3A_52 = arith.constant 0 : i32
    %dma_start3A_53 = arith.constant 0 : i32
    %dma_start3A_54 = tpu.memref_slice %arg2[%dma_start3A_52, %dma_start3A_53] : memref<10000x128xf32, #tpu.memory_space<hbm>> -> memref<10000x128xf32, #tpu.memory_space<hbm>>
    tpu.enqueue_indirect_dma source(%dma_start3A_54 : memref<10000x128xf32, #tpu.memory_space<hbm>>) target(%arg9 : memref<80x128xf32, #tpu.memory_space<vmem>>) offsets(%dma_start3A_51 : memref<80xi32, #tpu.memory_space<vmem>>) semaphore(%arg11 : memref<!tpu.dma_semaphore, #tpu.memory_space<semaphore_mem>>)
    %scan3A_55 = arith.constant 0 : i32
    %scan3A_56 = arith.constant 5 : i32
    %scan3A_57 = arith.addi %scan3A_55, %scan3A_56 : i32
    %scan3A_58 = arith.constant 1 : i32
    scf.for %scan3A_112 = %scan3A_55 to %scan3A_57 step %scan3A_58  : i32 {
      %mul3A_113 = arith.constant 16 : i32
      %mul3A_114 = arith.muli %scan3A_112, %mul3A_113 : i32
      %add3A_115 = arith.constant 0 : i32
      %add3A_116 = arith.addi %add3A_115, %mul3A_114 : i32
      %get3A = arith.constant 123 : i32
      %get3A_117 = arith.index_cast %get3A : i32 to index
      %get3A_118 = arith.index_cast %add3A_116 : i32 to index
      %get3A_119 = tpu.vector_load %arg6[%get3A_117, %get3A_118] {strides = array<i32>} : memref<125x80xi32, #tpu.memory_space<vmem>>, vector<1x16xi32>,
      %get3A_120 = vector.shape_cast %get3A_119 : vector<1x16xi32> to vector<16xi32>
      %shift_right_arithmetic3A = arith.constant 16 : i32
      %shift_right_arithmetic3A_121 = vector.broadcast %shift_right_arithmetic3A : i32 to vector<16xi32>
      %shift_right_arithmetic3A_122 = arith.shrsi %get3A_120, %shift_right_arithmetic3A_121 : vector<16xi32>
      %swap3A = arith.constant 3 : i32
      %swap3A_123 = arith.index_cast %swap3A : i32 to index
      %swap3A_124 = arith.index_cast %add3A_116 : i32 to index
      %swap3A_125 = tpu.vector_load %arg7[%swap3A_123, %swap3A_124] {strides = array<i32>} : memref<4x80xi32, #tpu.memory_space<vmem>>, vector<1x16xi32>,
      %swap3A_126 = vector.shape_cast %swap3A_125 : vector<1x16xi32> to vector<16xi32>
      %swap3A_127 = vector.shape_cast %shift_right_arithmetic3A_122 : vector<16xi32> to vector<1x16xi32>
      tpu.vector_store %arg7[%swap3A_123, %swap3A_124], %swap3A_127 {strides = array<i32>} : memref<4x80xi32, #tpu.memory_space<vmem>>, vector<1x16xi32>,
      %and3A = arith.constant 65535 : i32
      %and3A_128 = vector.broadcast %and3A : i32 to vector<16xi32>
      %and3A_129 = arith.andi %get3A_120, %and3A_128 : vector<16xi32>
      %swap3A_130 = arith.constant 3 : i32
      %swap3A_131 = arith.index_cast %swap3A_130 : i32 to index
      %swap3A_132 = arith.index_cast %add3A_116 : i32 to index
      %swap3A_133 = tpu.vector_load %arg8[%swap3A_131, %swap3A_132] {strides = array<i32>} : memref<4x80xi32, #tpu.memory_space<vmem>>, vector<1x16xi32>,
      %swap3A_134 = vector.shape_cast %swap3A_133 : vector<1x16xi32> to vector<16xi32>
      %swap3A_135 = vector.shape_cast %and3A_129 : vector<16xi32> to vector<1x16xi32>
      tpu.vector_store %arg8[%swap3A_131, %swap3A_132], %swap3A_135 {strides = array<i32>} : memref<4x80xi32, #tpu.memory_space<vmem>>, vector<1x16xi32>,
    }
    %scan3A_59 = arith.constant 5 : i32
    %dma_wait3A_60 = arith.constant 0 : i32
    %dma_wait3A_61 = arith.constant 0 : i32
    %dma_wait3A_62 = tpu.memref_slice %arg2[%dma_wait3A_60, %dma_wait3A_61] : memref<10000x128xf32, #tpu.memory_space<hbm>> -> memref<80x128xf32, #tpu.memory_space<hbm>>
    %dma_wait3A_63 = arith.constant 0 : i32
    %dma_wait3A_64 = arith.constant 0 : i32
    %dma_wait3A_65 = tpu.memref_slice %arg2[%dma_wait3A_63, %dma_wait3A_64] : memref<10000x128xf32, #tpu.memory_space<hbm>> -> memref<80x128xf32, #tpu.memory_space<hbm>>
    tpu.wait_dma2 semaphore(%arg12 : memref<!tpu.dma_semaphore, #tpu.memory_space<semaphore_mem>>) src(%dma_wait3A_65 : memref<80x128xf32, #tpu.memory_space<hbm>>) dst(%arg10 : memref<80x128xf32, #tpu.memory_space<vmem>>)
    %run_scoped3A_66 = arith.constant 1 : i32
    "tpu.region"() ({
      %run_scoped3A_112 = tpu.sem_alloc : memref<!tpu.dma_semaphore, #tpu.memory_space<semaphore_mem>>
      %dma_start3A_113 = arith.constant 0 : i32
      %dma_start3A_114 = tpu.memref_slice %arg8[%run_scoped3A_66, %dma_start3A_113] : memref<4x80xi32, #tpu.memory_space<vmem>> -> memref<1x80xi32, #tpu.memory_space<vmem>>
      %dma_start3A_115 = tpu.memref_squeeze %dma_start3A_114 : memref<1x80xi32, #tpu.memory_space<vmem>> -> memref<80xi32, #tpu.memory_space<vmem>>
      %dma_start3A_116 = arith.constant 0 : i32
      %dma_start3A_117 = arith.constant 0 : i32
      %dma_start3A_118 = tpu.memref_slice %arg5[%dma_start3A_116, %dma_start3A_117] : memref<10240x128xf32, #tpu.memory_space<vmem_shared>> -> memref<10240x128xf32, #tpu.memory_space<vmem_shared>>
      tpu.enqueue_indirect_dma source(%arg10 : memref<80x128xf32, #tpu.memory_space<vmem>>) target(%dma_start3A_118 : memref<10240x128xf32, #tpu.memory_space<vmem_shared>>) offsets(%dma_start3A_115 : memref<80xi32, #tpu.memory_space<vmem>>) semaphore(%run_scoped3A_112 : memref<!tpu.dma_semaphore, #tpu.memory_space<semaphore_mem>>) {add = true}
      %dma_wait3A_119 = arith.constant 0 : i32
      %dma_wait3A_120 = tpu.memref_slice %arg8[%run_scoped3A_66, %dma_wait3A_119] : memref<4x80xi32, #tpu.memory_space<vmem>> -> memref<1x80xi32, #tpu.memory_space<vmem>>
      %dma_wait3A_121 = tpu.memref_squeeze %dma_wait3A_120 : memref<1x80xi32, #tpu.memory_space<vmem>> -> memref<80xi32, #tpu.memory_space<vmem>>
      %dma_wait3A_122 = arith.constant 0 : i32
      %dma_wait3A_123 = arith.constant 0 : i32
      %dma_wait3A_124 = tpu.memref_slice %arg5[%dma_wait3A_122, %dma_wait3A_123] : memref<10240x128xf32, #tpu.memory_space<vmem_shared>> -> memref<10240x128xf32, #tpu.memory_space<vmem_shared>>
      tpu.wait_indirect_dma semaphore(%run_scoped3A_112 : memref<!tpu.dma_semaphore, #tpu.memory_space<semaphore_mem>>) src(%arg10 : memref<80x128xf32, #tpu.memory_space<vmem>>) dst(%dma_wait3A_124 : memref<10240x128xf32, #tpu.memory_space<vmem_shared>>)
      tpu.yield
    }) : () -> ()
    %dma_start3A_67 = arith.constant 3 : i32
    %dma_start3A_68 = arith.constant 0 : i32
    %dma_start3A_69 = tpu.memref_slice %arg7[%dma_start3A_67, %dma_start3A_68] : memref<4x80xi32, #tpu.memory_space<vmem>> -> memref<1x80xi32, #tpu.memory_space<vmem>>
    %dma_start3A_70 = tpu.memref_squeeze %dma_start3A_69 : memref<1x80xi32, #tpu.memory_space<vmem>> -> memref<80xi32, #tpu.memory_space<vmem>>
    %dma_start3A_71 = arith.constant 0 : i32
    %dma_start3A_72 = arith.constant 0 : i32
    %dma_start3A_73 = tpu.memref_slice %arg2[%dma_start3A_71, %dma_start3A_72] : memref<10000x128xf32, #tpu.memory_space<hbm>> -> memref<10000x128xf32, #tpu.memory_space<hbm>>
    tpu.enqueue_indirect_dma source(%dma_start3A_73 : memref<10000x128xf32, #tpu.memory_space<hbm>>) target(%arg10 : memref<80x128xf32, #tpu.memory_space<vmem>>) offsets(%dma_start3A_70 : memref<80xi32, #tpu.memory_space<vmem>>) semaphore(%arg12 : memref<!tpu.dma_semaphore, #tpu.memory_space<semaphore_mem>>)
    %scan3A_74 = arith.constant 0 : i32
    %scan3A_75 = arith.constant 5 : i32
    %scan3A_76 = arith.addi %scan3A_74, %scan3A_75 : i32
    %scan3A_77 = arith.constant 1 : i32
    scf.for %scan3A_112 = %scan3A_74 to %scan3A_76 step %scan3A_77  : i32 {
      %mul3A_113 = arith.constant 16 : i32
      %mul3A_114 = arith.muli %scan3A_112, %mul3A_113 : i32
      %add3A_115 = arith.constant 0 : i32
      %add3A_116 = arith.addi %add3A_115, %mul3A_114 : i32
      %get3A = arith.constant 124 : i32
      %get3A_117 = arith.index_cast %get3A : i32 to index
      %get3A_118 = arith.index_cast %add3A_116 : i32 to index
      %get3A_119 = tpu.vector_load %arg6[%get3A_117, %get3A_118] {strides = array<i32>} : memref<125x80xi32, #tpu.memory_space<vmem>>, vector<1x16xi32>,
      %get3A_120 = vector.shape_cast %get3A_119 : vector<1x16xi32> to vector<16xi32>
      %shift_right_arithmetic3A = arith.constant 16 : i32
      %shift_right_arithmetic3A_121 = vector.broadcast %shift_right_arithmetic3A : i32 to vector<16xi32>
      %shift_right_arithmetic3A_122 = arith.shrsi %get3A_120, %shift_right_arithmetic3A_121 : vector<16xi32>
      %swap3A = arith.constant 0 : i32
      %swap3A_123 = arith.index_cast %swap3A : i32 to index
      %swap3A_124 = arith.index_cast %add3A_116 : i32 to index
      %swap3A_125 = tpu.vector_load %arg7[%swap3A_123, %swap3A_124] {strides = array<i32>} : memref<4x80xi32, #tpu.memory_space<vmem>>, vector<1x16xi32>,
      %swap3A_126 = vector.shape_cast %swap3A_125 : vector<1x16xi32> to vector<16xi32>
      %swap3A_127 = vector.shape_cast %shift_right_arithmetic3A_122 : vector<16xi32> to vector<1x16xi32>
      tpu.vector_store %arg7[%swap3A_123, %swap3A_124], %swap3A_127 {strides = array<i32>} : memref<4x80xi32, #tpu.memory_space<vmem>>, vector<1x16xi32>,
      %and3A = arith.constant 65535 : i32
      %and3A_128 = vector.broadcast %and3A : i32 to vector<16xi32>
      %and3A_129 = arith.andi %get3A_120, %and3A_128 : vector<16xi32>
      %swap3A_130 = arith.constant 0 : i32
      %swap3A_131 = arith.index_cast %swap3A_130 : i32 to index
      %swap3A_132 = arith.index_cast %add3A_116 : i32 to index
      %swap3A_133 = tpu.vector_load %arg8[%swap3A_131, %swap3A_132] {strides = array<i32>} : memref<4x80xi32, #tpu.memory_space<vmem>>, vector<1x16xi32>,
      %swap3A_134 = vector.shape_cast %swap3A_133 : vector<1x16xi32> to vector<16xi32>
      %swap3A_135 = vector.shape_cast %and3A_129 : vector<16xi32> to vector<1x16xi32>
      tpu.vector_store %arg8[%swap3A_131, %swap3A_132], %swap3A_135 {strides = array<i32>} : memref<4x80xi32, #tpu.memory_space<vmem>>, vector<1x16xi32>,
    }
    %scan3A_78 = arith.constant 5 : i32
    %dma_wait3A_79 = arith.constant 0 : i32
    %dma_wait3A_80 = arith.constant 0 : i32
    %dma_wait3A_81 = tpu.memref_slice %arg2[%dma_wait3A_79, %dma_wait3A_80] : memref<10000x128xf32, #tpu.memory_space<hbm>> -> memref<80x128xf32, #tpu.memory_space<hbm>>
    %dma_wait3A_82 = arith.constant 0 : i32
    %dma_wait3A_83 = arith.constant 0 : i32
    %dma_wait3A_84 = tpu.memref_slice %arg2[%dma_wait3A_82, %dma_wait3A_83] : memref<10000x128xf32, #tpu.memory_space<hbm>> -> memref<80x128xf32, #tpu.memory_space<hbm>>
    tpu.wait_dma2 semaphore(%arg11 : memref<!tpu.dma_semaphore, #tpu.memory_space<semaphore_mem>>) src(%dma_wait3A_84 : memref<80x128xf32, #tpu.memory_space<hbm>>) dst(%arg9 : memref<80x128xf32, #tpu.memory_space<vmem>>)
    %run_scoped3A_85 = arith.constant 2 : i32
    "tpu.region"() ({
      %run_scoped3A_112 = tpu.sem_alloc : memref<!tpu.dma_semaphore, #tpu.memory_space<semaphore_mem>>
      %dma_start3A_113 = arith.constant 0 : i32
      %dma_start3A_114 = tpu.memref_slice %arg8[%run_scoped3A_85, %dma_start3A_113] : memref<4x80xi32, #tpu.memory_space<vmem>> -> memref<1x80xi32, #tpu.memory_space<vmem>>
      %dma_start3A_115 = tpu.memref_squeeze %dma_start3A_114 : memref<1x80xi32, #tpu.memory_space<vmem>> -> memref<80xi32, #tpu.memory_space<vmem>>
      %dma_start3A_116 = arith.constant 0 : i32
      %dma_start3A_117 = arith.constant 0 : i32
      %dma_start3A_118 = tpu.memref_slice %arg5[%dma_start3A_116, %dma_start3A_117] : memref<10240x128xf32, #tpu.memory_space<vmem_shared>> -> memref<10240x128xf32, #tpu.memory_space<vmem_shared>>
      tpu.enqueue_indirect_dma source(%arg9 : memref<80x128xf32, #tpu.memory_space<vmem>>) target(%dma_start3A_118 : memref<10240x128xf32, #tpu.memory_space<vmem_shared>>) offsets(%dma_start3A_115 : memref<80xi32, #tpu.memory_space<vmem>>) semaphore(%run_scoped3A_112 : memref<!tpu.dma_semaphore, #tpu.memory_space<semaphore_mem>>) {add = true}
      %dma_wait3A_119 = arith.constant 0 : i32
      %dma_wait3A_120 = tpu.memref_slice %arg8[%run_scoped3A_85, %dma_wait3A_119] : memref<4x80xi32, #tpu.memory_space<vmem>> -> memref<1x80xi32, #tpu.memory_space<vmem>>
      %dma_wait3A_121 = tpu.memref_squeeze %dma_wait3A_120 : memref<1x80xi32, #tpu.memory_space<vmem>> -> memref<80xi32, #tpu.memory_space<vmem>>
      %dma_wait3A_122 = arith.constant 0 : i32
      %dma_wait3A_123 = arith.constant 0 : i32
      %dma_wait3A_124 = tpu.memref_slice %arg5[%dma_wait3A_122, %dma_wait3A_123] : memref<10240x128xf32, #tpu.memory_space<vmem_shared>> -> memref<10240x128xf32, #tpu.memory_space<vmem_shared>>
      tpu.wait_indirect_dma semaphore(%run_scoped3A_112 : memref<!tpu.dma_semaphore, #tpu.memory_space<semaphore_mem>>) src(%arg9 : memref<80x128xf32, #tpu.memory_space<vmem>>) dst(%dma_wait3A_124 : memref<10240x128xf32, #tpu.memory_space<vmem_shared>>)
      tpu.yield
    }) : () -> ()
    %dma_start3A_86 = arith.constant 0 : i32
    %dma_start3A_87 = arith.constant 0 : i32
    %dma_start3A_88 = tpu.memref_slice %arg7[%dma_start3A_86, %dma_start3A_87] : memref<4x80xi32, #tpu.memory_space<vmem>> -> memref<1x80xi32, #tpu.memory_space<vmem>>
    %dma_start3A_89 = tpu.memref_squeeze %dma_start3A_88 : memref<1x80xi32, #tpu.memory_space<vmem>> -> memref<80xi32, #tpu.memory_space<vmem>>
    %dma_start3A_90 = arith.constant 0 : i32
    %dma_start3A_91 = arith.constant 0 : i32
    %dma_start3A_92 = tpu.memref_slice %arg2[%dma_start3A_90, %dma_start3A_91] : memref<10000x128xf32, #tpu.memory_space<hbm>> -> memref<10000x128xf32, #tpu.memory_space<hbm>>
    tpu.enqueue_indirect_dma source(%dma_start3A_92 : memref<10000x128xf32, #tpu.memory_space<hbm>>) target(%arg9 : memref<80x128xf32, #tpu.memory_space<vmem>>) offsets(%dma_start3A_89 : memref<80xi32, #tpu.memory_space<vmem>>) semaphore(%arg11 : memref<!tpu.dma_semaphore, #tpu.memory_space<semaphore_mem>>)
    %dma_wait3A_93 = arith.constant 0 : i32
    %dma_wait3A_94 = arith.constant 0 : i32
    %dma_wait3A_95 = tpu.memref_slice %arg2[%dma_wait3A_93, %dma_wait3A_94] : memref<10000x128xf32, #tpu.memory_space<hbm>> -> memref<80x128xf32, #tpu.memory_space<hbm>>
    %dma_wait3A_96 = arith.constant 0 : i32
    %dma_wait3A_97 = arith.constant 0 : i32
    %dma_wait3A_98 = tpu.memref_slice %arg2[%dma_wait3A_96, %dma_wait3A_97] : memref<10000x128xf32, #tpu.memory_space<hbm>> -> memref<80x128xf32, #tpu.memory_space<hbm>>
    tpu.wait_dma2 semaphore(%arg12 : memref<!tpu.dma_semaphore, #tpu.memory_space<semaphore_mem>>) src(%dma_wait3A_98 : memref<80x128xf32, #tpu.memory_space<hbm>>) dst(%arg10 : memref<80x128xf32, #tpu.memory_space<vmem>>)
    %run_scoped3A_99 = arith.constant 3 : i32
    "tpu.region"() ({
      %run_scoped3A_112 = tpu.sem_alloc : memref<!tpu.dma_semaphore, #tpu.memory_space<semaphore_mem>>
      %dma_start3A_113 = arith.constant 0 : i32
      %dma_start3A_114 = tpu.memref_slice %arg8[%run_scoped3A_99, %dma_start3A_113] : memref<4x80xi32, #tpu.memory_space<vmem>> -> memref<1x80xi32, #tpu.memory_space<vmem>>
      %dma_start3A_115 = tpu.memref_squeeze %dma_start3A_114 : memref<1x80xi32, #tpu.memory_space<vmem>> -> memref<80xi32, #tpu.memory_space<vmem>>
      %dma_start3A_116 = arith.constant 0 : i32
      %dma_start3A_117 = arith.constant 0 : i32
      %dma_start3A_118 = tpu.memref_slice %arg5[%dma_start3A_116, %dma_start3A_117] : memref<10240x128xf32, #tpu.memory_space<vmem_shared>> -> memref<10240x128xf32, #tpu.memory_space<vmem_shared>>
      tpu.enqueue_indirect_dma source(%arg10 : memref<80x128xf32, #tpu.memory_space<vmem>>) target(%dma_start3A_118 : memref<10240x128xf32, #tpu.memory_space<vmem_shared>>) offsets(%dma_start3A_115 : memref<80xi32, #tpu.memory_space<vmem>>) semaphore(%run_scoped3A_112 : memref<!tpu.dma_semaphore, #tpu.memory_space<semaphore_mem>>) {add = true}
      %dma_wait3A_119 = arith.constant 0 : i32
      %dma_wait3A_120 = tpu.memref_slice %arg8[%run_scoped3A_99, %dma_wait3A_119] : memref<4x80xi32, #tpu.memory_space<vmem>> -> memref<1x80xi32, #tpu.memory_space<vmem>>
      %dma_wait3A_121 = tpu.memref_squeeze %dma_wait3A_120 : memref<1x80xi32, #tpu.memory_space<vmem>> -> memref<80xi32, #tpu.memory_space<vmem>>
      %dma_wait3A_122 = arith.constant 0 : i32
      %dma_wait3A_123 = arith.constant 0 : i32
      %dma_wait3A_124 = tpu.memref_slice %arg5[%dma_wait3A_122, %dma_wait3A_123] : memref<10240x128xf32, #tpu.memory_space<vmem_shared>> -> memref<10240x128xf32, #tpu.memory_space<vmem_shared>>
      tpu.wait_indirect_dma semaphore(%run_scoped3A_112 : memref<!tpu.dma_semaphore, #tpu.memory_space<semaphore_mem>>) src(%arg10 : memref<80x128xf32, #tpu.memory_space<vmem>>) dst(%dma_wait3A_124 : memref<10240x128xf32, #tpu.memory_space<vmem_shared>>)
      tpu.yield
    }) : () -> ()
    %dma_wait3A_100 = arith.constant 0 : i32
    %dma_wait3A_101 = arith.constant 0 : i32
    %dma_wait3A_102 = tpu.memref_slice %arg2[%dma_wait3A_100, %dma_wait3A_101] : memref<10000x128xf32, #tpu.memory_space<hbm>> -> memref<80x128xf32, #tpu.memory_space<hbm>>
    %dma_wait3A_103 = arith.constant 0 : i32
    %dma_wait3A_104 = arith.constant 0 : i32
    %dma_wait3A_105 = tpu.memref_slice %arg2[%dma_wait3A_103, %dma_wait3A_104] : memref<10000x128xf32, #tpu.memory_space<hbm>> -> memref<80x128xf32, #tpu.memory_space<hbm>>
    tpu.wait_dma2 semaphore(%arg11 : memref<!tpu.dma_semaphore, #tpu.memory_space<semaphore_mem>>) src(%dma_wait3A_105 : memref<80x128xf32, #tpu.memory_space<hbm>>) dst(%arg9 : memref<80x128xf32, #tpu.memory_space<vmem>>)
    %run_scoped3A_106 = arith.constant 0 : i32
    "tpu.region"() ({
      %run_scoped3A_112 = tpu.sem_alloc : memref<!tpu.dma_semaphore, #tpu.memory_space<semaphore_mem>>
      %dma_start3A_113 = arith.constant 0 : i32
      %dma_start3A_114 = tpu.memref_slice %arg8[%run_scoped3A_106, %dma_start3A_113] : memref<4x80xi32, #tpu.memory_space<vmem>> -> memref<1x80xi32, #tpu.memory_space<vmem>>
      %dma_start3A_115 = tpu.memref_squeeze %dma_start3A_114 : memref<1x80xi32, #tpu.memory_space<vmem>> -> memref<80xi32, #tpu.memory_space<vmem>>
      %dma_start3A_116 = arith.constant 0 : i32
      %dma_start3A_117 = arith.constant 0 : i32
      %dma_start3A_118 = tpu.memref_slice %arg5[%dma_start3A_116, %dma_start3A_117] : memref<10240x128xf32, #tpu.memory_space<vmem_shared>> -> memref<10240x128xf32, #tpu.memory_space<vmem_shared>>
      tpu.enqueue_indirect_dma source(%arg9 : memref<80x128xf32, #tpu.memory_space<vmem>>) target(%dma_start3A_118 : memref<10240x128xf32, #tpu.memory_space<vmem_shared>>) offsets(%dma_start3A_115 : memref<80xi32, #tpu.memory_space<vmem>>) semaphore(%run_scoped3A_112 : memref<!tpu.dma_semaphore, #tpu.memory_space<semaphore_mem>>) {add = true}
      %dma_wait3A_119 = arith.constant 0 : i32
      %dma_wait3A_120 = tpu.memref_slice %arg8[%run_scoped3A_106, %dma_wait3A_119] : memref<4x80xi32, #tpu.memory_space<vmem>> -> memref<1x80xi32, #tpu.memory_space<vmem>>
      %dma_wait3A_121 = tpu.memref_squeeze %dma_wait3A_120 : memref<1x80xi32, #tpu.memory_space<vmem>> -> memref<80xi32, #tpu.memory_space<vmem>>
      %dma_wait3A_122 = arith.constant 0 : i32
      %dma_wait3A_123 = arith.constant 0 : i32
      %dma_wait3A_124 = tpu.memref_slice %arg5[%dma_wait3A_122, %dma_wait3A_123] : memref<10240x128xf32, #tpu.memory_space<vmem_shared>> -> memref<10240x128xf32, #tpu.memory_space<vmem_shared>>
      tpu.wait_indirect_dma semaphore(%run_scoped3A_112 : memref<!tpu.dma_semaphore, #tpu.memory_space<semaphore_mem>>) src(%arg9 : memref<80x128xf32, #tpu.memory_space<vmem>>) dst(%dma_wait3A_124 : memref<10240x128xf32, #tpu.memory_space<vmem_shared>>)
      tpu.yield
    }) : () -> ()
    %barrier3A_107 = arith.constant 0 : index
    tpu.barrier barrier_id(%barrier3A_107)
    %mul3A_108 = arith.constant 640 : i32
    %mul3A_109 = arith.muli %arg1, %mul3A_108 : i32
    %mul3A_110 = arith.constant 640 : i32
    %mul3A_111 = arith.muli %arg1, %mul3A_110 : i32
    "tpu.region"() ({
      %run_scoped3A_112 = tpu.sem_alloc : memref<!tpu.dma_semaphore, #tpu.memory_space<semaphore_mem>>
      %dma_start3A_113 = arith.constant 0 : i32
      %dma_start3A_114 = tpu.memref_slice %arg4[%arg0, %mul3A_111, %dma_start3A_113] : memref<2x10240x128xf32, #tpu.memory_space<hbm>> -> memref<1x640x128xf32, #tpu.memory_space<hbm>>
      %dma_start3A_115 = tpu.memref_squeeze %dma_start3A_114 : memref<1x640x128xf32, #tpu.memory_space<hbm>> -> memref<640x128xf32, #tpu.memory_space<hbm>>
      %dma_start3A_116 = arith.constant 0 : i32
      %dma_start3A_117 = tpu.memref_slice %arg5[%mul3A_109, %dma_start3A_116] : memref<10240x128xf32, #tpu.memory_space<vmem_shared>> -> memref<640x128xf32, #tpu.memory_space<vmem_shared>>
      tpu.enqueue_dma source(%dma_start3A_117 : memref<640x128xf32, #tpu.memory_space<vmem_shared>>) target(%dma_start3A_115 : memref<640x128xf32, #tpu.memory_space<hbm>>) target_semaphore(%run_scoped3A_112 : memref<!tpu.dma_semaphore, #tpu.memory_space<semaphore_mem>>)
      %dma_wait3A_118 = arith.constant 0 : i32
      %dma_wait3A_119 = tpu.memref_slice %arg4[%arg0, %mul3A_111, %dma_wait3A_118] : memref<2x10240x128xf32, #tpu.memory_space<hbm>> -> memref<1x640x128xf32, #tpu.memory_space<hbm>>
      %dma_wait3A_120 = tpu.memref_squeeze %dma_wait3A_119 : memref<1x640x128xf32, #tpu.memory_space<hbm>> -> memref<640x128xf32, #tpu.memory_space<hbm>>
      %dma_wait3A_121 = arith.constant 0 : i32
      %dma_wait3A_122 = tpu.memref_slice %arg5[%mul3A_109, %dma_wait3A_121] : memref<10240x128xf32, #tpu.memory_space<vmem_shared>> -> memref<640x128xf32, #tpu.memory_space<vmem_shared>>
      tpu.wait_dma2 semaphore(%run_scoped3A_112 : memref<!tpu.dma_semaphore, #tpu.memory_space<semaphore_mem>>) src(%dma_wait3A_122 : memref<640x128xf32, #tpu.memory_space<vmem_shared>>) dst(%dma_wait3A_120 : memref<640x128xf32, #tpu.memory_space<hbm>>)
      tpu.yield
    }) : () -> ()
    return
  }
}

#map = affine_map<(d0, d1) -> (0, 0)>
#map1 = affine_map<(d0, d1) -> (0, 0, 0)>
module attributes {stable_mosaic.version = 14 : i64} {
  func.func @agg_kernel(%arg0: i32, %arg1: i32, %arg2: memref<10000x128xf32, #tpu.memory_space<hbm>>, %arg3: memref<32x125x80xi32, #tpu.memory_space<hbm>>, %arg4: memref<2x10240x128xf32, #tpu.memory_space<hbm>>, %arg5: memref<10240x128xf32, #tpu.memory_space<vmem_shared>>, %arg6: memref<125x80xi32, #tpu.memory_space<vmem>>, %arg7: memref<4x80xi32, #tpu.memory_space<vmem>>, %arg8: memref<4x80xi32, #tpu.memory_space<vmem>>, %arg9: memref<80x128xf32, #tpu.memory_space<vmem>>, %arg10: memref<80x128xf32, #tpu.memory_space<vmem>>, %arg11: memref<!tpu.dma_semaphore, #tpu.memory_space<semaphore_mem>>, %arg12: memref<!tpu.dma_semaphore, #tpu.memory_space<semaphore_mem>>) attributes {dimension_semantics = [#tpu.dimension_semantics<core_parallel>, #tpu.dimension_semantics<subcore_parallel>], iteration_bounds = array<i64: 2, 16>, scalar_prefetch = 0 : i64, scratch_operands = 8 : i64, tpu.core_type = #tpu.core_type<sc_vector_subcore>, window_params = [{transform_indices = #map}, {transform_indices = #map1}, {transform_indices = #map1}]} {
    %mul3A = arith.constant 2 : i32
    %mul3A_0 = arith.muli %arg1, %mul3A : i32
    %add3A = arith.addi %mul3A_0, %arg0 : i32
    "tpu.region"() ({
      %run_scoped3A_112 = tpu.sem_alloc : memref<!tpu.dma_semaphore, #tpu.memory_space<semaphore_mem>>
      %dma_start3A_113 = arith.constant 0 : i32
      %dma_start3A_114 = arith.constant 0 : i32
      %dma_start3A_115 = tpu.memref_slice %arg3[%add3A, %dma_start3A_113, %dma_start3A_114] : memref<32x125x80xi32, #tpu.memory_space<hbm>> -> memref<1x125x80xi32, #tpu.memory_space<hbm>>
      %dma_start3A_116 = tpu.memref_squeeze %dma_start3A_115 : memref<1x125x80xi32, #tpu.memory_space<hbm>> -> memref<125x80xi32, #tpu.memory_space<hbm>>
      %dma_start3A_117 = arith.constant 0 : i32
      %dma_start3A_118 = arith.constant 0 : i32
      %dma_start3A_119 = tpu.memref_slice %arg3[%add3A, %dma_start3A_117, %dma_start3A_118] : memref<32x125x80xi32, #tpu.memory_space<hbm>> -> memref<1x125x80xi32, #tpu.memory_space<hbm>>
      %dma_start3A_120 = tpu.memref_squeeze %dma_start3A_119 : memref<1x125x80xi32, #tpu.memory_space<hbm>> -> memref<125x80xi32, #tpu.memory_space<hbm>>
      tpu.enqueue_dma source(%dma_start3A_120 : memref<125x80xi32, #tpu.memory_space<hbm>>) target(%arg6 : memref<125x80xi32, #tpu.memory_space<vmem>>) target_semaphore(%run_scoped3A_112 : memref<!tpu.dma_semaphore, #tpu.memory_space<semaphore_mem>>)
      %dma_wait3A_121 = arith.constant 0 : i32
      %dma_wait3A_122 = arith.constant 0 : i32
      %dma_wait3A_123 = tpu.memref_slice %arg3[%add3A, %dma_wait3A_121, %dma_wait3A_122] : memref<32x125x80xi32, #tpu.memory_space<hbm>> -> memref<1x125x80xi32, #tpu.memory_space<hbm>>
      %dma_wait3A_124 = tpu.memref_squeeze %dma_wait3A_123 : memref<1x125x80xi32, #tpu.memory_space<hbm>> -> memref<125x80xi32, #tpu.memory_space<hbm>>
      %dma_wait3A_125 = arith.constant 0 : i32
      %dma_wait3A_126 = arith.constant 0 : i32
      %dma_wait3A_127 = tpu.memref_slice %arg3[%add3A, %dma_wait3A_125, %dma_wait3A_126] : memref<32x125x80xi32, #tpu.memory_space<hbm>> -> memref<1x125x80xi32, #tpu.memory_space<hbm>>
      %dma_wait3A_128 = tpu.memref_squeeze %dma_wait3A_127 : memref<1x125x80xi32, #tpu.memory_space<hbm>> -> memref<125x80xi32, #tpu.memory_space<hbm>>
      tpu.wait_dma2 semaphore(%run_scoped3A_112 : memref<!tpu.dma_semaphore, #tpu.memory_space<semaphore_mem>>) src(%dma_wait3A_128 : memref<125x80xi32, #tpu.memory_space<hbm>>) dst(%arg6 : memref<125x80xi32, #tpu.memory_space<vmem>>)
      tpu.yield
    }) : () -> ()
    %scan3A = arith.constant 0 : i32
    %scan3A_1 = arith.constant 5 : i32
    %scan3A_2 = arith.addi %scan3A, %scan3A_1 : i32
    %scan3A_3 = arith.constant 1 : i32
    scf.for %scan3A_112 = %scan3A to %scan3A_2 step %scan3A_3  : i32 {
      %mul3A_113 = arith.constant 16 : i32
      %mul3A_114 = arith.muli %scan3A_112, %mul3A_113 : i32
      %add3A_115 = arith.constant 0 : i32
      %add3A_116 = arith.addi %add3A_115, %mul3A_114 : i32
      %get3A = arith.constant 0 : i32
      %get3A_117 = arith.index_cast %get3A : i32 to index
      %get3A_118 = arith.index_cast %add3A_116 : i32 to index
      %get3A_119 = tpu.vector_load %arg6[%get3A_117, %get3A_118] {strides = array<i32>} : memref<125x80xi32, #tpu.memory_space<vmem>>, vector<1x16xi32>,
      %get3A_120 = vector.shape_cast %get3A_119 : vector<1x16xi32> to vector<16xi32>
      %shift_right_arithmetic3A = arith.constant 16 : i32
      %shift_right_arithmetic3A_121 = vector.broadcast %shift_right_arithmetic3A : i32 to vector<16xi32>
      %shift_right_arithmetic3A_122 = arith.shrsi %get3A_120, %shift_right_arithmetic3A_121 : vector<16xi32>
      %swap3A = arith.constant 0 : i32
      %swap3A_123 = arith.index_cast %swap3A : i32 to index
      %swap3A_124 = arith.index_cast %add3A_116 : i32 to index
      %swap3A_125 = tpu.vector_load %arg7[%swap3A_123, %swap3A_124] {strides = array<i32>} : memref<4x80xi32, #tpu.memory_space<vmem>>, vector<1x16xi32>,
      %swap3A_126 = vector.shape_cast %swap3A_125 : vector<1x16xi32> to vector<16xi32>
      %swap3A_127 = vector.shape_cast %shift_right_arithmetic3A_122 : vector<16xi32> to vector<1x16xi32>
      tpu.vector_store %arg7[%swap3A_123, %swap3A_124], %swap3A_127 {strides = array<i32>} : memref<4x80xi32, #tpu.memory_space<vmem>>, vector<1x16xi32>,
      %and3A = arith.constant 65535 : i32
      %and3A_128 = vector.broadcast %and3A : i32 to vector<16xi32>
      %and3A_129 = arith.andi %get3A_120, %and3A_128 : vector<16xi32>
      %swap3A_130 = arith.constant 0 : i32
      %swap3A_131 = arith.index_cast %swap3A_130 : i32 to index
      %swap3A_132 = arith.index_cast %add3A_116 : i32 to index
      %swap3A_133 = tpu.vector_load %arg8[%swap3A_131, %swap3A_132] {strides = array<i32>} : memref<4x80xi32, #tpu.memory_space<vmem>>, vector<1x16xi32>,
      %swap3A_134 = vector.shape_cast %swap3A_133 : vector<1x16xi32> to vector<16xi32>
      %swap3A_135 = vector.shape_cast %and3A_129 : vector<16xi32> to vector<1x16xi32>
      tpu.vector_store %arg8[%swap3A_131, %swap3A_132], %swap3A_135 {strides = array<i32>} : memref<4x80xi32, #tpu.memory_space<vmem>>, vector<1x16xi32>,
    }
    %scan3A_4 = arith.constant 5 : i32
    %dma_start3A = arith.constant 0 : i32
    %dma_start3A_5 = arith.constant 0 : i32
    %dma_start3A_6 = tpu.memref_slice %arg7[%dma_start3A, %dma_start3A_5] : memref<4x80xi32, #tpu.memory_space<vmem>> -> memref<1x80xi32, #tpu.memory_space<vmem>>
    %dma_start3A_7 = tpu.memref_squeeze %dma_start3A_6 : memref<1x80xi32, #tpu.memory_space<vmem>> -> memref<80xi32, #tpu.memory_space<vmem>>
    %dma_start3A_8 = arith.constant 0 : i32
    %dma_start3A_9 = arith.constant 0 : i32
    %dma_start3A_10 = tpu.memref_slice %arg2[%dma_start3A_8, %dma_start3A_9] : memref<10000x128xf32, #tpu.memory_space<hbm>> -> memref<10000x128xf32, #tpu.memory_space<hbm>>
    tpu.enqueue_indirect_dma source(%dma_start3A_10 : memref<10000x128xf32, #tpu.memory_space<hbm>>) target(%arg9 : memref<80x128xf32, #tpu.memory_space<vmem>>) offsets(%dma_start3A_7 : memref<80xi32, #tpu.memory_space<vmem>>) semaphore(%arg11 : memref<!tpu.dma_semaphore, #tpu.memory_space<semaphore_mem>>)
    %scan3A_11 = arith.constant 0 : i32
    %scan3A_12 = arith.constant 80 : i32
    %scan3A_13 = arith.addi %scan3A_11, %scan3A_12 : i32
    %scan3A_14 = arith.constant 1 : i32
    scf.for %scan3A_112 = %scan3A_11 to %scan3A_13 step %scan3A_14  : i32 {
      %mul3A_113 = arith.constant 1 : i32
      %mul3A_114 = arith.muli %scan3A_112, %mul3A_113 : i32
      %add3A_115 = arith.constant 0 : i32
      %add3A_116 = arith.addi %add3A_115, %mul3A_114 : i32
      %scan3A_117 = arith.constant 0 : i32
      %scan3A_118 = arith.constant 8 : i32
      %scan3A_119 = arith.addi %scan3A_117, %scan3A_118 : i32
      %scan3A_120 = arith.constant 1 : i32
      scf.for %scan3A_122 = %scan3A_117 to %scan3A_119 step %scan3A_120  : i32 {
        %mul3A_123 = arith.constant 16 : i32
        %mul3A_124 = arith.muli %scan3A_122, %mul3A_123 : i32
        %add3A_125 = arith.constant 0 : i32
        %add3A_126 = arith.addi %add3A_125, %mul3A_124 : i32
        %broadcast_in_dim3A = arith.constant 0.000000e+00 : f32
        %broadcast_in_dim3A_127 = vector.broadcast %broadcast_in_dim3A : f32 to vector<16xf32>
        %swap3A = arith.index_cast %add3A_116 : i32 to index
        %swap3A_128 = arith.index_cast %add3A_126 : i32 to index
        %swap3A_129 = tpu.vector_load %arg10[%swap3A, %swap3A_128] {strides = array<i32>} : memref<80x128xf32, #tpu.memory_space<vmem>>, vector<1x16xf32>,
        %swap3A_130 = vector.shape_cast %swap3A_129 : vector<1x16xf32> to vector<16xf32>
        %swap3A_131 = vector.shape_cast %broadcast_in_dim3A_127 : vector<16xf32> to vector<1x16xf32>
        tpu.vector_store %arg10[%swap3A, %swap3A_128], %swap3A_131 {strides = array<i32>} : memref<80x128xf32, #tpu.memory_space<vmem>>, vector<1x16xf32>,
      }
      %scan3A_121 = arith.constant 8 : i32
    }
    %scan3A_15 = arith.constant 80 : i32
    %scan3A_16 = arith.constant 0 : i32
    %scan3A_17 = arith.constant 8 : i32
    %scan3A_18 = arith.addi %scan3A_16, %scan3A_17 : i32
    %scan3A_19 = arith.constant 1 : i32
    scf.for %scan3A_112 = %scan3A_16 to %scan3A_18 step %scan3A_19  : i32 {
      %mul3A_113 = arith.constant 1 : i32
      %mul3A_114 = arith.muli %scan3A_112, %mul3A_113 : i32
      %add3A_115 = arith.constant 0 : i32
      %add3A_116 = arith.addi %add3A_115, %mul3A_114 : i32
      %mul3A_117 = arith.constant 640 : i32
      %mul3A_118 = arith.muli %arg1, %mul3A_117 : i32
      %mul3A_119 = arith.constant 80 : i32
      %mul3A_120 = arith.muli %add3A_116, %mul3A_119 : i32
      %add3A_121 = arith.addi %mul3A_118, %mul3A_120 : i32
      "tpu.region"() ({
        %run_scoped3A_122 = tpu.sem_alloc : memref<!tpu.dma_semaphore, #tpu.memory_space<semaphore_mem>>
        %dma_start3A_123 = arith.constant 0 : i32
        %dma_start3A_124 = tpu.memref_slice %arg5[%add3A_121, %dma_start3A_123] : memref<10240x128xf32, #tpu.memory_space<vmem_shared>> -> memref<80x128xf32, #tpu.memory_space<vmem_shared>>
        %dma_start3A_125 = arith.constant 0 : i32
        %dma_start3A_126 = tpu.memref_slice %arg5[%add3A_121, %dma_start3A_125] : memref<10240x128xf32, #tpu.memory_space<vmem_shared>> -> memref<80x128xf32, #tpu.memory_space<vmem_shared>>
        tpu.enqueue_dma source(%arg10 : memref<80x128xf32, #tpu.memory_space<vmem>>) target(%dma_start3A_126 : memref<80x128xf32, #tpu.memory_space<vmem_shared>>) target_semaphore(%run_scoped3A_122 : memref<!tpu.dma_semaphore, #tpu.memory_space<semaphore_mem>>)
        %dma_wait3A_127 = arith.constant 0 : i32
        %dma_wait3A_128 = tpu.memref_slice %arg5[%add3A_121, %dma_wait3A_127] : memref<10240x128xf32, #tpu.memory_space<vmem_shared>> -> memref<80x128xf32, #tpu.memory_space<vmem_shared>>
        %dma_wait3A_129 = arith.constant 0 : i32
        %dma_wait3A_130 = tpu.memref_slice %arg5[%add3A_121, %dma_wait3A_129] : memref<10240x128xf32, #tpu.memory_space<vmem_shared>> -> memref<80x128xf32, #tpu.memory_space<vmem_shared>>
        tpu.wait_dma2 semaphore(%run_scoped3A_122 : memref<!tpu.dma_semaphore, #tpu.memory_space<semaphore_mem>>) src(%arg10 : memref<80x128xf32, #tpu.memory_space<vmem>>) dst(%dma_wait3A_130 : memref<80x128xf32, #tpu.memory_space<vmem_shared>>)
        tpu.yield
      }) : () -> ()
    }
    %scan3A_20 = arith.constant 8 : i32
    %barrier3A = arith.constant 0 : index
    tpu.barrier barrier_id(%barrier3A)
    %scan3A_21 = arith.constant 0 : i32
    %scan3A_22 = arith.constant 5 : i32
    %scan3A_23 = arith.addi %scan3A_21, %scan3A_22 : i32
    %scan3A_24 = arith.constant 1 : i32
    scf.for %scan3A_112 = %scan3A_21 to %scan3A_23 step %scan3A_24  : i32 {
      %mul3A_113 = arith.constant 16 : i32
      %mul3A_114 = arith.muli %scan3A_112, %mul3A_113 : i32
      %add3A_115 = arith.constant 0 : i32
      %add3A_116 = arith.addi %add3A_115, %mul3A_114 : i32
      %get3A = arith.constant 1 : i32
      %get3A_117 = arith.index_cast %get3A : i32 to index
      %get3A_118 = arith.index_cast %add3A_116 : i32 to index
      %get3A_119 = tpu.vector_load %arg6[%get3A_117, %get3A_118] {strides = array<i32>} : memref<125x80xi32, #tpu.memory_space<vmem>>, vector<1x16xi32>,
      %get3A_120 = vector.shape_cast %get3A_119 : vector<1x16xi32> to vector<16xi32>
      %shift_right_arithmetic3A = arith.constant 16 : i32
      %shift_right_arithmetic3A_121 = vector.broadcast %shift_right_arithmetic3A : i32 to vector<16xi32>
      %shift_right_arithmetic3A_122 = arith.shrsi %get3A_120, %shift_right_arithmetic3A_121 : vector<16xi32>
      %swap3A = arith.constant 1 : i32
      %swap3A_123 = arith.index_cast %swap3A : i32 to index
      %swap3A_124 = arith.index_cast %add3A_116 : i32 to index
      %swap3A_125 = tpu.vector_load %arg7[%swap3A_123, %swap3A_124] {strides = array<i32>} : memref<4x80xi32, #tpu.memory_space<vmem>>, vector<1x16xi32>,
      %swap3A_126 = vector.shape_cast %swap3A_125 : vector<1x16xi32> to vector<16xi32>
      %swap3A_127 = vector.shape_cast %shift_right_arithmetic3A_122 : vector<16xi32> to vector<1x16xi32>
      tpu.vector_store %arg7[%swap3A_123, %swap3A_124], %swap3A_127 {strides = array<i32>} : memref<4x80xi32, #tpu.memory_space<vmem>>, vector<1x16xi32>,
      %and3A = arith.constant 65535 : i32
      %and3A_128 = vector.broadcast %and3A : i32 to vector<16xi32>
      %and3A_129 = arith.andi %get3A_120, %and3A_128 : vector<16xi32>
      %swap3A_130 = arith.constant 1 : i32
      %swap3A_131 = arith.index_cast %swap3A_130 : i32 to index
      %swap3A_132 = arith.index_cast %add3A_116 : i32 to index
      %swap3A_133 = tpu.vector_load %arg8[%swap3A_131, %swap3A_132] {strides = array<i32>} : memref<4x80xi32, #tpu.memory_space<vmem>>, vector<1x16xi32>,
      %swap3A_134 = vector.shape_cast %swap3A_133 : vector<1x16xi32> to vector<16xi32>
      %swap3A_135 = vector.shape_cast %and3A_129 : vector<16xi32> to vector<1x16xi32>
      tpu.vector_store %arg8[%swap3A_131, %swap3A_132], %swap3A_135 {strides = array<i32>} : memref<4x80xi32, #tpu.memory_space<vmem>>, vector<1x16xi32>,
    }
    %scan3A_25 = arith.constant 5 : i32
    %dma_start3A_26 = arith.constant 1 : i32
    %dma_start3A_27 = arith.constant 0 : i32
    %dma_start3A_28 = tpu.memref_slice %arg7[%dma_start3A_26, %dma_start3A_27] : memref<4x80xi32, #tpu.memory_space<vmem>> -> memref<1x80xi32, #tpu.memory_space<vmem>>
    %dma_start3A_29 = tpu.memref_squeeze %dma_start3A_28 : memref<1x80xi32, #tpu.memory_space<vmem>> -> memref<80xi32, #tpu.memory_space<vmem>>
    %dma_start3A_30 = arith.constant 0 : i32
    %dma_start3A_31 = arith.constant 0 : i32
    %dma_start3A_32 = tpu.memref_slice %arg2[%dma_start3A_30, %dma_start3A_31] : memref<10000x128xf32, #tpu.memory_space<hbm>> -> memref<10000x128xf32, #tpu.memory_space<hbm>>
    tpu.enqueue_indirect_dma source(%dma_start3A_32 : memref<10000x128xf32, #tpu.memory_space<hbm>>) target(%arg10 : memref<80x128xf32, #tpu.memory_space<vmem>>) offsets(%dma_start3A_29 : memref<80xi32, #tpu.memory_space<vmem>>) semaphore(%arg12 : memref<!tpu.dma_semaphore, #tpu.memory_space<semaphore_mem>>)
    %scan3A_33 = arith.constant 0 : i32
    %scan3A_34 = arith.constant 5 : i32
    %scan3A_35 = arith.addi %scan3A_33, %scan3A_34 : i32
    %scan3A_36 = arith.constant 1 : i32
    scf.for %scan3A_112 = %scan3A_33 to %scan3A_35 step %scan3A_36  : i32 {
      %mul3A_113 = arith.constant 16 : i32
      %mul3A_114 = arith.muli %scan3A_112, %mul3A_113 : i32
      %add3A_115 = arith.constant 0 : i32
      %add3A_116 = arith.addi %add3A_115, %mul3A_114 : i32
      %get3A = arith.constant 2 : i32
      %get3A_117 = arith.index_cast %get3A : i32 to index
      %get3A_118 = arith.index_cast %add3A_116 : i32 to index
      %get3A_119 = tpu.vector_load %arg6[%get3A_117, %get3A_118] {strides = array<i32>} : memref<125x80xi32, #tpu.memory_space<vmem>>, vector<1x16xi32>,
      %get3A_120 = vector.shape_cast %get3A_119 : vector<1x16xi32> to vector<16xi32>
      %shift_right_arithmetic3A = arith.constant 16 : i32
      %shift_right_arithmetic3A_121 = vector.broadcast %shift_right_arithmetic3A : i32 to vector<16xi32>
      %shift_right_arithmetic3A_122 = arith.shrsi %get3A_120, %shift_right_arithmetic3A_121 : vector<16xi32>
      %swap3A = arith.constant 2 : i32
      %swap3A_123 = arith.index_cast %swap3A : i32 to index
      %swap3A_124 = arith.index_cast %add3A_116 : i32 to index
      %swap3A_125 = tpu.vector_load %arg7[%swap3A_123, %swap3A_124] {strides = array<i32>} : memref<4x80xi32, #tpu.memory_space<vmem>>, vector<1x16xi32>,
      %swap3A_126 = vector.shape_cast %swap3A_125 : vector<1x16xi32> to vector<16xi32>
      %swap3A_127 = vector.shape_cast %shift_right_arithmetic3A_122 : vector<16xi32> to vector<1x16xi32>
      tpu.vector_store %arg7[%swap3A_123, %swap3A_124], %swap3A_127 {strides = array<i32>} : memref<4x80xi32, #tpu.memory_space<vmem>>, vector<1x16xi32>,
      %and3A = arith.constant 65535 : i32
      %and3A_128 = vector.broadcast %and3A : i32 to vector<16xi32>
      %and3A_129 = arith.andi %get3A_120, %and3A_128 : vector<16xi32>
      %swap3A_130 = arith.constant 2 : i32
      %swap3A_131 = arith.index_cast %swap3A_130 : i32 to index
      %swap3A_132 = arith.index_cast %add3A_116 : i32 to index
      %swap3A_133 = tpu.vector_load %arg8[%swap3A_131, %swap3A_132] {strides = array<i32>} : memref<4x80xi32, #tpu.memory_space<vmem>>, vector<1x16xi32>,
      %swap3A_134 = vector.shape_cast %swap3A_133 : vector<1x16xi32> to vector<16xi32>
      %swap3A_135 = vector.shape_cast %and3A_129 : vector<16xi32> to vector<1x16xi32>
      tpu.vector_store %arg8[%swap3A_131, %swap3A_132], %swap3A_135 {strides = array<i32>} : memref<4x80xi32, #tpu.memory_space<vmem>>, vector<1x16xi32>,
    }
    %scan3A_37 = arith.constant 5 : i32
    %scan3A_38 = arith.constant 0 : i32
    %scan3A_39 = arith.constant 30 : i32
    %scan3A_40 = arith.addi %scan3A_38, %scan3A_39 : i32
    %scan3A_41 = arith.constant 1 : i32
    scf.for %scan3A_112 = %scan3A_38 to %scan3A_40 step %scan3A_41  : i32 {
      %mul3A_113 = arith.constant 1 : i32
      %mul3A_114 = arith.muli %scan3A_112, %mul3A_113 : i32
      %add3A_115 = arith.constant 0 : i32
      %add3A_116 = arith.addi %add3A_115, %mul3A_114 : i32
      %mul3A_117 = arith.constant 4 : i32
      %mul3A_118 = arith.muli %mul3A_117, %add3A_116 : i32
      %dma_wait3A_119 = arith.constant 0 : i32
      %dma_wait3A_120 = arith.constant 0 : i32
      %dma_wait3A_121 = tpu.memref_slice %arg2[%dma_wait3A_119, %dma_wait3A_120] : memref<10000x128xf32, #tpu.memory_space<hbm>> -> memref<80x128xf32, #tpu.memory_space<hbm>>
      %dma_wait3A_122 = arith.constant 0 : i32
      %dma_wait3A_123 = arith.constant 0 : i32
      %dma_wait3A_124 = tpu.memref_slice %arg2[%dma_wait3A_122, %dma_wait3A_123] : memref<10000x128xf32, #tpu.memory_space<hbm>> -> memref<80x128xf32, #tpu.memory_space<hbm>>
      tpu.wait_dma2 semaphore(%arg11 : memref<!tpu.dma_semaphore, #tpu.memory_space<semaphore_mem>>) src(%dma_wait3A_124 : memref<80x128xf32, #tpu.memory_space<hbm>>) dst(%arg9 : memref<80x128xf32, #tpu.memory_space<vmem>>)
      %run_scoped3A_125 = arith.constant 0 : i32
      "tpu.region"() ({
        %run_scoped3A_203 = tpu.sem_alloc : memref<!tpu.dma_semaphore, #tpu.memory_space<semaphore_mem>>
        %dma_start3A_204 = arith.constant 0 : i32
        %dma_start3A_205 = tpu.memref_slice %arg8[%run_scoped3A_125, %dma_start3A_204] : memref<4x80xi32, #tpu.memory_space<vmem>> -> memref<1x80xi32, #tpu.memory_space<vmem>>
        %dma_start3A_206 = tpu.memref_squeeze %dma_start3A_205 : memref<1x80xi32, #tpu.memory_space<vmem>> -> memref<80xi32, #tpu.memory_space<vmem>>
        %dma_start3A_207 = arith.constant 0 : i32
        %dma_start3A_208 = arith.constant 0 : i32
        %dma_start3A_209 = tpu.memref_slice %arg5[%dma_start3A_207, %dma_start3A_208] : memref<10240x128xf32, #tpu.memory_space<vmem_shared>> -> memref<10240x128xf32, #tpu.memory_space<vmem_shared>>
        tpu.enqueue_indirect_dma source(%arg9 : memref<80x128xf32, #tpu.memory_space<vmem>>) target(%dma_start3A_209 : memref<10240x128xf32, #tpu.memory_space<vmem_shared>>) offsets(%dma_start3A_206 : memref<80xi32, #tpu.memory_space<vmem>>) semaphore(%run_scoped3A_203 : memref<!tpu.dma_semaphore, #tpu.memory_space<semaphore_mem>>) {add = true}
        %dma_wait3A_210 = arith.constant 0 : i32
        %dma_wait3A_211 = tpu.memref_slice %arg8[%run_scoped3A_125, %dma_wait3A_210] : memref<4x80xi32, #tpu.memory_space<vmem>> -> memref<1x80xi32, #tpu.memory_space<vmem>>
        %dma_wait3A_212 = tpu.memref_squeeze %dma_wait3A_211 : memref<1x80xi32, #tpu.memory_space<vmem>> -> memref<80xi32, #tpu.memory_space<vmem>>
        %dma_wait3A_213 = arith.constant 0 : i32
        %dma_wait3A_214 = arith.constant 0 : i32
        %dma_wait3A_215 = tpu.memref_slice %arg5[%dma_wait3A_213, %dma_wait3A_214] : memref<10240x128xf32, #tpu.memory_space<vmem_shared>> -> memref<10240x128xf32, #tpu.memory_space<vmem_shared>>
        tpu.wait_indirect_dma semaphore(%run_scoped3A_203 : memref<!tpu.dma_semaphore, #tpu.memory_space<semaphore_mem>>) src(%arg9 : memref<80x128xf32, #tpu.memory_space<vmem>>) dst(%dma_wait3A_215 : memref<10240x128xf32, #tpu.memory_space<vmem_shared>>)
        tpu.yield
      }) : () -> ()
      %dma_start3A_126 = arith.constant 2 : i32
      %dma_start3A_127 = arith.constant 0 : i32
      %dma_start3A_128 = tpu.memref_slice %arg7[%dma_start3A_126, %dma_start3A_127] : memref<4x80xi32, #tpu.memory_space<vmem>> -> memref<1x80xi32, #tpu.memory_space<vmem>>
      %dma_start3A_129 = tpu.memref_squeeze %dma_start3A_128 : memref<1x80xi32, #tpu.memory_space<vmem>> -> memref<80xi32, #tpu.memory_space<vmem>>
      %dma_start3A_130 = arith.constant 0 : i32
      %dma_start3A_131 = arith.constant 0 : i32
      %dma_start3A_132 = tpu.memref_slice %arg2[%dma_start3A_130, %dma_start3A_131] : memref<10000x128xf32, #tpu.memory_space<hbm>> -> memref<10000x128xf32, #tpu.memory_space<hbm>>
      tpu.enqueue_indirect_dma source(%dma_start3A_132 : memref<10000x128xf32, #tpu.memory_space<hbm>>) target(%arg9 : memref<80x128xf32, #tpu.memory_space<vmem>>) offsets(%dma_start3A_129 : memref<80xi32, #tpu.memory_space<vmem>>) semaphore(%arg11 : memref<!tpu.dma_semaphore, #tpu.memory_space<semaphore_mem>>)
      %add3A_133 = arith.constant 3 : i32
      %add3A_134 = arith.addi %mul3A_118, %add3A_133 : i32
      %scan3A_135 = arith.constant 0 : i32
      %scan3A_136 = arith.constant 5 : i32
      %scan3A_137 = arith.addi %scan3A_135, %scan3A_136 : i32
      %scan3A_138 = arith.constant 1 : i32
      scf.for %scan3A_203 = %scan3A_135 to %scan3A_137 step %scan3A_138  : i32 {
        %mul3A_204 = arith.constant 16 : i32
        %mul3A_205 = arith.muli %scan3A_203, %mul3A_204 : i32
        %add3A_206 = arith.constant 0 : i32
        %add3A_207 = arith.addi %add3A_206, %mul3A_205 : i32
        %get3A = arith.index_cast %add3A_134 : i32 to index
        %get3A_208 = arith.index_cast %add3A_207 : i32 to index
        %get3A_209 = tpu.vector_load %arg6[%get3A, %get3A_208] {strides = array<i32>} : memref<125x80xi32, #tpu.memory_space<vmem>>, vector<1x16xi32>,
        %get3A_210 = vector.shape_cast %get3A_209 : vector<1x16xi32> to vector<16xi32>
        %shift_right_arithmetic3A = arith.constant 16 : i32
        %shift_right_arithmetic3A_211 = vector.broadcast %shift_right_arithmetic3A : i32 to vector<16xi32>
        %shift_right_arithmetic3A_212 = arith.shrsi %get3A_210, %shift_right_arithmetic3A_211 : vector<16xi32>
        %swap3A = arith.constant 3 : i32
        %swap3A_213 = arith.index_cast %swap3A : i32 to index
        %swap3A_214 = arith.index_cast %add3A_207 : i32 to index
        %swap3A_215 = tpu.vector_load %arg7[%swap3A_213, %swap3A_214] {strides = array<i32>} : memref<4x80xi32, #tpu.memory_space<vmem>>, vector<1x16xi32>,
        %swap3A_216 = vector.shape_cast %swap3A_215 : vector<1x16xi32> to vector<16xi32>
        %swap3A_217 = vector.shape_cast %shift_right_arithmetic3A_212 : vector<16xi32> to vector<1x16xi32>
        tpu.vector_store %arg7[%swap3A_213, %swap3A_214], %swap3A_217 {strides = array<i32>} : memref<4x80xi32, #tpu.memory_space<vmem>>, vector<1x16xi32>,
        %and3A = arith.constant 65535 : i32
        %and3A_218 = vector.broadcast %and3A : i32 to vector<16xi32>
        %and3A_219 = arith.andi %get3A_210, %and3A_218 : vector<16xi32>
        %swap3A_220 = arith.constant 3 : i32
        %swap3A_221 = arith.index_cast %swap3A_220 : i32 to index
        %swap3A_222 = arith.index_cast %add3A_207 : i32 to index
        %swap3A_223 = tpu.vector_load %arg8[%swap3A_221, %swap3A_222] {strides = array<i32>} : memref<4x80xi32, #tpu.memory_space<vmem>>, vector<1x16xi32>,
        %swap3A_224 = vector.shape_cast %swap3A_223 : vector<1x16xi32> to vector<16xi32>
        %swap3A_225 = vector.shape_cast %and3A_219 : vector<16xi32> to vector<1x16xi32>
        tpu.vector_store %arg8[%swap3A_221, %swap3A_222], %swap3A_225 {strides = array<i32>} : memref<4x80xi32, #tpu.memory_space<vmem>>, vector<1x16xi32>,
      }
      %scan3A_139 = arith.constant 5 : i32
      %dma_wait3A_140 = arith.constant 0 : i32
      %dma_wait3A_141 = arith.constant 0 : i32
      %dma_wait3A_142 = tpu.memref_slice %arg2[%dma_wait3A_140, %dma_wait3A_141] : memref<10000x128xf32, #tpu.memory_space<hbm>> -> memref<80x128xf32, #tpu.memory_space<hbm>>
      %dma_wait3A_143 = arith.constant 0 : i32
      %dma_wait3A_144 = arith.constant 0 : i32
      %dma_wait3A_145 = tpu.memref_slice %arg2[%dma_wait3A_143, %dma_wait3A_144] : memref<10000x128xf32, #tpu.memory_space<hbm>> -> memref<80x128xf32, #tpu.memory_space<hbm>>
      tpu.wait_dma2 semaphore(%arg12 : memref<!tpu.dma_semaphore, #tpu.memory_space<semaphore_mem>>) src(%dma_wait3A_145 : memref<80x128xf32, #tpu.memory_space<hbm>>) dst(%arg10 : memref<80x128xf32, #tpu.memory_space<vmem>>)
      %run_scoped3A_146 = arith.constant 1 : i32
      "tpu.region"() ({
        %run_scoped3A_203 = tpu.sem_alloc : memref<!tpu.dma_semaphore, #tpu.memory_space<semaphore_mem>>
        %dma_start3A_204 = arith.constant 0 : i32
        %dma_start3A_205 = tpu.memref_slice %arg8[%run_scoped3A_146, %dma_start3A_204] : memref<4x80xi32, #tpu.memory_space<vmem>> -> memref<1x80xi32, #tpu.memory_space<vmem>>
        %dma_start3A_206 = tpu.memref_squeeze %dma_start3A_205 : memref<1x80xi32, #tpu.memory_space<vmem>> -> memref<80xi32, #tpu.memory_space<vmem>>
        %dma_start3A_207 = arith.constant 0 : i32
        %dma_start3A_208 = arith.constant 0 : i32
        %dma_start3A_209 = tpu.memref_slice %arg5[%dma_start3A_207, %dma_start3A_208] : memref<10240x128xf32, #tpu.memory_space<vmem_shared>> -> memref<10240x128xf32, #tpu.memory_space<vmem_shared>>
        tpu.enqueue_indirect_dma source(%arg10 : memref<80x128xf32, #tpu.memory_space<vmem>>) target(%dma_start3A_209 : memref<10240x128xf32, #tpu.memory_space<vmem_shared>>) offsets(%dma_start3A_206 : memref<80xi32, #tpu.memory_space<vmem>>) semaphore(%run_scoped3A_203 : memref<!tpu.dma_semaphore, #tpu.memory_space<semaphore_mem>>) {add = true}
        %dma_wait3A_210 = arith.constant 0 : i32
        %dma_wait3A_211 = tpu.memref_slice %arg8[%run_scoped3A_146, %dma_wait3A_210] : memref<4x80xi32, #tpu.memory_space<vmem>> -> memref<1x80xi32, #tpu.memory_space<vmem>>
        %dma_wait3A_212 = tpu.memref_squeeze %dma_wait3A_211 : memref<1x80xi32, #tpu.memory_space<vmem>> -> memref<80xi32, #tpu.memory_space<vmem>>
        %dma_wait3A_213 = arith.constant 0 : i32
        %dma_wait3A_214 = arith.constant 0 : i32
        %dma_wait3A_215 = tpu.memref_slice %arg5[%dma_wait3A_213, %dma_wait3A_214] : memref<10240x128xf32, #tpu.memory_space<vmem_shared>> -> memref<10240x128xf32, #tpu.memory_space<vmem_shared>>
        tpu.wait_indirect_dma semaphore(%run_scoped3A_203 : memref<!tpu.dma_semaphore, #tpu.memory_space<semaphore_mem>>) src(%arg10 : memref<80x128xf32, #tpu.memory_space<vmem>>) dst(%dma_wait3A_215 : memref<10240x128xf32, #tpu.memory_space<vmem_shared>>)
        tpu.yield
      }) : () -> ()
      %dma_start3A_147 = arith.constant 3 : i32
      %dma_start3A_148 = arith.constant 0 : i32
      %dma_start3A_149 = tpu.memref_slice %arg7[%dma_start3A_147, %dma_start3A_148] : memref<4x80xi32, #tpu.memory_space<vmem>> -> memref<1x80xi32, #tpu.memory_space<vmem>>
      %dma_start3A_150 = tpu.memref_squeeze %dma_start3A_149 : memref<1x80xi32, #tpu.memory_space<vmem>> -> memref<80xi32, #tpu.memory_space<vmem>>
      %dma_start3A_151 = arith.constant 0 : i32
      %dma_start3A_152 = arith.constant 0 : i32
      %dma_start3A_153 = tpu.memref_slice %arg2[%dma_start3A_151, %dma_start3A_152] : memref<10000x128xf32, #tpu.memory_space<hbm>> -> memref<10000x128xf32, #tpu.memory_space<hbm>>
      tpu.enqueue_indirect_dma source(%dma_start3A_153 : memref<10000x128xf32, #tpu.memory_space<hbm>>) target(%arg10 : memref<80x128xf32, #tpu.memory_space<vmem>>) offsets(%dma_start3A_150 : memref<80xi32, #tpu.memory_space<vmem>>) semaphore(%arg12 : memref<!tpu.dma_semaphore, #tpu.memory_space<semaphore_mem>>)
      %add3A_154 = arith.constant 4 : i32
      %add3A_155 = arith.addi %mul3A_118, %add3A_154 : i32
      %scan3A_156 = arith.constant 0 : i32
      %scan3A_157 = arith.constant 5 : i32
      %scan3A_158 = arith.addi %scan3A_156, %scan3A_157 : i32
      %scan3A_159 = arith.constant 1 : i32
      scf.for %scan3A_203 = %scan3A_156 to %scan3A_158 step %scan3A_159  : i32 {
        %mul3A_204 = arith.constant 16 : i32
        %mul3A_205 = arith.muli %scan3A_203, %mul3A_204 : i32
        %add3A_206 = arith.constant 0 : i32
        %add3A_207 = arith.addi %add3A_206, %mul3A_205 : i32
        %get3A = arith.index_cast %add3A_155 : i32 to index
        %get3A_208 = arith.index_cast %add3A_207 : i32 to index
        %get3A_209 = tpu.vector_load %arg6[%get3A, %get3A_208] {strides = array<i32>} : memref<125x80xi32, #tpu.memory_space<vmem>>, vector<1x16xi32>,
        %get3A_210 = vector.shape_cast %get3A_209 : vector<1x16xi32> to vector<16xi32>
        %shift_right_arithmetic3A = arith.constant 16 : i32
        %shift_right_arithmetic3A_211 = vector.broadcast %shift_right_arithmetic3A : i32 to vector<16xi32>
        %shift_right_arithmetic3A_212 = arith.shrsi %get3A_210, %shift_right_arithmetic3A_211 : vector<16xi32>
        %swap3A = arith.constant 0 : i32
        %swap3A_213 = arith.index_cast %swap3A : i32 to index
        %swap3A_214 = arith.index_cast %add3A_207 : i32 to index
        %swap3A_215 = tpu.vector_load %arg7[%swap3A_213, %swap3A_214] {strides = array<i32>} : memref<4x80xi32, #tpu.memory_space<vmem>>, vector<1x16xi32>,
        %swap3A_216 = vector.shape_cast %swap3A_215 : vector<1x16xi32> to vector<16xi32>
        %swap3A_217 = vector.shape_cast %shift_right_arithmetic3A_212 : vector<16xi32> to vector<1x16xi32>
        tpu.vector_store %arg7[%swap3A_213, %swap3A_214], %swap3A_217 {strides = array<i32>} : memref<4x80xi32, #tpu.memory_space<vmem>>, vector<1x16xi32>,
        %and3A = arith.constant 65535 : i32
        %and3A_218 = vector.broadcast %and3A : i32 to vector<16xi32>
        %and3A_219 = arith.andi %get3A_210, %and3A_218 : vector<16xi32>
        %swap3A_220 = arith.constant 0 : i32
        %swap3A_221 = arith.index_cast %swap3A_220 : i32 to index
        %swap3A_222 = arith.index_cast %add3A_207 : i32 to index
        %swap3A_223 = tpu.vector_load %arg8[%swap3A_221, %swap3A_222] {strides = array<i32>} : memref<4x80xi32, #tpu.memory_space<vmem>>, vector<1x16xi32>,
        %swap3A_224 = vector.shape_cast %swap3A_223 : vector<1x16xi32> to vector<16xi32>
        %swap3A_225 = vector.shape_cast %and3A_219 : vector<16xi32> to vector<1x16xi32>
        tpu.vector_store %arg8[%swap3A_221, %swap3A_222], %swap3A_225 {strides = array<i32>} : memref<4x80xi32, #tpu.memory_space<vmem>>, vector<1x16xi32>,
      }
      %scan3A_160 = arith.constant 5 : i32
      %dma_wait3A_161 = arith.constant 0 : i32
      %dma_wait3A_162 = arith.constant 0 : i32
      %dma_wait3A_163 = tpu.memref_slice %arg2[%dma_wait3A_161, %dma_wait3A_162] : memref<10000x128xf32, #tpu.memory_space<hbm>> -> memref<80x128xf32, #tpu.memory_space<hbm>>
      %dma_wait3A_164 = arith.constant 0 : i32
      %dma_wait3A_165 = arith.constant 0 : i32
      %dma_wait3A_166 = tpu.memref_slice %arg2[%dma_wait3A_164, %dma_wait3A_165] : memref<10000x128xf32, #tpu.memory_space<hbm>> -> memref<80x128xf32, #tpu.memory_space<hbm>>
      tpu.wait_dma2 semaphore(%arg11 : memref<!tpu.dma_semaphore, #tpu.memory_space<semaphore_mem>>) src(%dma_wait3A_166 : memref<80x128xf32, #tpu.memory_space<hbm>>) dst(%arg9 : memref<80x128xf32, #tpu.memory_space<vmem>>)
      %run_scoped3A_167 = arith.constant 2 : i32
      "tpu.region"() ({
        %run_scoped3A_203 = tpu.sem_alloc : memref<!tpu.dma_semaphore, #tpu.memory_space<semaphore_mem>>
        %dma_start3A_204 = arith.constant 0 : i32
        %dma_start3A_205 = tpu.memref_slice %arg8[%run_scoped3A_167, %dma_start3A_204] : memref<4x80xi32, #tpu.memory_space<vmem>> -> memref<1x80xi32, #tpu.memory_space<vmem>>
        %dma_start3A_206 = tpu.memref_squeeze %dma_start3A_205 : memref<1x80xi32, #tpu.memory_space<vmem>> -> memref<80xi32, #tpu.memory_space<vmem>>
        %dma_start3A_207 = arith.constant 0 : i32
        %dma_start3A_208 = arith.constant 0 : i32
        %dma_start3A_209 = tpu.memref_slice %arg5[%dma_start3A_207, %dma_start3A_208] : memref<10240x128xf32, #tpu.memory_space<vmem_shared>> -> memref<10240x128xf32, #tpu.memory_space<vmem_shared>>
        tpu.enqueue_indirect_dma source(%arg9 : memref<80x128xf32, #tpu.memory_space<vmem>>) target(%dma_start3A_209 : memref<10240x128xf32, #tpu.memory_space<vmem_shared>>) offsets(%dma_start3A_206 : memref<80xi32, #tpu.memory_space<vmem>>) semaphore(%run_scoped3A_203 : memref<!tpu.dma_semaphore, #tpu.memory_space<semaphore_mem>>) {add = true}
        %dma_wait3A_210 = arith.constant 0 : i32
        %dma_wait3A_211 = tpu.memref_slice %arg8[%run_scoped3A_167, %dma_wait3A_210] : memref<4x80xi32, #tpu.memory_space<vmem>> -> memref<1x80xi32, #tpu.memory_space<vmem>>
        %dma_wait3A_212 = tpu.memref_squeeze %dma_wait3A_211 : memref<1x80xi32, #tpu.memory_space<vmem>> -> memref<80xi32, #tpu.memory_space<vmem>>
        %dma_wait3A_213 = arith.constant 0 : i32
        %dma_wait3A_214 = arith.constant 0 : i32
        %dma_wait3A_215 = tpu.memref_slice %arg5[%dma_wait3A_213, %dma_wait3A_214] : memref<10240x128xf32, #tpu.memory_space<vmem_shared>> -> memref<10240x128xf32, #tpu.memory_space<vmem_shared>>
        tpu.wait_indirect_dma semaphore(%run_scoped3A_203 : memref<!tpu.dma_semaphore, #tpu.memory_space<semaphore_mem>>) src(%arg9 : memref<80x128xf32, #tpu.memory_space<vmem>>) dst(%dma_wait3A_215 : memref<10240x128xf32, #tpu.memory_space<vmem_shared>>)
        tpu.yield
      }) : () -> ()
      %dma_start3A_168 = arith.constant 0 : i32
      %dma_start3A_169 = arith.constant 0 : i32
      %dma_start3A_170 = tpu.memref_slice %arg7[%dma_start3A_168, %dma_start3A_169] : memref<4x80xi32, #tpu.memory_space<vmem>> -> memref<1x80xi32, #tpu.memory_space<vmem>>
      %dma_start3A_171 = tpu.memref_squeeze %dma_start3A_170 : memref<1x80xi32, #tpu.memory_space<vmem>> -> memref<80xi32, #tpu.memory_space<vmem>>
      %dma_start3A_172 = arith.constant 0 : i32
      %dma_start3A_173 = arith.constant 0 : i32
      %dma_start3A_174 = tpu.memref_slice %arg2[%dma_start3A_172, %dma_start3A_173] : memref<10000x128xf32, #tpu.memory_space<hbm>> -> memref<10000x128xf32, #tpu.memory_space<hbm>>
      tpu.enqueue_indirect_dma source(%dma_start3A_174 : memref<10000x128xf32, #tpu.memory_space<hbm>>) target(%arg9 : memref<80x128xf32, #tpu.memory_space<vmem>>) offsets(%dma_start3A_171 : memref<80xi32, #tpu.memory_space<vmem>>) semaphore(%arg11 : memref<!tpu.dma_semaphore, #tpu.memory_space<semaphore_mem>>)
      %add3A_175 = arith.constant 5 : i32
      %add3A_176 = arith.addi %mul3A_118, %add3A_175 : i32
      %scan3A_177 = arith.constant 0 : i32
      %scan3A_178 = arith.constant 5 : i32
      %scan3A_179 = arith.addi %scan3A_177, %scan3A_178 : i32
      %scan3A_180 = arith.constant 1 : i32
      scf.for %scan3A_203 = %scan3A_177 to %scan3A_179 step %scan3A_180  : i32 {
        %mul3A_204 = arith.constant 16 : i32
        %mul3A_205 = arith.muli %scan3A_203, %mul3A_204 : i32
        %add3A_206 = arith.constant 0 : i32
        %add3A_207 = arith.addi %add3A_206, %mul3A_205 : i32
        %get3A = arith.index_cast %add3A_176 : i32 to index
        %get3A_208 = arith.index_cast %add3A_207 : i32 to index
        %get3A_209 = tpu.vector_load %arg6[%get3A, %get3A_208] {strides = array<i32>} : memref<125x80xi32, #tpu.memory_space<vmem>>, vector<1x16xi32>,
        %get3A_210 = vector.shape_cast %get3A_209 : vector<1x16xi32> to vector<16xi32>
        %shift_right_arithmetic3A = arith.constant 16 : i32
        %shift_right_arithmetic3A_211 = vector.broadcast %shift_right_arithmetic3A : i32 to vector<16xi32>
        %shift_right_arithmetic3A_212 = arith.shrsi %get3A_210, %shift_right_arithmetic3A_211 : vector<16xi32>
        %swap3A = arith.constant 1 : i32
        %swap3A_213 = arith.index_cast %swap3A : i32 to index
        %swap3A_214 = arith.index_cast %add3A_207 : i32 to index
        %swap3A_215 = tpu.vector_load %arg7[%swap3A_213, %swap3A_214] {strides = array<i32>} : memref<4x80xi32, #tpu.memory_space<vmem>>, vector<1x16xi32>,
        %swap3A_216 = vector.shape_cast %swap3A_215 : vector<1x16xi32> to vector<16xi32>
        %swap3A_217 = vector.shape_cast %shift_right_arithmetic3A_212 : vector<16xi32> to vector<1x16xi32>
        tpu.vector_store %arg7[%swap3A_213, %swap3A_214], %swap3A_217 {strides = array<i32>} : memref<4x80xi32, #tpu.memory_space<vmem>>, vector<1x16xi32>,
        %and3A = arith.constant 65535 : i32
        %and3A_218 = vector.broadcast %and3A : i32 to vector<16xi32>
        %and3A_219 = arith.andi %get3A_210, %and3A_218 : vector<16xi32>
        %swap3A_220 = arith.constant 1 : i32
        %swap3A_221 = arith.index_cast %swap3A_220 : i32 to index
        %swap3A_222 = arith.index_cast %add3A_207 : i32 to index
        %swap3A_223 = tpu.vector_load %arg8[%swap3A_221, %swap3A_222] {strides = array<i32>} : memref<4x80xi32, #tpu.memory_space<vmem>>, vector<1x16xi32>,
        %swap3A_224 = vector.shape_cast %swap3A_223 : vector<1x16xi32> to vector<16xi32>
        %swap3A_225 = vector.shape_cast %and3A_219 : vector<16xi32> to vector<1x16xi32>
        tpu.vector_store %arg8[%swap3A_221, %swap3A_222], %swap3A_225 {strides = array<i32>} : memref<4x80xi32, #tpu.memory_space<vmem>>, vector<1x16xi32>,
      }
      %scan3A_181 = arith.constant 5 : i32
      %dma_wait3A_182 = arith.constant 0 : i32
      %dma_wait3A_183 = arith.constant 0 : i32
      %dma_wait3A_184 = tpu.memref_slice %arg2[%dma_wait3A_182, %dma_wait3A_183] : memref<10000x128xf32, #tpu.memory_space<hbm>> -> memref<80x128xf32, #tpu.memory_space<hbm>>
      %dma_wait3A_185 = arith.constant 0 : i32
      %dma_wait3A_186 = arith.constant 0 : i32
      %dma_wait3A_187 = tpu.memref_slice %arg2[%dma_wait3A_185, %dma_wait3A_186] : memref<10000x128xf32, #tpu.memory_space<hbm>> -> memref<80x128xf32, #tpu.memory_space<hbm>>
      tpu.wait_dma2 semaphore(%arg12 : memref<!tpu.dma_semaphore, #tpu.memory_space<semaphore_mem>>) src(%dma_wait3A_187 : memref<80x128xf32, #tpu.memory_space<hbm>>) dst(%arg10 : memref<80x128xf32, #tpu.memory_space<vmem>>)
      %run_scoped3A_188 = arith.constant 3 : i32
      "tpu.region"() ({
        %run_scoped3A_203 = tpu.sem_alloc : memref<!tpu.dma_semaphore, #tpu.memory_space<semaphore_mem>>
        %dma_start3A_204 = arith.constant 0 : i32
        %dma_start3A_205 = tpu.memref_slice %arg8[%run_scoped3A_188, %dma_start3A_204] : memref<4x80xi32, #tpu.memory_space<vmem>> -> memref<1x80xi32, #tpu.memory_space<vmem>>
        %dma_start3A_206 = tpu.memref_squeeze %dma_start3A_205 : memref<1x80xi32, #tpu.memory_space<vmem>> -> memref<80xi32, #tpu.memory_space<vmem>>
        %dma_start3A_207 = arith.constant 0 : i32
        %dma_start3A_208 = arith.constant 0 : i32
        %dma_start3A_209 = tpu.memref_slice %arg5[%dma_start3A_207, %dma_start3A_208] : memref<10240x128xf32, #tpu.memory_space<vmem_shared>> -> memref<10240x128xf32, #tpu.memory_space<vmem_shared>>
        tpu.enqueue_indirect_dma source(%arg10 : memref<80x128xf32, #tpu.memory_space<vmem>>) target(%dma_start3A_209 : memref<10240x128xf32, #tpu.memory_space<vmem_shared>>) offsets(%dma_start3A_206 : memref<80xi32, #tpu.memory_space<vmem>>) semaphore(%run_scoped3A_203 : memref<!tpu.dma_semaphore, #tpu.memory_space<semaphore_mem>>) {add = true}
        %dma_wait3A_210 = arith.constant 0 : i32
        %dma_wait3A_211 = tpu.memref_slice %arg8[%run_scoped3A_188, %dma_wait3A_210] : memref<4x80xi32, #tpu.memory_space<vmem>> -> memref<1x80xi32, #tpu.memory_space<vmem>>
        %dma_wait3A_212 = tpu.memref_squeeze %dma_wait3A_211 : memref<1x80xi32, #tpu.memory_space<vmem>> -> memref<80xi32, #tpu.memory_space<vmem>>
        %dma_wait3A_213 = arith.constant 0 : i32
        %dma_wait3A_214 = arith.constant 0 : i32
        %dma_wait3A_215 = tpu.memref_slice %arg5[%dma_wait3A_213, %dma_wait3A_214] : memref<10240x128xf32, #tpu.memory_space<vmem_shared>> -> memref<10240x128xf32, #tpu.memory_space<vmem_shared>>
        tpu.wait_indirect_dma semaphore(%run_scoped3A_203 : memref<!tpu.dma_semaphore, #tpu.memory_space<semaphore_mem>>) src(%arg10 : memref<80x128xf32, #tpu.memory_space<vmem>>) dst(%dma_wait3A_215 : memref<10240x128xf32, #tpu.memory_space<vmem_shared>>)
        tpu.yield
      }) : () -> ()
      %dma_start3A_189 = arith.constant 1 : i32
      %dma_start3A_190 = arith.constant 0 : i32
      %dma_start3A_191 = tpu.memref_slice %arg7[%dma_start3A_189, %dma_start3A_190] : memref<4x80xi32, #tpu.memory_space<vmem>> -> memref<1x80xi32, #tpu.memory_space<vmem>>
      %dma_start3A_192 = tpu.memref_squeeze %dma_start3A_191 : memref<1x80xi32, #tpu.memory_space<vmem>> -> memref<80xi32, #tpu.memory_space<vmem>>
      %dma_start3A_193 = arith.constant 0 : i32
      %dma_start3A_194 = arith.constant 0 : i32
      %dma_start3A_195 = tpu.memref_slice %arg2[%dma_start3A_193, %dma_start3A_194] : memref<10000x128xf32, #tpu.memory_space<hbm>> -> memref<10000x128xf32, #tpu.memory_space<hbm>>
      tpu.enqueue_indirect_dma source(%dma_start3A_195 : memref<10000x128xf32, #tpu.memory_space<hbm>>) target(%arg10 : memref<80x128xf32, #tpu.memory_space<vmem>>) offsets(%dma_start3A_192 : memref<80xi32, #tpu.memory_space<vmem>>) semaphore(%arg12 : memref<!tpu.dma_semaphore, #tpu.memory_space<semaphore_mem>>)
      %add3A_196 = arith.constant 6 : i32
      %add3A_197 = arith.addi %mul3A_118, %add3A_196 : i32
      %scan3A_198 = arith.constant 0 : i32
      %scan3A_199 = arith.constant 5 : i32
      %scan3A_200 = arith.addi %scan3A_198, %scan3A_199 : i32
      %scan3A_201 = arith.constant 1 : i32
      scf.for %scan3A_203 = %scan3A_198 to %scan3A_200 step %scan3A_201  : i32 {
        %mul3A_204 = arith.constant 16 : i32
        %mul3A_205 = arith.muli %scan3A_203, %mul3A_204 : i32
        %add3A_206 = arith.constant 0 : i32
        %add3A_207 = arith.addi %add3A_206, %mul3A_205 : i32
        %get3A = arith.index_cast %add3A_197 : i32 to index
        %get3A_208 = arith.index_cast %add3A_207 : i32 to index
        %get3A_209 = tpu.vector_load %arg6[%get3A, %get3A_208] {strides = array<i32>} : memref<125x80xi32, #tpu.memory_space<vmem>>, vector<1x16xi32>,
        %get3A_210 = vector.shape_cast %get3A_209 : vector<1x16xi32> to vector<16xi32>
        %shift_right_arithmetic3A = arith.constant 16 : i32
        %shift_right_arithmetic3A_211 = vector.broadcast %shift_right_arithmetic3A : i32 to vector<16xi32>
        %shift_right_arithmetic3A_212 = arith.shrsi %get3A_210, %shift_right_arithmetic3A_211 : vector<16xi32>
        %swap3A = arith.constant 2 : i32
        %swap3A_213 = arith.index_cast %swap3A : i32 to index
        %swap3A_214 = arith.index_cast %add3A_207 : i32 to index
        %swap3A_215 = tpu.vector_load %arg7[%swap3A_213, %swap3A_214] {strides = array<i32>} : memref<4x80xi32, #tpu.memory_space<vmem>>, vector<1x16xi32>,
        %swap3A_216 = vector.shape_cast %swap3A_215 : vector<1x16xi32> to vector<16xi32>
        %swap3A_217 = vector.shape_cast %shift_right_arithmetic3A_212 : vector<16xi32> to vector<1x16xi32>
        tpu.vector_store %arg7[%swap3A_213, %swap3A_214], %swap3A_217 {strides = array<i32>} : memref<4x80xi32, #tpu.memory_space<vmem>>, vector<1x16xi32>,
        %and3A = arith.constant 65535 : i32
        %and3A_218 = vector.broadcast %and3A : i32 to vector<16xi32>
        %and3A_219 = arith.andi %get3A_210, %and3A_218 : vector<16xi32>
        %swap3A_220 = arith.constant 2 : i32
        %swap3A_221 = arith.index_cast %swap3A_220 : i32 to index
        %swap3A_222 = arith.index_cast %add3A_207 : i32 to index
        %swap3A_223 = tpu.vector_load %arg8[%swap3A_221, %swap3A_222] {strides = array<i32>} : memref<4x80xi32, #tpu.memory_space<vmem>>, vector<1x16xi32>,
        %swap3A_224 = vector.shape_cast %swap3A_223 : vector<1x16xi32> to vector<16xi32>
        %swap3A_225 = vector.shape_cast %and3A_219 : vector<16xi32> to vector<1x16xi32>
        tpu.vector_store %arg8[%swap3A_221, %swap3A_222], %swap3A_225 {strides = array<i32>} : memref<4x80xi32, #tpu.memory_space<vmem>>, vector<1x16xi32>,
      }
      %scan3A_202 = arith.constant 5 : i32
    }
    %scan3A_42 = arith.constant 30 : i32
    %dma_wait3A = arith.constant 0 : i32
    %dma_wait3A_43 = arith.constant 0 : i32
    %dma_wait3A_44 = tpu.memref_slice %arg2[%dma_wait3A, %dma_wait3A_43] : memref<10000x128xf32, #tpu.memory_space<hbm>> -> memref<80x128xf32, #tpu.memory_space<hbm>>
    %dma_wait3A_45 = arith.constant 0 : i32
    %dma_wait3A_46 = arith.constant 0 : i32
    %dma_wait3A_47 = tpu.memref_slice %arg2[%dma_wait3A_45, %dma_wait3A_46] : memref<10000x128xf32, #tpu.memory_space<hbm>> -> memref<80x128xf32, #tpu.memory_space<hbm>>
    tpu.wait_dma2 semaphore(%arg11 : memref<!tpu.dma_semaphore, #tpu.memory_space<semaphore_mem>>) src(%dma_wait3A_47 : memref<80x128xf32, #tpu.memory_space<hbm>>) dst(%arg9 : memref<80x128xf32, #tpu.memory_space<vmem>>)
    %run_scoped3A = arith.constant 0 : i32
    "tpu.region"() ({
      %run_scoped3A_112 = tpu.sem_alloc : memref<!tpu.dma_semaphore, #tpu.memory_space<semaphore_mem>>
      %dma_start3A_113 = arith.constant 0 : i32
      %dma_start3A_114 = tpu.memref_slice %arg8[%run_scoped3A, %dma_start3A_113] : memref<4x80xi32, #tpu.memory_space<vmem>> -> memref<1x80xi32, #tpu.memory_space<vmem>>
      %dma_start3A_115 = tpu.memref_squeeze %dma_start3A_114 : memref<1x80xi32, #tpu.memory_space<vmem>> -> memref<80xi32, #tpu.memory_space<vmem>>
      %dma_start3A_116 = arith.constant 0 : i32
      %dma_start3A_117 = arith.constant 0 : i32
      %dma_start3A_118 = tpu.memref_slice %arg5[%dma_start3A_116, %dma_start3A_117] : memref<10240x128xf32, #tpu.memory_space<vmem_shared>> -> memref<10240x128xf32, #tpu.memory_space<vmem_shared>>
      tpu.enqueue_indirect_dma source(%arg9 : memref<80x128xf32, #tpu.memory_space<vmem>>) target(%dma_start3A_118 : memref<10240x128xf32, #tpu.memory_space<vmem_shared>>) offsets(%dma_start3A_115 : memref<80xi32, #tpu.memory_space<vmem>>) semaphore(%run_scoped3A_112 : memref<!tpu.dma_semaphore, #tpu.memory_space<semaphore_mem>>) {add = true}
      %dma_wait3A_119 = arith.constant 0 : i32
      %dma_wait3A_120 = tpu.memref_slice %arg8[%run_scoped3A, %dma_wait3A_119] : memref<4x80xi32, #tpu.memory_space<vmem>> -> memref<1x80xi32, #tpu.memory_space<vmem>>
      %dma_wait3A_121 = tpu.memref_squeeze %dma_wait3A_120 : memref<1x80xi32, #tpu.memory_space<vmem>> -> memref<80xi32, #tpu.memory_space<vmem>>
      %dma_wait3A_122 = arith.constant 0 : i32
      %dma_wait3A_123 = arith.constant 0 : i32
      %dma_wait3A_124 = tpu.memref_slice %arg5[%dma_wait3A_122, %dma_wait3A_123] : memref<10240x128xf32, #tpu.memory_space<vmem_shared>> -> memref<10240x128xf32, #tpu.memory_space<vmem_shared>>
      tpu.wait_indirect_dma semaphore(%run_scoped3A_112 : memref<!tpu.dma_semaphore, #tpu.memory_space<semaphore_mem>>) src(%arg9 : memref<80x128xf32, #tpu.memory_space<vmem>>) dst(%dma_wait3A_124 : memref<10240x128xf32, #tpu.memory_space<vmem_shared>>)
      tpu.yield
    }) : () -> ()
    %dma_start3A_48 = arith.constant 2 : i32
    %dma_start3A_49 = arith.constant 0 : i32
    %dma_start3A_50 = tpu.memref_slice %arg7[%dma_start3A_48, %dma_start3A_49] : memref<4x80xi32, #tpu.memory_space<vmem>> -> memref<1x80xi32, #tpu.memory_space<vmem>>
    %dma_start3A_51 = tpu.memref_squeeze %dma_start3A_50 : memref<1x80xi32, #tpu.memory_space<vmem>> -> memref<80xi32, #tpu.memory_space<vmem>>
    %dma_start3A_52 = arith.constant 0 : i32
    %dma_start3A_53 = arith.constant 0 : i32
    %dma_start3A_54 = tpu.memref_slice %arg2[%dma_start3A_52, %dma_start3A_53] : memref<10000x128xf32, #tpu.memory_space<hbm>> -> memref<10000x128xf32, #tpu.memory_space<hbm>>
    tpu.enqueue_indirect_dma source(%dma_start3A_54 : memref<10000x128xf32, #tpu.memory_space<hbm>>) target(%arg9 : memref<80x128xf32, #tpu.memory_space<vmem>>) offsets(%dma_start3A_51 : memref<80xi32, #tpu.memory_space<vmem>>) semaphore(%arg11 : memref<!tpu.dma_semaphore, #tpu.memory_space<semaphore_mem>>)
    %scan3A_55 = arith.constant 0 : i32
    %scan3A_56 = arith.constant 5 : i32
    %scan3A_57 = arith.addi %scan3A_55, %scan3A_56 : i32
    %scan3A_58 = arith.constant 1 : i32
    scf.for %scan3A_112 = %scan3A_55 to %scan3A_57 step %scan3A_58  : i32 {
      %mul3A_113 = arith.constant 16 : i32
      %mul3A_114 = arith.muli %scan3A_112, %mul3A_113 : i32
      %add3A_115 = arith.constant 0 : i32
      %add3A_116 = arith.addi %add3A_115, %mul3A_114 : i32
      %get3A = arith.constant 123 : i32
      %get3A_117 = arith.index_cast %get3A : i32 to index
      %get3A_118 = arith.index_cast %add3A_116 : i32 to index
      %get3A_119 = tpu.vector_load %arg6[%get3A_117, %get3A_118] {strides = array<i32>} : memref<125x80xi32, #tpu.memory_space<vmem>>, vector<1x16xi32>,
      %get3A_120 = vector.shape_cast %get3A_119 : vector<1x16xi32> to vector<16xi32>
      %shift_right_arithmetic3A = arith.constant 16 : i32
      %shift_right_arithmetic3A_121 = vector.broadcast %shift_right_arithmetic3A : i32 to vector<16xi32>
      %shift_right_arithmetic3A_122 = arith.shrsi %get3A_120, %shift_right_arithmetic3A_121 : vector<16xi32>
      %swap3A = arith.constant 3 : i32
      %swap3A_123 = arith.index_cast %swap3A : i32 to index
      %swap3A_124 = arith.index_cast %add3A_116 : i32 to index
      %swap3A_125 = tpu.vector_load %arg7[%swap3A_123, %swap3A_124] {strides = array<i32>} : memref<4x80xi32, #tpu.memory_space<vmem>>, vector<1x16xi32>,
      %swap3A_126 = vector.shape_cast %swap3A_125 : vector<1x16xi32> to vector<16xi32>
      %swap3A_127 = vector.shape_cast %shift_right_arithmetic3A_122 : vector<16xi32> to vector<1x16xi32>
      tpu.vector_store %arg7[%swap3A_123, %swap3A_124], %swap3A_127 {strides = array<i32>} : memref<4x80xi32, #tpu.memory_space<vmem>>, vector<1x16xi32>,
      %and3A = arith.constant 65535 : i32
      %and3A_128 = vector.broadcast %and3A : i32 to vector<16xi32>
      %and3A_129 = arith.andi %get3A_120, %and3A_128 : vector<16xi32>
      %swap3A_130 = arith.constant 3 : i32
      %swap3A_131 = arith.index_cast %swap3A_130 : i32 to index
      %swap3A_132 = arith.index_cast %add3A_116 : i32 to index
      %swap3A_133 = tpu.vector_load %arg8[%swap3A_131, %swap3A_132] {strides = array<i32>} : memref<4x80xi32, #tpu.memory_space<vmem>>, vector<1x16xi32>,
      %swap3A_134 = vector.shape_cast %swap3A_133 : vector<1x16xi32> to vector<16xi32>
      %swap3A_135 = vector.shape_cast %and3A_129 : vector<16xi32> to vector<1x16xi32>
      tpu.vector_store %arg8[%swap3A_131, %swap3A_132], %swap3A_135 {strides = array<i32>} : memref<4x80xi32, #tpu.memory_space<vmem>>, vector<1x16xi32>,
    }
    %scan3A_59 = arith.constant 5 : i32
    %dma_wait3A_60 = arith.constant 0 : i32
    %dma_wait3A_61 = arith.constant 0 : i32
    %dma_wait3A_62 = tpu.memref_slice %arg2[%dma_wait3A_60, %dma_wait3A_61] : memref<10000x128xf32, #tpu.memory_space<hbm>> -> memref<80x128xf32, #tpu.memory_space<hbm>>
    %dma_wait3A_63 = arith.constant 0 : i32
    %dma_wait3A_64 = arith.constant 0 : i32
    %dma_wait3A_65 = tpu.memref_slice %arg2[%dma_wait3A_63, %dma_wait3A_64] : memref<10000x128xf32, #tpu.memory_space<hbm>> -> memref<80x128xf32, #tpu.memory_space<hbm>>
    tpu.wait_dma2 semaphore(%arg12 : memref<!tpu.dma_semaphore, #tpu.memory_space<semaphore_mem>>) src(%dma_wait3A_65 : memref<80x128xf32, #tpu.memory_space<hbm>>) dst(%arg10 : memref<80x128xf32, #tpu.memory_space<vmem>>)
    %run_scoped3A_66 = arith.constant 1 : i32
    "tpu.region"() ({
      %run_scoped3A_112 = tpu.sem_alloc : memref<!tpu.dma_semaphore, #tpu.memory_space<semaphore_mem>>
      %dma_start3A_113 = arith.constant 0 : i32
      %dma_start3A_114 = tpu.memref_slice %arg8[%run_scoped3A_66, %dma_start3A_113] : memref<4x80xi32, #tpu.memory_space<vmem>> -> memref<1x80xi32, #tpu.memory_space<vmem>>
      %dma_start3A_115 = tpu.memref_squeeze %dma_start3A_114 : memref<1x80xi32, #tpu.memory_space<vmem>> -> memref<80xi32, #tpu.memory_space<vmem>>
      %dma_start3A_116 = arith.constant 0 : i32
      %dma_start3A_117 = arith.constant 0 : i32
      %dma_start3A_118 = tpu.memref_slice %arg5[%dma_start3A_116, %dma_start3A_117] : memref<10240x128xf32, #tpu.memory_space<vmem_shared>> -> memref<10240x128xf32, #tpu.memory_space<vmem_shared>>
      tpu.enqueue_indirect_dma source(%arg10 : memref<80x128xf32, #tpu.memory_space<vmem>>) target(%dma_start3A_118 : memref<10240x128xf32, #tpu.memory_space<vmem_shared>>) offsets(%dma_start3A_115 : memref<80xi32, #tpu.memory_space<vmem>>) semaphore(%run_scoped3A_112 : memref<!tpu.dma_semaphore, #tpu.memory_space<semaphore_mem>>) {add = true}
      %dma_wait3A_119 = arith.constant 0 : i32
      %dma_wait3A_120 = tpu.memref_slice %arg8[%run_scoped3A_66, %dma_wait3A_119] : memref<4x80xi32, #tpu.memory_space<vmem>> -> memref<1x80xi32, #tpu.memory_space<vmem>>
      %dma_wait3A_121 = tpu.memref_squeeze %dma_wait3A_120 : memref<1x80xi32, #tpu.memory_space<vmem>> -> memref<80xi32, #tpu.memory_space<vmem>>
      %dma_wait3A_122 = arith.constant 0 : i32
      %dma_wait3A_123 = arith.constant 0 : i32
      %dma_wait3A_124 = tpu.memref_slice %arg5[%dma_wait3A_122, %dma_wait3A_123] : memref<10240x128xf32, #tpu.memory_space<vmem_shared>> -> memref<10240x128xf32, #tpu.memory_space<vmem_shared>>
      tpu.wait_indirect_dma semaphore(%run_scoped3A_112 : memref<!tpu.dma_semaphore, #tpu.memory_space<semaphore_mem>>) src(%arg10 : memref<80x128xf32, #tpu.memory_space<vmem>>) dst(%dma_wait3A_124 : memref<10240x128xf32, #tpu.memory_space<vmem_shared>>)
      tpu.yield
    }) : () -> ()
    %dma_start3A_67 = arith.constant 3 : i32
    %dma_start3A_68 = arith.constant 0 : i32
    %dma_start3A_69 = tpu.memref_slice %arg7[%dma_start3A_67, %dma_start3A_68] : memref<4x80xi32, #tpu.memory_space<vmem>> -> memref<1x80xi32, #tpu.memory_space<vmem>>
    %dma_start3A_70 = tpu.memref_squeeze %dma_start3A_69 : memref<1x80xi32, #tpu.memory_space<vmem>> -> memref<80xi32, #tpu.memory_space<vmem>>
    %dma_start3A_71 = arith.constant 0 : i32
    %dma_start3A_72 = arith.constant 0 : i32
    %dma_start3A_73 = tpu.memref_slice %arg2[%dma_start3A_71, %dma_start3A_72] : memref<10000x128xf32, #tpu.memory_space<hbm>> -> memref<10000x128xf32, #tpu.memory_space<hbm>>
    tpu.enqueue_indirect_dma source(%dma_start3A_73 : memref<10000x128xf32, #tpu.memory_space<hbm>>) target(%arg10 : memref<80x128xf32, #tpu.memory_space<vmem>>) offsets(%dma_start3A_70 : memref<80xi32, #tpu.memory_space<vmem>>) semaphore(%arg12 : memref<!tpu.dma_semaphore, #tpu.memory_space<semaphore_mem>>)
    %scan3A_74 = arith.constant 0 : i32
    %scan3A_75 = arith.constant 5 : i32
    %scan3A_76 = arith.addi %scan3A_74, %scan3A_75 : i32
    %scan3A_77 = arith.constant 1 : i32
    scf.for %scan3A_112 = %scan3A_74 to %scan3A_76 step %scan3A_77  : i32 {
      %mul3A_113 = arith.constant 16 : i32
      %mul3A_114 = arith.muli %scan3A_112, %mul3A_113 : i32
      %add3A_115 = arith.constant 0 : i32
      %add3A_116 = arith.addi %add3A_115, %mul3A_114 : i32
      %get3A = arith.constant 124 : i32
      %get3A_117 = arith.index_cast %get3A : i32 to index
      %get3A_118 = arith.index_cast %add3A_116 : i32 to index
      %get3A_119 = tpu.vector_load %arg6[%get3A_117, %get3A_118] {strides = array<i32>} : memref<125x80xi32, #tpu.memory_space<vmem>>, vector<1x16xi32>,
      %get3A_120 = vector.shape_cast %get3A_119 : vector<1x16xi32> to vector<16xi32>
      %shift_right_arithmetic3A = arith.constant 16 : i32
      %shift_right_arithmetic3A_121 = vector.broadcast %shift_right_arithmetic3A : i32 to vector<16xi32>
      %shift_right_arithmetic3A_122 = arith.shrsi %get3A_120, %shift_right_arithmetic3A_121 : vector<16xi32>
      %swap3A = arith.constant 0 : i32
      %swap3A_123 = arith.index_cast %swap3A : i32 to index
      %swap3A_124 = arith.index_cast %add3A_116 : i32 to index
      %swap3A_125 = tpu.vector_load %arg7[%swap3A_123, %swap3A_124] {strides = array<i32>} : memref<4x80xi32, #tpu.memory_space<vmem>>, vector<1x16xi32>,
      %swap3A_126 = vector.shape_cast %swap3A_125 : vector<1x16xi32> to vector<16xi32>
      %swap3A_127 = vector.shape_cast %shift_right_arithmetic3A_122 : vector<16xi32> to vector<1x16xi32>
      tpu.vector_store %arg7[%swap3A_123, %swap3A_124], %swap3A_127 {strides = array<i32>} : memref<4x80xi32, #tpu.memory_space<vmem>>, vector<1x16xi32>,
      %and3A = arith.constant 65535 : i32
      %and3A_128 = vector.broadcast %and3A : i32 to vector<16xi32>
      %and3A_129 = arith.andi %get3A_120, %and3A_128 : vector<16xi32>
      %swap3A_130 = arith.constant 0 : i32
      %swap3A_131 = arith.index_cast %swap3A_130 : i32 to index
      %swap3A_132 = arith.index_cast %add3A_116 : i32 to index
      %swap3A_133 = tpu.vector_load %arg8[%swap3A_131, %swap3A_132] {strides = array<i32>} : memref<4x80xi32, #tpu.memory_space<vmem>>, vector<1x16xi32>,
      %swap3A_134 = vector.shape_cast %swap3A_133 : vector<1x16xi32> to vector<16xi32>
      %swap3A_135 = vector.shape_cast %and3A_129 : vector<16xi32> to vector<1x16xi32>
      tpu.vector_store %arg8[%swap3A_131, %swap3A_132], %swap3A_135 {strides = array<i32>} : memref<4x80xi32, #tpu.memory_space<vmem>>, vector<1x16xi32>,
    }
    %scan3A_78 = arith.constant 5 : i32
    %dma_wait3A_79 = arith.constant 0 : i32
    %dma_wait3A_80 = arith.constant 0 : i32
    %dma_wait3A_81 = tpu.memref_slice %arg2[%dma_wait3A_79, %dma_wait3A_80] : memref<10000x128xf32, #tpu.memory_space<hbm>> -> memref<80x128xf32, #tpu.memory_space<hbm>>
    %dma_wait3A_82 = arith.constant 0 : i32
    %dma_wait3A_83 = arith.constant 0 : i32
    %dma_wait3A_84 = tpu.memref_slice %arg2[%dma_wait3A_82, %dma_wait3A_83] : memref<10000x128xf32, #tpu.memory_space<hbm>> -> memref<80x128xf32, #tpu.memory_space<hbm>>
    tpu.wait_dma2 semaphore(%arg11 : memref<!tpu.dma_semaphore, #tpu.memory_space<semaphore_mem>>) src(%dma_wait3A_84 : memref<80x128xf32, #tpu.memory_space<hbm>>) dst(%arg9 : memref<80x128xf32, #tpu.memory_space<vmem>>)
    %run_scoped3A_85 = arith.constant 2 : i32
    "tpu.region"() ({
      %run_scoped3A_112 = tpu.sem_alloc : memref<!tpu.dma_semaphore, #tpu.memory_space<semaphore_mem>>
      %dma_start3A_113 = arith.constant 0 : i32
      %dma_start3A_114 = tpu.memref_slice %arg8[%run_scoped3A_85, %dma_start3A_113] : memref<4x80xi32, #tpu.memory_space<vmem>> -> memref<1x80xi32, #tpu.memory_space<vmem>>
      %dma_start3A_115 = tpu.memref_squeeze %dma_start3A_114 : memref<1x80xi32, #tpu.memory_space<vmem>> -> memref<80xi32, #tpu.memory_space<vmem>>
      %dma_start3A_116 = arith.constant 0 : i32
      %dma_start3A_117 = arith.constant 0 : i32
      %dma_start3A_118 = tpu.memref_slice %arg5[%dma_start3A_116, %dma_start3A_117] : memref<10240x128xf32, #tpu.memory_space<vmem_shared>> -> memref<10240x128xf32, #tpu.memory_space<vmem_shared>>
      tpu.enqueue_indirect_dma source(%arg9 : memref<80x128xf32, #tpu.memory_space<vmem>>) target(%dma_start3A_118 : memref<10240x128xf32, #tpu.memory_space<vmem_shared>>) offsets(%dma_start3A_115 : memref<80xi32, #tpu.memory_space<vmem>>) semaphore(%run_scoped3A_112 : memref<!tpu.dma_semaphore, #tpu.memory_space<semaphore_mem>>) {add = true}
      %dma_wait3A_119 = arith.constant 0 : i32
      %dma_wait3A_120 = tpu.memref_slice %arg8[%run_scoped3A_85, %dma_wait3A_119] : memref<4x80xi32, #tpu.memory_space<vmem>> -> memref<1x80xi32, #tpu.memory_space<vmem>>
      %dma_wait3A_121 = tpu.memref_squeeze %dma_wait3A_120 : memref<1x80xi32, #tpu.memory_space<vmem>> -> memref<80xi32, #tpu.memory_space<vmem>>
      %dma_wait3A_122 = arith.constant 0 : i32
      %dma_wait3A_123 = arith.constant 0 : i32
      %dma_wait3A_124 = tpu.memref_slice %arg5[%dma_wait3A_122, %dma_wait3A_123] : memref<10240x128xf32, #tpu.memory_space<vmem_shared>> -> memref<10240x128xf32, #tpu.memory_space<vmem_shared>>
      tpu.wait_indirect_dma semaphore(%run_scoped3A_112 : memref<!tpu.dma_semaphore, #tpu.memory_space<semaphore_mem>>) src(%arg9 : memref<80x128xf32, #tpu.memory_space<vmem>>) dst(%dma_wait3A_124 : memref<10240x128xf32, #tpu.memory_space<vmem_shared>>)
      tpu.yield
    }) : () -> ()
    %dma_start3A_86 = arith.constant 0 : i32
    %dma_start3A_87 = arith.constant 0 : i32
    %dma_start3A_88 = tpu.memref_slice %arg7[%dma_start3A_86, %dma_start3A_87] : memref<4x80xi32, #tpu.memory_space<vmem>> -> memref<1x80xi32, #tpu.memory_space<vmem>>
    %dma_start3A_89 = tpu.memref_squeeze %dma_start3A_88 : memref<1x80xi32, #tpu.memory_space<vmem>> -> memref<80xi32, #tpu.memory_space<vmem>>
    %dma_start3A_90 = arith.constant 0 : i32
    %dma_start3A_91 = arith.constant 0 : i32
    %dma_start3A_92 = tpu.memref_slice %arg2[%dma_start3A_90, %dma_start3A_91] : memref<10000x128xf32, #tpu.memory_space<hbm>> -> memref<10000x128xf32, #tpu.memory_space<hbm>>
    tpu.enqueue_indirect_dma source(%dma_start3A_92 : memref<10000x128xf32, #tpu.memory_space<hbm>>) target(%arg9 : memref<80x128xf32, #tpu.memory_space<vmem>>) offsets(%dma_start3A_89 : memref<80xi32, #tpu.memory_space<vmem>>) semaphore(%arg11 : memref<!tpu.dma_semaphore, #tpu.memory_space<semaphore_mem>>)
    %dma_wait3A_93 = arith.constant 0 : i32
    %dma_wait3A_94 = arith.constant 0 : i32
    %dma_wait3A_95 = tpu.memref_slice %arg2[%dma_wait3A_93, %dma_wait3A_94] : memref<10000x128xf32, #tpu.memory_space<hbm>> -> memref<80x128xf32, #tpu.memory_space<hbm>>
    %dma_wait3A_96 = arith.constant 0 : i32
    %dma_wait3A_97 = arith.constant 0 : i32
    %dma_wait3A_98 = tpu.memref_slice %arg2[%dma_wait3A_96, %dma_wait3A_97] : memref<10000x128xf32, #tpu.memory_space<hbm>> -> memref<80x128xf32, #tpu.memory_space<hbm>>
    tpu.wait_dma2 semaphore(%arg12 : memref<!tpu.dma_semaphore, #tpu.memory_space<semaphore_mem>>) src(%dma_wait3A_98 : memref<80x128xf32, #tpu.memory_space<hbm>>) dst(%arg10 : memref<80x128xf32, #tpu.memory_space<vmem>>)
    %run_scoped3A_99 = arith.constant 3 : i32
    "tpu.region"() ({
      %run_scoped3A_112 = tpu.sem_alloc : memref<!tpu.dma_semaphore, #tpu.memory_space<semaphore_mem>>
      %dma_start3A_113 = arith.constant 0 : i32
      %dma_start3A_114 = tpu.memref_slice %arg8[%run_scoped3A_99, %dma_start3A_113] : memref<4x80xi32, #tpu.memory_space<vmem>> -> memref<1x80xi32, #tpu.memory_space<vmem>>
      %dma_start3A_115 = tpu.memref_squeeze %dma_start3A_114 : memref<1x80xi32, #tpu.memory_space<vmem>> -> memref<80xi32, #tpu.memory_space<vmem>>
      %dma_start3A_116 = arith.constant 0 : i32
      %dma_start3A_117 = arith.constant 0 : i32
      %dma_start3A_118 = tpu.memref_slice %arg5[%dma_start3A_116, %dma_start3A_117] : memref<10240x128xf32, #tpu.memory_space<vmem_shared>> -> memref<10240x128xf32, #tpu.memory_space<vmem_shared>>
      tpu.enqueue_indirect_dma source(%arg10 : memref<80x128xf32, #tpu.memory_space<vmem>>) target(%dma_start3A_118 : memref<10240x128xf32, #tpu.memory_space<vmem_shared>>) offsets(%dma_start3A_115 : memref<80xi32, #tpu.memory_space<vmem>>) semaphore(%run_scoped3A_112 : memref<!tpu.dma_semaphore, #tpu.memory_space<semaphore_mem>>) {add = true}
      %dma_wait3A_119 = arith.constant 0 : i32
      %dma_wait3A_120 = tpu.memref_slice %arg8[%run_scoped3A_99, %dma_wait3A_119] : memref<4x80xi32, #tpu.memory_space<vmem>> -> memref<1x80xi32, #tpu.memory_space<vmem>>
      %dma_wait3A_121 = tpu.memref_squeeze %dma_wait3A_120 : memref<1x80xi32, #tpu.memory_space<vmem>> -> memref<80xi32, #tpu.memory_space<vmem>>
      %dma_wait3A_122 = arith.constant 0 : i32
      %dma_wait3A_123 = arith.constant 0 : i32
      %dma_wait3A_124 = tpu.memref_slice %arg5[%dma_wait3A_122, %dma_wait3A_123] : memref<10240x128xf32, #tpu.memory_space<vmem_shared>> -> memref<10240x128xf32, #tpu.memory_space<vmem_shared>>
      tpu.wait_indirect_dma semaphore(%run_scoped3A_112 : memref<!tpu.dma_semaphore, #tpu.memory_space<semaphore_mem>>) src(%arg10 : memref<80x128xf32, #tpu.memory_space<vmem>>) dst(%dma_wait3A_124 : memref<10240x128xf32, #tpu.memory_space<vmem_shared>>)
      tpu.yield
    }) : () -> ()
    %dma_wait3A_100 = arith.constant 0 : i32
    %dma_wait3A_101 = arith.constant 0 : i32
    %dma_wait3A_102 = tpu.memref_slice %arg2[%dma_wait3A_100, %dma_wait3A_101] : memref<10000x128xf32, #tpu.memory_space<hbm>> -> memref<80x128xf32, #tpu.memory_space<hbm>>
    %dma_wait3A_103 = arith.constant 0 : i32
    %dma_wait3A_104 = arith.constant 0 : i32
    %dma_wait3A_105 = tpu.memref_slice %arg2[%dma_wait3A_103, %dma_wait3A_104] : memref<10000x128xf32, #tpu.memory_space<hbm>> -> memref<80x128xf32, #tpu.memory_space<hbm>>
    tpu.wait_dma2 semaphore(%arg11 : memref<!tpu.dma_semaphore, #tpu.memory_space<semaphore_mem>>) src(%dma_wait3A_105 : memref<80x128xf32, #tpu.memory_space<hbm>>) dst(%arg9 : memref<80x128xf32, #tpu.memory_space<vmem>>)
    %run_scoped3A_106 = arith.constant 0 : i32
    "tpu.region"() ({
      %run_scoped3A_112 = tpu.sem_alloc : memref<!tpu.dma_semaphore, #tpu.memory_space<semaphore_mem>>
      %dma_start3A_113 = arith.constant 0 : i32
      %dma_start3A_114 = tpu.memref_slice %arg8[%run_scoped3A_106, %dma_start3A_113] : memref<4x80xi32, #tpu.memory_space<vmem>> -> memref<1x80xi32, #tpu.memory_space<vmem>>
      %dma_start3A_115 = tpu.memref_squeeze %dma_start3A_114 : memref<1x80xi32, #tpu.memory_space<vmem>> -> memref<80xi32, #tpu.memory_space<vmem>>
      %dma_start3A_116 = arith.constant 0 : i32
      %dma_start3A_117 = arith.constant 0 : i32
      %dma_start3A_118 = tpu.memref_slice %arg5[%dma_start3A_116, %dma_start3A_117] : memref<10240x128xf32, #tpu.memory_space<vmem_shared>> -> memref<10240x128xf32, #tpu.memory_space<vmem_shared>>
      tpu.enqueue_indirect_dma source(%arg9 : memref<80x128xf32, #tpu.memory_space<vmem>>) target(%dma_start3A_118 : memref<10240x128xf32, #tpu.memory_space<vmem_shared>>) offsets(%dma_start3A_115 : memref<80xi32, #tpu.memory_space<vmem>>) semaphore(%run_scoped3A_112 : memref<!tpu.dma_semaphore, #tpu.memory_space<semaphore_mem>>) {add = true}
      %dma_wait3A_119 = arith.constant 0 : i32
      %dma_wait3A_120 = tpu.memref_slice %arg8[%run_scoped3A_106, %dma_wait3A_119] : memref<4x80xi32, #tpu.memory_space<vmem>> -> memref<1x80xi32, #tpu.memory_space<vmem>>
      %dma_wait3A_121 = tpu.memref_squeeze %dma_wait3A_120 : memref<1x80xi32, #tpu.memory_space<vmem>> -> memref<80xi32, #tpu.memory_space<vmem>>
      %dma_wait3A_122 = arith.constant 0 : i32
      %dma_wait3A_123 = arith.constant 0 : i32
      %dma_wait3A_124 = tpu.memref_slice %arg5[%dma_wait3A_122, %dma_wait3A_123] : memref<10240x128xf32, #tpu.memory_space<vmem_shared>> -> memref<10240x128xf32, #tpu.memory_space<vmem_shared>>
      tpu.wait_indirect_dma semaphore(%run_scoped3A_112 : memref<!tpu.dma_semaphore, #tpu.memory_space<semaphore_mem>>) src(%arg9 : memref<80x128xf32, #tpu.memory_space<vmem>>) dst(%dma_wait3A_124 : memref<10240x128xf32, #tpu.memory_space<vmem_shared>>)
      tpu.yield
    }) : () -> ()
    %barrier3A_107 = arith.constant 0 : index
    tpu.barrier barrier_id(%barrier3A_107)
    %mul3A_108 = arith.constant 640 : i32
    %mul3A_109 = arith.muli %arg1, %mul3A_108 : i32
    %mul3A_110 = arith.constant 640 : i32
    %mul3A_111 = arith.muli %arg1, %mul3A_110 : i32
    "tpu.region"() ({
      %run_scoped3A_112 = tpu.sem_alloc : memref<!tpu.dma_semaphore, #tpu.memory_space<semaphore_mem>>
      %dma_start3A_113 = arith.constant 0 : i32
      %dma_start3A_114 = tpu.memref_slice %arg4[%arg0, %mul3A_111, %dma_start3A_113] : memref<2x10240x128xf32, #tpu.memory_space<hbm>> -> memref<1x640x128xf32, #tpu.memory_space<hbm>>
      %dma_start3A_115 = tpu.memref_squeeze %dma_start3A_114 : memref<1x640x128xf32, #tpu.memory_space<hbm>> -> memref<640x128xf32, #tpu.memory_space<hbm>>
      %dma_start3A_116 = arith.constant 0 : i32
      %dma_start3A_117 = tpu.memref_slice %arg5[%mul3A_109, %dma_start3A_116] : memref<10240x128xf32, #tpu.memory_space<vmem_shared>> -> memref<640x128xf32, #tpu.memory_space<vmem_shared>>
      tpu.enqueue_dma source(%dma_start3A_117 : memref<640x128xf32, #tpu.memory_space<vmem_shared>>) target(%dma_start3A_115 : memref<640x128xf32, #tpu.memory_space<hbm>>) target_semaphore(%run_scoped3A_112 : memref<!tpu.dma_semaphore, #tpu.memory_space<semaphore_mem>>)
      %dma_wait3A_118 = arith.constant 0 : i32
      %dma_wait3A_119 = tpu.memref_slice %arg4[%arg0, %mul3A_111, %dma_wait3A_118] : memref<2x10240x128xf32, #tpu.memory_space<hbm>> -> memref<1x640x128xf32, #tpu.memory_space<hbm>>
      %dma_wait3A_120 = tpu.memref_squeeze %dma_wait3A_119 : memref<1x640x128xf32, #tpu.memory_space<hbm>> -> memref<640x128xf32, #tpu.memory_space<hbm>>
      %dma_wait3A_121 = arith.constant 0 : i32
      %dma_wait3A_122 = tpu.memref_slice %arg5[%mul3A_109, %dma_wait3A_121] : memref<10240x128xf32, #tpu.memory_space<vmem_shared>> -> memref<640x128xf32, #tpu.memory_space<vmem_shared>>
      tpu.wait_dma2 semaphore(%run_scoped3A_112 : memref<!tpu.dma_semaphore, #tpu.memory_space<semaphore_mem>>) src(%dma_wait3A_122 : memref<640x128xf32, #tpu.memory_space<vmem_shared>>) dst(%dma_wait3A_120 : memref<640x128xf32, #tpu.memory_space<hbm>>)
      tpu.yield
    }) : () -> ()
    return
  }
}

module attributes {stable_mosaic.version = 14 : i64} {
  func.func @body(%arg0: i32, %arg1: memref<1xf32, #tpu.memory_space<smem>>, %arg2: memref<1000x128xf32, #tpu.memory_space<vmem>>, %arg3: memref<2x1000x128xf32, #tpu.memory_space<vmem>>, %arg4: memref<128x128xf32, #tpu.memory_space<vmem>>, %arg5: memref<1x128xf32, #tpu.memory_space<vmem>>, %arg6: memref<128x128xf32, #tpu.memory_space<vmem>>, %arg7: memref<1x128xf32, #tpu.memory_space<vmem>>, %arg8: memref<1000x128xf32, #tpu.memory_space<vmem>>) attributes {dimension_semantics = [#tpu.dimension_semantics<arbitrary>], iteration_bounds = array<i64: 10>, scalar_prefetch = 0 : i64, scratch_operands = 0 : i64, tpu.core_type = #tpu.core_type<tc>, window_params = [{transform_indices = @transform_0, window_bounds = array<i64: 1>}, {transform_indices = @transform_1, window_bounds = array<i64: 1000, 128>}, {transform_indices = @transform_2, window_bounds = array<i64: 2, 1000, 128>}, {pipeline_mode = #tpu.pipeline_mode<synchronous>, transform_indices = @transform_3, window_bounds = array<i64: 128, 128>}, {pipeline_mode = #tpu.pipeline_mode<synchronous>, transform_indices = @transform_4, window_bounds = array<i64: 1, 128>}, {pipeline_mode = #tpu.pipeline_mode<synchronous>, transform_indices = @transform_5, window_bounds = array<i64: 128, 128>}, {pipeline_mode = #tpu.pipeline_mode<synchronous>, transform_indices = @transform_6, window_bounds = array<i64: 1, 128>}, {transform_indices = @transform_7, window_bounds = array<i64: 1000, 128>}]} {
    %get3A = arith.constant 0 : index
    %get3A_0 = memref.load %arg1[%get3A] : memref<1xf32, #tpu.memory_space<smem>>
    %get3A_1 = arith.constant 0 : index
    %get3A_2 = arith.constant 0 : index
    %get3A_3 = arith.constant 0 : index
    %get3A_4 = vector.load %arg3[%get3A_1, %get3A_2, %get3A_3] : memref<2x1000x128xf32, #tpu.memory_space<vmem>>, vector<2x1000x128xf32>
    %get3A_5 = arith.constant 0 : index
    %get3A_6 = arith.constant 0 : index
    %get3A_7 = vector.load %arg2[%get3A_5, %get3A_6] : memref<1000x128xf32, #tpu.memory_space<vmem>>, vector<1000x128xf32>
    %mul3A = vector.broadcast %get3A_0 : f32 to vector<1000x128xf32>
    %mul3A_8 = arith.mulf %get3A_7, %mul3A : vector<1000x128xf32>
    %slice3A = vector.extract_strided_slice %get3A_4 {offsets = [0, 0, 0], sizes = [1, 1000, 128], strides = [1, 1, 1]} : vector<2x1000x128xf32> to vector<1x1000x128xf32>
    %squeeze3A = vector.shape_cast %slice3A : vector<1x1000x128xf32> to vector<1000x128xf32>
    %add3A = arith.addf %mul3A_8, %squeeze3A : vector<1000x128xf32>
    %slice3A_9 = vector.extract_strided_slice %get3A_4 {offsets = [1, 0, 0], sizes = [1, 1000, 128], strides = [1, 1, 1]} : vector<2x1000x128xf32> to vector<1x1000x128xf32>
    %squeeze3A_10 = vector.shape_cast %slice3A_9 : vector<1x1000x128xf32> to vector<1000x128xf32>
    %add3A_11 = arith.addf %add3A, %squeeze3A_10 : vector<1000x128xf32>
    %get3A_12 = arith.constant 0 : index
    %get3A_13 = arith.constant 0 : index
    %get3A_14 = vector.load %arg4[%get3A_12, %get3A_13] : memref<128x128xf32, #tpu.memory_space<vmem>>, vector<128x128xf32>
    %dot_general3A = arith.constant dense<0.000000e+00> : vector<1000x128xf32>
    %dot_general3A_15 = tpu.matmul %add3A_11, %get3A_14, %dot_general3A {dimension_numbers = #tpu.dot_dimension_numbers<[1], [0], [0], [1], [0, 0, 1, 1], [], []>, transpose_lhs_hint = false} : vector<1000x128xf32>, vector<128x128xf32>, vector<1000x128xf32> -> vector<1000x128xf32>
    %get3A_16 = arith.constant 0 : index
    %get3A_17 = arith.constant 0 : index
    %get3A_18 = vector.load %arg5[%get3A_16, %get3A_17] : memref<1x128xf32, #tpu.memory_space<vmem>>, vector<1x128xf32>
    %add3A_19 = vector.broadcast %get3A_18 : vector<1x128xf32> to vector<1000x128xf32>
    %add3A_20 = arith.addf %dot_general3A_15, %add3A_19 : vector<1000x128xf32>
    %max3A = arith.constant 0.000000e+00 : f32
    %max3A_21 = vector.broadcast %max3A : f32 to vector<1000x128xf32>
    %max3A_22 = arith.maximumf %add3A_20, %max3A_21 : vector<1000x128xf32>
    %get3A_23 = arith.constant 0 : index
    %get3A_24 = arith.constant 0 : index
    %get3A_25 = vector.load %arg6[%get3A_23, %get3A_24] : memref<128x128xf32, #tpu.memory_space<vmem>>, vector<128x128xf32>
    %dot_general3A_26 = arith.constant dense<0.000000e+00> : vector<1000x128xf32>
    %dot_general3A_27 = tpu.matmul %max3A_22, %get3A_25, %dot_general3A_26 {dimension_numbers = #tpu.dot_dimension_numbers<[1], [0], [0], [1], [0, 0, 1, 1], [], []>, transpose_lhs_hint = false} : vector<1000x128xf32>, vector<128x128xf32>, vector<1000x128xf32> -> vector<1000x128xf32>
    %get3A_28 = arith.constant 0 : index
    %get3A_29 = arith.constant 0 : index
    %get3A_30 = vector.load %arg7[%get3A_28, %get3A_29] : memref<1x128xf32, #tpu.memory_space<vmem>>, vector<1x128xf32>
    %add3A_31 = vector.broadcast %get3A_30 : vector<1x128xf32> to vector<1000x128xf32>
    %add3A_32 = arith.addf %dot_general3A_27, %add3A_31 : vector<1000x128xf32>
    %max3A_33 = arith.constant 0.000000e+00 : f32
    %max3A_34 = vector.broadcast %max3A_33 : f32 to vector<1000x128xf32>
    %max3A_35 = arith.maximumf %add3A_32, %max3A_34 : vector<1000x128xf32>
    %swap3A = arith.constant 0 : index
    %swap3A_36 = arith.constant 0 : index
    %swap3A_37 = vector.load %arg8[%swap3A, %swap3A_36] : memref<1000x128xf32, #tpu.memory_space<vmem>>, vector<1000x128xf32>
    tpu.vector_store %arg8[%swap3A, %swap3A_36], %max3A_35 {strides = array<i32>} : memref<1000x128xf32, #tpu.memory_space<vmem>>, vector<1000x128xf32>,
    return
  }
  func.func @transform_0(%arg0: i32) -> i32 {
    %c0_i32 = arith.constant 0 : i32
    %c0_i32_0 = arith.constant 0 : i32
    return %c0_i32 : i32
  }
  func.func @transform_1(%arg0: i32) -> (i32, i32) {
    %c0_i32 = arith.constant 0 : i32
    %c0_i32_0 = arith.constant 0 : i32
    return %arg0, %c0_i32 : i32, i32
  }
  func.func @transform_2(%arg0: i32) -> (i32, i32, i32) {
    %c0_i32 = arith.constant 0 : i32
    %c0_i32_0 = arith.constant 0 : i32
    %c0_i32_1 = arith.constant 0 : i32
    return %c0_i32, %arg0, %c0_i32_0 : i32, i32, i32
  }
  func.func @transform_3(%arg0: i32) -> (i32, i32) {
    %c0_i32 = arith.constant 0 : i32
    %c0_i32_0 = arith.constant 0 : i32
    %c0_i32_1 = arith.constant 0 : i32
    return %c0_i32, %c0_i32_0 : i32, i32
  }
  func.func @transform_4(%arg0: i32) -> (i32, i32) {
    %c0_i32 = arith.constant 0 : i32
    %c0_i32_0 = arith.constant 0 : i32
    %c0_i32_1 = arith.constant 0 : i32
    return %c0_i32, %c0_i32_0 : i32, i32
  }
  func.func @transform_5(%arg0: i32) -> (i32, i32) {
    %c0_i32 = arith.constant 0 : i32
    %c0_i32_0 = arith.constant 0 : i32
    %c0_i32_1 = arith.constant 0 : i32
    return %c0_i32, %c0_i32_0 : i32, i32
  }
  func.func @transform_6(%arg0: i32) -> (i32, i32) {
    %c0_i32 = arith.constant 0 : i32
    %c0_i32_0 = arith.constant 0 : i32
    %c0_i32_1 = arith.constant 0 : i32
    return %c0_i32, %c0_i32_0 : i32, i32
  }
  func.func @transform_7(%arg0: i32) -> (i32, i32) {
    %c0_i32 = arith.constant 0 : i32
    %c0_i32_0 = arith.constant 0 : i32
    return %arg0, %c0_i32 : i32, i32
  }
}

module attributes {stable_mosaic.version = 14 : i64} {
  func.func @body(%arg0: i32, %arg1: memref<1xf32, #tpu.memory_space<smem>>, %arg2: memref<1000x128xf32, #tpu.memory_space<vmem>>, %arg3: memref<2x1000x128xf32, #tpu.memory_space<vmem>>, %arg4: memref<128x128xf32, #tpu.memory_space<vmem>>, %arg5: memref<1x128xf32, #tpu.memory_space<vmem>>, %arg6: memref<128x128xf32, #tpu.memory_space<vmem>>, %arg7: memref<1x128xf32, #tpu.memory_space<vmem>>, %arg8: memref<1x1x1000xi32, #tpu.memory_space<vmem>>, %arg9: memref<1000x128xf32, #tpu.memory_space<vmem>>, %arg10: memref<1000x128xf32, #tpu.memory_space<vmem>>, %arg11: memref<1000x128xf32, #tpu.memory_space<vmem>>, %arg12: memref<64x128xf32, #tpu.memory_space<vmem>>, %arg13: memref<64x128xf32, #tpu.memory_space<vmem>>, %arg14: memref<64x128xf32, #tpu.memory_space<vmem>>) attributes {dimension_semantics = [#tpu.dimension_semantics<arbitrary>], iteration_bounds = array<i64: 10>, scalar_prefetch = 0 : i64, scratch_operands = 2 : i64, tpu.core_type = #tpu.core_type<tc>, window_params = [{transform_indices = @transform_0, window_bounds = array<i64: 1>}, {transform_indices = @transform_1, window_bounds = array<i64: 1000, 128>}, {transform_indices = @transform_2, window_bounds = array<i64: 2, 1000, 128>}, {pipeline_mode = #tpu.pipeline_mode<synchronous>, transform_indices = @transform_3, window_bounds = array<i64: 128, 128>}, {pipeline_mode = #tpu.pipeline_mode<synchronous>, transform_indices = @transform_4, window_bounds = array<i64: 1, 128>}, {pipeline_mode = #tpu.pipeline_mode<synchronous>, transform_indices = @transform_5, window_bounds = array<i64: 128, 128>}, {pipeline_mode = #tpu.pipeline_mode<synchronous>, transform_indices = @transform_6, window_bounds = array<i64: 1, 128>}, {transform_indices = @transform_7, window_bounds = array<i64: 1, 1, 1000>}, {transform_indices = @transform_8, window_bounds = array<i64: 1000, 128>}, {transform_indices = @transform_9, window_bounds = array<i64: 1000, 128>}, {transform_indices = @transform_10, window_bounds = array<i64: 1000, 128>}, {pipeline_mode = #tpu.pipeline_mode<synchronous>, transform_indices = @transform_11, window_bounds = array<i64: 64, 128>}]} {
    %get3A = arith.constant 0 : index
    %get3A_0 = memref.load %arg1[%get3A] : memref<1xf32, #tpu.memory_space<smem>>
    %get3A_1 = arith.constant 0 : index
    %get3A_2 = arith.constant 0 : index
    %get3A_3 = arith.constant 0 : index
    %get3A_4 = vector.load %arg3[%get3A_1, %get3A_2, %get3A_3] : memref<2x1000x128xf32, #tpu.memory_space<vmem>>, vector<2x1000x128xf32>
    %get3A_5 = arith.constant 0 : index
    %get3A_6 = arith.constant 0 : index
    %get3A_7 = vector.load %arg2[%get3A_5, %get3A_6] : memref<1000x128xf32, #tpu.memory_space<vmem>>, vector<1000x128xf32>
    %mul3A = vector.broadcast %get3A_0 : f32 to vector<1000x128xf32>
    %mul3A_8 = arith.mulf %get3A_7, %mul3A : vector<1000x128xf32>
    %slice3A = vector.extract_strided_slice %get3A_4 {offsets = [0, 0, 0], sizes = [1, 1000, 128], strides = [1, 1, 1]} : vector<2x1000x128xf32> to vector<1x1000x128xf32>
    %squeeze3A = vector.shape_cast %slice3A : vector<1x1000x128xf32> to vector<1000x128xf32>
    %add3A = arith.addf %mul3A_8, %squeeze3A : vector<1000x128xf32>
    %slice3A_9 = vector.extract_strided_slice %get3A_4 {offsets = [1, 0, 0], sizes = [1, 1000, 128], strides = [1, 1, 1]} : vector<2x1000x128xf32> to vector<1x1000x128xf32>
    %squeeze3A_10 = vector.shape_cast %slice3A_9 : vector<1x1000x128xf32> to vector<1000x128xf32>
    %add3A_11 = arith.addf %add3A, %squeeze3A_10 : vector<1000x128xf32>
    %get3A_12 = arith.constant 0 : index
    %get3A_13 = arith.constant 0 : index
    %get3A_14 = vector.load %arg4[%get3A_12, %get3A_13] : memref<128x128xf32, #tpu.memory_space<vmem>>, vector<128x128xf32>
    %dot_general3A = arith.constant dense<0.000000e+00> : vector<1000x128xf32>
    %dot_general3A_15 = tpu.matmul %add3A_11, %get3A_14, %dot_general3A {dimension_numbers = #tpu.dot_dimension_numbers<[1], [0], [0], [1], [0, 0, 1, 1], [], []>, transpose_lhs_hint = false} : vector<1000x128xf32>, vector<128x128xf32>, vector<1000x128xf32> -> vector<1000x128xf32>
    %get3A_16 = arith.constant 0 : index
    %get3A_17 = arith.constant 0 : index
    %get3A_18 = vector.load %arg5[%get3A_16, %get3A_17] : memref<1x128xf32, #tpu.memory_space<vmem>>, vector<1x128xf32>
    %add3A_19 = vector.broadcast %get3A_18 : vector<1x128xf32> to vector<1000x128xf32>
    %add3A_20 = arith.addf %dot_general3A_15, %add3A_19 : vector<1000x128xf32>
    %max3A = arith.constant 0.000000e+00 : f32
    %max3A_21 = vector.broadcast %max3A : f32 to vector<1000x128xf32>
    %max3A_22 = arith.maximumf %add3A_20, %max3A_21 : vector<1000x128xf32>
    %get3A_23 = arith.constant 0 : index
    %get3A_24 = arith.constant 0 : index
    %get3A_25 = vector.load %arg6[%get3A_23, %get3A_24] : memref<128x128xf32, #tpu.memory_space<vmem>>, vector<128x128xf32>
    %dot_general3A_26 = arith.constant dense<0.000000e+00> : vector<1000x128xf32>
    %dot_general3A_27 = tpu.matmul %max3A_22, %get3A_25, %dot_general3A_26 {dimension_numbers = #tpu.dot_dimension_numbers<[1], [0], [0], [1], [0, 0, 1, 1], [], []>, transpose_lhs_hint = false} : vector<1000x128xf32>, vector<128x128xf32>, vector<1000x128xf32> -> vector<1000x128xf32>
    %get3A_28 = arith.constant 0 : index
    %get3A_29 = arith.constant 0 : index
    %get3A_30 = vector.load %arg7[%get3A_28, %get3A_29] : memref<1x128xf32, #tpu.memory_space<vmem>>, vector<1x128xf32>
    %add3A_31 = vector.broadcast %get3A_30 : vector<1x128xf32> to vector<1000x128xf32>
    %add3A_32 = arith.addf %dot_general3A_27, %add3A_31 : vector<1000x128xf32>
    %get3A_33 = arith.constant 0 : index
    %get3A_34 = arith.constant 0 : index
    %get3A_35 = vector.load %arg9[%get3A_33, %get3A_34] : memref<1000x128xf32, #tpu.memory_space<vmem>>, vector<1000x128xf32>
    %get3A_36 = arith.constant 0 : index
    %get3A_37 = arith.constant 0 : index
    %get3A_38 = vector.load %arg10[%get3A_36, %get3A_37] : memref<1000x128xf32, #tpu.memory_space<vmem>>, vector<1000x128xf32>
    %add3A_39 = arith.addf %get3A_35, %get3A_38 : vector<1000x128xf32>
    %add3A_40 = arith.addf %add3A_39, %add3A_32 : vector<1000x128xf32>
    %mul3A_41 = arith.constant 0.333333343 : f32
    %mul3A_42 = vector.broadcast %mul3A_41 : f32 to vector<1000x128xf32>
    %mul3A_43 = arith.mulf %add3A_40, %mul3A_42 : vector<1000x128xf32>
    %swap3A = arith.constant 0 : index
    %swap3A_44 = arith.constant 0 : index
    %swap3A_45 = vector.load %arg11[%swap3A, %swap3A_44] : memref<1000x128xf32, #tpu.memory_space<vmem>>, vector<1000x128xf32>
    tpu.vector_store %arg11[%swap3A, %swap3A_44], %mul3A_43 {strides = array<i32>} : memref<1000x128xf32, #tpu.memory_space<vmem>>, vector<1000x128xf32>,
    %get3A_46 = arith.constant 0 : index
    %get3A_47 = arith.constant 0 : index
    %get3A_48 = arith.constant 0 : index
    %get3A_49 = vector.load %arg8[%get3A_46, %get3A_47, %get3A_48] : memref<1x1x1000xi32, #tpu.memory_space<vmem>>, vector<1x1x1000xi32>
    %get3A_50 = vector.shape_cast %get3A_49 : vector<1x1x1000xi32> to vector<1x1000xi32>
    %iota3A = tpu.iota {dimensions = array<i32: 0>} : vector<64x1000xi32>
    %broadcast_in_dim3A = vector.shape_cast %get3A_50 : vector<1x1000xi32> to vector<1x1000xi32>
    %broadcast_in_dim3A_51 = vector.broadcast %broadcast_in_dim3A : vector<1x1000xi32> to vector<64x1000xi32>
    %eq3A = arith.cmpi eq, %iota3A, %broadcast_in_dim3A_51 : vector<64x1000xi32>
    %convert_element_type3A = arith.extui %eq3A : vector<64x1000xi1> to vector<64x1000xi32>
    %convert_element_type3A_52 = arith.sitofp %convert_element_type3A : vector<64x1000xi32> to vector<64x1000xf32>
    %eq3A_53 = arith.constant 0 : i32
    %eq3A_54 = arith.cmpi eq, %arg0, %eq3A_53 : i32
    %convert_element_type3A_55 = arith.extui %eq3A_54 : i1 to i32
    %cond3A = arith.constant 0 : i32
    %cond3A_56 = arith.cmpi ne, %convert_element_type3A_55, %cond3A : i32
    scf.if %cond3A_56 {
      %broadcast_in_dim3A_89 = arith.constant 0.000000e+00 : f32
      %broadcast_in_dim3A_90 = vector.broadcast %broadcast_in_dim3A_89 : f32 to vector<64x128xf32>
      %swap3A_91 = arith.constant 0 : index
      %swap3A_92 = arith.constant 0 : index
      %swap3A_93 = vector.load %arg13[%swap3A_91, %swap3A_92] : memref<64x128xf32, #tpu.memory_space<vmem>>, vector<64x128xf32>
      tpu.vector_store %arg13[%swap3A_91, %swap3A_92], %broadcast_in_dim3A_90 {strides = array<i32>} : memref<64x128xf32, #tpu.memory_space<vmem>>, vector<64x128xf32>,
      %broadcast_in_dim3A_94 = arith.constant 0.000000e+00 : f32
      %broadcast_in_dim3A_95 = vector.broadcast %broadcast_in_dim3A_94 : f32 to vector<64x128xf32>
      %swap3A_96 = arith.constant 0 : index
      %swap3A_97 = arith.constant 0 : index
      %swap3A_98 = vector.load %arg14[%swap3A_96, %swap3A_97] : memref<64x128xf32, #tpu.memory_space<vmem>>, vector<64x128xf32>
      tpu.vector_store %arg14[%swap3A_96, %swap3A_97], %broadcast_in_dim3A_95 {strides = array<i32>} : memref<64x128xf32, #tpu.memory_space<vmem>>, vector<64x128xf32>,
    } else {
    }
    %get3A_57 = arith.constant 0 : index
    %get3A_58 = arith.constant 0 : index
    %get3A_59 = vector.load %arg13[%get3A_57, %get3A_58] : memref<64x128xf32, #tpu.memory_space<vmem>>, vector<64x128xf32>
    %dot_general3A_60 = arith.constant dense<0.000000e+00> : vector<64x128xf32>
    %dot_general3A_61 = tpu.matmul %convert_element_type3A_52, %mul3A_43, %dot_general3A_60 {dimension_numbers = #tpu.dot_dimension_numbers<[1], [0], [0], [1], [0, 0, 1, 1], [], []>, transpose_lhs_hint = false} : vector<64x1000xf32>, vector<1000x128xf32>, vector<64x128xf32> -> vector<64x128xf32>
    %add3A_62 = arith.addf %get3A_59, %dot_general3A_61 : vector<64x128xf32>
    %swap3A_63 = arith.constant 0 : index
    %swap3A_64 = arith.constant 0 : index
    %swap3A_65 = vector.load %arg13[%swap3A_63, %swap3A_64] : memref<64x128xf32, #tpu.memory_space<vmem>>, vector<64x128xf32>
    tpu.vector_store %arg13[%swap3A_63, %swap3A_64], %add3A_62 {strides = array<i32>} : memref<64x128xf32, #tpu.memory_space<vmem>>, vector<64x128xf32>,
    %get3A_66 = arith.constant 0 : index
    %get3A_67 = arith.constant 0 : index
    %get3A_68 = vector.load %arg14[%get3A_66, %get3A_67] : memref<64x128xf32, #tpu.memory_space<vmem>>, vector<64x128xf32>
    %reduce_sum3A = arith.constant dense<0.000000e+00> : vector<64xf32>
    %reduce_sum3A_69 = vector.multi_reduction <add>, %convert_element_type3A_52, %reduce_sum3A [1] : vector<64x1000xf32> to vector<64xf32>
    %broadcast_in_dim3A_70 = vector.shape_cast %reduce_sum3A_69 : vector<64xf32> to vector<64x1xf32>
    %broadcast_in_dim3A_71 = vector.shape_cast %broadcast_in_dim3A_70 : vector<64x1xf32> to vector<64x1xf32>
    %broadcast_in_dim3A_72 = vector.broadcast %broadcast_in_dim3A_71 : vector<64x1xf32> to vector<64x128xf32>
    %add3A_73 = arith.addf %get3A_68, %broadcast_in_dim3A_72 : vector<64x128xf32>
    %swap3A_74 = arith.constant 0 : index
    %swap3A_75 = arith.constant 0 : index
    %swap3A_76 = vector.load %arg14[%swap3A_74, %swap3A_75] : memref<64x128xf32, #tpu.memory_space<vmem>>, vector<64x128xf32>
    tpu.vector_store %arg14[%swap3A_74, %swap3A_75], %add3A_73 {strides = array<i32>} : memref<64x128xf32, #tpu.memory_space<vmem>>, vector<64x128xf32>,
    %get3A_77 = arith.constant 0 : index
    %get3A_78 = arith.constant 0 : index
    %get3A_79 = vector.load %arg13[%get3A_77, %get3A_78] : memref<64x128xf32, #tpu.memory_space<vmem>>, vector<64x128xf32>
    %get3A_80 = arith.constant 0 : index
    %get3A_81 = arith.constant 0 : index
    %get3A_82 = vector.load %arg14[%get3A_80, %get3A_81] : memref<64x128xf32, #tpu.memory_space<vmem>>, vector<64x128xf32>
    %max3A_83 = arith.constant 1.000000e+00 : f32
    %max3A_84 = vector.broadcast %max3A_83 : f32 to vector<64x128xf32>
    %max3A_85 = arith.maximumf %get3A_82, %max3A_84 : vector<64x128xf32>
    %div3A = arith.divf %get3A_79, %max3A_85 : vector<64x128xf32>
    %swap3A_86 = arith.constant 0 : index
    %swap3A_87 = arith.constant 0 : index
    %swap3A_88 = vector.load %arg12[%swap3A_86, %swap3A_87] : memref<64x128xf32, #tpu.memory_space<vmem>>, vector<64x128xf32>
    tpu.vector_store %arg12[%swap3A_86, %swap3A_87], %div3A {strides = array<i32>} : memref<64x128xf32, #tpu.memory_space<vmem>>, vector<64x128xf32>,
    return
  }
  func.func @transform_0(%arg0: i32) -> i32 {
    %c0_i32 = arith.constant 0 : i32
    %c0_i32_0 = arith.constant 0 : i32
    return %c0_i32 : i32
  }
  func.func @transform_1(%arg0: i32) -> (i32, i32) {
    %c0_i32 = arith.constant 0 : i32
    %c0_i32_0 = arith.constant 0 : i32
    return %arg0, %c0_i32 : i32, i32
  }
  func.func @transform_2(%arg0: i32) -> (i32, i32, i32) {
    %c0_i32 = arith.constant 0 : i32
    %c0_i32_0 = arith.constant 0 : i32
    %c0_i32_1 = arith.constant 0 : i32
    return %c0_i32, %arg0, %c0_i32_0 : i32, i32, i32
  }
  func.func @transform_3(%arg0: i32) -> (i32, i32) {
    %c0_i32 = arith.constant 0 : i32
    %c0_i32_0 = arith.constant 0 : i32
    %c0_i32_1 = arith.constant 0 : i32
    return %c0_i32, %c0_i32_0 : i32, i32
  }
  func.func @transform_4(%arg0: i32) -> (i32, i32) {
    %c0_i32 = arith.constant 0 : i32
    %c0_i32_0 = arith.constant 0 : i32
    %c0_i32_1 = arith.constant 0 : i32
    return %c0_i32, %c0_i32_0 : i32, i32
  }
  func.func @transform_5(%arg0: i32) -> (i32, i32) {
    %c0_i32 = arith.constant 0 : i32
    %c0_i32_0 = arith.constant 0 : i32
    %c0_i32_1 = arith.constant 0 : i32
    return %c0_i32, %c0_i32_0 : i32, i32
  }
  func.func @transform_6(%arg0: i32) -> (i32, i32) {
    %c0_i32 = arith.constant 0 : i32
    %c0_i32_0 = arith.constant 0 : i32
    %c0_i32_1 = arith.constant 0 : i32
    return %c0_i32, %c0_i32_0 : i32, i32
  }
  func.func @transform_7(%arg0: i32) -> (i32, i32, i32) {
    %c0_i32 = arith.constant 0 : i32
    %c0_i32_0 = arith.constant 0 : i32
    %c0_i32_1 = arith.constant 0 : i32
    return %arg0, %c0_i32, %c0_i32_0 : i32, i32, i32
  }
  func.func @transform_8(%arg0: i32) -> (i32, i32) {
    %c0_i32 = arith.constant 0 : i32
    %c0_i32_0 = arith.constant 0 : i32
    return %arg0, %c0_i32 : i32, i32
  }
  func.func @transform_9(%arg0: i32) -> (i32, i32) {
    %c0_i32 = arith.constant 0 : i32
    %c0_i32_0 = arith.constant 0 : i32
    return %arg0, %c0_i32 : i32, i32
  }
  func.func @transform_10(%arg0: i32) -> (i32, i32) {
    %c0_i32 = arith.constant 0 : i32
    %c0_i32_0 = arith.constant 0 : i32
    return %arg0, %c0_i32 : i32, i32
  }
  func.func @transform_11(%arg0: i32) -> (i32, i32) {
    %c0_i32 = arith.constant 0 : i32
    %c0_i32_0 = arith.constant 0 : i32
    %c0_i32_1 = arith.constant 0 : i32
    return %c0_i32, %c0_i32_0 : i32, i32
  }
}

</mosaic_0001>

<sc_bundles>
// kernel: kernel.11.cloned.1.call-start
scs
__scs_entry_jumppad:
0x0: {  	(pc) =	sbr.rel $0x88, $3  }
0x1: {  	(tag) =	ssettag $0x0;
	lr =	simm.s32 $0x1  }
0x2: {  	[smem:$0x3F99] =	sst lr;
	_ =	strace $0xD0000000  }
0x3: {  	_ = 	snop  }
0x4: {  	_ = 	snop  }
0x5: {  	_ = 	snop  }
0x6: {  	_ = 	snop  }
0x7: {  	_ = 	snop  }
__scs_overlays_trampoline_lowered:
0x8: {  	[smem:$0x3FA8] =	sst s0  }
0x9: {  	[smem:$0x3FA9] =	sst s1  }
0xa: {  	[smem:$0x3FAA] =	sst s2  }
0xb: {  	[smem:$0x3FAB] =	sst s3  }
0xc: {  	[smem:$0x3FAC] =	sst s4  }
0xd: {  	[smem:$0x3FAD] =	sst s5  }
0xe: {  	[smem:$0x3FAE] =	sst s6  }
0xf: {  	[smem:$0x3FAF] =	sst s7  }
0x10: {  	[smem:$0x3FB0] =	sst s8  }
0x11: {  	[smem:$0x3FB1] =	sst s9;
	s0 =	simm.s32 @!p0 $0x0  }
0x12: {  	s1 =	sld [smem:$0x3F97];
	s0 =	simm.s32 @p0 $0x1  }
0x13: {  	[smem:$0x3FB2] =	sst s0;
	s0 =	simm.s32 @!p1 $0x0  }
0x14: {  	s2 =	sld [smem:$0x3F96];
	s0 =	simm.s32 @p1 $0x1  }
0x15: {  	[smem:$0x3FB3] =	sst s0;
	s0 =	simm.s32 @!p2 $0x0  }
0x16: {  	s3 =	sld [smem:$0x3FDB];
	s0 =	simm.s32 @p2 $0x1  }
0x17: {  	s4 =	simm.s32 $0x1BF5;
	[smem:$0x3FB5] =	sst s0  }
0x18: {  	s0 =	sld [smem:$0x3F98];
	_ =	swait.ge [sflag:s4], $0x0  }
0x19: {  	s7 =	sld [smem:$0x3F99]  }
0x1a: {  	s8 =	sadd.s32 $0xFFFFE003, lr  }
0x1b: {  	s9 =	sadd.s32 $0xFFFFFEF7, lr;
	s5 =	simm.s32 $0xFFFFFFFF;
	p2 =	slt.u32 s8, $0xFFFFF086  }
0x1c: {  	p1 =	slt.u32 s9, $0xF7A;
	s5 =	simm.s32 @!p2 $0x0  }
0x1d: {  	s5 =	simm.s32 @p1 $0x1;
	p0 =	seq.s32 s7, s2  }
0x1e: {  	s7 =	smul.u32 @!p0 $0xF7A, s2;
	p2 =	seq.s32 @!p0 s5, $0x0  }
0x1f: {  	s9 =	smul.u32 $0xF7A, s1;
	s8 =	simm.s32 @!p0 $0x1BF5;
	p2 =	por !p2, p0  }
0x20: {  	[sflag:s8] =	ssyncset.s32 @!p0 $0xFFFFF086;
	s6 =	sadd.s32 @!p0 s3, s7;
	s7 =	simm.s32 @!p0 $0x108  }
0x21: {  	s3 =	sadd.s32 s3, s9;
	s6 =	sadd.s32 @!p0 $0x88, s6;
	s7 =	simm.s32 @p2 $0x1082  }
0x22: {  	[simem:s7], [sflag:s8] =	dma.local @!p0 [hbm:s6], $0xF7A  }
0x23: {  	s9 =	sor.u32 $0xD0000000, s2;
	s6 =	simm.s32 $0x108;
	_ =	swait.ge @!p0 [sflag:s8], $0x0  }
0x24: {  	s3 =	sadd.s32 $0x88, s3;
	s6 =	simm.s32 @!p1 $0x1082;
	[sflag:s4] =	ssyncset.s32 $0xFFFFF086  }
0x25: {  	[simem:s6], [sflag:s4] =	dma.local [hbm:s3], $0xF7A  }
0x26: {  	[smem:$0x3F99] =	sst s1;
	(tag) =	ssettag s2;
	_ =	strace s9  }
0x27: {  	s1 =	sld [smem:$0x3FA9]  }
0x28: {  	s2 =	sld [smem:$0x3FAA]  }
0x29: {  	s4 =	sld [smem:$0x3FAC]  }
0x2a: {  	p0 =	seq.s32 s5, $0x0;
	s5 =	sld [smem:$0x3FAD]  }
0x2b: {  	s6 =	sld [smem:$0x3FAE]  }
0x2c: {  	s7 =	sld [smem:$0x3FAF]  }
0x2d: {  	s3 =	simm.s32 $0x108;
	s8 =	sld [smem:$0x3FB0]  }
0x2e: {  	s3 =	simm.s32 @!p0 $0x1082;
	s9 =	sld [smem:$0x3FB1]  }
0x2f: {  	lr =	sadd.s32 s0, s3;
	s0 =	sld [smem:$0x3FA8]  }
0x30: {  	s3 =	sld [smem:$0x3FAB]  }
0x31: {  	[smem:$0x3FB4] =	sst s10  }
0x32: {  	s10 =	sld [smem:$0x3FB2];
	_ =	sdelay $0x3  }
0x33: {  	p0 =	seq.s32 s10, $0x1;
	s10 =	sld [smem:$0x3FB4];
	_ =	sdelay $0x3  }
0x34: {  	[smem:$0x3FB4] =	sst s10  }
0x35: {  	s10 =	sld [smem:$0x3FB3];
	_ =	sdelay $0x3  }
0x36: {  	p1 =	seq.s32 s10, $0x1;
	s10 =	sld [smem:$0x3FB4];
	_ =	sdelay $0x3  }
0x37: {  	[smem:$0x3FB4] =	sst s10  }
0x38: {  	s10 =	sld [smem:$0x3FB5]  }
0x39: {  	_ = 	snop;
	(pc) =	sbr.ind lr, $3  }
0x3a: {  	_ = 	snop  }
0x3b: {  	_ = 	snop  }
0x3c: {  	p2 =	seq.s32 s10, $0x1;
	s10 =	sld [smem:$0x3FB4]  }
0x3d: {  	_ =	shalt  }
0x3e: {  	_ =	shalt  }
0x3f: {  	_ =	shalt  }
0x40: {  	_ =	shalt  }
0x41: {  	_ =	shalt  }
0x42: {  	_ =	shalt  }
0x43: {  	_ =	shalt  }
0x44: {  	_ =	shalt  }
0x45: {  	_ =	shalt  }
0x46: {  	_ =	shalt  }
0x47: {  	_ =	shalt  }
0x48: {  	_ =	shalt  }
0x49: {  	_ =	shalt  }
0x4a: {  	_ =	shalt  }
0x4b: {  	_ =	shalt  }
0x4c: {  	_ =	shalt  }
0x4d: {  	_ =	shalt  }
0x4e: {  	_ =	shalt  }
0x4f: {  	_ =	shalt  }
0x50: {  	_ =	shalt  }
0x51: {  	_ =	shalt  }
0x52: {  	_ =	shalt  }
0x53: {  	_ =	shalt  }
0x54: {  	_ =	shalt  }
0x55: {  	_ =	shalt  }
0x56: {  	_ =	shalt  }
0x57: {  	_ =	shalt  }
0x58: {  	_ =	shalt  }
0x59: {  	_ =	shalt  }
0x5a: {  	_ =	shalt  }
0x5b: {  	_ =	shalt  }
0x5c: {  	_ =	shalt  }
0x5d: {  	_ =	shalt  }
0x5e: {  	_ =	shalt  }
0x5f: {  	_ =	shalt  }
0x60: {  	_ =	shalt  }
0x61: {  	_ =	shalt  }
0x62: {  	_ =	shalt  }
0x63: {  	_ =	shalt  }
0x64: {  	_ =	shalt  }
0x65: {  	_ =	shalt  }
0x66: {  	_ =	shalt  }
0x67: {  	_ =	shalt  }
0x68: {  	_ =	shalt  }
0x69: {  	_ =	shalt  }
0x6a: {  	_ =	shalt  }
0x6b: {  	_ =	shalt  }
0x6c: {  	_ =	shalt  }
0x6d: {  	_ =	shalt  }
0x6e: {  	_ =	shalt  }
0x6f: {  	_ =	shalt  }
0x70: {  	_ =	shalt  }
0x71: {  	_ =	shalt  }
0x72: {  	_ =	shalt  }
0x73: {  	_ =	shalt  }
0x74: {  	_ =	shalt  }
0x75: {  	_ =	shalt  }
0x76: {  	_ =	shalt  }
0x77: {  	_ =	shalt  }
0x78: {  	_ =	shalt  }
0x79: {  	_ =	shalt  }
0x7a: {  	_ =	shalt  }
0x7b: {  	_ =	shalt  }
0x7c: {  	_ =	shalt  }
0x7d: {  	_ =	shalt  }
0x7e: {  	_ =	shalt  }
0x7f: {  	_ =	shalt  }
0x80: {  	_ =	shalt  }
0x81: {  	_ =	shalt  }
0x82: {  	_ =	shalt  }
0x83: {  	_ =	shalt  }
0x84: {  	_ =	shalt  }
0x85: {  	_ =	shalt  }
0x86: {  	_ =	shalt  }
0x87: {  	_ =	shalt  }
.Lfunc_end0:
.L_simem_size_0:
called_computation.1_lowered:
.L_overlay_start_0:
0x88: {  	s2 =	sld [smem:$0x3FD9]  }
0x89: {  	s3 =	sld [smem:$0x3FFE];
	_ =	sdelay $0x1  }
0x8a: {  	s1 =	srdreg.scid  }
0x8b: {  	s0 =	sand.u32 $0x1, s1  }
0x8c: {  	s14 =	sshll.u32 s0, $0xA;
	s2 =	sadd.s32 s3, s2  }
0x8d: {  	s2 =	sadd.s32 s2, s14  }
0x8e: {  	[smem:$0x3FC0] =	sst s2  }
0x8f: {  	_ = 	snop  }
0x90: {  	s2 =	sld [smem:$0x3FD0];
	_ =	sdelay $0x2  }
0x91: {  	s15 =	simm.s32 $0xA;
	s4 =	simm.s32 $0x10  }
0x92: {  	[smem:s4], [sflag:s15] =	dma.local [hbm:s2], $0x1  }
0x93: {  	_ =	swait.eq [sflag:s15], $0x1  }
0x94: {  	[sflag:s15] =	ssyncset.done $0x0  }
0x95: {  	[sflag:s15] =	ssyncadd.s32 $0xFFFFFFFF  }
0x96: {  	s16 =	sld [smem:$0x10];
	(tm) =	ssettm $0x1  }
0x97: {  	s17 =	sld [smem:$0x3FFB];
	_ =	sdelay $0x3  }
0x98: {  	_ =	strace s17  }
0x99: {  	s3 =	sld [smem:$0x3FFC];
	_ =	sdelay $0x3  }
0x9a: {  	_ =	strace s3  }
0x9b: {  	s3 =	sld [smem:$0x3FFD];
	_ =	sdelay $0x3  }
0x9c: {  	_ =	strace s3  }
0x9d: {  	_ =	strace $0x8FFFFFFF  }
0x9e: {  	s18 =	sld [smem:$0x3FDB];
	_ =	sdelay $0x1  }
0x9f: {  	s19 =	simm.s32 $_scs_section_size  }
0xa0: {  	s5 =	simm.s32 $_size__tile_overlayer_lowered;
	s6 =	simm.s32 $_tile_overlayer_lowered  }
0xa1: {  	s22 =	simm.s32 $0x1BFF;
	s21 =	sshll.u32 s6, $0x1;
	s3 =	sadd.s32 s19, s18  }
0xa2: {  	s7 =	simm.s32 $0x0;
	s20 =	sshll.u32 s5, $0x1;
	s5 =	sadd.s32 s21, s3  }
0xa3: {  	[timem:s7], [sflag:s22] =	dma.local [hbm:s5], s20  }
0xa4: {  	_ =	swait.ge [sflag:s22], s20  }
0xa5: {  	s4 =	ssub.s32 $0x0, s20;
	[sflag:s22] =	ssyncset.done $0x0  }
0xa6: {  	[sflag:s22] =	ssyncadd.s32 s4;
	_ =	sdelay $0x1  }
0xa7: {  	s23 =	simm.s32 $0x1B8B  }
0xa8: {  	_ =	swait.ge [sflag:s23], $0x1  }
0xa9: {  	[sflag:s23] =	ssyncset.done $0x0  }
0xaa: {  	s25 =	simm.s32 $0x1B8E;
	s24 =	sld [smem:$0x3FFE];
	[sflag:s23] =	ssyncadd.s32 $0xFFFFFFFF  }
0xab: {  	s26 =	simm.s32 $execute0_lowered;
	[smem:$0x3FD2] =	sst s25  }
0xac: {  	s5 =	sshll.u32 s26, $0x1;
	_ =	strace $0x80000049;
	[dreg:$0x1] =	wrdreg $0xFFFFFFFF  }
0xad: {  	s28 =	simm.s32 $_size_execute0_lowered;
	s3 =	sadd.s32 s3, s5;
	[dreg:$0x0] =	wrdreg $0x0  }
0xae: {  	s5 =	sshll.u32 s28, $0x1;
	[dreg:$0x2] =	wrdreg s3  }
0xaf: {  	[dreg:$0x3] =	wrdreg s5  }
0xb0: {  	[dreg:$0x4] =	wrdreg $0xC0  }
0xb1: {  	_ =	task [dreg:s7], $0x5FFFF  }
0xb2: {  	[dreg:$0x1] =	wrdreg $0xFFFFFFFF  }
0xb3: {  	[dreg:$0x0] =	wrdreg $0x60  }
0xb4: {  	[dreg:$0x2] =	wrdreg s16  }
0xb5: {  	[dreg:$0x3] =	wrdreg s24  }
0xb6: {  	[dreg:$0x4] =	wrdreg $0x0  }
0xb7: {  	[dreg:$0x5] =	wrdreg $0x9  }
0xb8: {  	_ =	task.clear_ibuf [dreg:s7], $0x6FFFF;
	_ =	strace $0x90000049  }
0xb9: {  	s29 =	simm.s32 $0x9;
	_ =	strace $0x8000004B  }
0xba: {  	_ =	swait.ge [sflag:s29], $0x1  }
0xbb: {  	[sflag:s29] =	ssyncadd.s32 $0xFFFFFFFF  }
0xbc: {  	_ =	strace $0x9000004B  }
0xbd: {  	_ =	sfence  }
0xbe: {  	s30 =	sld [smem:$0x0];
	_ =	sdelay $0x2  }
0xbf: {  	s31 =	sshll.u32 s1, $0xD;
	s1 =	sshrl.u32 s1, $0x2  }
0xc0: {  	s3 =	sand.u32 $0x4000, s31;
	s1 =	sadd.s32 s1, s30  }
0xc1: {  	s0 =	sor.u32 s3, s0;
	s1 =	sshll.u32 s1, $0x11  }
0xc2: {  	s0 =	sor.u32 s1, s0  }
0xc3: {  	s0 =	sadd.s32 $0x8F2B, s0  }
0xc4: {  	[sflag:s0] =	ssyncadd.remote.s32 $0x1  }
0xc5: {  	_ =	sfence.sel $0xFFFF  }
0xc6: {  	[dreg:$0x0] =	wrdreg $0xFFFFFFFF;
	(pc) =	sbr.abs _section_cstart, $3  }
0xc7: {  	[dreg:$0x1] =	wrdreg $0xFFFFFFFF  }
0xc8: {  	_ =	task.clear_ibuf [dreg:s7], $0x2FFFF;
	_ =	strace $0x9FFFFFFF  }
0xc9: {  	(tm) =	ssettm $0x7FFFFFFF  }
tec
execute0_lowered:
.L_overlay_start_1:
0x0: {  	(tag) =	ssettag $0x1  }
0x1: {  	s0 =	rddreg [dreg:$0x0]  }
0x2: {  	s1 =	rddreg [dreg:$0x1]  }
0x3: {  	s2 =	srdreg.scid;
	s3 =	rddreg [dreg:$0x2]  }
0x4: {  	s21 =	stileid.u32;
	s7 =	simm.s32 $0x0;
	s17 =	simm.s32 $0x3  }
0x5: {  	s18 =	simm.s32 $0x50;
	s19 =	simm.s32 $0x18000;
	s20 =	simm.s32 $0x18400  }
0x6: {  	s28 =	simm.s32 $0x18280;
	s29 =	simm.s32 $0x18180;
	s30 =	simm.s32 $0x18300  }
0x7: {  	s31 =	simm.s32 $0x18380;
	s4 =	sand.u32 $0x1, s2;
	s6 =	smul.u32 $0x14000, s21  }
0x8: {  	[smem:$0x7FF] =	sst s7;
	s23 =	smul.u32 $0x50000, s21;
	s8 =	sshll.u32 s21, $0xC  }
0x9: {  	s21 =	simm.s32 $0x1AC00;
	s5 =	smul.u32 $0x140000, s4;
	s22 =	sshll.u32 s4, $0xB  }
0xa: {  	_ =	strace $0x8000004A;
	s4 =	ssub.s32 $0x2, s4;
	s7 =	sadd.s32 s22, s1  }
0xb: {  	s24 =	sshrl.u32 s4, $0x1;
	s26 =	sshrl.u32 s23, $0x2;
	s22 =	simm.s32 $0x18080  }
0xc: {  	s23 =	simm.s32 $0x1;
	s5 =	sadd.s32 s6, s5;
	s4 =	ssub.s32 s4, s24  }
0xd: {  	s25 =	sadd.s32 s8, s7;
	s7 =	sadd.s32 s26, s3;
	s24 =	simm.s32 $0x18200  }
0xe: {  	s26 =	simm.s32 $0x2;
	s5 =	sshrl.u32 s5, $0x3;
	s8 =	smax.u32 s4, $0x1  }
0xf: {  	s9 =	sadd.s32 $0x2800, s7;
	s10 =	sadd.s32 $0x5000, s7;
	s11 =	sadd.s32 $0x7800, s7  }
0x10: {  	s12 =	sadd.s32 $0xA000, s7;
	s13 =	sadd.s32 $0xC800, s7;
	s14 =	sadd.s32 $0xF000, s7  }
0x11: {  	s15 =	sadd.s32 $0x11800, s7;
	s1 =	sadd.s32 s5, s1;
	s5 =	sadd.s32 $0x3000, s25  }
0x12: {  	v0 =	vimm.f32 $0.0e+00;
	s25 =	simm.s32 $0x18100;
	s6 =	sadd.s32 $0x13000, s1;
	s1 =	simm.s32 $0x0  }
.LBB2_1:
0x13: {  	s2 =	simm.s32 $0x0;
	s4 =	simm.s32 $0x14000  }
0x14: {  	[tilespmem:s4], [sflag:$0x3] =	stream.linear.gather [hbm4b:s5+s2], $0x3E80, $0x38;
	[tilespmem:$0x1D400] =	vst v63  }
0x15: {  	_ =	swait.ge [sflag:s17], $0x3E80  }
0x16: {  	[sflag:s17] =	ssyncset.done $0x0  }
0x17: {  	[sflag:s17] =	ssyncadd.s32 $0xFFFFC180  }
0x18: {  	v1 =	vld [tilespmem:$0x14000];
	_ =	sdelay $0x1  }
0x19: {  	v2 =	vld [tilespmem:$0x14010];
	_ =	sdelay $0x1  }
0x1a: {  	v3 =	vld [tilespmem:$0x14020]  }
0x1b: {  	v4 =	vshra.s32 v1, $0x10  }
0x1c: {  	v63 =	vld [tilespmem:$0x14030];
	v1 =	vand.u32 $0xFFFF, v1;
	[tilespmem:$0x18000] =	vst v4  }
0x1d: {  	[tilespmem:$0x18200] =	vst v1;
	v1 =	vshra.s32 v2, $0x10  }
0x1e: {  	[tilespmem:$0x18010] =	vst v1;
	v1 =	vand.u32 $0xFFFF, v2;
	v2 =	vld [tilespmem:$0x14040]  }
0x1f: {  	[tilespmem:$0x18210] =	vst v1;
	v1 =	vshra.s32 v3, $0x10  }
0x20: {  	[tilespmem:$0x18020] =	vst v1;
	v1 =	vand.u32 $0xFFFF, v3  }
0x21: {  	[tilespmem:$0x18220] =	vst v1;
	v1 =	vshra.s32 v63, $0x10  }
0x22: {  	[tilespmem:$0x18030] =	vst v1;
	v1 =	vand.u32 $0xFFFF, v63  }
0x23: {  	[tilespmem:$0x18230] =	vst v1;
	v1 =	vshra.s32 v2, $0x10  }
0x24: {  	[tilespmem:$0x18040] =	vst v1;
	v1 =	vand.u32 $0xFFFF, v2  }
0x25: {  	s16 =	simm.s32 $0x3C0;
	s4 =	simm.s32 $0x70;
	[tilespmem:$0x18240] =	vst v1  }
0x26: {  	[tilespmem:s20], [sflag:$0x1] =	stream.indirect.gather [hbm4b:s0+s18], $0x80, s19, s18, $0xb8;
	[tilespmem:$0x1D400] =	vst v63  }
.LBB2_2:
0x27: {  	p0 =	sne.s32 s16, $0x9FC0;
	[tilespmem:s4+$0x1AC00] =	vst v0  }
0x28: {  	[tilespmem:s4+$0x1AB90] =	vst v0  }
0x29: {  	[tilespmem:s4+$0x1ABA0] =	vst v0  }
.Ltmp0:
0x2a: {  	[tilespmem:s4+$0x1ABB0] =	vst v0;
	(pc) =	sbr.rel @p0 .LBB2_2-.Ltmp0, $4  }
0x2b: {  	[tilespmem:s4+$0x1ABC0] =	vst v0  }
0x2c: {  	[tilespmem:s4+$0x1ABD0] =	vst v0  }
0x2d: {  	[tilespmem:s4+$0x1ABE0] =	vst v0  }
0x2e: {  	[tilespmem:s4+$0x1ABF0] =	vst v0;
	s4 =	sshra.s32 s16, $0x2;
	s16 =	sadd.s32 $0x200, s16  }
0x2f: {  	[tilespmem:s4+$0x1AC00] =	vst v0  }
0x30: {  	[tilespmem:s4+$0x1AB90] =	vst v0  }
0x31: {  	[tilespmem:s4+$0x1ABA0] =	vst v0  }
0x32: {  	[tilespmem:s4+$0x1ABB0] =	vst v0  }
0x33: {  	[tilespmem:s4+$0x1ABC0] =	vst v0  }
0x34: {  	[tilespmem:s4+$0x1ABD0] =	vst v0  }
0x35: {  	[tilespmem:s4+$0x1ABE0] =	vst v0  }
0x36: {  	[tilespmem:s4+$0x1ABF0] =	vst v0  }
0x37: {  	[spmem:s7] =	stream.linear.scatter [tilespmem:s21], [sflag:$0x3], $0x2800, $0x38;
	[tilespmem:$0x1D400] =	vst v63  }
0x38: {  	_ =	swait.ge [sflag:s17], $0x2800  }
0x39: {  	[sflag:s17] =	ssyncset.done $0x0  }
0x3a: {  	[sflag:s17] =	ssyncadd.s32 $0xFFFFD800  }
0x3b: {  	[spmem:s9] =	stream.linear.scatter [tilespmem:s21], [sflag:$0x3], $0x2800, $0x38;
	[tilespmem:$0x1D400] =	vst v63  }
0x3c: {  	_ =	swait.ge [sflag:s17], $0x2800  }
0x3d: {  	[sflag:s17] =	ssyncset.done $0x0  }
0x3e: {  	[sflag:s17] =	ssyncadd.s32 $0xFFFFD800  }
0x3f: {  	[spmem:s10] =	stream.linear.scatter [tilespmem:s21], [sflag:$0x3], $0x2800, $0x38;
	[tilespmem:$0x1D400] =	vst v63  }
0x40: {  	_ =	swait.ge [sflag:s17], $0x2800  }
0x41: {  	[sflag:s17] =	ssyncset.done $0x0  }
0x42: {  	[sflag:s17] =	ssyncadd.s32 $0xFFFFD800  }
0x43: {  	[spmem:s11] =	stream.linear.scatter [tilespmem:s21], [sflag:$0x3], $0x2800, $0x38;
	[tilespmem:$0x1D400] =	vst v63  }
0x44: {  	_ =	swait.ge [sflag:s17], $0x2800  }
0x45: {  	[sflag:s17] =	ssyncset.done $0x0  }
0x46: {  	[sflag:s17] =	ssyncadd.s32 $0xFFFFD800  }
0x47: {  	[spmem:s12] =	stream.linear.scatter [tilespmem:s21], [sflag:$0x3], $0x2800, $0x38;
	[tilespmem:$0x1D400] =	vst v63  }
0x48: {  	_ =	swait.ge [sflag:s17], $0x2800  }
0x49: {  	[sflag:s17] =	ssyncset.done $0x0  }
0x4a: {  	[sflag:s17] =	ssyncadd.s32 $0xFFFFD800  }
0x4b: {  	[spmem:s13] =	stream.linear.scatter [tilespmem:s21], [sflag:$0x3], $0x2800, $0x38;
	[tilespmem:$0x1D400] =	vst v63  }
0x4c: {  	_ =	swait.ge [sflag:s17], $0x2800  }
0x4d: {  	[sflag:s17] =	ssyncset.done $0x0  }
0x4e: {  	[sflag:s17] =	ssyncadd.s32 $0xFFFFD800  }
0x4f: {  	[spmem:s14] =	stream.linear.scatter [tilespmem:s21], [sflag:$0x3], $0x2800, $0x38;
	[tilespmem:$0x1D400] =	vst v63  }
0x50: {  	_ =	swait.ge [sflag:s17], $0x2800  }
0x51: {  	[sflag:s17] =	ssyncset.done $0x0  }
0x52: {  	[sflag:s17] =	ssyncadd.s32 $0xFFFFD800  }
0x53: {  	[spmem:s15] =	stream.linear.scatter [tilespmem:s21], [sflag:$0x3], $0x2800, $0x38;
	[tilespmem:$0x1D400] =	vst v63  }
0x54: {  	_ =	swait.ge [sflag:s17], $0x2800  }
0x55: {  	[sflag:s17] =	ssyncset.done $0x0  }
0x56: {  	[sflag:s17] =	ssyncadd.s32 $0xFFFFD800  }
0x57: {  	[bflag:$0x0] =	sbarrier.arrive $0xFFFF  }
0x58: {  	v1 =	vld [tilespmem:$0x14080];
	_ =	sdelay $0x1  }
0x59: {  	v2 =	vld [tilespmem:$0x14090];
	_ =	sdelay $0x1  }
0x5a: {  	v3 =	vld [tilespmem:$0x140A0]  }
0x5b: {  	v4 =	vshra.s32 v1, $0x10  }
0x5c: {  	v61 =	vld [tilespmem:$0x140B0];
	v1 =	vand.u32 $0xFFFF, v1;
	[tilespmem:$0x18080] =	vst v4  }
0x5d: {  	[tilespmem:$0x18280] =	vst v1;
	v1 =	vshra.s32 v2, $0x10  }
0x5e: {  	[tilespmem:$0x18090] =	vst v1;
	v1 =	vand.u32 $0xFFFF, v2;
	v2 =	vld [tilespmem:$0x140C0]  }
0x5f: {  	[tilespmem:$0x18290] =	vst v1;
	v1 =	vshra.s32 v3, $0x10  }
0x60: {  	[tilespmem:$0x180A0] =	vst v1;
	v1 =	vand.u32 $0xFFFF, v3  }
0x61: {  	[tilespmem:$0x182A0] =	vst v1;
	v1 =	vshra.s32 v61, $0x10  }
0x62: {  	[tilespmem:$0x180B0] =	vst v1;
	v1 =	vand.u32 $0xFFFF, v61  }
0x63: {  	[tilespmem:$0x182B0] =	vst v1;
	v1 =	vshra.s32 v2, $0x10  }
0x64: {  	[tilespmem:$0x180C0] =	vst v1;
	v1 =	vand.u32 $0xFFFF, v2  }
0x65: {  	[tilespmem:$0x182C0] =	vst v1  }
0x66: {  	[tilespmem:s21], [sflag:$0x2] =	stream.indirect.gather [hbm4b:s0+s18], $0x80, s22, s18, $0xb8;
	[tilespmem:$0x1D400] =	vst v63  }
0x67: {  	v1 =	vld [tilespmem:$0x14100];
	_ =	sdelay $0x1  }
0x68: {  	v2 =	vld [tilespmem:$0x14110];
	_ =	sdelay $0x1  }
0x69: {  	v3 =	vld [tilespmem:$0x14120]  }
0x6a: {  	v62 =	vshra.s32 v1, $0x10  }
0x6b: {  	v63 =	vld [tilespmem:$0x14130];
	v1 =	vand.u32 $0xFFFF, v1;
	[tilespmem:$0x18100] =	vst v62  }
0x6c: {  	[tilespmem:$0x18300] =	vst v1;
	v1 =	vshra.s32 v2, $0x10  }
0x6d: {  	[tilespmem:$0x18110] =	vst v1;
	v1 =	vand.u32 $0xFFFF, v2;
	v2 =	vld [tilespmem:$0x14140]  }
0x6e: {  	[tilespmem:$0x18310] =	vst v1;
	v1 =	vshra.s32 v3, $0x10  }
0x6f: {  	[tilespmem:$0x18120] =	vst v1;
	v1 =	vand.u32 $0xFFFF, v3  }
0x70: {  	[tilespmem:$0x18320] =	vst v1;
	v1 =	vshra.s32 v63, $0x10  }
0x71: {  	[tilespmem:$0x18130] =	vst v1;
	v1 =	vand.u32 $0xFFFF, v63  }
0x72: {  	[tilespmem:$0x18330] =	vst v1;
	v1 =	vshra.s32 v2, $0x10  }
0x73: {  	[tilespmem:$0x18140] =	vst v1;
	v1 =	vand.u32 $0xFFFF, v2  }
0x74: {  	[tilespmem:$0x18340] =	vst v1  }
0x75: {  	_ =	swait.ge [sflag:s23], $0x2800  }
0x76: {  	[sflag:s23] =	ssyncset.done $0x0  }
0x77: {  	[sflag:s23] =	ssyncadd.s32 $0xFFFFD800  }
0x78: {  	[spmem:s3] =	stream.indirect.scatter.add.f32 [tilespmem:s20], [sflag:$0x3], $0x80, s24, s18, $0xb8;
	[tilespmem:$0x1D400] =	vst v63  }
0x79: {  	_ =	swait.ge [sflag:s17], $0x2800  }
0x7a: {  	[sflag:s17] =	ssyncset.done $0x0  }
0x7b: {  	s4 =	simm.s32 $0x0;
	[sflag:s17] =	ssyncadd.s32 $0xFFFFD800  }
0x7c: {  	[tilespmem:s20], [sflag:$0x1] =	stream.indirect.gather [hbm4b:s0+s18], $0x80, s25, s18, $0xb8;
	[tilespmem:$0x1D400] =	vst v63  }
0x7d: {  	v1 =	vld [tilespmem:s4+$0x14180];
	_ =	sdelay $0x4  }
0x7e: {  	v2 =	vshra.s32 v1, $0x10  }
0x7f: {  	v1 =	vand.u32 $0xFFFF, v1;
	[tilespmem:$0x18180] =	vst v2  }
0x80: {  	[tilespmem:$0x18380] =	vst v1  }
0x81: {  	v1 =	vld [tilespmem:s4+$0x14190];
	_ =	sdelay $0x4  }
0x82: {  	v2 =	vshra.s32 v1, $0x10  }
0x83: {  	v1 =	vand.u32 $0xFFFF, v1;
	[tilespmem:$0x18190] =	vst v2  }
0x84: {  	[tilespmem:$0x18390] =	vst v1  }
0x85: {  	v1 =	vld [tilespmem:s4+$0x141A0];
	_ =	sdelay $0x4  }
0x86: {  	v2 =	vshra.s32 v1, $0x10  }
0x87: {  	v1 =	vand.u32 $0xFFFF, v1;
	[tilespmem:$0x181A0] =	vst v2  }
0x88: {  	[tilespmem:$0x183A0] =	vst v1  }
0x89: {  	v1 =	vld [tilespmem:s4+$0x141B0];
	_ =	sdelay $0x4  }
0x8a: {  	v2 =	vshra.s32 v1, $0x10  }
0x8b: {  	v1 =	vand.u32 $0xFFFF, v1;
	[tilespmem:$0x181B0] =	vst v2  }
0x8c: {  	[tilespmem:$0x183B0] =	vst v1  }
0x8d: {  	v1 =	vld [tilespmem:s4+$0x141C0];
	_ =	sdelay $0x4  }
0x8e: {  	v2 =	vshra.s32 v1, $0x10  }
0x8f: {  	v1 =	vand.u32 $0xFFFF, v1;
	[tilespmem:$0x181C0] =	vst v2  }
0x90: {  	[tilespmem:$0x183C0] =	vst v1  }
0x91: {  	_ =	swait.ge [sflag:s26], $0x2800  }
0x92: {  	[sflag:s26] =	ssyncset.done $0x0  }
0x93: {  	[sflag:s26] =	ssyncadd.s32 $0xFFFFD800  }
0x94: {  	[spmem:s3] =	stream.indirect.scatter.add.f32 [tilespmem:s21], [sflag:$0x3], $0x80, s28, s18, $0xb8;
	[tilespmem:$0x1D400] =	vst v63  }
0x95: {  	_ =	swait.ge [sflag:s17], $0x2800  }
0x96: {  	[sflag:s17] =	ssyncset.done $0x0  }
0x97: {  	[sflag:s17] =	ssyncadd.s32 $0xFFFFD800  }
0x98: {  	[tilespmem:s21], [sflag:$0x2] =	stream.indirect.gather [hbm4b:s0+s18], $0x80, s29, s18, $0xb8;
	[tilespmem:$0x1D400] =	vst v63  }
0x99: {  	v1 =	vld [tilespmem:s4+$0x14200];
	_ =	sdelay $0x4  }
0x9a: {  	v2 =	vshra.s32 v1, $0x10  }
0x9b: {  	v1 =	vand.u32 $0xFFFF, v1;
	[tilespmem:$0x18000] =	vst v2  }
0x9c: {  	[tilespmem:$0x18200] =	vst v1  }
0x9d: {  	v1 =	vld [tilespmem:s4+$0x14210];
	_ =	sdelay $0x4  }
0x9e: {  	v2 =	vshra.s32 v1, $0x10  }
0x9f: {  	v1 =	vand.u32 $0xFFFF, v1;
	[tilespmem:$0x18010] =	vst v2  }
0xa0: {  	[tilespmem:$0x18210] =	vst v1  }
0xa1: {  	v1 =	vld [tilespmem:s4+$0x14220];
	_ =	sdelay $0x4  }
0xa2: {  	v2 =	vshra.s32 v1, $0x10  }
0xa3: {  	v1 =	vand.u32 $0xFFFF, v1;
	[tilespmem:$0x18020] =	vst v2  }
0xa4: {  	[tilespmem:$0x18220] =	vst v1  }
0xa5: {  	v1 =	vld [tilespmem:s4+$0x14230];
	_ =	sdelay $0x4  }
0xa6: {  	v2 =	vshra.s32 v1, $0x10  }
0xa7: {  	v1 =	vand.u32 $0xFFFF, v1;
	[tilespmem:$0x18030] =	vst v2  }
0xa8: {  	[tilespmem:$0x18230] =	vst v1  }
0xa9: {  	v1 =	vld [tilespmem:s4+$0x14240];
	_ =	sdelay $0x4  }
0xaa: {  	v2 =	vshra.s32 v1, $0x10  }
0xab: {  	v1 =	vand.u32 $0xFFFF, v1;
	[tilespmem:$0x18040] =	vst v2  }
0xac: {  	[tilespmem:$0x18240] =	vst v1  }
0xad: {  	_ =	swait.ge [sflag:s23], $0x2800  }
0xae: {  	[sflag:s23] =	ssyncset.done $0x0  }
0xaf: {  	[sflag:s23] =	ssyncadd.s32 $0xFFFFD800  }
0xb0: {  	[spmem:s3] =	stream.indirect.scatter.add.f32 [tilespmem:s20], [sflag:$0x3], $0x80, s30, s18, $0xb8;
	[tilespmem:$0x1D400] =	vst v63  }
0xb1: {  	_ =	swait.ge [sflag:s17], $0x2800  }
0xb2: {  	[sflag:s17] =	ssyncset.done $0x0  }
0xb3: {  	[sflag:s17] =	ssyncadd.s32 $0xFFFFD800  }
0xb4: {  	[tilespmem:s20], [sflag:$0x1] =	stream.indirect.gather [hbm4b:s0+s18], $0x80, s19, s18, $0xb8;
	[tilespmem:$0x1D400] =	vst v63  }
0xb5: {  	v1 =	vld [tilespmem:s4+$0x14280];
	_ =	sdelay $0x4  }
0xb6: {  	v2 =	vshra.s32 v1, $0x10  }
0xb7: {  	v1 =	vand.u32 $0xFFFF, v1;
	[tilespmem:$0x18080] =	vst v2  }
0xb8: {  	[tilespmem:$0x18280] =	vst v1  }
0xb9: {  	v1 =	vld [tilespmem:s4+$0x14290];
	_ =	sdelay $0x4  }
0xba: {  	v2 =	vshra.s32 v1, $0x10  }
0xbb: {  	v1 =	vand.u32 $0xFFFF, v1;
	[tilespmem:$0x18090] =	vst v2  }
0xbc: {  	[tilespmem:$0x18290] =	vst v1  }
0xbd: {  	v1 =	vld [tilespmem:s4+$0x142A0];
	_ =	sdelay $0x4  }
0xbe: {  	v2 =	vshra.s32 v1, $0x10  }
0xbf: {  	v1 =	vand.u32 $0xFFFF, v1;
	[tilespmem:$0x180A0] =	vst v2  }
0xc0: {  	[tilespmem:$0x182A0] =	vst v1  }
0xc1: {  	v1 =	vld [tilespmem:s4+$0x142B0];
	_ =	sdelay $0x4  }
0xc2: {  	v2 =	vshra.s32 v1, $0x10  }
0xc3: {  	v1 =	vand.u32 $0xFFFF, v1;
	[tilespmem:$0x180B0] =	vst v2  }
0xc4: {  	[tilespmem:$0x182B0] =	vst v1  }
0xc5: {  	v1 =	vld [tilespmem:s4+$0x142C0];
	_ =	sdelay $0x4  }
0xc6: {  	v2 =	vshra.s32 v1, $0x10  }
0xc7: {  	v1 =	vand.u32 $0xFFFF, v1;
	[tilespmem:$0x180C0] =	vst v2  }
0xc8: {  	[tilespmem:$0x182C0] =	vst v1  }
0xc9: {  	_ =	swait.ge [sflag:s26], $0x2800  }
0xca: {  	[sflag:s26] =	ssyncset.done $0x0  }
0xcb: {  	[sflag:s26] =	ssyncadd.s32 $0xFFFFD800  }
0xcc: {  	[spmem:s3] =	stream.indirect.scatter.add.f32 [tilespmem:s21], [sflag:$0x3], $0x80, s31, s18, $0xb8;
	[tilespmem:$0x1D400] =	vst v63  }
0xcd: {  	_ =	swait.ge [sflag:s17], $0x2800  }
0xce: {  	[sflag:s17] =	ssyncset.done $0x0  }
0xcf: {  	[sflag:s17] =	ssyncadd.s32 $0xFFFFD800  }
0xd0: {  	[tilespmem:s21], [sflag:$0x2] =	stream.indirect.gather [hbm4b:s0+s18], $0x80, s22, s18, $0xb8;
	[tilespmem:$0x1D400] =	vst v63  }
0xd1: {  	v1 =	vld [tilespmem:s4+$0x14300];
	_ =	sdelay $0x4  }
0xd2: {  	v2 =	vshra.s32 v1, $0x10  }
0xd3: {  	v1 =	vand.u32 $0xFFFF, v1;
	[tilespmem:$0x18100] =	vst v2  }
0xd4: {  	[tilespmem:$0x18300] =	vst v1  }
0xd5: {  	v1 =	vld [tilespmem:s4+$0x14310];
	_ =	sdelay $0x4  }
0xd6: {  	v2 =	vshra.s32 v1, $0x10  }
0xd7: {  	v1 =	vand.u32 $0xFFFF, v1;
	[tilespmem:$0x18110] =	vst v2  }
0xd8: {  	[tilespmem:$0x18310] =	vst v1  }
0xd9: {  	s16 =	simm.s32 $0x800;
	v1 =	vld [tilespmem:s4+$0x14320]  }
.LBB2_4:
0xda: {  	_ =	sdelay $0x1  }
0xdb: {  	p0 =	sne.s32 s16, $0xE800;
	s2 =	smov.u32 s16;
	s16 =	sadd.s32 $0x800, s16  }
0xdc: {  	_ = 	snop  }
0xdd: {  	v2 =	vshra.s32 v1, $0x10;
	v1 =	vand.u32 $0xFFFF, v1  }
0xde: {  	[tilespmem:$0x18120] =	vst v2  }
0xdf: {  	[tilespmem:$0x18320] =	vst v1  }
0xe0: {  	v1 =	vld [tilespmem:s4+$0x14330];
	_ =	sdelay $0x4  }
0xe1: {  	v2 =	vshra.s32 v1, $0x10;
	v1 =	vand.u32 $0xFFFF, v1  }
0xe2: {  	[tilespmem:$0x18130] =	vst v2  }
0xe3: {  	[tilespmem:$0x18330] =	vst v1  }
0xe4: {  	v1 =	vld [tilespmem:s4+$0x14340];
	_ =	sdelay $0x4  }
0xe5: {  	v2 =	vshra.s32 v1, $0x10;
	v1 =	vand.u32 $0xFFFF, v1  }
0xe6: {  	[tilespmem:$0x18140] =	vst v2  }
0xe7: {  	[tilespmem:$0x18340] =	vst v1  }
0xe8: {  	_ =	swait.ge [sflag:s23], $0x2800  }
0xe9: {  	[sflag:s23] =	ssyncset.done $0x0  }
0xea: {  	[sflag:s23] =	ssyncadd.s32 $0xFFFFD800  }
0xeb: {  	[spmem:s3] =	stream.indirect.scatter.add.f32 [tilespmem:s20], [sflag:$0x3], $0x80, s24, s18, $0xb8;
	[tilespmem:$0x1D400] =	vst v63  }
0xec: {  	_ =	swait.ge [sflag:s17], $0x2800  }
0xed: {  	[sflag:s17] =	ssyncset.done $0x0  }
0xee: {  	s4 =	sshra.s32 s2, $0x2;
	[sflag:s17] =	ssyncadd.s32 $0xFFFFD800  }
0xef: {  	[tilespmem:s20], [sflag:$0x1] =	stream.indirect.gather [hbm4b:s0+s18], $0x80, s25, s18, $0xb8;
	[tilespmem:$0x1D400] =	vst v63  }
0xf0: {  	v1 =	vld [tilespmem:s4+$0x14180];
	_ =	sdelay $0x4  }
0xf1: {  	v2 =	vshra.s32 v1, $0x10;
	v1 =	vand.u32 $0xFFFF, v1  }
0xf2: {  	[tilespmem:$0x18180] =	vst v2  }
0xf3: {  	[tilespmem:$0x18380] =	vst v1  }
0xf4: {  	v1 =	vld [tilespmem:s4+$0x14190];
	_ =	sdelay $0x4  }
0xf5: {  	v2 =	vshra.s32 v1, $0x10;
	v1 =	vand.u32 $0xFFFF, v1  }
0xf6: {  	[tilespmem:$0x18190] =	vst v2  }
0xf7: {  	[tilespmem:$0x18390] =	vst v1  }
0xf8: {  	v1 =	vld [tilespmem:s4+$0x141A0];
	_ =	sdelay $0x4  }
0xf9: {  	v2 =	vshra.s32 v1, $0x10;
	v1 =	vand.u32 $0xFFFF, v1  }
0xfa: {  	[tilespmem:$0x181A0] =	vst v2  }
0xfb: {  	[tilespmem:$0x183A0] =	vst v1  }
0xfc: {  	v1 =	vld [tilespmem:s4+$0x141B0];
	_ =	sdelay $0x4  }
0xfd: {  	v2 =	vshra.s32 v1, $0x10;
	v1 =	vand.u32 $0xFFFF, v1  }
0xfe: {  	[tilespmem:$0x181B0] =	vst v2  }
0xff: {  	[tilespmem:$0x183B0] =	vst v1  }
0x100: {  	v1 =	vld [tilespmem:s4+$0x141C0];
	_ =	sdelay $0x4  }
0x101: {  	v2 =	vshra.s32 v1, $0x10;
	v1 =	vand.u32 $0xFFFF, v1  }
0x102: {  	[tilespmem:$0x181C0] =	vst v2  }
0x103: {  	[tilespmem:$0x183C0] =	vst v1  }
0x104: {  	_ =	swait.ge [sflag:s26], $0x2800  }
0x105: {  	[sflag:s26] =	ssyncset.done $0x0  }
0x106: {  	[sflag:s26] =	ssyncadd.s32 $0xFFFFD800  }
0x107: {  	[spmem:s3] =	stream.indirect.scatter.add.f32 [tilespmem:s21], [sflag:$0x3], $0x80, s28, s18, $0xb8;
	[tilespmem:$0x1D400] =	vst v63  }
0x108: {  	_ =	swait.ge [sflag:s17], $0x2800  }
0x109: {  	[sflag:s17] =	ssyncset.done $0x0  }
0x10a: {  	[sflag:s17] =	ssyncadd.s32 $0xFFFFD800  }
0x10b: {  	[tilespmem:s21], [sflag:$0x2] =	stream.indirect.gather [hbm4b:s0+s18], $0x80, s29, s18, $0xb8;
	[tilespmem:$0x1D400] =	vst v63  }
0x10c: {  	v1 =	vld [tilespmem:s4+$0x14200];
	_ =	sdelay $0x4  }
0x10d: {  	v2 =	vshra.s32 v1, $0x10;
	v1 =	vand.u32 $0xFFFF, v1  }
0x10e: {  	[tilespmem:$0x18000] =	vst v2  }
0x10f: {  	[tilespmem:$0x18200] =	vst v1  }
0x110: {  	v1 =	vld [tilespmem:s4+$0x14210];
	_ =	sdelay $0x4  }
0x111: {  	v2 =	vshra.s32 v1, $0x10;
	v1 =	vand.u32 $0xFFFF, v1  }
0x112: {  	[tilespmem:$0x18010] =	vst v2  }
0x113: {  	[tilespmem:$0x18210] =	vst v1  }
0x114: {  	v1 =	vld [tilespmem:s4+$0x14220];
	_ =	sdelay $0x4  }
0x115: {  	v2 =	vshra.s32 v1, $0x10;
	v1 =	vand.u32 $0xFFFF, v1  }
0x116: {  	[tilespmem:$0x18020] =	vst v2  }
0x117: {  	[tilespmem:$0x18220] =	vst v1  }
0x118: {  	v1 =	vld [tilespmem:s4+$0x14230];
	_ =	sdelay $0x4  }
0x119: {  	v2 =	vshra.s32 v1, $0x10;
	v1 =	vand.u32 $0xFFFF, v1  }
0x11a: {  	[tilespmem:$0x18030] =	vst v2  }
0x11b: {  	[tilespmem:$0x18230] =	vst v1  }
0x11c: {  	v1 =	vld [tilespmem:s4+$0x14240];
	_ =	sdelay $0x4  }
0x11d: {  	v2 =	vshra.s32 v1, $0x10;
	v1 =	vand.u32 $0xFFFF, v1  }
0x11e: {  	[tilespmem:$0x18040] =	vst v2  }
0x11f: {  	[tilespmem:$0x18240] =	vst v1  }
0x120: {  	_ =	swait.ge [sflag:s23], $0x2800  }
0x121: {  	[sflag:s23] =	ssyncset.done $0x0  }
0x122: {  	[sflag:s23] =	ssyncadd.s32 $0xFFFFD800  }
0x123: {  	[spmem:s3] =	stream.indirect.scatter.add.f32 [tilespmem:s20], [sflag:$0x3], $0x80, s30, s18, $0xb8;
	[tilespmem:$0x1D400] =	vst v63  }
0x124: {  	_ =	swait.ge [sflag:s17], $0x2800  }
0x125: {  	[sflag:s17] =	ssyncset.done $0x0  }
0x126: {  	[sflag:s17] =	ssyncadd.s32 $0xFFFFD800  }
0x127: {  	[tilespmem:s20], [sflag:$0x1] =	stream.indirect.gather [hbm4b:s0+s18], $0x80, s19, s18, $0xb8;
	[tilespmem:$0x1D400] =	vst v63  }
0x128: {  	v1 =	vld [tilespmem:s4+$0x14280];
	_ =	sdelay $0x4  }
0x129: {  	v2 =	vshra.s32 v1, $0x10;
	v1 =	vand.u32 $0xFFFF, v1  }
0x12a: {  	[tilespmem:$0x18080] =	vst v2  }
0x12b: {  	[tilespmem:$0x18280] =	vst v1  }
0x12c: {  	v1 =	vld [tilespmem:s4+$0x14290];
	_ =	sdelay $0x4  }
0x12d: {  	v2 =	vshra.s32 v1, $0x10;
	v1 =	vand.u32 $0xFFFF, v1  }
0x12e: {  	[tilespmem:$0x18090] =	vst v2  }
0x12f: {  	[tilespmem:$0x18290] =	vst v1  }
0x130: {  	v1 =	vld [tilespmem:s4+$0x142A0];
	_ =	sdelay $0x4  }
0x131: {  	v2 =	vshra.s32 v1, $0x10;
	v1 =	vand.u32 $0xFFFF, v1  }
0x132: {  	[tilespmem:$0x180A0] =	vst v2  }
0x133: {  	[tilespmem:$0x182A0] =	vst v1  }
0x134: {  	v1 =	vld [tilespmem:s4+$0x142B0];
	_ =	sdelay $0x4  }
0x135: {  	v2 =	vshra.s32 v1, $0x10;
	v1 =	vand.u32 $0xFFFF, v1  }
0x136: {  	[tilespmem:$0x180B0] =	vst v2  }
0x137: {  	[tilespmem:$0x182B0] =	vst v1  }
0x138: {  	v1 =	vld [tilespmem:s4+$0x142C0];
	_ =	sdelay $0x4  }
0x139: {  	v2 =	vshra.s32 v1, $0x10;
	v1 =	vand.u32 $0xFFFF, v1  }
0x13a: {  	[tilespmem:$0x180C0] =	vst v2  }
0x13b: {  	[tilespmem:$0x182C0] =	vst v1  }
0x13c: {  	_ =	swait.ge [sflag:s26], $0x2800  }
0x13d: {  	[sflag:s26] =	ssyncset.done $0x0  }
0x13e: {  	[sflag:s26] =	ssyncadd.s32 $0xFFFFD800  }
0x13f: {  	[spmem:s3] =	stream.indirect.scatter.add.f32 [tilespmem:s21], [sflag:$0x3], $0x80, s31, s18, $0xb8;
	[tilespmem:$0x1D400] =	vst v63  }
0x140: {  	_ =	swait.ge [sflag:s17], $0x2800  }
0x141: {  	[sflag:s17] =	ssyncset.done $0x0  }
0x142: {  	[sflag:s17] =	ssyncadd.s32 $0xFFFFD800  }
0x143: {  	[tilespmem:s21], [sflag:$0x2] =	stream.indirect.gather [hbm4b:s0+s18], $0x80, s22, s18, $0xb8;
	[tilespmem:$0x1D400] =	vst v63  }
0x144: {  	v1 =	vld [tilespmem:s4+$0x14300];
	_ =	sdelay $0x4  }
0x145: {  	v2 =	vshra.s32 v1, $0x10;
	v1 =	vand.u32 $0xFFFF, v1  }
0x146: {  	[tilespmem:$0x18100] =	vst v2  }
0x147: {  	[tilespmem:$0x18300] =	vst v1  }
0x148: {  	v1 =	vld [tilespmem:s4+$0x14310];
	_ =	sdelay $0x3  }
.Ltmp1:
0x149: {  	(pc) =	sbr.rel @p0 .LBB2_4-.Ltmp1, $4  }
0x14a: {  	v2 =	vshra.s32 v1, $0x10;
	v1 =	vand.u32 $0xFFFF, v1  }
0x14b: {  	[tilespmem:$0x18110] =	vst v2  }
0x14c: {  	[tilespmem:$0x18310] =	vst v1  }
0x14d: {  	v1 =	vld [tilespmem:s4+$0x14320]  }
0x14e: {  	_ =	sdelay $0x3  }
0x14f: {  	v2 =	vshra.s32 v1, $0x10  }
0x150: {  	v1 =	vand.u32 $0xFFFF, v1;
	[tilespmem:$0x18120] =	vst v2  }
0x151: {  	[tilespmem:$0x18320] =	vst v1  }
0x152: {  	v1 =	vld [tilespmem:s4+$0x14330];
	_ =	sdelay $0x4  }
0x153: {  	v2 =	vshra.s32 v1, $0x10  }
0x154: {  	v1 =	vand.u32 $0xFFFF, v1;
	[tilespmem:$0x18130] =	vst v2  }
0x155: {  	[tilespmem:$0x18330] =	vst v1  }
0x156: {  	v1 =	vld [tilespmem:s4+$0x14340];
	_ =	sdelay $0x4  }
0x157: {  	v2 =	vshra.s32 v1, $0x10  }
0x158: {  	v1 =	vand.u32 $0xFFFF, v1;
	[tilespmem:$0x18140] =	vst v2  }
0x159: {  	[tilespmem:$0x18340] =	vst v1  }
0x15a: {  	_ =	swait.ge [sflag:s23], $0x2800  }
0x15b: {  	[sflag:s23] =	ssyncset.done $0x0  }
0x15c: {  	[sflag:s23] =	ssyncadd.s32 $0xFFFFD800  }
0x15d: {  	[spmem:s3] =	stream.indirect.scatter.add.f32 [tilespmem:s20], [sflag:$0x3], $0x80, s24, s18, $0xb8;
	[tilespmem:$0x1D400] =	vst v63  }
0x15e: {  	_ =	swait.ge [sflag:s17], $0x2800  }
0x15f: {  	[sflag:s17] =	ssyncset.done $0x0  }
0x160: {  	[sflag:s17] =	ssyncadd.s32 $0xFFFFD800  }
0x161: {  	[tilespmem:s20], [sflag:$0x1] =	stream.indirect.gather [hbm4b:s0+s18], $0x80, s25, s18, $0xb8;
	[tilespmem:$0x1D400] =	vst v63  }
0x162: {  	v1 =	vld [tilespmem:$0x17D80];
	_ =	sdelay $0x1  }
0x163: {  	v2 =	vld [tilespmem:$0x17D90];
	_ =	sdelay $0x1  }
0x164: {  	v3 =	vld [tilespmem:$0x17DA0]  }
0x165: {  	v4 =	vshra.s32 v1, $0x10  }
0x166: {  	v61 =	vld [tilespmem:$0x17DB0];
	v1 =	vand.u32 $0xFFFF, v1;
	[tilespmem:$0x18180] =	vst v4  }
0x167: {  	[tilespmem:$0x18380] =	vst v1;
	v1 =	vshra.s32 v2, $0x10  }
0x168: {  	[tilespmem:$0x18190] =	vst v1;
	v1 =	vand.u32 $0xFFFF, v2;
	v2 =	vld [tilespmem:$0x17DC0]  }
0x169: {  	[tilespmem:$0x18390] =	vst v1;
	v1 =	vshra.s32 v3, $0x10  }
0x16a: {  	[tilespmem:$0x181A0] =	vst v1;
	v1 =	vand.u32 $0xFFFF, v3  }
0x16b: {  	[tilespmem:$0x183A0] =	vst v1;
	v1 =	vshra.s32 v61, $0x10  }
0x16c: {  	[tilespmem:$0x181B0] =	vst v1;
	v1 =	vand.u32 $0xFFFF, v61  }
0x16d: {  	[tilespmem:$0x183B0] =	vst v1;
	v1 =	vshra.s32 v2, $0x10  }
0x16e: {  	[tilespmem:$0x181C0] =	vst v1;
	v1 =	vand.u32 $0xFFFF, v2  }
0x16f: {  	[tilespmem:$0x183C0] =	vst v1  }
0x170: {  	_ =	swait.ge [sflag:s26], $0x2800  }
0x171: {  	[sflag:s26] =	ssyncset.done $0x0  }
0x172: {  	[sflag:s26] =	ssyncadd.s32 $0xFFFFD800  }
0x173: {  	[spmem:s3] =	stream.indirect.scatter.add.f32 [tilespmem:s21], [sflag:$0x3], $0x80, s28, s18, $0xb8;
	[tilespmem:$0x1D400] =	vst v63  }
0x174: {  	_ =	swait.ge [sflag:s17], $0x2800  }
0x175: {  	[sflag:s17] =	ssyncset.done $0x0  }
0x176: {  	[sflag:s17] =	ssyncadd.s32 $0xFFFFD800  }
0x177: {  	[tilespmem:s21], [sflag:$0x2] =	stream.indirect.gather [hbm4b:s0+s18], $0x80, s29, s18, $0xb8;
	[tilespmem:$0x1D400] =	vst v63  }
0x178: {  	v1 =	vld [tilespmem:$0x17E00];
	_ =	sdelay $0x1  }
0x179: {  	v2 =	vld [tilespmem:$0x17E10];
	_ =	sdelay $0x1  }
0x17a: {  	v3 =	vld [tilespmem:$0x17E20]  }
0x17b: {  	v62 =	vshra.s32 v1, $0x10  }
0x17c: {  	v63 =	vld [tilespmem:$0x17E30];
	v1 =	vand.u32 $0xFFFF, v1;
	[tilespmem:$0x18000] =	vst v62  }
0x17d: {  	[tilespmem:$0x18200] =	vst v1;
	v1 =	vshra.s32 v2, $0x10  }
0x17e: {  	[tilespmem:$0x18010] =	vst v1;
	v1 =	vand.u32 $0xFFFF, v2;
	v2 =	vld [tilespmem:$0x17E40]  }
0x17f: {  	[tilespmem:$0x18210] =	vst v1;
	v1 =	vshra.s32 v3, $0x10  }
0x180: {  	[tilespmem:$0x18020] =	vst v1;
	v1 =	vand.u32 $0xFFFF, v3  }
0x181: {  	[tilespmem:$0x18220] =	vst v1;
	v1 =	vshra.s32 v63, $0x10  }
0x182: {  	[tilespmem:$0x18030] =	vst v1;
	v1 =	vand.u32 $0xFFFF, v63  }
0x183: {  	[tilespmem:$0x18230] =	vst v1;
	v1 =	vshra.s32 v2, $0x10  }
0x184: {  	[tilespmem:$0x18040] =	vst v1;
	v1 =	vand.u32 $0xFFFF, v2  }
0x185: {  	[tilespmem:$0x18240] =	vst v1  }
0x186: {  	_ =	swait.ge [sflag:s23], $0x2800  }
0x187: {  	[sflag:s23] =	ssyncset.done $0x0  }
0x188: {  	[sflag:s23] =	ssyncadd.s32 $0xFFFFD800  }
0x189: {  	[spmem:s3] =	stream.indirect.scatter.add.f32 [tilespmem:s20], [sflag:$0x3], $0x80, s30, s18, $0xb8;
	[tilespmem:$0x1D400] =	vst v63  }
0x18a: {  	_ =	swait.ge [sflag:s17], $0x2800  }
0x18b: {  	[sflag:s17] =	ssyncset.done $0x0  }
0x18c: {  	[sflag:s17] =	ssyncadd.s32 $0xFFFFD800  }
0x18d: {  	[tilespmem:s20], [sflag:$0x1] =	stream.indirect.gather [hbm4b:s0+s18], $0x80, s19, s18, $0xb8;
	[tilespmem:$0x1D400] =	vst v63  }
0x18e: {  	_ =	swait.ge [sflag:s26], $0x2800  }
0x18f: {  	[sflag:s26] =	ssyncset.done $0x0  }
0x190: {  	[sflag:s26] =	ssyncadd.s32 $0xFFFFD800  }
0x191: {  	[spmem:s3] =	stream.indirect.scatter.add.f32 [tilespmem:s21], [sflag:$0x3], $0x80, s31, s18, $0xb8;
	[tilespmem:$0x1D400] =	vst v63  }
0x192: {  	_ =	swait.ge [sflag:s17], $0x2800  }
0x193: {  	[sflag:s17] =	ssyncset.done $0x0  }
0x194: {  	[sflag:s17] =	ssyncadd.s32 $0xFFFFD800  }
0x195: {  	_ =	swait.ge [sflag:s23], $0x2800  }
0x196: {  	[sflag:s23] =	ssyncset.done $0x0  }
0x197: {  	[sflag:s23] =	ssyncadd.s32 $0xFFFFD800  }
0x198: {  	[spmem:s3] =	stream.indirect.scatter.add.f32 [tilespmem:s20], [sflag:$0x3], $0x80, s24, s18, $0xb8;
	[tilespmem:$0x1D400] =	vst v63  }
0x199: {  	s2 =	stileid.u32;
	_ =	swait.ge [sflag:s17], $0x2800  }
0x19a: {  	s16 =	sshrl.u32 s7, $0x3;
	s1 =	sadd.s32 $0x1, s1;
	[sflag:s17] =	ssyncset.done $0x0  }
0x19b: {  	s2 =	sshll.u32 s2, $0x6;
	p0 =	sne.s32 s1, s8;
	[sflag:s17] =	ssyncadd.s32 $0xFFFFD800  }
.Ltmp2:
0x19c: {  	s2 =	sor.u32 $0x1C03, s2;
	[bflag:$0x0] =	sbarrier.arrive $0xFFFF;
	(pc) =	sbr.rel @p0 .LBB2_1-.Ltmp2, $4  }
0x19d: {  	[hbm:s6], [sflag:s2] =	dma.local [spmem:s16], $0x2800  }
0x19e: {  	_ =	swait.ge [sflag:s17], $0x2800  }
0x19f: {  	[sflag:s17] =	ssyncset.done $0x0  }
0x1a0: {  	[sflag:s17] =	ssyncadd.s32 $0xFFFFD800  }
0x1a1: {  	_ =	sfence.sel $0x180000  }
0x1a2: {  	[bflag:$0x0] =	sbarrier.arrive $0xFFFF  }
0x1a3: {  	_ =	strace $0x9000004A  }
0x1a4: {  	s0 =	stileid.u32;
	[bflag:$0x2] =	sbarrier.arrive $0xFFFF  }
0x1a5: {  	p0 =	sne.s32 s0, $0x0;
	s0 =	rddreg [dreg:$0x3]  }
0x1a6: {  	s0 =	sadd.s32 @!p0 $0x100000, s0  }
0x1a7: {  	[sflag:s0] =	ssyncadd.tile.s32 @!p0 $0x1;
	_ =	shalt  }
.Lfunc_end2:
_tile_overlayer_lowered:
.L_overlay_start_2:
0x1a8: {  	(tag) =	ssettag $0x2  }
0x1a9: {  	s0 =	rddreg [dreg:$0x0];
	s2 =	stileid.u32  }
0x1aa: {  	s1 =	rddreg [dreg:$0x1];
	p0 =	sne.s32 s2, $0x0  }
0x1ab: {  	s3 =	rddreg [dreg:$0x2];
	[bflag:$0x3] =	sbarrier.arrive $0xFFFF;
	s2 =	simm.s32 @!p0 $0x1C03  }
0x1ac: {  	[timem:s3], [sflag:s2] =	dma.local @!p0 [hbm:s0], s1  }
0x1ad: {  	s0 =	simm.s32 @!p0 $0x3  }
0x1ae: {  	_ =	swait.ge @!p0 [sflag:s0], s1  }
0x1af: {  	s1 =	ssub.s32 @!p0 $0x0, s1;
	[sflag:s0] =	ssyncset.done @!p0 $0x0  }
0x1b0: {  	[sflag:s0] =	ssyncadd.s32 @!p0 s1  }
0x1b1: {  	[bflag:$0x3] =	sbarrier.arrive $0xFFFF  }
0x1b2: {  	_ =	shalt  }

// kernel: kernel.14.cloned.1.call-start
scs
__scs_entry_jumppad:
0x0: {  	(pc) =	sbr.rel $0x88, $3  }
0x1: {  	(tag) =	ssettag $0x0;
	lr =	simm.s32 $0x1  }
0x2: {  	[smem:$0x3F99] =	sst lr;
	_ =	strace $0xD0000000  }
0x3: {  	_ = 	snop  }
0x4: {  	_ = 	snop  }
0x5: {  	_ = 	snop  }
0x6: {  	_ = 	snop  }
0x7: {  	_ = 	snop  }
__scs_overlays_trampoline_lowered:
0x8: {  	[smem:$0x3FA8] =	sst s0  }
0x9: {  	[smem:$0x3FA9] =	sst s1  }
0xa: {  	[smem:$0x3FAA] =	sst s2  }
0xb: {  	[smem:$0x3FAB] =	sst s3  }
0xc: {  	[smem:$0x3FAC] =	sst s4  }
0xd: {  	[smem:$0x3FAD] =	sst s5  }
0xe: {  	[smem:$0x3FAE] =	sst s6  }
0xf: {  	[smem:$0x3FAF] =	sst s7  }
0x10: {  	[smem:$0x3FB0] =	sst s8  }
0x11: {  	[smem:$0x3FB1] =	sst s9;
	s0 =	simm.s32 @!p0 $0x0  }
0x12: {  	s1 =	sld [smem:$0x3F97];
	s0 =	simm.s32 @p0 $0x1  }
0x13: {  	[smem:$0x3FB2] =	sst s0;
	s0 =	simm.s32 @!p1 $0x0  }
0x14: {  	s2 =	sld [smem:$0x3F96];
	s0 =	simm.s32 @p1 $0x1  }
0x15: {  	[smem:$0x3FB3] =	sst s0;
	s0 =	simm.s32 @!p2 $0x0  }
0x16: {  	s3 =	sld [smem:$0x3FDB];
	s0 =	simm.s32 @p2 $0x1  }
0x17: {  	s4 =	simm.s32 $0x1BF5;
	[smem:$0x3FB5] =	sst s0  }
0x18: {  	s0 =	sld [smem:$0x3F98];
	_ =	swait.ge [sflag:s4], $0x0  }
0x19: {  	s7 =	sld [smem:$0x3F99]  }
0x1a: {  	s8 =	sadd.s32 $0xFFFFE003, lr  }
0x1b: {  	s9 =	sadd.s32 $0xFFFFFEF7, lr;
	s5 =	simm.s32 $0xFFFFFFFF;
	p2 =	slt.u32 s8, $0xFFFFF086  }
0x1c: {  	p1 =	slt.u32 s9, $0xF7A;
	s5 =	simm.s32 @!p2 $0x0  }
0x1d: {  	s5 =	simm.s32 @p1 $0x1;
	p0 =	seq.s32 s7, s2  }
0x1e: {  	s7 =	smul.u32 @!p0 $0xF7A, s2;
	p2 =	seq.s32 @!p0 s5, $0x0  }
0x1f: {  	s9 =	smul.u32 $0xF7A, s1;
	s8 =	simm.s32 @!p0 $0x1BF5;
	p2 =	por !p2, p0  }
0x20: {  	[sflag:s8] =	ssyncset.s32 @!p0 $0xFFFFF086;
	s6 =	sadd.s32 @!p0 s3, s7;
	s7 =	simm.s32 @!p0 $0x108  }
0x21: {  	s3 =	sadd.s32 s3, s9;
	s6 =	sadd.s32 @!p0 $0x88, s6;
	s7 =	simm.s32 @p2 $0x1082  }
0x22: {  	[simem:s7], [sflag:s8] =	dma.local @!p0 [hbm:s6], $0xF7A  }
0x23: {  	s9 =	sor.u32 $0xD0000000, s2;
	s6 =	simm.s32 $0x108;
	_ =	swait.ge @!p0 [sflag:s8], $0x0  }
0x24: {  	s3 =	sadd.s32 $0x88, s3;
	s6 =	simm.s32 @!p1 $0x1082;
	[sflag:s4] =	ssyncset.s32 $0xFFFFF086  }
0x25: {  	[simem:s6], [sflag:s4] =	dma.local [hbm:s3], $0xF7A  }
0x26: {  	[smem:$0x3F99] =	sst s1;
	(tag) =	ssettag s2;
	_ =	strace s9  }
0x27: {  	s1 =	sld [smem:$0x3FA9]  }
0x28: {  	s2 =	sld [smem:$0x3FAA]  }
0x29: {  	s4 =	sld [smem:$0x3FAC]  }
0x2a: {  	p0 =	seq.s32 s5, $0x0;
	s5 =	sld [smem:$0x3FAD]  }
0x2b: {  	s6 =	sld [smem:$0x3FAE]  }
0x2c: {  	s7 =	sld [smem:$0x3FAF]  }
0x2d: {  	s3 =	simm.s32 $0x108;
	s8 =	sld [smem:$0x3FB0]  }
0x2e: {  	s3 =	simm.s32 @!p0 $0x1082;
	s9 =	sld [smem:$0x3FB1]  }
0x2f: {  	lr =	sadd.s32 s0, s3;
	s0 =	sld [smem:$0x3FA8]  }
0x30: {  	s3 =	sld [smem:$0x3FAB]  }
0x31: {  	[smem:$0x3FB4] =	sst s10  }
0x32: {  	s10 =	sld [smem:$0x3FB2];
	_ =	sdelay $0x3  }
0x33: {  	p0 =	seq.s32 s10, $0x1;
	s10 =	sld [smem:$0x3FB4];
	_ =	sdelay $0x3  }
0x34: {  	[smem:$0x3FB4] =	sst s10  }
0x35: {  	s10 =	sld [smem:$0x3FB3];
	_ =	sdelay $0x3  }
0x36: {  	p1 =	seq.s32 s10, $0x1;
	s10 =	sld [smem:$0x3FB4];
	_ =	sdelay $0x3  }
0x37: {  	[smem:$0x3FB4] =	sst s10  }
0x38: {  	s10 =	sld [smem:$0x3FB5]  }
0x39: {  	_ = 	snop;
	(pc) =	sbr.ind lr, $3  }
0x3a: {  	_ = 	snop  }
0x3b: {  	_ = 	snop  }
0x3c: {  	p2 =	seq.s32 s10, $0x1;
	s10 =	sld [smem:$0x3FB4]  }
0x3d: {  	_ =	shalt  }
0x3e: {  	_ =	shalt  }
0x3f: {  	_ =	shalt  }
0x40: {  	_ =	shalt  }
0x41: {  	_ =	shalt  }
0x42: {  	_ =	shalt  }
0x43: {  	_ =	shalt  }
0x44: {  	_ =	shalt  }
0x45: {  	_ =	shalt  }
0x46: {  	_ =	shalt  }
0x47: {  	_ =	shalt  }
0x48: {  	_ =	shalt  }
0x49: {  	_ =	shalt  }
0x4a: {  	_ =	shalt  }
0x4b: {  	_ =	shalt  }
0x4c: {  	_ =	shalt  }
0x4d: {  	_ =	shalt  }
0x4e: {  	_ =	shalt  }
0x4f: {  	_ =	shalt  }
0x50: {  	_ =	shalt  }
0x51: {  	_ =	shalt  }
0x52: {  	_ =	shalt  }
0x53: {  	_ =	shalt  }
0x54: {  	_ =	shalt  }
0x55: {  	_ =	shalt  }
0x56: {  	_ =	shalt  }
0x57: {  	_ =	shalt  }
0x58: {  	_ =	shalt  }
0x59: {  	_ =	shalt  }
0x5a: {  	_ =	shalt  }
0x5b: {  	_ =	shalt  }
0x5c: {  	_ =	shalt  }
0x5d: {  	_ =	shalt  }
0x5e: {  	_ =	shalt  }
0x5f: {  	_ =	shalt  }
0x60: {  	_ =	shalt  }
0x61: {  	_ =	shalt  }
0x62: {  	_ =	shalt  }
0x63: {  	_ =	shalt  }
0x64: {  	_ =	shalt  }
0x65: {  	_ =	shalt  }
0x66: {  	_ =	shalt  }
0x67: {  	_ =	shalt  }
0x68: {  	_ =	shalt  }
0x69: {  	_ =	shalt  }
0x6a: {  	_ =	shalt  }
0x6b: {  	_ =	shalt  }
0x6c: {  	_ =	shalt  }
0x6d: {  	_ =	shalt  }
0x6e: {  	_ =	shalt  }
0x6f: {  	_ =	shalt  }
0x70: {  	_ =	shalt  }
0x71: {  	_ =	shalt  }
0x72: {  	_ =	shalt  }
0x73: {  	_ =	shalt  }
0x74: {  	_ =	shalt  }
0x75: {  	_ =	shalt  }
0x76: {  	_ =	shalt  }
0x77: {  	_ =	shalt  }
0x78: {  	_ =	shalt  }
0x79: {  	_ =	shalt  }
0x7a: {  	_ =	shalt  }
0x7b: {  	_ =	shalt  }
0x7c: {  	_ =	shalt  }
0x7d: {  	_ =	shalt  }
0x7e: {  	_ =	shalt  }
0x7f: {  	_ =	shalt  }
0x80: {  	_ =	shalt  }
0x81: {  	_ =	shalt  }
0x82: {  	_ =	shalt  }
0x83: {  	_ =	shalt  }
0x84: {  	_ =	shalt  }
0x85: {  	_ =	shalt  }
0x86: {  	_ =	shalt  }
0x87: {  	_ =	shalt  }
.Lfunc_end0:
.L_simem_size_0:
called_computation.2_lowered:
.L_overlay_start_0:
0x88: {  	s2 =	sld [smem:$0x3FD9]  }
0x89: {  	s3 =	sld [smem:$0x3FFE];
	_ =	sdelay $0x1  }
0x8a: {  	s1 =	srdreg.scid  }
0x8b: {  	s0 =	sand.u32 $0x1, s1  }
0x8c: {  	s14 =	sshll.u32 s0, $0xA;
	s2 =	sadd.s32 s3, s2  }
0x8d: {  	s2 =	sadd.s32 s2, s14  }
0x8e: {  	[smem:$0x3FC0] =	sst s2  }
0x8f: {  	_ = 	snop  }
0x90: {  	s2 =	sld [smem:$0x3FD0];
	_ =	sdelay $0x2  }
0x91: {  	s15 =	simm.s32 $0xA;
	s4 =	simm.s32 $0x10  }
0x92: {  	[smem:s4], [sflag:s15] =	dma.local [hbm:s2], $0x1  }
0x93: {  	_ =	swait.eq [sflag:s15], $0x1  }
0x94: {  	[sflag:s15] =	ssyncset.done $0x0  }
0x95: {  	[sflag:s15] =	ssyncadd.s32 $0xFFFFFFFF  }
0x96: {  	s16 =	sld [smem:$0x10];
	(tm) =	ssettm $0x1  }
0x97: {  	s17 =	sld [smem:$0x3FFB];
	_ =	sdelay $0x3  }
0x98: {  	_ =	strace s17  }
0x99: {  	s3 =	sld [smem:$0x3FFC];
	_ =	sdelay $0x3  }
0x9a: {  	_ =	strace s3  }
0x9b: {  	s3 =	sld [smem:$0x3FFD];
	_ =	sdelay $0x3  }
0x9c: {  	_ =	strace s3  }
0x9d: {  	_ =	strace $0x8FFFFFFF  }
0x9e: {  	s18 =	sld [smem:$0x3FDB];
	_ =	sdelay $0x1  }
0x9f: {  	s19 =	simm.s32 $_scs_section_size  }
0xa0: {  	s5 =	simm.s32 $_size__tile_overlayer_lowered;
	s6 =	simm.s32 $_tile_overlayer_lowered  }
0xa1: {  	s22 =	simm.s32 $0x1BFF;
	s21 =	sshll.u32 s6, $0x1;
	s3 =	sadd.s32 s19, s18  }
0xa2: {  	s7 =	simm.s32 $0x0;
	s20 =	sshll.u32 s5, $0x1;
	s5 =	sadd.s32 s21, s3  }
0xa3: {  	[timem:s7], [sflag:s22] =	dma.local [hbm:s5], s20  }
0xa4: {  	_ =	swait.ge [sflag:s22], s20  }
0xa5: {  	s4 =	ssub.s32 $0x0, s20;
	[sflag:s22] =	ssyncset.done $0x0  }
0xa6: {  	[sflag:s22] =	ssyncadd.s32 s4;
	_ =	sdelay $0x1  }
0xa7: {  	s23 =	simm.s32 $0x1B8B  }
0xa8: {  	_ =	swait.ge [sflag:s23], $0x1  }
0xa9: {  	[sflag:s23] =	ssyncset.done $0x0  }
0xaa: {  	s25 =	simm.s32 $0x1B8E;
	s24 =	sld [smem:$0x3FFE];
	[sflag:s23] =	ssyncadd.s32 $0xFFFFFFFF  }
0xab: {  	s26 =	simm.s32 $execute0_lowered;
	[smem:$0x3FD2] =	sst s25  }
0xac: {  	s5 =	sshll.u32 s26, $0x1;
	_ =	strace $0x8000004C;
	[dreg:$0x1] =	wrdreg $0xFFFFFFFF  }
0xad: {  	s28 =	simm.s32 $_size_execute0_lowered;
	s3 =	sadd.s32 s3, s5;
	[dreg:$0x0] =	wrdreg $0x0  }
0xae: {  	s5 =	sshll.u32 s28, $0x1;
	[dreg:$0x2] =	wrdreg s3  }
0xaf: {  	[dreg:$0x3] =	wrdreg s5  }
0xb0: {  	[dreg:$0x4] =	wrdreg $0xC0  }
0xb1: {  	_ =	task [dreg:s7], $0x5FFFF  }
0xb2: {  	[dreg:$0x1] =	wrdreg $0xFFFFFFFF  }
0xb3: {  	[dreg:$0x0] =	wrdreg $0x60  }
0xb4: {  	[dreg:$0x2] =	wrdreg s16  }
0xb5: {  	[dreg:$0x3] =	wrdreg s24  }
0xb6: {  	[dreg:$0x4] =	wrdreg $0x0  }
0xb7: {  	[dreg:$0x5] =	wrdreg $0x9  }
0xb8: {  	_ =	task.clear_ibuf [dreg:s7], $0x6FFFF;
	_ =	strace $0x9000004C  }
0xb9: {  	s29 =	simm.s32 $0x9;
	_ =	strace $0x8000004E  }
0xba: {  	_ =	swait.ge [sflag:s29], $0x1  }
0xbb: {  	[sflag:s29] =	ssyncadd.s32 $0xFFFFFFFF  }
0xbc: {  	_ =	strace $0x9000004E  }
0xbd: {  	_ =	sfence  }
0xbe: {  	s30 =	sld [smem:$0x0];
	_ =	sdelay $0x2  }
0xbf: {  	s31 =	sshll.u32 s1, $0xD;
	s1 =	sshrl.u32 s1, $0x2  }
0xc0: {  	s3 =	sand.u32 $0x4000, s31;
	s1 =	sadd.s32 s1, s30  }
0xc1: {  	s0 =	sor.u32 s3, s0;
	s1 =	sshll.u32 s1, $0x11  }
0xc2: {  	s0 =	sor.u32 s1, s0  }
0xc3: {  	s0 =	sadd.s32 $0x8F2B, s0  }
0xc4: {  	[sflag:s0] =	ssyncadd.remote.s32 $0x1  }
0xc5: {  	_ =	sfence.sel $0xFFFF  }
0xc6: {  	[dreg:$0x0] =	wrdreg $0xFFFFFFFF;
	(pc) =	sbr.abs _section_cstart, $3  }
0xc7: {  	[dreg:$0x1] =	wrdreg $0xFFFFFFFF  }
0xc8: {  	_ =	task.clear_ibuf [dreg:s7], $0x2FFFF;
	_ =	strace $0x9FFFFFFF  }
0xc9: {  	(tm) =	ssettm $0x7FFFFFFF  }
tec
execute0_lowered:
.L_overlay_start_1:
0x0: {  	(tag) =	ssettag $0x1  }
0x1: {  	s0 =	rddreg [dreg:$0x0]  }
0x2: {  	s1 =	rddreg [dreg:$0x1]  }
0x3: {  	s2 =	srdreg.scid;
	s3 =	rddreg [dreg:$0x2]  }
0x4: {  	s21 =	stileid.u32;
	s7 =	simm.s32 $0x0;
	s17 =	simm.s32 $0x3  }
0x5: {  	s18 =	simm.s32 $0x50;
	s19 =	simm.s32 $0x18000;
	s20 =	simm.s32 $0x18400  }
0x6: {  	s28 =	simm.s32 $0x18280;
	s29 =	simm.s32 $0x18180;
	s30 =	simm.s32 $0x18300  }
0x7: {  	s31 =	simm.s32 $0x18380;
	s4 =	sand.u32 $0x1, s2;
	s6 =	smul.u32 $0x14000, s21  }
0x8: {  	[smem:$0x7FF] =	sst s7;
	s23 =	smul.u32 $0x50000, s21;
	s8 =	sshll.u32 s21, $0xC  }
0x9: {  	s21 =	simm.s32 $0x1AC00;
	s5 =	smul.u32 $0x140000, s4;
	s22 =	sshll.u32 s4, $0xB  }
0xa: {  	_ =	strace $0x8000004D;
	s4 =	ssub.s32 $0x2, s4;
	s7 =	sadd.s32 s22, s1  }
0xb: {  	s24 =	sshrl.u32 s4, $0x1;
	s26 =	sshrl.u32 s23, $0x2;
	s22 =	simm.s32 $0x18080  }
0xc: {  	s23 =	simm.s32 $0x1;
	s5 =	sadd.s32 s6, s5;
	s4 =	ssub.s32 s4, s24  }
0xd: {  	s25 =	sadd.s32 s8, s7;
	s7 =	sadd.s32 s26, s3;
	s24 =	simm.s32 $0x18200  }
0xe: {  	s26 =	simm.s32 $0x2;
	s5 =	sshrl.u32 s5, $0x3;
	s8 =	smax.u32 s4, $0x1  }
0xf: {  	s9 =	sadd.s32 $0x2800, s7;
	s10 =	sadd.s32 $0x5000, s7;
	s11 =	sadd.s32 $0x7800, s7  }
0x10: {  	s12 =	sadd.s32 $0xA000, s7;
	s13 =	sadd.s32 $0xC800, s7;
	s14 =	sadd.s32 $0xF000, s7  }
0x11: {  	s15 =	sadd.s32 $0x11800, s7;
	s1 =	sadd.s32 s5, s1;
	s5 =	sadd.s32 $0x3000, s25  }
0x12: {  	v0 =	vimm.f32 $0.0e+00;
	s25 =	simm.s32 $0x18100;
	s6 =	sadd.s32 $0x13000, s1;
	s1 =	simm.s32 $0x0  }
.LBB2_1:
0x13: {  	s2 =	simm.s32 $0x0;
	s4 =	simm.s32 $0x14000  }
0x14: {  	[tilespmem:s4], [sflag:$0x3] =	stream.linear.gather [hbm4b:s5+s2], $0x3E80, $0x38;
	[tilespmem:$0x1D400] =	vst v63  }
0x15: {  	_ =	swait.ge [sflag:s17], $0x3E80  }
0x16: {  	[sflag:s17] =	ssyncset.done $0x0  }
0x17: {  	[sflag:s17] =	ssyncadd.s32 $0xFFFFC180  }
0x18: {  	v1 =	vld [tilespmem:$0x14000];
	_ =	sdelay $0x1  }
0x19: {  	v2 =	vld [tilespmem:$0x14010];
	_ =	sdelay $0x1  }
0x1a: {  	v3 =	vld [tilespmem:$0x14020]  }
0x1b: {  	v4 =	vshra.s32 v1, $0x10  }
0x1c: {  	v63 =	vld [tilespmem:$0x14030];
	v1 =	vand.u32 $0xFFFF, v1;
	[tilespmem:$0x18000] =	vst v4  }
0x1d: {  	[tilespmem:$0x18200] =	vst v1;
	v1 =	vshra.s32 v2, $0x10  }
0x1e: {  	[tilespmem:$0x18010] =	vst v1;
	v1 =	vand.u32 $0xFFFF, v2;
	v2 =	vld [tilespmem:$0x14040]  }
0x1f: {  	[tilespmem:$0x18210] =	vst v1;
	v1 =	vshra.s32 v3, $0x10  }
0x20: {  	[tilespmem:$0x18020] =	vst v1;
	v1 =	vand.u32 $0xFFFF, v3  }
0x21: {  	[tilespmem:$0x18220] =	vst v1;
	v1 =	vshra.s32 v63, $0x10  }
0x22: {  	[tilespmem:$0x18030] =	vst v1;
	v1 =	vand.u32 $0xFFFF, v63  }
0x23: {  	[tilespmem:$0x18230] =	vst v1;
	v1 =	vshra.s32 v2, $0x10  }
0x24: {  	[tilespmem:$0x18040] =	vst v1;
	v1 =	vand.u32 $0xFFFF, v2  }
0x25: {  	s16 =	simm.s32 $0x3C0;
	s4 =	simm.s32 $0x70;
	[tilespmem:$0x18240] =	vst v1  }
0x26: {  	[tilespmem:s20], [sflag:$0x1] =	stream.indirect.gather [hbm4b:s0+s18], $0x80, s19, s18, $0xb8;
	[tilespmem:$0x1D400] =	vst v63  }
.LBB2_2:
0x27: {  	p0 =	sne.s32 s16, $0x9FC0;
	[tilespmem:s4+$0x1AC00] =	vst v0  }
0x28: {  	[tilespmem:s4+$0x1AB90] =	vst v0  }
0x29: {  	[tilespmem:s4+$0x1ABA0] =	vst v0  }
.Ltmp0:
0x2a: {  	[tilespmem:s4+$0x1ABB0] =	vst v0;
	(pc) =	sbr.rel @p0 .LBB2_2-.Ltmp0, $4  }
0x2b: {  	[tilespmem:s4+$0x1ABC0] =	vst v0  }
0x2c: {  	[tilespmem:s4+$0x1ABD0] =	vst v0  }
0x2d: {  	[tilespmem:s4+$0x1ABE0] =	vst v0  }
0x2e: {  	[tilespmem:s4+$0x1ABF0] =	vst v0;
	s4 =	sshra.s32 s16, $0x2;
	s16 =	sadd.s32 $0x200, s16  }
0x2f: {  	[tilespmem:s4+$0x1AC00] =	vst v0  }
0x30: {  	[tilespmem:s4+$0x1AB90] =	vst v0  }
0x31: {  	[tilespmem:s4+$0x1ABA0] =	vst v0  }
0x32: {  	[tilespmem:s4+$0x1ABB0] =	vst v0  }
0x33: {  	[tilespmem:s4+$0x1ABC0] =	vst v0  }
0x34: {  	[tilespmem:s4+$0x1ABD0] =	vst v0  }
0x35: {  	[tilespmem:s4+$0x1ABE0] =	vst v0  }
0x36: {  	[tilespmem:s4+$0x1ABF0] =	vst v0  }
0x37: {  	[spmem:s7] =	stream.linear.scatter [tilespmem:s21], [sflag:$0x3], $0x2800, $0x38;
	[tilespmem:$0x1D400] =	vst v63  }
0x38: {  	_ =	swait.ge [sflag:s17], $0x2800  }
0x39: {  	[sflag:s17] =	ssyncset.done $0x0  }
0x3a: {  	[sflag:s17] =	ssyncadd.s32 $0xFFFFD800  }
0x3b: {  	[spmem:s9] =	stream.linear.scatter [tilespmem:s21], [sflag:$0x3], $0x2800, $0x38;
	[tilespmem:$0x1D400] =	vst v63  }
0x3c: {  	_ =	swait.ge [sflag:s17], $0x2800  }
0x3d: {  	[sflag:s17] =	ssyncset.done $0x0  }
0x3e: {  	[sflag:s17] =	ssyncadd.s32 $0xFFFFD800  }
0x3f: {  	[spmem:s10] =	stream.linear.scatter [tilespmem:s21], [sflag:$0x3], $0x2800, $0x38;
	[tilespmem:$0x1D400] =	vst v63  }
0x40: {  	_ =	swait.ge [sflag:s17], $0x2800  }
0x41: {  	[sflag:s17] =	ssyncset.done $0x0  }
0x42: {  	[sflag:s17] =	ssyncadd.s32 $0xFFFFD800  }
0x43: {  	[spmem:s11] =	stream.linear.scatter [tilespmem:s21], [sflag:$0x3], $0x2800, $0x38;
	[tilespmem:$0x1D400] =	vst v63  }
0x44: {  	_ =	swait.ge [sflag:s17], $0x2800  }
0x45: {  	[sflag:s17] =	ssyncset.done $0x0  }
0x46: {  	[sflag:s17] =	ssyncadd.s32 $0xFFFFD800  }
0x47: {  	[spmem:s12] =	stream.linear.scatter [tilespmem:s21], [sflag:$0x3], $0x2800, $0x38;
	[tilespmem:$0x1D400] =	vst v63  }
0x48: {  	_ =	swait.ge [sflag:s17], $0x2800  }
0x49: {  	[sflag:s17] =	ssyncset.done $0x0  }
0x4a: {  	[sflag:s17] =	ssyncadd.s32 $0xFFFFD800  }
0x4b: {  	[spmem:s13] =	stream.linear.scatter [tilespmem:s21], [sflag:$0x3], $0x2800, $0x38;
	[tilespmem:$0x1D400] =	vst v63  }
0x4c: {  	_ =	swait.ge [sflag:s17], $0x2800  }
0x4d: {  	[sflag:s17] =	ssyncset.done $0x0  }
0x4e: {  	[sflag:s17] =	ssyncadd.s32 $0xFFFFD800  }
0x4f: {  	[spmem:s14] =	stream.linear.scatter [tilespmem:s21], [sflag:$0x3], $0x2800, $0x38;
	[tilespmem:$0x1D400] =	vst v63  }
0x50: {  	_ =	swait.ge [sflag:s17], $0x2800  }
0x51: {  	[sflag:s17] =	ssyncset.done $0x0  }
0x52: {  	[sflag:s17] =	ssyncadd.s32 $0xFFFFD800  }
0x53: {  	[spmem:s15] =	stream.linear.scatter [tilespmem:s21], [sflag:$0x3], $0x2800, $0x38;
	[tilespmem:$0x1D400] =	vst v63  }
0x54: {  	_ =	swait.ge [sflag:s17], $0x2800  }
0x55: {  	[sflag:s17] =	ssyncset.done $0x0  }
0x56: {  	[sflag:s17] =	ssyncadd.s32 $0xFFFFD800  }
0x57: {  	[bflag:$0x0] =	sbarrier.arrive $0xFFFF  }
0x58: {  	v1 =	vld [tilespmem:$0x14080];
	_ =	sdelay $0x1  }
0x59: {  	v2 =	vld [tilespmem:$0x14090];
	_ =	sdelay $0x1  }
0x5a: {  	v3 =	vld [tilespmem:$0x140A0]  }
0x5b: {  	v4 =	vshra.s32 v1, $0x10  }
0x5c: {  	v61 =	vld [tilespmem:$0x140B0];
	v1 =	vand.u32 $0xFFFF, v1;
	[tilespmem:$0x18080] =	vst v4  }
0x5d: {  	[tilespmem:$0x18280] =	vst v1;
	v1 =	vshra.s32 v2, $0x10  }
0x5e: {  	[tilespmem:$0x18090] =	vst v1;
	v1 =	vand.u32 $0xFFFF, v2;
	v2 =	vld [tilespmem:$0x140C0]  }
0x5f: {  	[tilespmem:$0x18290] =	vst v1;
	v1 =	vshra.s32 v3, $0x10  }
0x60: {  	[tilespmem:$0x180A0] =	vst v1;
	v1 =	vand.u32 $0xFFFF, v3  }
0x61: {  	[tilespmem:$0x182A0] =	vst v1;
	v1 =	vshra.s32 v61, $0x10  }
0x62: {  	[tilespmem:$0x180B0] =	vst v1;
	v1 =	vand.u32 $0xFFFF, v61  }
0x63: {  	[tilespmem:$0x182B0] =	vst v1;
	v1 =	vshra.s32 v2, $0x10  }
0x64: {  	[tilespmem:$0x180C0] =	vst v1;
	v1 =	vand.u32 $0xFFFF, v2  }
0x65: {  	[tilespmem:$0x182C0] =	vst v1  }
0x66: {  	[tilespmem:s21], [sflag:$0x2] =	stream.indirect.gather [hbm4b:s0+s18], $0x80, s22, s18, $0xb8;
	[tilespmem:$0x1D400] =	vst v63  }
0x67: {  	v1 =	vld [tilespmem:$0x14100];
	_ =	sdelay $0x1  }
0x68: {  	v2 =	vld [tilespmem:$0x14110];
	_ =	sdelay $0x1  }
0x69: {  	v3 =	vld [tilespmem:$0x14120]  }
0x6a: {  	v62 =	vshra.s32 v1, $0x10  }
0x6b: {  	v63 =	vld [tilespmem:$0x14130];
	v1 =	vand.u32 $0xFFFF, v1;
	[tilespmem:$0x18100] =	vst v62  }
0x6c: {  	[tilespmem:$0x18300] =	vst v1;
	v1 =	vshra.s32 v2, $0x10  }
0x6d: {  	[tilespmem:$0x18110] =	vst v1;
	v1 =	vand.u32 $0xFFFF, v2;
	v2 =	vld [tilespmem:$0x14140]  }
0x6e: {  	[tilespmem:$0x18310] =	vst v1;
	v1 =	vshra.s32 v3, $0x10  }
0x6f: {  	[tilespmem:$0x18120] =	vst v1;
	v1 =	vand.u32 $0xFFFF, v3  }
0x70: {  	[tilespmem:$0x18320] =	vst v1;
	v1 =	vshra.s32 v63, $0x10  }
0x71: {  	[tilespmem:$0x18130] =	vst v1;
	v1 =	vand.u32 $0xFFFF, v63  }
0x72: {  	[tilespmem:$0x18330] =	vst v1;
	v1 =	vshra.s32 v2, $0x10  }
0x73: {  	[tilespmem:$0x18140] =	vst v1;
	v1 =	vand.u32 $0xFFFF, v2  }
0x74: {  	[tilespmem:$0x18340] =	vst v1  }
0x75: {  	_ =	swait.ge [sflag:s23], $0x2800  }
0x76: {  	[sflag:s23] =	ssyncset.done $0x0  }
0x77: {  	[sflag:s23] =	ssyncadd.s32 $0xFFFFD800  }
0x78: {  	[spmem:s3] =	stream.indirect.scatter.add.f32 [tilespmem:s20], [sflag:$0x3], $0x80, s24, s18, $0xb8;
	[tilespmem:$0x1D400] =	vst v63  }
0x79: {  	_ =	swait.ge [sflag:s17], $0x2800  }
0x7a: {  	[sflag:s17] =	ssyncset.done $0x0  }
0x7b: {  	s4 =	simm.s32 $0x0;
	[sflag:s17] =	ssyncadd.s32 $0xFFFFD800  }
0x7c: {  	[tilespmem:s20], [sflag:$0x1] =	stream.indirect.gather [hbm4b:s0+s18], $0x80, s25, s18, $0xb8;
	[tilespmem:$0x1D400] =	vst v63  }
0x7d: {  	v1 =	vld [tilespmem:s4+$0x14180];
	_ =	sdelay $0x4  }
0x7e: {  	v2 =	vshra.s32 v1, $0x10  }
0x7f: {  	v1 =	vand.u32 $0xFFFF, v1;
	[tilespmem:$0x18180] =	vst v2  }
0x80: {  	[tilespmem:$0x18380] =	vst v1  }
0x81: {  	v1 =	vld [tilespmem:s4+$0x14190];
	_ =	sdelay $0x4  }
0x82: {  	v2 =	vshra.s32 v1, $0x10  }
0x83: {  	v1 =	vand.u32 $0xFFFF, v1;
	[tilespmem:$0x18190] =	vst v2  }
0x84: {  	[tilespmem:$0x18390] =	vst v1  }
0x85: {  	v1 =	vld [tilespmem:s4+$0x141A0];
	_ =	sdelay $0x4  }
0x86: {  	v2 =	vshra.s32 v1, $0x10  }
0x87: {  	v1 =	vand.u32 $0xFFFF, v1;
	[tilespmem:$0x181A0] =	vst v2  }
0x88: {  	[tilespmem:$0x183A0] =	vst v1  }
0x89: {  	v1 =	vld [tilespmem:s4+$0x141B0];
	_ =	sdelay $0x4  }
0x8a: {  	v2 =	vshra.s32 v1, $0x10  }
0x8b: {  	v1 =	vand.u32 $0xFFFF, v1;
	[tilespmem:$0x181B0] =	vst v2  }
0x8c: {  	[tilespmem:$0x183B0] =	vst v1  }
0x8d: {  	v1 =	vld [tilespmem:s4+$0x141C0];
	_ =	sdelay $0x4  }
0x8e: {  	v2 =	vshra.s32 v1, $0x10  }
0x8f: {  	v1 =	vand.u32 $0xFFFF, v1;
	[tilespmem:$0x181C0] =	vst v2  }
0x90: {  	[tilespmem:$0x183C0] =	vst v1  }
0x91: {  	_ =	swait.ge [sflag:s26], $0x2800  }
0x92: {  	[sflag:s26] =	ssyncset.done $0x0  }
0x93: {  	[sflag:s26] =	ssyncadd.s32 $0xFFFFD800  }
0x94: {  	[spmem:s3] =	stream.indirect.scatter.add.f32 [tilespmem:s21], [sflag:$0x3], $0x80, s28, s18, $0xb8;
	[tilespmem:$0x1D400] =	vst v63  }
0x95: {  	_ =	swait.ge [sflag:s17], $0x2800  }
0x96: {  	[sflag:s17] =	ssyncset.done $0x0  }
0x97: {  	[sflag:s17] =	ssyncadd.s32 $0xFFFFD800  }
0x98: {  	[tilespmem:s21], [sflag:$0x2] =	stream.indirect.gather [hbm4b:s0+s18], $0x80, s29, s18, $0xb8;
	[tilespmem:$0x1D400] =	vst v63  }
0x99: {  	v1 =	vld [tilespmem:s4+$0x14200];
	_ =	sdelay $0x4  }
0x9a: {  	v2 =	vshra.s32 v1, $0x10  }
0x9b: {  	v1 =	vand.u32 $0xFFFF, v1;
	[tilespmem:$0x18000] =	vst v2  }
0x9c: {  	[tilespmem:$0x18200] =	vst v1  }
0x9d: {  	v1 =	vld [tilespmem:s4+$0x14210];
	_ =	sdelay $0x4  }
0x9e: {  	v2 =	vshra.s32 v1, $0x10  }
0x9f: {  	v1 =	vand.u32 $0xFFFF, v1;
	[tilespmem:$0x18010] =	vst v2  }
0xa0: {  	[tilespmem:$0x18210] =	vst v1  }
0xa1: {  	v1 =	vld [tilespmem:s4+$0x14220];
	_ =	sdelay $0x4  }
0xa2: {  	v2 =	vshra.s32 v1, $0x10  }
0xa3: {  	v1 =	vand.u32 $0xFFFF, v1;
	[tilespmem:$0x18020] =	vst v2  }
0xa4: {  	[tilespmem:$0x18220] =	vst v1  }
0xa5: {  	v1 =	vld [tilespmem:s4+$0x14230];
	_ =	sdelay $0x4  }
0xa6: {  	v2 =	vshra.s32 v1, $0x10  }
0xa7: {  	v1 =	vand.u32 $0xFFFF, v1;
	[tilespmem:$0x18030] =	vst v2  }
0xa8: {  	[tilespmem:$0x18230] =	vst v1  }
0xa9: {  	v1 =	vld [tilespmem:s4+$0x14240];
	_ =	sdelay $0x4  }
0xaa: {  	v2 =	vshra.s32 v1, $0x10  }
0xab: {  	v1 =	vand.u32 $0xFFFF, v1;
	[tilespmem:$0x18040] =	vst v2  }
0xac: {  	[tilespmem:$0x18240] =	vst v1  }
0xad: {  	_ =	swait.ge [sflag:s23], $0x2800  }
0xae: {  	[sflag:s23] =	ssyncset.done $0x0  }
0xaf: {  	[sflag:s23] =	ssyncadd.s32 $0xFFFFD800  }
0xb0: {  	[spmem:s3] =	stream.indirect.scatter.add.f32 [tilespmem:s20], [sflag:$0x3], $0x80, s30, s18, $0xb8;
	[tilespmem:$0x1D400] =	vst v63  }
0xb1: {  	_ =	swait.ge [sflag:s17], $0x2800  }
0xb2: {  	[sflag:s17] =	ssyncset.done $0x0  }
0xb3: {  	[sflag:s17] =	ssyncadd.s32 $0xFFFFD800  }
0xb4: {  	[tilespmem:s20], [sflag:$0x1] =	stream.indirect.gather [hbm4b:s0+s18], $0x80, s19, s18, $0xb8;
	[tilespmem:$0x1D400] =	vst v63  }
0xb5: {  	v1 =	vld [tilespmem:s4+$0x14280];
	_ =	sdelay $0x4  }
0xb6: {  	v2 =	vshra.s32 v1, $0x10  }
0xb7: {  	v1 =	vand.u32 $0xFFFF, v1;
	[tilespmem:$0x18080] =	vst v2  }
0xb8: {  	[tilespmem:$0x18280] =	vst v1  }
0xb9: {  	v1 =	vld [tilespmem:s4+$0x14290];
	_ =	sdelay $0x4  }
0xba: {  	v2 =	vshra.s32 v1, $0x10  }
0xbb: {  	v1 =	vand.u32 $0xFFFF, v1;
	[tilespmem:$0x18090] =	vst v2  }
0xbc: {  	[tilespmem:$0x18290] =	vst v1  }
0xbd: {  	v1 =	vld [tilespmem:s4+$0x142A0];
	_ =	sdelay $0x4  }
0xbe: {  	v2 =	vshra.s32 v1, $0x10  }
0xbf: {  	v1 =	vand.u32 $0xFFFF, v1;
	[tilespmem:$0x180A0] =	vst v2  }
0xc0: {  	[tilespmem:$0x182A0] =	vst v1  }
0xc1: {  	v1 =	vld [tilespmem:s4+$0x142B0];
	_ =	sdelay $0x4  }
0xc2: {  	v2 =	vshra.s32 v1, $0x10  }
0xc3: {  	v1 =	vand.u32 $0xFFFF, v1;
	[tilespmem:$0x180B0] =	vst v2  }
0xc4: {  	[tilespmem:$0x182B0] =	vst v1  }
0xc5: {  	v1 =	vld [tilespmem:s4+$0x142C0];
	_ =	sdelay $0x4  }
0xc6: {  	v2 =	vshra.s32 v1, $0x10  }
0xc7: {  	v1 =	vand.u32 $0xFFFF, v1;
	[tilespmem:$0x180C0] =	vst v2  }
0xc8: {  	[tilespmem:$0x182C0] =	vst v1  }
0xc9: {  	_ =	swait.ge [sflag:s26], $0x2800  }
0xca: {  	[sflag:s26] =	ssyncset.done $0x0  }
0xcb: {  	[sflag:s26] =	ssyncadd.s32 $0xFFFFD800  }
0xcc: {  	[spmem:s3] =	stream.indirect.scatter.add.f32 [tilespmem:s21], [sflag:$0x3], $0x80, s31, s18, $0xb8;
	[tilespmem:$0x1D400] =	vst v63  }
0xcd: {  	_ =	swait.ge [sflag:s17], $0x2800  }
0xce: {  	[sflag:s17] =	ssyncset.done $0x0  }
0xcf: {  	[sflag:s17] =	ssyncadd.s32 $0xFFFFD800  }
0xd0: {  	[tilespmem:s21], [sflag:$0x2] =	stream.indirect.gather [hbm4b:s0+s18], $0x80, s22, s18, $0xb8;
	[tilespmem:$0x1D400] =	vst v63  }
0xd1: {  	v1 =	vld [tilespmem:s4+$0x14300];
	_ =	sdelay $0x4  }
0xd2: {  	v2 =	vshra.s32 v1, $0x10  }
0xd3: {  	v1 =	vand.u32 $0xFFFF, v1;
	[tilespmem:$0x18100] =	vst v2  }
0xd4: {  	[tilespmem:$0x18300] =	vst v1  }
0xd5: {  	v1 =	vld [tilespmem:s4+$0x14310];
	_ =	sdelay $0x4  }
0xd6: {  	v2 =	vshra.s32 v1, $0x10  }
0xd7: {  	v1 =	vand.u32 $0xFFFF, v1;
	[tilespmem:$0x18110] =	vst v2  }
0xd8: {  	[tilespmem:$0x18310] =	vst v1  }
0xd9: {  	s16 =	simm.s32 $0x800;
	v1 =	vld [tilespmem:s4+$0x14320]  }
.LBB2_4:
0xda: {  	_ =	sdelay $0x1  }
0xdb: {  	p0 =	sne.s32 s16, $0xE800;
	s2 =	smov.u32 s16;
	s16 =	sadd.s32 $0x800, s16  }
0xdc: {  	_ = 	snop  }
0xdd: {  	v2 =	vshra.s32 v1, $0x10;
	v1 =	vand.u32 $0xFFFF, v1  }
0xde: {  	[tilespmem:$0x18120] =	vst v2  }
0xdf: {  	[tilespmem:$0x18320] =	vst v1  }
0xe0: {  	v1 =	vld [tilespmem:s4+$0x14330];
	_ =	sdelay $0x4  }
0xe1: {  	v2 =	vshra.s32 v1, $0x10;
	v1 =	vand.u32 $0xFFFF, v1  }
0xe2: {  	[tilespmem:$0x18130] =	vst v2  }
0xe3: {  	[tilespmem:$0x18330] =	vst v1  }
0xe4: {  	v1 =	vld [tilespmem:s4+$0x14340];
	_ =	sdelay $0x4  }
0xe5: {  	v2 =	vshra.s32 v1, $0x10;
	v1 =	vand.u32 $0xFFFF, v1  }
0xe6: {  	[tilespmem:$0x18140] =	vst v2  }
0xe7: {  	[tilespmem:$0x18340] =	vst v1  }
0xe8: {  	_ =	swait.ge [sflag:s23], $0x2800  }
0xe9: {  	[sflag:s23] =	ssyncset.done $0x0  }
0xea: {  	[sflag:s23] =	ssyncadd.s32 $0xFFFFD800  }
0xeb: {  	[spmem:s3] =	stream.indirect.scatter.add.f32 [tilespmem:s20], [sflag:$0x3], $0x80, s24, s18, $0xb8;
	[tilespmem:$0x1D400] =	vst v63  }
0xec: {  	_ =	swait.ge [sflag:s17], $0x2800  }
0xed: {  	[sflag:s17] =	ssyncset.done $0x0  }
0xee: {  	s4 =	sshra.s32 s2, $0x2;
	[sflag:s17] =	ssyncadd.s32 $0xFFFFD800  }
0xef: {  	[tilespmem:s20], [sflag:$0x1] =	stream.indirect.gather [hbm4b:s0+s18], $0x80, s25, s18, $0xb8;
	[tilespmem:$0x1D400] =	vst v63  }
0xf0: {  	v1 =	vld [tilespmem:s4+$0x14180];
	_ =	sdelay $0x4  }
0xf1: {  	v2 =	vshra.s32 v1, $0x10;
	v1 =	vand.u32 $0xFFFF, v1  }
0xf2: {  	[tilespmem:$0x18180] =	vst v2  }
0xf3: {  	[tilespmem:$0x18380] =	vst v1  }
0xf4: {  	v1 =	vld [tilespmem:s4+$0x14190];
	_ =	sdelay $0x4  }
0xf5: {  	v2 =	vshra.s32 v1, $0x10;
	v1 =	vand.u32 $0xFFFF, v1  }
0xf6: {  	[tilespmem:$0x18190] =	vst v2  }
0xf7: {  	[tilespmem:$0x18390] =	vst v1  }
0xf8: {  	v1 =	vld [tilespmem:s4+$0x141A0];
	_ =	sdelay $0x4  }
0xf9: {  	v2 =	vshra.s32 v1, $0x10;
	v1 =	vand.u32 $0xFFFF, v1  }
0xfa: {  	[tilespmem:$0x181A0] =	vst v2  }
0xfb: {  	[tilespmem:$0x183A0] =	vst v1  }
0xfc: {  	v1 =	vld [tilespmem:s4+$0x141B0];
	_ =	sdelay $0x4  }
0xfd: {  	v2 =	vshra.s32 v1, $0x10;
	v1 =	vand.u32 $0xFFFF, v1  }
0xfe: {  	[tilespmem:$0x181B0] =	vst v2  }
0xff: {  	[tilespmem:$0x183B0] =	vst v1  }
0x100: {  	v1 =	vld [tilespmem:s4+$0x141C0];
	_ =	sdelay $0x4  }
0x101: {  	v2 =	vshra.s32 v1, $0x10;
	v1 =	vand.u32 $0xFFFF, v1  }
0x102: {  	[tilespmem:$0x181C0] =	vst v2  }
0x103: {  	[tilespmem:$0x183C0] =	vst v1  }
0x104: {  	_ =	swait.ge [sflag:s26], $0x2800  }
0x105: {  	[sflag:s26] =	ssyncset.done $0x0  }
0x106: {  	[sflag:s26] =	ssyncadd.s32 $0xFFFFD800  }
0x107: {  	[spmem:s3] =	stream.indirect.scatter.add.f32 [tilespmem:s21], [sflag:$0x3], $0x80, s28, s18, $0xb8;
	[tilespmem:$0x1D400] =	vst v63  }
0x108: {  	_ =	swait.ge [sflag:s17], $0x2800  }
0x109: {  	[sflag:s17] =	ssyncset.done $0x0  }
0x10a: {  	[sflag:s17] =	ssyncadd.s32 $0xFFFFD800  }
0x10b: {  	[tilespmem:s21], [sflag:$0x2] =	stream.indirect.gather [hbm4b:s0+s18], $0x80, s29, s18, $0xb8;
	[tilespmem:$0x1D400] =	vst v63  }
0x10c: {  	v1 =	vld [tilespmem:s4+$0x14200];
	_ =	sdelay $0x4  }
0x10d: {  	v2 =	vshra.s32 v1, $0x10;
	v1 =	vand.u32 $0xFFFF, v1  }
0x10e: {  	[tilespmem:$0x18000] =	vst v2  }
0x10f: {  	[tilespmem:$0x18200] =	vst v1  }
0x110: {  	v1 =	vld [tilespmem:s4+$0x14210];
	_ =	sdelay $0x4  }
0x111: {  	v2 =	vshra.s32 v1, $0x10;
	v1 =	vand.u32 $0xFFFF, v1  }
0x112: {  	[tilespmem:$0x18010] =	vst v2  }
0x113: {  	[tilespmem:$0x18210] =	vst v1  }
0x114: {  	v1 =	vld [tilespmem:s4+$0x14220];
	_ =	sdelay $0x4  }
0x115: {  	v2 =	vshra.s32 v1, $0x10;
	v1 =	vand.u32 $0xFFFF, v1  }
0x116: {  	[tilespmem:$0x18020] =	vst v2  }
0x117: {  	[tilespmem:$0x18220] =	vst v1  }
0x118: {  	v1 =	vld [tilespmem:s4+$0x14230];
	_ =	sdelay $0x4  }
0x119: {  	v2 =	vshra.s32 v1, $0x10;
	v1 =	vand.u32 $0xFFFF, v1  }
0x11a: {  	[tilespmem:$0x18030] =	vst v2  }
0x11b: {  	[tilespmem:$0x18230] =	vst v1  }
0x11c: {  	v1 =	vld [tilespmem:s4+$0x14240];
	_ =	sdelay $0x4  }
0x11d: {  	v2 =	vshra.s32 v1, $0x10;
	v1 =	vand.u32 $0xFFFF, v1  }
0x11e: {  	[tilespmem:$0x18040] =	vst v2  }
0x11f: {  	[tilespmem:$0x18240] =	vst v1  }
0x120: {  	_ =	swait.ge [sflag:s23], $0x2800  }
0x121: {  	[sflag:s23] =	ssyncset.done $0x0  }
0x122: {  	[sflag:s23] =	ssyncadd.s32 $0xFFFFD800  }
0x123: {  	[spmem:s3] =	stream.indirect.scatter.add.f32 [tilespmem:s20], [sflag:$0x3], $0x80, s30, s18, $0xb8;
	[tilespmem:$0x1D400] =	vst v63  }
0x124: {  	_ =	swait.ge [sflag:s17], $0x2800  }
0x125: {  	[sflag:s17] =	ssyncset.done $0x0  }
0x126: {  	[sflag:s17] =	ssyncadd.s32 $0xFFFFD800  }
0x127: {  	[tilespmem:s20], [sflag:$0x1] =	stream.indirect.gather [hbm4b:s0+s18], $0x80, s19, s18, $0xb8;
	[tilespmem:$0x1D400] =	vst v63  }
0x128: {  	v1 =	vld [tilespmem:s4+$0x14280];
	_ =	sdelay $0x4  }
0x129: {  	v2 =	vshra.s32 v1, $0x10;
	v1 =	vand.u32 $0xFFFF, v1  }
0x12a: {  	[tilespmem:$0x18080] =	vst v2  }
0x12b: {  	[tilespmem:$0x18280] =	vst v1  }
0x12c: {  	v1 =	vld [tilespmem:s4+$0x14290];
	_ =	sdelay $0x4  }
0x12d: {  	v2 =	vshra.s32 v1, $0x10;
	v1 =	vand.u32 $0xFFFF, v1  }
0x12e: {  	[tilespmem:$0x18090] =	vst v2  }
0x12f: {  	[tilespmem:$0x18290] =	vst v1  }
0x130: {  	v1 =	vld [tilespmem:s4+$0x142A0];
	_ =	sdelay $0x4  }
0x131: {  	v2 =	vshra.s32 v1, $0x10;
	v1 =	vand.u32 $0xFFFF, v1  }
0x132: {  	[tilespmem:$0x180A0] =	vst v2  }
0x133: {  	[tilespmem:$0x182A0] =	vst v1  }
0x134: {  	v1 =	vld [tilespmem:s4+$0x142B0];
	_ =	sdelay $0x4  }
0x135: {  	v2 =	vshra.s32 v1, $0x10;
	v1 =	vand.u32 $0xFFFF, v1  }
0x136: {  	[tilespmem:$0x180B0] =	vst v2  }
0x137: {  	[tilespmem:$0x182B0] =	vst v1  }
0x138: {  	v1 =	vld [tilespmem:s4+$0x142C0];
	_ =	sdelay $0x4  }
0x139: {  	v2 =	vshra.s32 v1, $0x10;
	v1 =	vand.u32 $0xFFFF, v1  }
0x13a: {  	[tilespmem:$0x180C0] =	vst v2  }
0x13b: {  	[tilespmem:$0x182C0] =	vst v1  }
0x13c: {  	_ =	swait.ge [sflag:s26], $0x2800  }
0x13d: {  	[sflag:s26] =	ssyncset.done $0x0  }
0x13e: {  	[sflag:s26] =	ssyncadd.s32 $0xFFFFD800  }
0x13f: {  	[spmem:s3] =	stream.indirect.scatter.add.f32 [tilespmem:s21], [sflag:$0x3], $0x80, s31, s18, $0xb8;
	[tilespmem:$0x1D400] =	vst v63  }
0x140: {  	_ =	swait.ge [sflag:s17], $0x2800  }
0x141: {  	[sflag:s17] =	ssyncset.done $0x0  }
0x142: {  	[sflag:s17] =	ssyncadd.s32 $0xFFFFD800  }
0x143: {  	[tilespmem:s21], [sflag:$0x2] =	stream.indirect.gather [hbm4b:s0+s18], $0x80, s22, s18, $0xb8;
	[tilespmem:$0x1D400] =	vst v63  }
0x144: {  	v1 =	vld [tilespmem:s4+$0x14300];
	_ =	sdelay $0x4  }
0x145: {  	v2 =	vshra.s32 v1, $0x10;
	v1 =	vand.u32 $0xFFFF, v1  }
0x146: {  	[tilespmem:$0x18100] =	vst v2  }
0x147: {  	[tilespmem:$0x18300] =	vst v1  }
0x148: {  	v1 =	vld [tilespmem:s4+$0x14310];
	_ =	sdelay $0x3  }
.Ltmp1:
0x149: {  	(pc) =	sbr.rel @p0 .LBB2_4-.Ltmp1, $4  }
0x14a: {  	v2 =	vshra.s32 v1, $0x10;
	v1 =	vand.u32 $0xFFFF, v1  }
0x14b: {  	[tilespmem:$0x18110] =	vst v2  }
0x14c: {  	[tilespmem:$0x18310] =	vst v1  }
0x14d: {  	v1 =	vld [tilespmem:s4+$0x14320]  }
0x14e: {  	_ =	sdelay $0x3  }
0x14f: {  	v2 =	vshra.s32 v1, $0x10  }
0x150: {  	v1 =	vand.u32 $0xFFFF, v1;
	[tilespmem:$0x18120] =	vst v2  }
0x151: {  	[tilespmem:$0x18320] =	vst v1  }
0x152: {  	v1 =	vld [tilespmem:s4+$0x14330];
	_ =	sdelay $0x4  }
0x153: {  	v2 =	vshra.s32 v1, $0x10  }
0x154: {  	v1 =	vand.u32 $0xFFFF, v1;
	[tilespmem:$0x18130] =	vst v2  }
0x155: {  	[tilespmem:$0x18330] =	vst v1  }
0x156: {  	v1 =	vld [tilespmem:s4+$0x14340];
	_ =	sdelay $0x4  }
0x157: {  	v2 =	vshra.s32 v1, $0x10  }
0x158: {  	v1 =	vand.u32 $0xFFFF, v1;
	[tilespmem:$0x18140] =	vst v2  }
0x159: {  	[tilespmem:$0x18340] =	vst v1  }
0x15a: {  	_ =	swait.ge [sflag:s23], $0x2800  }
0x15b: {  	[sflag:s23] =	ssyncset.done $0x0  }
0x15c: {  	[sflag:s23] =	ssyncadd.s32 $0xFFFFD800  }
0x15d: {  	[spmem:s3] =	stream.indirect.scatter.add.f32 [tilespmem:s20], [sflag:$0x3], $0x80, s24, s18, $0xb8;
	[tilespmem:$0x1D400] =	vst v63  }
0x15e: {  	_ =	swait.ge [sflag:s17], $0x2800  }
0x15f: {  	[sflag:s17] =	ssyncset.done $0x0  }
0x160: {  	[sflag:s17] =	ssyncadd.s32 $0xFFFFD800  }
0x161: {  	[tilespmem:s20], [sflag:$0x1] =	stream.indirect.gather [hbm4b:s0+s18], $0x80, s25, s18, $0xb8;
	[tilespmem:$0x1D400] =	vst v63  }
0x162: {  	v1 =	vld [tilespmem:$0x17D80];
	_ =	sdelay $0x1  }
0x163: {  	v2 =	vld [tilespmem:$0x17D90];
	_ =	sdelay $0x1  }
0x164: {  	v3 =	vld [tilespmem:$0x17DA0]  }
0x165: {  	v4 =	vshra.s32 v1, $0x10  }
0x166: {  	v61 =	vld [tilespmem:$0x17DB0];
	v1 =	vand.u32 $0xFFFF, v1;
	[tilespmem:$0x18180] =	vst v4  }
0x167: {  	[tilespmem:$0x18380] =	vst v1;
	v1 =	vshra.s32 v2, $0x10  }
0x168: {  	[tilespmem:$0x18190] =	vst v1;
	v1 =	vand.u32 $0xFFFF, v2;
	v2 =	vld [tilespmem:$0x17DC0]  }
0x169: {  	[tilespmem:$0x18390] =	vst v1;
	v1 =	vshra.s32 v3, $0x10  }
0x16a: {  	[tilespmem:$0x181A0] =	vst v1;
	v1 =	vand.u32 $0xFFFF, v3  }
0x16b: {  	[tilespmem:$0x183A0] =	vst v1;
	v1 =	vshra.s32 v61, $0x10  }
0x16c: {  	[tilespmem:$0x181B0] =	vst v1;
	v1 =	vand.u32 $0xFFFF, v61  }
0x16d: {  	[tilespmem:$0x183B0] =	vst v1;
	v1 =	vshra.s32 v2, $0x10  }
0x16e: {  	[tilespmem:$0x181C0] =	vst v1;
	v1 =	vand.u32 $0xFFFF, v2  }
0x16f: {  	[tilespmem:$0x183C0] =	vst v1  }
0x170: {  	_ =	swait.ge [sflag:s26], $0x2800  }
0x171: {  	[sflag:s26] =	ssyncset.done $0x0  }
0x172: {  	[sflag:s26] =	ssyncadd.s32 $0xFFFFD800  }
0x173: {  	[spmem:s3] =	stream.indirect.scatter.add.f32 [tilespmem:s21], [sflag:$0x3], $0x80, s28, s18, $0xb8;
	[tilespmem:$0x1D400] =	vst v63  }
0x174: {  	_ =	swait.ge [sflag:s17], $0x2800  }
0x175: {  	[sflag:s17] =	ssyncset.done $0x0  }
0x176: {  	[sflag:s17] =	ssyncadd.s32 $0xFFFFD800  }
0x177: {  	[tilespmem:s21], [sflag:$0x2] =	stream.indirect.gather [hbm4b:s0+s18], $0x80, s29, s18, $0xb8;
	[tilespmem:$0x1D400] =	vst v63  }
0x178: {  	v1 =	vld [tilespmem:$0x17E00];
	_ =	sdelay $0x1  }
0x179: {  	v2 =	vld [tilespmem:$0x17E10];
	_ =	sdelay $0x1  }
0x17a: {  	v3 =	vld [tilespmem:$0x17E20]  }
0x17b: {  	v62 =	vshra.s32 v1, $0x10  }
0x17c: {  	v63 =	vld [tilespmem:$0x17E30];
	v1 =	vand.u32 $0xFFFF, v1;
	[tilespmem:$0x18000] =	vst v62  }
0x17d: {  	[tilespmem:$0x18200] =	vst v1;
	v1 =	vshra.s32 v2, $0x10  }
0x17e: {  	[tilespmem:$0x18010] =	vst v1;
	v1 =	vand.u32 $0xFFFF, v2;
	v2 =	vld [tilespmem:$0x17E40]  }
0x17f: {  	[tilespmem:$0x18210] =	vst v1;
	v1 =	vshra.s32 v3, $0x10  }
0x180: {  	[tilespmem:$0x18020] =	vst v1;
	v1 =	vand.u32 $0xFFFF, v3  }
0x181: {  	[tilespmem:$0x18220] =	vst v1;
	v1 =	vshra.s32 v63, $0x10  }
0x182: {  	[tilespmem:$0x18030] =	vst v1;
	v1 =	vand.u32 $0xFFFF, v63  }
0x183: {  	[tilespmem:$0x18230] =	vst v1;
	v1 =	vshra.s32 v2, $0x10  }
0x184: {  	[tilespmem:$0x18040] =	vst v1;
	v1 =	vand.u32 $0xFFFF, v2  }
0x185: {  	[tilespmem:$0x18240] =	vst v1  }
0x186: {  	_ =	swait.ge [sflag:s23], $0x2800  }
0x187: {  	[sflag:s23] =	ssyncset.done $0x0  }
0x188: {  	[sflag:s23] =	ssyncadd.s32 $0xFFFFD800  }
0x189: {  	[spmem:s3] =	stream.indirect.scatter.add.f32 [tilespmem:s20], [sflag:$0x3], $0x80, s30, s18, $0xb8;
	[tilespmem:$0x1D400] =	vst v63  }
0x18a: {  	_ =	swait.ge [sflag:s17], $0x2800  }
0x18b: {  	[sflag:s17] =	ssyncset.done $0x0  }
0x18c: {  	[sflag:s17] =	ssyncadd.s32 $0xFFFFD800  }
0x18d: {  	[tilespmem:s20], [sflag:$0x1] =	stream.indirect.gather [hbm4b:s0+s18], $0x80, s19, s18, $0xb8;
	[tilespmem:$0x1D400] =	vst v63  }
0x18e: {  	_ =	swait.ge [sflag:s26], $0x2800  }
0x18f: {  	[sflag:s26] =	ssyncset.done $0x0  }
0x190: {  	[sflag:s26] =	ssyncadd.s32 $0xFFFFD800  }
0x191: {  	[spmem:s3] =	stream.indirect.scatter.add.f32 [tilespmem:s21], [sflag:$0x3], $0x80, s31, s18, $0xb8;
	[tilespmem:$0x1D400] =	vst v63  }
0x192: {  	_ =	swait.ge [sflag:s17], $0x2800  }
0x193: {  	[sflag:s17] =	ssyncset.done $0x0  }
0x194: {  	[sflag:s17] =	ssyncadd.s32 $0xFFFFD800  }
0x195: {  	_ =	swait.ge [sflag:s23], $0x2800  }
0x196: {  	[sflag:s23] =	ssyncset.done $0x0  }
0x197: {  	[sflag:s23] =	ssyncadd.s32 $0xFFFFD800  }
0x198: {  	[spmem:s3] =	stream.indirect.scatter.add.f32 [tilespmem:s20], [sflag:$0x3], $0x80, s24, s18, $0xb8;
	[tilespmem:$0x1D400] =	vst v63  }
0x199: {  	s2 =	stileid.u32;
	_ =	swait.ge [sflag:s17], $0x2800  }
0x19a: {  	s16 =	sshrl.u32 s7, $0x3;
	s1 =	sadd.s32 $0x1, s1;
	[sflag:s17] =	ssyncset.done $0x0  }
0x19b: {  	s2 =	sshll.u32 s2, $0x6;
	p0 =	sne.s32 s1, s8;
	[sflag:s17] =	ssyncadd.s32 $0xFFFFD800  }
.Ltmp2:
0x19c: {  	s2 =	sor.u32 $0x1C03, s2;
	[bflag:$0x0] =	sbarrier.arrive $0xFFFF;
	(pc) =	sbr.rel @p0 .LBB2_1-.Ltmp2, $4  }
0x19d: {  	[hbm:s6], [sflag:s2] =	dma.local [spmem:s16], $0x2800  }
0x19e: {  	_ =	swait.ge [sflag:s17], $0x2800  }
0x19f: {  	[sflag:s17] =	ssyncset.done $0x0  }
0x1a0: {  	[sflag:s17] =	ssyncadd.s32 $0xFFFFD800  }
0x1a1: {  	_ =	sfence.sel $0x180000  }
0x1a2: {  	[bflag:$0x0] =	sbarrier.arrive $0xFFFF  }
0x1a3: {  	_ =	strace $0x9000004D  }
0x1a4: {  	s0 =	stileid.u32;
	[bflag:$0x2] =	sbarrier.arrive $0xFFFF  }
0x1a5: {  	p0 =	sne.s32 s0, $0x0;
	s0 =	rddreg [dreg:$0x3]  }
0x1a6: {  	s0 =	sadd.s32 @!p0 $0x100000, s0  }
0x1a7: {  	[sflag:s0] =	ssyncadd.tile.s32 @!p0 $0x1;
	_ =	shalt  }
.Lfunc_end2:
_tile_overlayer_lowered:
.L_overlay_start_2:
0x1a8: {  	(tag) =	ssettag $0x2  }
0x1a9: {  	s0 =	rddreg [dreg:$0x0];
	s2 =	stileid.u32  }
0x1aa: {  	s1 =	rddreg [dreg:$0x1];
	p0 =	sne.s32 s2, $0x0  }
0x1ab: {  	s3 =	rddreg [dreg:$0x2];
	[bflag:$0x3] =	sbarrier.arrive $0xFFFF;
	s2 =	simm.s32 @!p0 $0x1C03  }
0x1ac: {  	[timem:s3], [sflag:s2] =	dma.local @!p0 [hbm:s0], s1  }
0x1ad: {  	s0 =	simm.s32 @!p0 $0x3  }
0x1ae: {  	_ =	swait.ge @!p0 [sflag:s0], s1  }
0x1af: {  	s1 =	ssub.s32 @!p0 $0x0, s1;
	[sflag:s0] =	ssyncset.done @!p0 $0x0  }
0x1b0: {  	[sflag:s0] =	ssyncadd.s32 @!p0 s1  }
0x1b1: {  	[bflag:$0x3] =	sbarrier.arrive $0xFFFF  }
0x1b2: {  	_ =	shalt  }

// kernel: kernel.8.cloned.1.call-start
scs
__scs_entry_jumppad:
0x0: {  	(pc) =	sbr.rel $0x88, $3  }
0x1: {  	(tag) =	ssettag $0x0;
	lr =	simm.s32 $0x1  }
0x2: {  	[smem:$0x3F99] =	sst lr;
	_ =	strace $0xD0000000  }
0x3: {  	_ = 	snop  }
0x4: {  	_ = 	snop  }
0x5: {  	_ = 	snop  }
0x6: {  	_ = 	snop  }
0x7: {  	_ = 	snop  }
__scs_overlays_trampoline_lowered:
0x8: {  	[smem:$0x3FA8] =	sst s0  }
0x9: {  	[smem:$0x3FA9] =	sst s1  }
0xa: {  	[smem:$0x3FAA] =	sst s2  }
0xb: {  	[smem:$0x3FAB] =	sst s3  }
0xc: {  	[smem:$0x3FAC] =	sst s4  }
0xd: {  	[smem:$0x3FAD] =	sst s5  }
0xe: {  	[smem:$0x3FAE] =	sst s6  }
0xf: {  	[smem:$0x3FAF] =	sst s7  }
0x10: {  	[smem:$0x3FB0] =	sst s8  }
0x11: {  	[smem:$0x3FB1] =	sst s9;
	s0 =	simm.s32 @!p0 $0x0  }
0x12: {  	s1 =	sld [smem:$0x3F97];
	s0 =	simm.s32 @p0 $0x1  }
0x13: {  	[smem:$0x3FB2] =	sst s0;
	s0 =	simm.s32 @!p1 $0x0  }
0x14: {  	s2 =	sld [smem:$0x3F96];
	s0 =	simm.s32 @p1 $0x1  }
0x15: {  	[smem:$0x3FB3] =	sst s0;
	s0 =	simm.s32 @!p2 $0x0  }
0x16: {  	s3 =	sld [smem:$0x3FDB];
	s0 =	simm.s32 @p2 $0x1  }
0x17: {  	s4 =	simm.s32 $0x1BF5;
	[smem:$0x3FB5] =	sst s0  }
0x18: {  	s0 =	sld [smem:$0x3F98];
	_ =	swait.ge [sflag:s4], $0x0  }
0x19: {  	s7 =	sld [smem:$0x3F99]  }
0x1a: {  	s8 =	sadd.s32 $0xFFFFE003, lr  }
0x1b: {  	s9 =	sadd.s32 $0xFFFFFEF7, lr;
	s5 =	simm.s32 $0xFFFFFFFF;
	p2 =	slt.u32 s8, $0xFFFFF086  }
0x1c: {  	p1 =	slt.u32 s9, $0xF7A;
	s5 =	simm.s32 @!p2 $0x0  }
0x1d: {  	s5 =	simm.s32 @p1 $0x1;
	p0 =	seq.s32 s7, s2  }
0x1e: {  	s7 =	smul.u32 @!p0 $0xF7A, s2;
	p2 =	seq.s32 @!p0 s5, $0x0  }
0x1f: {  	s9 =	smul.u32 $0xF7A, s1;
	s8 =	simm.s32 @!p0 $0x1BF5;
	p2 =	por !p2, p0  }
0x20: {  	[sflag:s8] =	ssyncset.s32 @!p0 $0xFFFFF086;
	s6 =	sadd.s32 @!p0 s3, s7;
	s7 =	simm.s32 @!p0 $0x108  }
0x21: {  	s3 =	sadd.s32 s3, s9;
	s6 =	sadd.s32 @!p0 $0x88, s6;
	s7 =	simm.s32 @p2 $0x1082  }
0x22: {  	[simem:s7], [sflag:s8] =	dma.local @!p0 [hbm:s6], $0xF7A  }
0x23: {  	s9 =	sor.u32 $0xD0000000, s2;
	s6 =	simm.s32 $0x108;
	_ =	swait.ge @!p0 [sflag:s8], $0x0  }
0x24: {  	s3 =	sadd.s32 $0x88, s3;
	s6 =	simm.s32 @!p1 $0x1082;
	[sflag:s4] =	ssyncset.s32 $0xFFFFF086  }
0x25: {  	[simem:s6], [sflag:s4] =	dma.local [hbm:s3], $0xF7A  }
0x26: {  	[smem:$0x3F99] =	sst s1;
	(tag) =	ssettag s2;
	_ =	strace s9  }
0x27: {  	s1 =	sld [smem:$0x3FA9]  }
0x28: {  	s2 =	sld [smem:$0x3FAA]  }
0x29: {  	s4 =	sld [smem:$0x3FAC]  }
0x2a: {  	p0 =	seq.s32 s5, $0x0;
	s5 =	sld [smem:$0x3FAD]  }
0x2b: {  	s6 =	sld [smem:$0x3FAE]  }
0x2c: {  	s7 =	sld [smem:$0x3FAF]  }
0x2d: {  	s3 =	simm.s32 $0x108;
	s8 =	sld [smem:$0x3FB0]  }
0x2e: {  	s3 =	simm.s32 @!p0 $0x1082;
	s9 =	sld [smem:$0x3FB1]  }
0x2f: {  	lr =	sadd.s32 s0, s3;
	s0 =	sld [smem:$0x3FA8]  }
0x30: {  	s3 =	sld [smem:$0x3FAB]  }
0x31: {  	[smem:$0x3FB4] =	sst s10  }
0x32: {  	s10 =	sld [smem:$0x3FB2];
	_ =	sdelay $0x3  }
0x33: {  	p0 =	seq.s32 s10, $0x1;
	s10 =	sld [smem:$0x3FB4];
	_ =	sdelay $0x3  }
0x34: {  	[smem:$0x3FB4] =	sst s10  }
0x35: {  	s10 =	sld [smem:$0x3FB3];
	_ =	sdelay $0x3  }
0x36: {  	p1 =	seq.s32 s10, $0x1;
	s10 =	sld [smem:$0x3FB4];
	_ =	sdelay $0x3  }
0x37: {  	[smem:$0x3FB4] =	sst s10  }
0x38: {  	s10 =	sld [smem:$0x3FB5]  }
0x39: {  	_ = 	snop;
	(pc) =	sbr.ind lr, $3  }
0x3a: {  	_ = 	snop  }
0x3b: {  	_ = 	snop  }
0x3c: {  	p2 =	seq.s32 s10, $0x1;
	s10 =	sld [smem:$0x3FB4]  }
0x3d: {  	_ =	shalt  }
0x3e: {  	_ =	shalt  }
0x3f: {  	_ =	shalt  }
0x40: {  	_ =	shalt  }
0x41: {  	_ =	shalt  }
0x42: {  	_ =	shalt  }
0x43: {  	_ =	shalt  }
0x44: {  	_ =	shalt  }
0x45: {  	_ =	shalt  }
0x46: {  	_ =	shalt  }
0x47: {  	_ =	shalt  }
0x48: {  	_ =	shalt  }
0x49: {  	_ =	shalt  }
0x4a: {  	_ =	shalt  }
0x4b: {  	_ =	shalt  }
0x4c: {  	_ =	shalt  }
0x4d: {  	_ =	shalt  }
0x4e: {  	_ =	shalt  }
0x4f: {  	_ =	shalt  }
0x50: {  	_ =	shalt  }
0x51: {  	_ =	shalt  }
0x52: {  	_ =	shalt  }
0x53: {  	_ =	shalt  }
0x54: {  	_ =	shalt  }
0x55: {  	_ =	shalt  }
0x56: {  	_ =	shalt  }
0x57: {  	_ =	shalt  }
0x58: {  	_ =	shalt  }
0x59: {  	_ =	shalt  }
0x5a: {  	_ =	shalt  }
0x5b: {  	_ =	shalt  }
0x5c: {  	_ =	shalt  }
0x5d: {  	_ =	shalt  }
0x5e: {  	_ =	shalt  }
0x5f: {  	_ =	shalt  }
0x60: {  	_ =	shalt  }
0x61: {  	_ =	shalt  }
0x62: {  	_ =	shalt  }
0x63: {  	_ =	shalt  }
0x64: {  	_ =	shalt  }
0x65: {  	_ =	shalt  }
0x66: {  	_ =	shalt  }
0x67: {  	_ =	shalt  }
0x68: {  	_ =	shalt  }
0x69: {  	_ =	shalt  }
0x6a: {  	_ =	shalt  }
0x6b: {  	_ =	shalt  }
0x6c: {  	_ =	shalt  }
0x6d: {  	_ =	shalt  }
0x6e: {  	_ =	shalt  }
0x6f: {  	_ =	shalt  }
0x70: {  	_ =	shalt  }
0x71: {  	_ =	shalt  }
0x72: {  	_ =	shalt  }
0x73: {  	_ =	shalt  }
0x74: {  	_ =	shalt  }
0x75: {  	_ =	shalt  }
0x76: {  	_ =	shalt  }
0x77: {  	_ =	shalt  }
0x78: {  	_ =	shalt  }
0x79: {  	_ =	shalt  }
0x7a: {  	_ =	shalt  }
0x7b: {  	_ =	shalt  }
0x7c: {  	_ =	shalt  }
0x7d: {  	_ =	shalt  }
0x7e: {  	_ =	shalt  }
0x7f: {  	_ =	shalt  }
0x80: {  	_ =	shalt  }
0x81: {  	_ =	shalt  }
0x82: {  	_ =	shalt  }
0x83: {  	_ =	shalt  }
0x84: {  	_ =	shalt  }
0x85: {  	_ =	shalt  }
0x86: {  	_ =	shalt  }
0x87: {  	_ =	shalt  }
.Lfunc_end0:
.L_simem_size_0:
called_computation_lowered:
.L_overlay_start_0:
0x88: {  	s2 =	sld [smem:$0x3FD9]  }
0x89: {  	s3 =	sld [smem:$0x3FFE];
	_ =	sdelay $0x1  }
0x8a: {  	s1 =	srdreg.scid  }
0x8b: {  	s0 =	sand.u32 $0x1, s1  }
0x8c: {  	s17 =	sshll.u32 s0, $0xA;
	s2 =	sadd.s32 s3, s2  }
0x8d: {  	s2 =	sadd.s32 s2, s17  }
0x8e: {  	[smem:$0x3FC0] =	sst s2  }
0x8f: {  	_ = 	snop  }
0x90: {  	s2 =	sld [smem:$0x3FC9];
	(tm) =	ssettm $0x1  }
0x91: {  	s18 =	sld [smem:$0x3FFB];
	_ =	sdelay $0x3  }
0x92: {  	_ =	strace s18  }
0x93: {  	s3 =	sld [smem:$0x3FFC];
	_ =	sdelay $0x3  }
0x94: {  	_ =	strace s3  }
0x95: {  	s3 =	sld [smem:$0x3FFD];
	_ =	sdelay $0x3  }
0x96: {  	_ =	strace s3  }
0x97: {  	_ =	strace $0x8FFFFFFF  }
0x98: {  	s19 =	sld [smem:$0x3FDB];
	_ =	sdelay $0x1  }
0x99: {  	s4 =	simm.s32 $_scs_section_size  }
0x9a: {  	s5 =	simm.s32 $_size__tile_overlayer_lowered;
	s6 =	simm.s32 $_tile_overlayer_lowered  }
0x9b: {  	s22 =	simm.s32 $0x1BFF;
	s21 =	sshll.u32 s6, $0x1;
	s3 =	sadd.s32 s4, s19  }
0x9c: {  	s7 =	simm.s32 $0x0;
	s20 =	sshll.u32 s5, $0x1;
	s5 =	sadd.s32 s21, s3  }
0x9d: {  	[timem:s7], [sflag:s22] =	dma.local [hbm:s5], s20  }
0x9e: {  	_ =	swait.ge [sflag:s22], s20  }
0x9f: {  	s4 =	ssub.s32 $0x0, s20;
	[sflag:s22] =	ssyncset.done $0x0  }
0xa0: {  	[sflag:s22] =	ssyncadd.s32 s4;
	_ =	sdelay $0x1  }
0xa1: {  	s23 =	simm.s32 $0x1B8B  }
0xa2: {  	_ =	swait.ge [sflag:s23], $0x1  }
0xa3: {  	[sflag:s23] =	ssyncset.done $0x0  }
0xa4: {  	s25 =	simm.s32 $0x1B8E;
	s24 =	sld [smem:$0x3FFE];
	[sflag:s23] =	ssyncadd.s32 $0xFFFFFFFF  }
0xa5: {  	s26 =	simm.s32 $execute0_lowered;
	[smem:$0x3FD2] =	sst s25  }
0xa6: {  	s5 =	sshll.u32 s26, $0x1;
	_ =	strace $0x80000046;
	[dreg:$0x1] =	wrdreg $0xFFFFFFFF  }
0xa7: {  	s28 =	simm.s32 $_size_execute0_lowered;
	s3 =	sadd.s32 s3, s5;
	[dreg:$0x0] =	wrdreg $0x0  }
0xa8: {  	s5 =	sshll.u32 s28, $0x1;
	[dreg:$0x2] =	wrdreg s3  }
0xa9: {  	[dreg:$0x3] =	wrdreg s5  }
0xaa: {  	[dreg:$0x4] =	wrdreg $0xC0  }
0xab: {  	_ =	task [dreg:s7], $0x5FFFF  }
0xac: {  	[dreg:$0x1] =	wrdreg $0xFFFFFFFF  }
0xad: {  	[dreg:$0x0] =	wrdreg $0x60  }
0xae: {  	[dreg:$0x2] =	wrdreg s2  }
0xaf: {  	[dreg:$0x3] =	wrdreg s24  }
0xb0: {  	[dreg:$0x4] =	wrdreg $0x0  }
0xb1: {  	[dreg:$0x5] =	wrdreg $0x9  }
0xb2: {  	_ =	task.clear_ibuf [dreg:s7], $0x6FFFF;
	_ =	strace $0x90000046  }
0xb3: {  	s29 =	simm.s32 $0x9;
	_ =	strace $0x80000048  }
0xb4: {  	_ =	swait.ge [sflag:s29], $0x1  }
0xb5: {  	[sflag:s29] =	ssyncadd.s32 $0xFFFFFFFF  }
0xb6: {  	_ =	strace $0x90000048  }
0xb7: {  	_ =	sfence  }
0xb8: {  	s30 =	sld [smem:$0x0];
	_ =	sdelay $0x2  }
0xb9: {  	s31 =	sshll.u32 s1, $0xD;
	s1 =	sshrl.u32 s1, $0x2  }
0xba: {  	s3 =	sand.u32 $0x4000, s31;
	s1 =	sadd.s32 s1, s30  }
0xbb: {  	s0 =	sor.u32 s3, s0;
	s1 =	sshll.u32 s1, $0x11  }
0xbc: {  	s0 =	sor.u32 s1, s0  }
0xbd: {  	s0 =	sadd.s32 $0x8F2B, s0  }
0xbe: {  	[sflag:s0] =	ssyncadd.remote.s32 $0x1  }
0xbf: {  	_ =	sfence.sel $0xFFFF  }
0xc0: {  	[dreg:$0x0] =	wrdreg $0xFFFFFFFF;
	(pc) =	sbr.abs _section_cstart, $3  }
0xc1: {  	[dreg:$0x1] =	wrdreg $0xFFFFFFFF  }
0xc2: {  	_ =	task.clear_ibuf [dreg:s7], $0x2FFFF;
	_ =	strace $0x9FFFFFFF  }
0xc3: {  	(tm) =	ssettm $0x7FFFFFFF  }
tec
execute0_lowered:
.L_overlay_start_1:
0x0: {  	(tag) =	ssettag $0x1  }
0x1: {  	s0 =	rddreg [dreg:$0x0]  }
0x2: {  	s1 =	rddreg [dreg:$0x1]  }
0x3: {  	s2 =	srdreg.scid;
	s3 =	rddreg [dreg:$0x2]  }
0x4: {  	s21 =	stileid.u32;
	s7 =	simm.s32 $0x0;
	s17 =	simm.s32 $0x3  }
0x5: {  	s18 =	simm.s32 $0x50;
	s19 =	simm.s32 $0x18000;
	s20 =	simm.s32 $0x18400  }
0x6: {  	s28 =	simm.s32 $0x18280;
	s29 =	simm.s32 $0x18180;
	s30 =	simm.s32 $0x18300  }
0x7: {  	s31 =	simm.s32 $0x18380;
	s4 =	sand.u32 $0x1, s2;
	s6 =	smul.u32 $0x14000, s21  }
0x8: {  	[smem:$0x7FF] =	sst s7;
	s23 =	smul.u32 $0x50000, s21;
	s8 =	sshll.u32 s21, $0xC  }
0x9: {  	s21 =	simm.s32 $0x1AC00;
	s5 =	smul.u32 $0x140000, s4;
	s22 =	sshll.u32 s4, $0xB  }
0xa: {  	_ =	strace $0x80000047;
	s4 =	ssub.s32 $0x2, s4;
	s7 =	sadd.s32 s22, s1  }
0xb: {  	s24 =	sshrl.u32 s4, $0x1;
	s26 =	sshrl.u32 s23, $0x2;
	s22 =	simm.s32 $0x18080  }
0xc: {  	s23 =	simm.s32 $0x1;
	s5 =	sadd.s32 s6, s5;
	s4 =	ssub.s32 s4, s24  }
0xd: {  	s25 =	sadd.s32 s8, s7;
	s7 =	sadd.s32 s26, s3;
	s24 =	simm.s32 $0x18200  }
0xe: {  	s26 =	simm.s32 $0x2;
	s5 =	sshrl.u32 s5, $0x3;
	s8 =	smax.u32 s4, $0x1  }
0xf: {  	s9 =	sadd.s32 $0x2800, s7;
	s10 =	sadd.s32 $0x5000, s7;
	s11 =	sadd.s32 $0x7800, s7  }
0x10: {  	s12 =	sadd.s32 $0xA000, s7;
	s13 =	sadd.s32 $0xC800, s7;
	s14 =	sadd.s32 $0xF000, s7  }
0x11: {  	s15 =	sadd.s32 $0x11800, s7;
	s1 =	sadd.s32 s5, s1;
	s5 =	sadd.s32 $0x3000, s25  }
0x12: {  	v0 =	vimm.f32 $0.0e+00;
	s25 =	simm.s32 $0x18100;
	s6 =	sadd.s32 $0x13000, s1;
	s1 =	simm.s32 $0x0  }
.LBB2_1:
0x13: {  	s2 =	simm.s32 $0x0;
	s4 =	simm.s32 $0x14000  }
0x14: {  	[tilespmem:s4], [sflag:$0x3] =	stream.linear.gather [hbm4b:s5+s2], $0x3E80, $0x38;
	[tilespmem:$0x1D400] =	vst v63  }
0x15: {  	_ =	swait.ge [sflag:s17], $0x3E80  }
0x16: {  	[sflag:s17] =	ssyncset.done $0x0  }
0x17: {  	[sflag:s17] =	ssyncadd.s32 $0xFFFFC180  }
0x18: {  	v1 =	vld [tilespmem:$0x14000];
	_ =	sdelay $0x1  }
0x19: {  	v2 =	vld [tilespmem:$0x14010];
	_ =	sdelay $0x1  }
0x1a: {  	v3 =	vld [tilespmem:$0x14020]  }
0x1b: {  	v4 =	vshra.s32 v1, $0x10  }
0x1c: {  	v63 =	vld [tilespmem:$0x14030];
	v1 =	vand.u32 $0xFFFF, v1;
	[tilespmem:$0x18000] =	vst v4  }
0x1d: {  	[tilespmem:$0x18200] =	vst v1;
	v1 =	vshra.s32 v2, $0x10  }
0x1e: {  	[tilespmem:$0x18010] =	vst v1;
	v1 =	vand.u32 $0xFFFF, v2;
	v2 =	vld [tilespmem:$0x14040]  }
0x1f: {  	[tilespmem:$0x18210] =	vst v1;
	v1 =	vshra.s32 v3, $0x10  }
0x20: {  	[tilespmem:$0x18020] =	vst v1;
	v1 =	vand.u32 $0xFFFF, v3  }
0x21: {  	[tilespmem:$0x18220] =	vst v1;
	v1 =	vshra.s32 v63, $0x10  }
0x22: {  	[tilespmem:$0x18030] =	vst v1;
	v1 =	vand.u32 $0xFFFF, v63  }
0x23: {  	[tilespmem:$0x18230] =	vst v1;
	v1 =	vshra.s32 v2, $0x10  }
0x24: {  	[tilespmem:$0x18040] =	vst v1;
	v1 =	vand.u32 $0xFFFF, v2  }
0x25: {  	s16 =	simm.s32 $0x3C0;
	s4 =	simm.s32 $0x70;
	[tilespmem:$0x18240] =	vst v1  }
0x26: {  	[tilespmem:s20], [sflag:$0x1] =	stream.indirect.gather [hbm4b:s0+s18], $0x80, s19, s18, $0xb8;
	[tilespmem:$0x1D400] =	vst v63  }
.LBB2_2:
0x27: {  	p0 =	sne.s32 s16, $0x9FC0;
	[tilespmem:s4+$0x1AC00] =	vst v0  }
0x28: {  	[tilespmem:s4+$0x1AB90] =	vst v0  }
0x29: {  	[tilespmem:s4+$0x1ABA0] =	vst v0  }
.Ltmp0:
0x2a: {  	[tilespmem:s4+$0x1ABB0] =	vst v0;
	(pc) =	sbr.rel @p0 .LBB2_2-.Ltmp0, $4  }
0x2b: {  	[tilespmem:s4+$0x1ABC0] =	vst v0  }
0x2c: {  	[tilespmem:s4+$0x1ABD0] =	vst v0  }
0x2d: {  	[tilespmem:s4+$0x1ABE0] =	vst v0  }
0x2e: {  	[tilespmem:s4+$0x1ABF0] =	vst v0;
	s4 =	sshra.s32 s16, $0x2;
	s16 =	sadd.s32 $0x200, s16  }
0x2f: {  	[tilespmem:s4+$0x1AC00] =	vst v0  }
0x30: {  	[tilespmem:s4+$0x1AB90] =	vst v0  }
0x31: {  	[tilespmem:s4+$0x1ABA0] =	vst v0  }
0x32: {  	[tilespmem:s4+$0x1ABB0] =	vst v0  }
0x33: {  	[tilespmem:s4+$0x1ABC0] =	vst v0  }
0x34: {  	[tilespmem:s4+$0x1ABD0] =	vst v0  }
0x35: {  	[tilespmem:s4+$0x1ABE0] =	vst v0  }
0x36: {  	[tilespmem:s4+$0x1ABF0] =	vst v0  }
0x37: {  	[spmem:s7] =	stream.linear.scatter [tilespmem:s21], [sflag:$0x3], $0x2800, $0x38;
	[tilespmem:$0x1D400] =	vst v63  }
0x38: {  	_ =	swait.ge [sflag:s17], $0x2800  }
0x39: {  	[sflag:s17] =	ssyncset.done $0x0  }
0x3a: {  	[sflag:s17] =	ssyncadd.s32 $0xFFFFD800  }
0x3b: {  	[spmem:s9] =	stream.linear.scatter [tilespmem:s21], [sflag:$0x3], $0x2800, $0x38;
	[tilespmem:$0x1D400] =	vst v63  }
0x3c: {  	_ =	swait.ge [sflag:s17], $0x2800  }
0x3d: {  	[sflag:s17] =	ssyncset.done $0x0  }
0x3e: {  	[sflag:s17] =	ssyncadd.s32 $0xFFFFD800  }
0x3f: {  	[spmem:s10] =	stream.linear.scatter [tilespmem:s21], [sflag:$0x3], $0x2800, $0x38;
	[tilespmem:$0x1D400] =	vst v63  }
0x40: {  	_ =	swait.ge [sflag:s17], $0x2800  }
0x41: {  	[sflag:s17] =	ssyncset.done $0x0  }
0x42: {  	[sflag:s17] =	ssyncadd.s32 $0xFFFFD800  }
0x43: {  	[spmem:s11] =	stream.linear.scatter [tilespmem:s21], [sflag:$0x3], $0x2800, $0x38;
	[tilespmem:$0x1D400] =	vst v63  }
0x44: {  	_ =	swait.ge [sflag:s17], $0x2800  }
0x45: {  	[sflag:s17] =	ssyncset.done $0x0  }
0x46: {  	[sflag:s17] =	ssyncadd.s32 $0xFFFFD800  }
0x47: {  	[spmem:s12] =	stream.linear.scatter [tilespmem:s21], [sflag:$0x3], $0x2800, $0x38;
	[tilespmem:$0x1D400] =	vst v63  }
0x48: {  	_ =	swait.ge [sflag:s17], $0x2800  }
0x49: {  	[sflag:s17] =	ssyncset.done $0x0  }
0x4a: {  	[sflag:s17] =	ssyncadd.s32 $0xFFFFD800  }
0x4b: {  	[spmem:s13] =	stream.linear.scatter [tilespmem:s21], [sflag:$0x3], $0x2800, $0x38;
	[tilespmem:$0x1D400] =	vst v63  }
0x4c: {  	_ =	swait.ge [sflag:s17], $0x2800  }
0x4d: {  	[sflag:s17] =	ssyncset.done $0x0  }
0x4e: {  	[sflag:s17] =	ssyncadd.s32 $0xFFFFD800  }
0x4f: {  	[spmem:s14] =	stream.linear.scatter [tilespmem:s21], [sflag:$0x3], $0x2800, $0x38;
	[tilespmem:$0x1D400] =	vst v63  }
0x50: {  	_ =	swait.ge [sflag:s17], $0x2800  }
0x51: {  	[sflag:s17] =	ssyncset.done $0x0  }
0x52: {  	[sflag:s17] =	ssyncadd.s32 $0xFFFFD800  }
0x53: {  	[spmem:s15] =	stream.linear.scatter [tilespmem:s21], [sflag:$0x3], $0x2800, $0x38;
	[tilespmem:$0x1D400] =	vst v63  }
0x54: {  	_ =	swait.ge [sflag:s17], $0x2800  }
0x55: {  	[sflag:s17] =	ssyncset.done $0x0  }
0x56: {  	[sflag:s17] =	ssyncadd.s32 $0xFFFFD800  }
0x57: {  	[bflag:$0x0] =	sbarrier.arrive $0xFFFF  }
0x58: {  	v1 =	vld [tilespmem:$0x14080];
	_ =	sdelay $0x1  }
0x59: {  	v2 =	vld [tilespmem:$0x14090];
	_ =	sdelay $0x1  }
0x5a: {  	v3 =	vld [tilespmem:$0x140A0]  }
0x5b: {  	v4 =	vshra.s32 v1, $0x10  }
0x5c: {  	v61 =	vld [tilespmem:$0x140B0];
	v1 =	vand.u32 $0xFFFF, v1;
	[tilespmem:$0x18080] =	vst v4  }
0x5d: {  	[tilespmem:$0x18280] =	vst v1;
	v1 =	vshra.s32 v2, $0x10  }
0x5e: {  	[tilespmem:$0x18090] =	vst v1;
	v1 =	vand.u32 $0xFFFF, v2;
	v2 =	vld [tilespmem:$0x140C0]  }
0x5f: {  	[tilespmem:$0x18290] =	vst v1;
	v1 =	vshra.s32 v3, $0x10  }
0x60: {  	[tilespmem:$0x180A0] =	vst v1;
	v1 =	vand.u32 $0xFFFF, v3  }
0x61: {  	[tilespmem:$0x182A0] =	vst v1;
	v1 =	vshra.s32 v61, $0x10  }
0x62: {  	[tilespmem:$0x180B0] =	vst v1;
	v1 =	vand.u32 $0xFFFF, v61  }
0x63: {  	[tilespmem:$0x182B0] =	vst v1;
	v1 =	vshra.s32 v2, $0x10  }
0x64: {  	[tilespmem:$0x180C0] =	vst v1;
	v1 =	vand.u32 $0xFFFF, v2  }
0x65: {  	[tilespmem:$0x182C0] =	vst v1  }
0x66: {  	[tilespmem:s21], [sflag:$0x2] =	stream.indirect.gather [hbm4b:s0+s18], $0x80, s22, s18, $0xb8;
	[tilespmem:$0x1D400] =	vst v63  }
0x67: {  	v1 =	vld [tilespmem:$0x14100];
	_ =	sdelay $0x1  }
0x68: {  	v2 =	vld [tilespmem:$0x14110];
	_ =	sdelay $0x1  }
0x69: {  	v3 =	vld [tilespmem:$0x14120]  }
0x6a: {  	v62 =	vshra.s32 v1, $0x10  }
0x6b: {  	v63 =	vld [tilespmem:$0x14130];
	v1 =	vand.u32 $0xFFFF, v1;
	[tilespmem:$0x18100] =	vst v62  }
0x6c: {  	[tilespmem:$0x18300] =	vst v1;
	v1 =	vshra.s32 v2, $0x10  }
0x6d: {  	[tilespmem:$0x18110] =	vst v1;
	v1 =	vand.u32 $0xFFFF, v2;
	v2 =	vld [tilespmem:$0x14140]  }
0x6e: {  	[tilespmem:$0x18310] =	vst v1;
	v1 =	vshra.s32 v3, $0x10  }
0x6f: {  	[tilespmem:$0x18120] =	vst v1;
	v1 =	vand.u32 $0xFFFF, v3  }
0x70: {  	[tilespmem:$0x18320] =	vst v1;
	v1 =	vshra.s32 v63, $0x10  }
0x71: {  	[tilespmem:$0x18130] =	vst v1;
	v1 =	vand.u32 $0xFFFF, v63  }
0x72: {  	[tilespmem:$0x18330] =	vst v1;
	v1 =	vshra.s32 v2, $0x10  }
0x73: {  	[tilespmem:$0x18140] =	vst v1;
	v1 =	vand.u32 $0xFFFF, v2  }
0x74: {  	[tilespmem:$0x18340] =	vst v1  }
0x75: {  	_ =	swait.ge [sflag:s23], $0x2800  }
0x76: {  	[sflag:s23] =	ssyncset.done $0x0  }
0x77: {  	[sflag:s23] =	ssyncadd.s32 $0xFFFFD800  }
0x78: {  	[spmem:s3] =	stream.indirect.scatter.add.f32 [tilespmem:s20], [sflag:$0x3], $0x80, s24, s18, $0xb8;
	[tilespmem:$0x1D400] =	vst v63  }
0x79: {  	_ =	swait.ge [sflag:s17], $0x2800  }
0x7a: {  	[sflag:s17] =	ssyncset.done $0x0  }
0x7b: {  	s4 =	simm.s32 $0x0;
	[sflag:s17] =	ssyncadd.s32 $0xFFFFD800  }
0x7c: {  	[tilespmem:s20], [sflag:$0x1] =	stream.indirect.gather [hbm4b:s0+s18], $0x80, s25, s18, $0xb8;
	[tilespmem:$0x1D400] =	vst v63  }
0x7d: {  	v1 =	vld [tilespmem:s4+$0x14180];
	_ =	sdelay $0x4  }
0x7e: {  	v2 =	vshra.s32 v1, $0x10  }
0x7f: {  	v1 =	vand.u32 $0xFFFF, v1;
	[tilespmem:$0x18180] =	vst v2  }
0x80: {  	[tilespmem:$0x18380] =	vst v1  }
0x81: {  	v1 =	vld [tilespmem:s4+$0x14190];
	_ =	sdelay $0x4  }
0x82: {  	v2 =	vshra.s32 v1, $0x10  }
0x83: {  	v1 =	vand.u32 $0xFFFF, v1;
	[tilespmem:$0x18190] =	vst v2  }
0x84: {  	[tilespmem:$0x18390] =	vst v1  }
0x85: {  	v1 =	vld [tilespmem:s4+$0x141A0];
	_ =	sdelay $0x4  }
0x86: {  	v2 =	vshra.s32 v1, $0x10  }
0x87: {  	v1 =	vand.u32 $0xFFFF, v1;
	[tilespmem:$0x181A0] =	vst v2  }
0x88: {  	[tilespmem:$0x183A0] =	vst v1  }
0x89: {  	v1 =	vld [tilespmem:s4+$0x141B0];
	_ =	sdelay $0x4  }
0x8a: {  	v2 =	vshra.s32 v1, $0x10  }
0x8b: {  	v1 =	vand.u32 $0xFFFF, v1;
	[tilespmem:$0x181B0] =	vst v2  }
0x8c: {  	[tilespmem:$0x183B0] =	vst v1  }
0x8d: {  	v1 =	vld [tilespmem:s4+$0x141C0];
	_ =	sdelay $0x4  }
0x8e: {  	v2 =	vshra.s32 v1, $0x10  }
0x8f: {  	v1 =	vand.u32 $0xFFFF, v1;
	[tilespmem:$0x181C0] =	vst v2  }
0x90: {  	[tilespmem:$0x183C0] =	vst v1  }
0x91: {  	_ =	swait.ge [sflag:s26], $0x2800  }
0x92: {  	[sflag:s26] =	ssyncset.done $0x0  }
0x93: {  	[sflag:s26] =	ssyncadd.s32 $0xFFFFD800  }
0x94: {  	[spmem:s3] =	stream.indirect.scatter.add.f32 [tilespmem:s21], [sflag:$0x3], $0x80, s28, s18, $0xb8;
	[tilespmem:$0x1D400] =	vst v63  }
0x95: {  	_ =	swait.ge [sflag:s17], $0x2800  }
0x96: {  	[sflag:s17] =	ssyncset.done $0x0  }
0x97: {  	[sflag:s17] =	ssyncadd.s32 $0xFFFFD800  }
0x98: {  	[tilespmem:s21], [sflag:$0x2] =	stream.indirect.gather [hbm4b:s0+s18], $0x80, s29, s18, $0xb8;
	[tilespmem:$0x1D400] =	vst v63  }
0x99: {  	v1 =	vld [tilespmem:s4+$0x14200];
	_ =	sdelay $0x4  }
0x9a: {  	v2 =	vshra.s32 v1, $0x10  }
0x9b: {  	v1 =	vand.u32 $0xFFFF, v1;
	[tilespmem:$0x18000] =	vst v2  }
0x9c: {  	[tilespmem:$0x18200] =	vst v1  }
0x9d: {  	v1 =	vld [tilespmem:s4+$0x14210];
	_ =	sdelay $0x4  }
0x9e: {  	v2 =	vshra.s32 v1, $0x10  }
0x9f: {  	v1 =	vand.u32 $0xFFFF, v1;
	[tilespmem:$0x18010] =	vst v2  }
0xa0: {  	[tilespmem:$0x18210] =	vst v1  }
0xa1: {  	v1 =	vld [tilespmem:s4+$0x14220];
	_ =	sdelay $0x4  }
0xa2: {  	v2 =	vshra.s32 v1, $0x10  }
0xa3: {  	v1 =	vand.u32 $0xFFFF, v1;
	[tilespmem:$0x18020] =	vst v2  }
0xa4: {  	[tilespmem:$0x18220] =	vst v1  }
0xa5: {  	v1 =	vld [tilespmem:s4+$0x14230];
	_ =	sdelay $0x4  }
0xa6: {  	v2 =	vshra.s32 v1, $0x10  }
0xa7: {  	v1 =	vand.u32 $0xFFFF, v1;
	[tilespmem:$0x18030] =	vst v2  }
0xa8: {  	[tilespmem:$0x18230] =	vst v1  }
0xa9: {  	v1 =	vld [tilespmem:s4+$0x14240];
	_ =	sdelay $0x4  }
0xaa: {  	v2 =	vshra.s32 v1, $0x10  }
0xab: {  	v1 =	vand.u32 $0xFFFF, v1;
	[tilespmem:$0x18040] =	vst v2  }
0xac: {  	[tilespmem:$0x18240] =	vst v1  }
0xad: {  	_ =	swait.ge [sflag:s23], $0x2800  }
0xae: {  	[sflag:s23] =	ssyncset.done $0x0  }
0xaf: {  	[sflag:s23] =	ssyncadd.s32 $0xFFFFD800  }
0xb0: {  	[spmem:s3] =	stream.indirect.scatter.add.f32 [tilespmem:s20], [sflag:$0x3], $0x80, s30, s18, $0xb8;
	[tilespmem:$0x1D400] =	vst v63  }
0xb1: {  	_ =	swait.ge [sflag:s17], $0x2800  }
0xb2: {  	[sflag:s17] =	ssyncset.done $0x0  }
0xb3: {  	[sflag:s17] =	ssyncadd.s32 $0xFFFFD800  }
0xb4: {  	[tilespmem:s20], [sflag:$0x1] =	stream.indirect.gather [hbm4b:s0+s18], $0x80, s19, s18, $0xb8;
	[tilespmem:$0x1D400] =	vst v63  }
0xb5: {  	v1 =	vld [tilespmem:s4+$0x14280];
	_ =	sdelay $0x4  }
0xb6: {  	v2 =	vshra.s32 v1, $0x10  }
0xb7: {  	v1 =	vand.u32 $0xFFFF, v1;
	[tilespmem:$0x18080] =	vst v2  }
0xb8: {  	[tilespmem:$0x18280] =	vst v1  }
0xb9: {  	v1 =	vld [tilespmem:s4+$0x14290];
	_ =	sdelay $0x4  }
0xba: {  	v2 =	vshra.s32 v1, $0x10  }
0xbb: {  	v1 =	vand.u32 $0xFFFF, v1;
	[tilespmem:$0x18090] =	vst v2  }
0xbc: {  	[tilespmem:$0x18290] =	vst v1  }
0xbd: {  	v1 =	vld [tilespmem:s4+$0x142A0];
	_ =	sdelay $0x4  }
0xbe: {  	v2 =	vshra.s32 v1, $0x10  }
0xbf: {  	v1 =	vand.u32 $0xFFFF, v1;
	[tilespmem:$0x180A0] =	vst v2  }
0xc0: {  	[tilespmem:$0x182A0] =	vst v1  }
0xc1: {  	v1 =	vld [tilespmem:s4+$0x142B0];
	_ =	sdelay $0x4  }
0xc2: {  	v2 =	vshra.s32 v1, $0x10  }
0xc3: {  	v1 =	vand.u32 $0xFFFF, v1;
	[tilespmem:$0x180B0] =	vst v2  }
0xc4: {  	[tilespmem:$0x182B0] =	vst v1  }
0xc5: {  	v1 =	vld [tilespmem:s4+$0x142C0];
	_ =	sdelay $0x4  }
0xc6: {  	v2 =	vshra.s32 v1, $0x10  }
0xc7: {  	v1 =	vand.u32 $0xFFFF, v1;
	[tilespmem:$0x180C0] =	vst v2  }
0xc8: {  	[tilespmem:$0x182C0] =	vst v1  }
0xc9: {  	_ =	swait.ge [sflag:s26], $0x2800  }
0xca: {  	[sflag:s26] =	ssyncset.done $0x0  }
0xcb: {  	[sflag:s26] =	ssyncadd.s32 $0xFFFFD800  }
0xcc: {  	[spmem:s3] =	stream.indirect.scatter.add.f32 [tilespmem:s21], [sflag:$0x3], $0x80, s31, s18, $0xb8;
	[tilespmem:$0x1D400] =	vst v63  }
0xcd: {  	_ =	swait.ge [sflag:s17], $0x2800  }
0xce: {  	[sflag:s17] =	ssyncset.done $0x0  }
0xcf: {  	[sflag:s17] =	ssyncadd.s32 $0xFFFFD800  }
0xd0: {  	[tilespmem:s21], [sflag:$0x2] =	stream.indirect.gather [hbm4b:s0+s18], $0x80, s22, s18, $0xb8;
	[tilespmem:$0x1D400] =	vst v63  }
0xd1: {  	v1 =	vld [tilespmem:s4+$0x14300];
	_ =	sdelay $0x4  }
0xd2: {  	v2 =	vshra.s32 v1, $0x10  }
0xd3: {  	v1 =	vand.u32 $0xFFFF, v1;
	[tilespmem:$0x18100] =	vst v2  }
0xd4: {  	[tilespmem:$0x18300] =	vst v1  }
0xd5: {  	v1 =	vld [tilespmem:s4+$0x14310];
	_ =	sdelay $0x4  }
0xd6: {  	v2 =	vshra.s32 v1, $0x10  }
0xd7: {  	v1 =	vand.u32 $0xFFFF, v1;
	[tilespmem:$0x18110] =	vst v2  }
0xd8: {  	[tilespmem:$0x18310] =	vst v1  }
0xd9: {  	s16 =	simm.s32 $0x800;
	v1 =	vld [tilespmem:s4+$0x14320]  }
.LBB2_4:
0xda: {  	_ =	sdelay $0x1  }
0xdb: {  	p0 =	sne.s32 s16, $0xE800;
	s2 =	smov.u32 s16;
	s16 =	sadd.s32 $0x800, s16  }
0xdc: {  	_ = 	snop  }
0xdd: {  	v2 =	vshra.s32 v1, $0x10;
	v1 =	vand.u32 $0xFFFF, v1  }
0xde: {  	[tilespmem:$0x18120] =	vst v2  }
0xdf: {  	[tilespmem:$0x18320] =	vst v1  }
0xe0: {  	v1 =	vld [tilespmem:s4+$0x14330];
	_ =	sdelay $0x4  }
0xe1: {  	v2 =	vshra.s32 v1, $0x10;
	v1 =	vand.u32 $0xFFFF, v1  }
0xe2: {  	[tilespmem:$0x18130] =	vst v2  }
0xe3: {  	[tilespmem:$0x18330] =	vst v1  }
0xe4: {  	v1 =	vld [tilespmem:s4+$0x14340];
	_ =	sdelay $0x4  }
0xe5: {  	v2 =	vshra.s32 v1, $0x10;
	v1 =	vand.u32 $0xFFFF, v1  }
0xe6: {  	[tilespmem:$0x18140] =	vst v2  }
0xe7: {  	[tilespmem:$0x18340] =	vst v1  }
0xe8: {  	_ =	swait.ge [sflag:s23], $0x2800  }
0xe9: {  	[sflag:s23] =	ssyncset.done $0x0  }
0xea: {  	[sflag:s23] =	ssyncadd.s32 $0xFFFFD800  }
0xeb: {  	[spmem:s3] =	stream.indirect.scatter.add.f32 [tilespmem:s20], [sflag:$0x3], $0x80, s24, s18, $0xb8;
	[tilespmem:$0x1D400] =	vst v63  }
0xec: {  	_ =	swait.ge [sflag:s17], $0x2800  }
0xed: {  	[sflag:s17] =	ssyncset.done $0x0  }
0xee: {  	s4 =	sshra.s32 s2, $0x2;
	[sflag:s17] =	ssyncadd.s32 $0xFFFFD800  }
0xef: {  	[tilespmem:s20], [sflag:$0x1] =	stream.indirect.gather [hbm4b:s0+s18], $0x80, s25, s18, $0xb8;
	[tilespmem:$0x1D400] =	vst v63  }
0xf0: {  	v1 =	vld [tilespmem:s4+$0x14180];
	_ =	sdelay $0x4  }
0xf1: {  	v2 =	vshra.s32 v1, $0x10;
	v1 =	vand.u32 $0xFFFF, v1  }
0xf2: {  	[tilespmem:$0x18180] =	vst v2  }
0xf3: {  	[tilespmem:$0x18380] =	vst v1  }
0xf4: {  	v1 =	vld [tilespmem:s4+$0x14190];
	_ =	sdelay $0x4  }
0xf5: {  	v2 =	vshra.s32 v1, $0x10;
	v1 =	vand.u32 $0xFFFF, v1  }
0xf6: {  	[tilespmem:$0x18190] =	vst v2  }
0xf7: {  	[tilespmem:$0x18390] =	vst v1  }
0xf8: {  	v1 =	vld [tilespmem:s4+$0x141A0];
	_ =	sdelay $0x4  }
0xf9: {  	v2 =	vshra.s32 v1, $0x10;
	v1 =	vand.u32 $0xFFFF, v1  }
0xfa: {  	[tilespmem:$0x181A0] =	vst v2  }
0xfb: {  	[tilespmem:$0x183A0] =	vst v1  }
0xfc: {  	v1 =	vld [tilespmem:s4+$0x141B0];
	_ =	sdelay $0x4  }
0xfd: {  	v2 =	vshra.s32 v1, $0x10;
	v1 =	vand.u32 $0xFFFF, v1  }
0xfe: {  	[tilespmem:$0x181B0] =	vst v2  }
0xff: {  	[tilespmem:$0x183B0] =	vst v1  }
0x100: {  	v1 =	vld [tilespmem:s4+$0x141C0];
	_ =	sdelay $0x4  }
0x101: {  	v2 =	vshra.s32 v1, $0x10;
	v1 =	vand.u32 $0xFFFF, v1  }
0x102: {  	[tilespmem:$0x181C0] =	vst v2  }
0x103: {  	[tilespmem:$0x183C0] =	vst v1  }
0x104: {  	_ =	swait.ge [sflag:s26], $0x2800  }
0x105: {  	[sflag:s26] =	ssyncset.done $0x0  }
0x106: {  	[sflag:s26] =	ssyncadd.s32 $0xFFFFD800  }
0x107: {  	[spmem:s3] =	stream.indirect.scatter.add.f32 [tilespmem:s21], [sflag:$0x3], $0x80, s28, s18, $0xb8;
	[tilespmem:$0x1D400] =	vst v63  }
0x108: {  	_ =	swait.ge [sflag:s17], $0x2800  }
0x109: {  	[sflag:s17] =	ssyncset.done $0x0  }
0x10a: {  	[sflag:s17] =	ssyncadd.s32 $0xFFFFD800  }
0x10b: {  	[tilespmem:s21], [sflag:$0x2] =	stream.indirect.gather [hbm4b:s0+s18], $0x80, s29, s18, $0xb8;
	[tilespmem:$0x1D400] =	vst v63  }
0x10c: {  	v1 =	vld [tilespmem:s4+$0x14200];
	_ =	sdelay $0x4  }
0x10d: {  	v2 =	vshra.s32 v1, $0x10;
	v1 =	vand.u32 $0xFFFF, v1  }
0x10e: {  	[tilespmem:$0x18000] =	vst v2  }
0x10f: {  	[tilespmem:$0x18200] =	vst v1  }
0x110: {  	v1 =	vld [tilespmem:s4+$0x14210];
	_ =	sdelay $0x4  }
0x111: {  	v2 =	vshra.s32 v1, $0x10;
	v1 =	vand.u32 $0xFFFF, v1  }
0x112: {  	[tilespmem:$0x18010] =	vst v2  }
0x113: {  	[tilespmem:$0x18210] =	vst v1  }
0x114: {  	v1 =	vld [tilespmem:s4+$0x14220];
	_ =	sdelay $0x4  }
0x115: {  	v2 =	vshra.s32 v1, $0x10;
	v1 =	vand.u32 $0xFFFF, v1  }
0x116: {  	[tilespmem:$0x18020] =	vst v2  }
0x117: {  	[tilespmem:$0x18220] =	vst v1  }
0x118: {  	v1 =	vld [tilespmem:s4+$0x14230];
	_ =	sdelay $0x4  }
0x119: {  	v2 =	vshra.s32 v1, $0x10;
	v1 =	vand.u32 $0xFFFF, v1  }
0x11a: {  	[tilespmem:$0x18030] =	vst v2  }
0x11b: {  	[tilespmem:$0x18230] =	vst v1  }
0x11c: {  	v1 =	vld [tilespmem:s4+$0x14240];
	_ =	sdelay $0x4  }
0x11d: {  	v2 =	vshra.s32 v1, $0x10;
	v1 =	vand.u32 $0xFFFF, v1  }
0x11e: {  	[tilespmem:$0x18040] =	vst v2  }
0x11f: {  	[tilespmem:$0x18240] =	vst v1  }
0x120: {  	_ =	swait.ge [sflag:s23], $0x2800  }
0x121: {  	[sflag:s23] =	ssyncset.done $0x0  }
0x122: {  	[sflag:s23] =	ssyncadd.s32 $0xFFFFD800  }
0x123: {  	[spmem:s3] =	stream.indirect.scatter.add.f32 [tilespmem:s20], [sflag:$0x3], $0x80, s30, s18, $0xb8;
	[tilespmem:$0x1D400] =	vst v63  }
0x124: {  	_ =	swait.ge [sflag:s17], $0x2800  }
0x125: {  	[sflag:s17] =	ssyncset.done $0x0  }
0x126: {  	[sflag:s17] =	ssyncadd.s32 $0xFFFFD800  }
0x127: {  	[tilespmem:s20], [sflag:$0x1] =	stream.indirect.gather [hbm4b:s0+s18], $0x80, s19, s18, $0xb8;
	[tilespmem:$0x1D400] =	vst v63  }
0x128: {  	v1 =	vld [tilespmem:s4+$0x14280];
	_ =	sdelay $0x4  }
0x129: {  	v2 =	vshra.s32 v1, $0x10;
	v1 =	vand.u32 $0xFFFF, v1  }
0x12a: {  	[tilespmem:$0x18080] =	vst v2  }
0x12b: {  	[tilespmem:$0x18280] =	vst v1  }
0x12c: {  	v1 =	vld [tilespmem:s4+$0x14290];
	_ =	sdelay $0x4  }
0x12d: {  	v2 =	vshra.s32 v1, $0x10;
	v1 =	vand.u32 $0xFFFF, v1  }
0x12e: {  	[tilespmem:$0x18090] =	vst v2  }
0x12f: {  	[tilespmem:$0x18290] =	vst v1  }
0x130: {  	v1 =	vld [tilespmem:s4+$0x142A0];
	_ =	sdelay $0x4  }
0x131: {  	v2 =	vshra.s32 v1, $0x10;
	v1 =	vand.u32 $0xFFFF, v1  }
0x132: {  	[tilespmem:$0x180A0] =	vst v2  }
0x133: {  	[tilespmem:$0x182A0] =	vst v1  }
0x134: {  	v1 =	vld [tilespmem:s4+$0x142B0];
	_ =	sdelay $0x4  }
0x135: {  	v2 =	vshra.s32 v1, $0x10;
	v1 =	vand.u32 $0xFFFF, v1  }
0x136: {  	[tilespmem:$0x180B0] =	vst v2  }
0x137: {  	[tilespmem:$0x182B0] =	vst v1  }
0x138: {  	v1 =	vld [tilespmem:s4+$0x142C0];
	_ =	sdelay $0x4  }
0x139: {  	v2 =	vshra.s32 v1, $0x10;
	v1 =	vand.u32 $0xFFFF, v1  }
0x13a: {  	[tilespmem:$0x180C0] =	vst v2  }
0x13b: {  	[tilespmem:$0x182C0] =	vst v1  }
0x13c: {  	_ =	swait.ge [sflag:s26], $0x2800  }
0x13d: {  	[sflag:s26] =	ssyncset.done $0x0  }
0x13e: {  	[sflag:s26] =	ssyncadd.s32 $0xFFFFD800  }
0x13f: {  	[spmem:s3] =	stream.indirect.scatter.add.f32 [tilespmem:s21], [sflag:$0x3], $0x80, s31, s18, $0xb8;
	[tilespmem:$0x1D400] =	vst v63  }
0x140: {  	_ =	swait.ge [sflag:s17], $0x2800  }
0x141: {  	[sflag:s17] =	ssyncset.done $0x0  }
0x142: {  	[sflag:s17] =	ssyncadd.s32 $0xFFFFD800  }
0x143: {  	[tilespmem:s21], [sflag:$0x2] =	stream.indirect.gather [hbm4b:s0+s18], $0x80, s22, s18, $0xb8;
	[tilespmem:$0x1D400] =	vst v63  }
0x144: {  	v1 =	vld [tilespmem:s4+$0x14300];
	_ =	sdelay $0x4  }
0x145: {  	v2 =	vshra.s32 v1, $0x10;
	v1 =	vand.u32 $0xFFFF, v1  }
0x146: {  	[tilespmem:$0x18100] =	vst v2  }
0x147: {  	[tilespmem:$0x18300] =	vst v1  }
0x148: {  	v1 =	vld [tilespmem:s4+$0x14310];
	_ =	sdelay $0x3  }
.Ltmp1:
0x149: {  	(pc) =	sbr.rel @p0 .LBB2_4-.Ltmp1, $4  }
0x14a: {  	v2 =	vshra.s32 v1, $0x10;
	v1 =	vand.u32 $0xFFFF, v1  }
0x14b: {  	[tilespmem:$0x18110] =	vst v2  }
0x14c: {  	[tilespmem:$0x18310] =	vst v1  }
0x14d: {  	v1 =	vld [tilespmem:s4+$0x14320]  }
0x14e: {  	_ =	sdelay $0x3  }
0x14f: {  	v2 =	vshra.s32 v1, $0x10  }
0x150: {  	v1 =	vand.u32 $0xFFFF, v1;
	[tilespmem:$0x18120] =	vst v2  }
0x151: {  	[tilespmem:$0x18320] =	vst v1  }
0x152: {  	v1 =	vld [tilespmem:s4+$0x14330];
	_ =	sdelay $0x4  }
0x153: {  	v2 =	vshra.s32 v1, $0x10  }
0x154: {  	v1 =	vand.u32 $0xFFFF, v1;
	[tilespmem:$0x18130] =	vst v2  }
0x155: {  	[tilespmem:$0x18330] =	vst v1  }
0x156: {  	v1 =	vld [tilespmem:s4+$0x14340];
	_ =	sdelay $0x4  }
0x157: {  	v2 =	vshra.s32 v1, $0x10  }
0x158: {  	v1 =	vand.u32 $0xFFFF, v1;
	[tilespmem:$0x18140] =	vst v2  }
0x159: {  	[tilespmem:$0x18340] =	vst v1  }
0x15a: {  	_ =	swait.ge [sflag:s23], $0x2800  }
0x15b: {  	[sflag:s23] =	ssyncset.done $0x0  }
0x15c: {  	[sflag:s23] =	ssyncadd.s32 $0xFFFFD800  }
0x15d: {  	[spmem:s3] =	stream.indirect.scatter.add.f32 [tilespmem:s20], [sflag:$0x3], $0x80, s24, s18, $0xb8;
	[tilespmem:$0x1D400] =	vst v63  }
0x15e: {  	_ =	swait.ge [sflag:s17], $0x2800  }
0x15f: {  	[sflag:s17] =	ssyncset.done $0x0  }
0x160: {  	[sflag:s17] =	ssyncadd.s32 $0xFFFFD800  }
0x161: {  	[tilespmem:s20], [sflag:$0x1] =	stream.indirect.gather [hbm4b:s0+s18], $0x80, s25, s18, $0xb8;
	[tilespmem:$0x1D400] =	vst v63  }
0x162: {  	v1 =	vld [tilespmem:$0x17D80];
	_ =	sdelay $0x1  }
0x163: {  	v2 =	vld [tilespmem:$0x17D90];
	_ =	sdelay $0x1  }
0x164: {  	v3 =	vld [tilespmem:$0x17DA0]  }
0x165: {  	v4 =	vshra.s32 v1, $0x10  }
0x166: {  	v61 =	vld [tilespmem:$0x17DB0];
	v1 =	vand.u32 $0xFFFF, v1;
	[tilespmem:$0x18180] =	vst v4  }
0x167: {  	[tilespmem:$0x18380] =	vst v1;
	v1 =	vshra.s32 v2, $0x10  }
0x168: {  	[tilespmem:$0x18190] =	vst v1;
	v1 =	vand.u32 $0xFFFF, v2;
	v2 =	vld [tilespmem:$0x17DC0]  }
0x169: {  	[tilespmem:$0x18390] =	vst v1;
	v1 =	vshra.s32 v3, $0x10  }
0x16a: {  	[tilespmem:$0x181A0] =	vst v1;
	v1 =	vand.u32 $0xFFFF, v3  }
0x16b: {  	[tilespmem:$0x183A0] =	vst v1;
	v1 =	vshra.s32 v61, $0x10  }
0x16c: {  	[tilespmem:$0x181B0] =	vst v1;
	v1 =	vand.u32 $0xFFFF, v61  }
0x16d: {  	[tilespmem:$0x183B0] =	vst v1;
	v1 =	vshra.s32 v2, $0x10  }
0x16e: {  	[tilespmem:$0x181C0] =	vst v1;
	v1 =	vand.u32 $0xFFFF, v2  }
0x16f: {  	[tilespmem:$0x183C0] =	vst v1  }
0x170: {  	_ =	swait.ge [sflag:s26], $0x2800  }
0x171: {  	[sflag:s26] =	ssyncset.done $0x0  }
0x172: {  	[sflag:s26] =	ssyncadd.s32 $0xFFFFD800  }
0x173: {  	[spmem:s3] =	stream.indirect.scatter.add.f32 [tilespmem:s21], [sflag:$0x3], $0x80, s28, s18, $0xb8;
	[tilespmem:$0x1D400] =	vst v63  }
0x174: {  	_ =	swait.ge [sflag:s17], $0x2800  }
0x175: {  	[sflag:s17] =	ssyncset.done $0x0  }
0x176: {  	[sflag:s17] =	ssyncadd.s32 $0xFFFFD800  }
0x177: {  	[tilespmem:s21], [sflag:$0x2] =	stream.indirect.gather [hbm4b:s0+s18], $0x80, s29, s18, $0xb8;
	[tilespmem:$0x1D400] =	vst v63  }
0x178: {  	v1 =	vld [tilespmem:$0x17E00];
	_ =	sdelay $0x1  }
0x179: {  	v2 =	vld [tilespmem:$0x17E10];
	_ =	sdelay $0x1  }
0x17a: {  	v3 =	vld [tilespmem:$0x17E20]  }
0x17b: {  	v62 =	vshra.s32 v1, $0x10  }
0x17c: {  	v63 =	vld [tilespmem:$0x17E30];
	v1 =	vand.u32 $0xFFFF, v1;
	[tilespmem:$0x18000] =	vst v62  }
0x17d: {  	[tilespmem:$0x18200] =	vst v1;
	v1 =	vshra.s32 v2, $0x10  }
0x17e: {  	[tilespmem:$0x18010] =	vst v1;
	v1 =	vand.u32 $0xFFFF, v2;
	v2 =	vld [tilespmem:$0x17E40]  }
0x17f: {  	[tilespmem:$0x18210] =	vst v1;
	v1 =	vshra.s32 v3, $0x10  }
0x180: {  	[tilespmem:$0x18020] =	vst v1;
	v1 =	vand.u32 $0xFFFF, v3  }
0x181: {  	[tilespmem:$0x18220] =	vst v1;
	v1 =	vshra.s32 v63, $0x10  }
0x182: {  	[tilespmem:$0x18030] =	vst v1;
	v1 =	vand.u32 $0xFFFF, v63  }
0x183: {  	[tilespmem:$0x18230] =	vst v1;
	v1 =	vshra.s32 v2, $0x10  }
0x184: {  	[tilespmem:$0x18040] =	vst v1;
	v1 =	vand.u32 $0xFFFF, v2  }
0x185: {  	[tilespmem:$0x18240] =	vst v1  }
0x186: {  	_ =	swait.ge [sflag:s23], $0x2800  }
0x187: {  	[sflag:s23] =	ssyncset.done $0x0  }
0x188: {  	[sflag:s23] =	ssyncadd.s32 $0xFFFFD800  }
0x189: {  	[spmem:s3] =	stream.indirect.scatter.add.f32 [tilespmem:s20], [sflag:$0x3], $0x80, s30, s18, $0xb8;
	[tilespmem:$0x1D400] =	vst v63  }
0x18a: {  	_ =	swait.ge [sflag:s17], $0x2800  }
0x18b: {  	[sflag:s17] =	ssyncset.done $0x0  }
0x18c: {  	[sflag:s17] =	ssyncadd.s32 $0xFFFFD800  }
0x18d: {  	[tilespmem:s20], [sflag:$0x1] =	stream.indirect.gather [hbm4b:s0+s18], $0x80, s19, s18, $0xb8;
	[tilespmem:$0x1D400] =	vst v63  }
0x18e: {  	_ =	swait.ge [sflag:s26], $0x2800  }
0x18f: {  	[sflag:s26] =	ssyncset.done $0x0  }
0x190: {  	[sflag:s26] =	ssyncadd.s32 $0xFFFFD800  }
0x191: {  	[spmem:s3] =	stream.indirect.scatter.add.f32 [tilespmem:s21], [sflag:$0x3], $0x80, s31, s18, $0xb8;
	[tilespmem:$0x1D400] =	vst v63  }
0x192: {  	_ =	swait.ge [sflag:s17], $0x2800  }
0x193: {  	[sflag:s17] =	ssyncset.done $0x0  }
0x194: {  	[sflag:s17] =	ssyncadd.s32 $0xFFFFD800  }
0x195: {  	_ =	swait.ge [sflag:s23], $0x2800  }
0x196: {  	[sflag:s23] =	ssyncset.done $0x0  }
0x197: {  	[sflag:s23] =	ssyncadd.s32 $0xFFFFD800  }
0x198: {  	[spmem:s3] =	stream.indirect.scatter.add.f32 [tilespmem:s20], [sflag:$0x3], $0x80, s24, s18, $0xb8;
	[tilespmem:$0x1D400] =	vst v63  }
0x199: {  	s2 =	stileid.u32;
	_ =	swait.ge [sflag:s17], $0x2800  }
0x19a: {  	s16 =	sshrl.u32 s7, $0x3;
	s1 =	sadd.s32 $0x1, s1;
	[sflag:s17] =	ssyncset.done $0x0  }
0x19b: {  	s2 =	sshll.u32 s2, $0x6;
	p0 =	sne.s32 s1, s8;
	[sflag:s17] =	ssyncadd.s32 $0xFFFFD800  }
.Ltmp2:
0x19c: {  	s2 =	sor.u32 $0x1C03, s2;
	[bflag:$0x0] =	sbarrier.arrive $0xFFFF;
	(pc) =	sbr.rel @p0 .LBB2_1-.Ltmp2, $4  }
0x19d: {  	[hbm:s6], [sflag:s2] =	dma.local [spmem:s16], $0x2800  }
0x19e: {  	_ =	swait.ge [sflag:s17], $0x2800  }
0x19f: {  	[sflag:s17] =	ssyncset.done $0x0  }
0x1a0: {  	[sflag:s17] =	ssyncadd.s32 $0xFFFFD800  }
0x1a1: {  	_ =	sfence.sel $0x180000  }
0x1a2: {  	[bflag:$0x0] =	sbarrier.arrive $0xFFFF  }
0x1a3: {  	_ =	strace $0x90000047  }
0x1a4: {  	s0 =	stileid.u32;
	[bflag:$0x2] =	sbarrier.arrive $0xFFFF  }
0x1a5: {  	p0 =	sne.s32 s0, $0x0;
	s0 =	rddreg [dreg:$0x3]  }
0x1a6: {  	s0 =	sadd.s32 @!p0 $0x100000, s0  }
0x1a7: {  	[sflag:s0] =	ssyncadd.tile.s32 @!p0 $0x1;
	_ =	shalt  }
.Lfunc_end2:
_tile_overlayer_lowered:
.L_overlay_start_2:
0x1a8: {  	(tag) =	ssettag $0x2  }
0x1a9: {  	s0 =	rddreg [dreg:$0x0];
	s2 =	stileid.u32  }
0x1aa: {  	s1 =	rddreg [dreg:$0x1];
	p0 =	sne.s32 s2, $0x0  }
0x1ab: {  	s3 =	rddreg [dreg:$0x2];
	[bflag:$0x3] =	sbarrier.arrive $0xFFFF;
	s2 =	simm.s32 @!p0 $0x1C03  }
0x1ac: {  	[timem:s3], [sflag:s2] =	dma.local @!p0 [hbm:s0], s1  }
0x1ad: {  	s0 =	simm.s32 @!p0 $0x3  }
0x1ae: {  	_ =	swait.ge @!p0 [sflag:s0], s1  }
0x1af: {  	s1 =	ssub.s32 @!p0 $0x0, s1;
	[sflag:s0] =	ssyncset.done @!p0 $0x0  }
0x1b0: {  	[sflag:s0] =	ssyncadd.s32 @!p0 s1  }
0x1b1: {  	[bflag:$0x3] =	sbarrier.arrive $0xFFFF  }
0x1b2: {  	_ =	shalt  }

</sc_bundles>
